<compile_context>
chip_gen: v7x
topology: tpu7x:2x2x1
jax: 0.10.2.dev20260603
libtpu: 0.0.44.dev20260713+nightly
codegen_flags: <defaults>
</compile_context>

<pallas_src>
import functools

import jax
import jax.numpy as jnp
from jax import lax
from jax.experimental import pallas as pl
from jax.experimental.pallas import tpu as pltpu
from jax.experimental.pallas import tpu_sc as plsc

BS, SEQ, N, E, D, H, NC, VOCAB = 8, 50, 200, 200, 64, 128, 110, 10000
G = BS * SEQ
F_IN = 2 + NC + 1 + D

_CHUNK = 128
_NBUF = 4
_CAP_F = 20
_CAP_S = 20
_STRIP = _CAP_F + _CAP_S
_TOTAL_CHUNKS = (G * N) // _CHUNK
_SC_FAST_CORE = 0


@functools.lru_cache(maxsize=2)
def _make_sc_gather(fast_core):
    @functools.partial(
        pl.kernel,
        out_type=jax.ShapeDtypeStruct((G * N, 128), jnp.float32),
        mesh=plsc.VectorSubcoreMesh(core_axis_name="c", subcore_axis_name="s",
                                    num_cores=2),
        scratch_types=[
            pltpu.VMEM((_STRIP, _CHUNK), jnp.int32),
        ]
        + [pltpu.VMEM((_CHUNK, 128), jnp.float32) for _ in range(_NBUF)]
        + [pltpu.SemaphoreType.DMA for _ in range(2 * _NBUF)],
    )
    def _sc_gather(idx_hbm, table_hbm, out_hbm, idx_v, *bufsems):
        bufs = bufsems[:_NBUF]
        gsem = bufsems[_NBUF:2 * _NBUF]
        osem = bufsems[2 * _NBUF:]
        c = lax.axis_index("c")
        s = lax.axis_index("s")
        is_fast = c == fast_core
        c_off = jnp.where(is_fast, 0, _CAP_F)
        nch = jnp.where(is_fast,
                        jnp.clip(_TOTAL_CHUNKS - s * _STRIP, 0, _CAP_F),
                        jnp.clip(_TOTAL_CHUNKS - s * _STRIP - _CAP_F, 0, _CAP_S))
        base = (s * _STRIP + c_off) * _CHUNK
        pltpu.sync_copy(idx_hbm.at[s], idx_v)
        gcp, ocp = {}, {}
        for j in range(_CAP_F):
            b = j % _NBUF
            if j >= _NBUF:
                @pl.when(j - _NBUF < nch)
                def _wait_out(b=b):
                    ocp[b].wait()
            row = jnp.minimum(c_off + j, _STRIP - 1)
            gcp[b] = pltpu.make_async_copy(table_hbm.at[idx_v.at[row]],
                                           bufs[b], gsem[b])

            @pl.when(j < nch)
            def _issue_gather(b=b):
                gcp[b].start()
            if j >= 2:
                d = (j - 2) % _NBUF

                @pl.when(j - 2 < nch)
                def _wait_gather(d=d):
                    gcp[d].wait()
                ocp[d] = pltpu.make_async_copy(
                    bufs[d], out_hbm.at[pl.ds(base + (j - 2) * _CHUNK, _CHUNK)],
                    osem[d])

                @pl.when(j - 2 < nch)
                def _issue_out(d=d):
                    ocp[d].start()
        for t in (_CAP_F - 2, _CAP_F - 1):
            d = t % _NBUF

            @pl.when(t < nch)
            def _wait_tail(d=d):
                gcp[d].wait()
            ocp[d] = pltpu.make_async_copy(
                bufs[d], out_hbm.at[pl.ds(base + t * _CHUNK, _CHUNK)], osem[d])

            @pl.when(t < nch)
            def _issue_tail(d=d):
                ocp[d].start()
        for k in range(_NBUF):
            chunk = _CAP_F - _NBUF + k
            d = chunk % _NBUF

            @pl.when(chunk < nch)
            def _drain(d=d):
                ocp[d].wait()

    return _sc_gather


def _gather_rows(table128, idx_flat):
    nslots = 16 * _STRIP * _CHUNK
    idx_pad = jnp.zeros((nslots,), jnp.int32).at[: idx_flat.shape[0]].set(idx_flat)
    idx3d = idx_pad.reshape(16, _STRIP, _CHUNK)
    return _make_sc_gather(_SC_FAST_CORE)(idx3d, table128)


_GB = 25


def _ggnn_body(x_ref, e_ref, et_ref, eet_ref, Wbig_ref, gb_ref, WhhTn_ref,
               bhhn_ref, gateW_ref, gateb_ref, xo_ref, tc_ref, res_ref,
               Wx_ref, Wcv_ref, Whh_ref, lb_ref, predWT_ref, predb_ref,
               loss_ref, fp_ref, cv_ref):
    i = pl.program_id(0)
    eet = eet_ref[...]
    et_mean = jnp.mean(eet, axis=1, keepdims=True)

    io_ne = lax.broadcasted_iota(jnp.int32, (N, E), 0)
    io8 = lax.broadcasted_iota(jnp.int32, (8, E), 0)

    Ms = []
    for b in range(_GB):
        e = e_ref[b]
        src_row = e[0:1, :]
        dst_row = e[1:2, :]
        et_row = et_ref[b]
        ST = (io_ne == src_row).astype(jnp.float32)
        DT = (io_ne == dst_row).astype(jnp.float32)
        etoh = (io8 == et_row).astype(jnp.float32)
        ew_row = jnp.sum(etoh * et_mean, axis=0, keepdims=True)
        Ms.append(lax.dot_general(DT * ew_row, ST, (((1,), (1,)), ((), ())),
                                  preferred_element_type=jnp.float32))

    H0 = x_ref[...][:, :, :D].reshape(_GB * N, D)
    gb = gb_ref[...]
    WhhTn = WhhTn_ref[...]
    bhhn = bhhn_ref[...]

    h = H0
    for l in range(4):
        Mh = jnp.concatenate(
            [jnp.dot(Ms[b], h[b * N:(b + 1) * N, :],
                     preferred_element_type=jnp.float32) for b in range(_GB)],
            axis=0)
        C = jnp.concatenate([Mh, h], axis=1)
        g = jnp.dot(C, Wbig_ref[l], preferred_element_type=jnp.float32) + gb
        r = jax.nn.sigmoid(g[:, :D])
        z = jax.nn.sigmoid(g[:, D:2 * D])
        i_n = g[:, 2 * D:]
        h_n = jnp.dot(h, WhhTn, preferred_element_type=jnp.float32) + bhhn
        nn_ = jnp.tanh(i_n + r * h_n)
        h = (1.0 - z) * nn_ + z * h

    gate = jax.nn.sigmoid(
        jnp.sum(h * gateW_ref[...], axis=1, keepdims=True) + gateb_ref[...])
    for b in range(_GB):
        gb_slice = gate[b * N:(b + 1) * N, :]
        hb = h[b * N:(b + 1) * N, :]
        m0 = jnp.max(gb_slice, axis=0, keepdims=True)
        ex = jnp.exp(gb_slice - m0)
        att = ex / jnp.sum(ex, axis=0, keepdims=True)
        gidx = i * _GB + b
        addr = (gidx % SEQ) * BS + gidx // SEQ
        cv_ref[pl.ds(addr, 1), :] = jnp.sum(att * hb, axis=0, keepdims=True)

    @pl.when(i == (G // _GB) - 1)
    def _lstm_tail():
        Wx = Wx_ref[...]
        Wcv = Wcv_ref[...]
        Whh = Whh_ref[...]
        lb = lb_ref[...]
        predWT = predWT_ref[...]
        predb = predb_ref[...]

        def step(t, carry):
            hh, cc, ls, cnt = carry
            xo = xo_ref[t]
            cv = cv_ref[pl.ds(t * BS, BS), :]
            gg = (jnp.dot(xo, Wx, preferred_element_type=jnp.float32)
                  + jnp.dot(cv, Wcv, preferred_element_type=jnp.float32)
                  + jnp.dot(hh, Whh, preferred_element_type=jnp.float32) + lb)
            ig = jax.nn.sigmoid(gg[:, :H])
            fg = jax.nn.sigmoid(gg[:, H:2 * H])
            cg = jnp.tanh(gg[:, 2 * H:3 * H])
            og = jax.nn.sigmoid(gg[:, 3 * H:])
            cc = fg * cc + ig * cg
            hh = og * jnp.tanh(cc)
            pred = jnp.dot(hh, predWT, preferred_element_type=jnp.float32) + predb
            tc = tc_ref[t]
            p1 = jnp.sum(pred * tc, axis=1, keepdims=True)
            numc = jnp.sum(tc, axis=1, keepdims=True)
            mask = numc > 0.0
            safe = jnp.where(mask, numc, 1.0)
            fp = p1 / safe
            ft = res_ref[t]
            bce = (jnp.maximum(fp, 0.0) - fp * ft
                   + jnp.log1p(jnp.exp(-jnp.abs(fp))))
            ls = ls + jnp.sum(jnp.where(mask, bce, 0.0), keepdims=True).reshape(1, 1)
            cnt = cnt + jnp.sum(mask.astype(jnp.float32), keepdims=True).reshape(1, 1)
            fp_ref[t] = jax.nn.sigmoid(fp)
            return hh, cc, ls, cnt

        h0 = jnp.zeros((BS, H), jnp.float32)
        c0 = jnp.zeros((BS, H), jnp.float32)
        z11 = jnp.zeros((1, 1), jnp.float32)
        _, _, ls, cnt = lax.fori_loop(0, SEQ, step, (h0, c0, z11, z11))
        loss_ref[...] = ls / jnp.maximum(cnt, 1.0)


def _ggnn_lstm_all(x, eidx, etype, eet, Wbig, gbias, WhhTn, bhhn, gateW, gateb,
                   xo, tcT, resT, Wx, Wcv, Whh, lb, predWT, predb):
    const = lambda shape: pl.BlockSpec(shape, lambda i: tuple(0 for _ in shape))
    return pl.pallas_call(
        _ggnn_body,
        grid=(G // _GB,),
        in_specs=[
            pl.BlockSpec((_GB, N, 128), lambda i: (i, 0, 0)),
            pl.BlockSpec((_GB, 2, E), lambda i: (i, 0, 0)),
            pl.BlockSpec((_GB, 1, E), lambda i: (i, 0, 0)),
            const((8, D)),
            const((4, 2 * D, 3 * D)),
            const((1, 3 * D)),
            const((D, D)),
            const((1, D)),
            const((1, D)),
            const((1, 1)),
            const((SEQ, BS, 113)),
            const((SEQ, BS, NC + 1)),
            const((SEQ, BS, 1)),
            const((113, 4 * H)),
            const((D, 4 * H)),
            const((H, 4 * H)),
            const((1, 4 * H)),
            const((H, NC + 1)),
            const((1, NC + 1)),
        ],
        out_specs=[const((1, 1)), const((SEQ, BS, 1))],
        out_shape=(
            jax.ShapeDtypeStruct((1, 1), jnp.float32),
            jax.ShapeDtypeStruct((SEQ, BS, 1), jnp.float32),
        ),
        scratch_shapes=[pltpu.VMEM((G, D), jnp.float32)],
    )(x, eidx, etype, eet, Wbig, gbias, WhhTn, bhhn, gateW, gateb,
      xo, tcT, resT, Wx, Wcv, Whh, lb, predWT, predb)


def kernel(p_id, c_id, node_id, edge, edge_type, target_c, result, c_embed,
           cur_result, node_embed_table, edge_embed_table, ggnn_W, gru_W_ih,
           gru_W_hh, gru_b_ih, gru_b_hh, gate_W, gate_b, lstm_W_ih, lstm_W_hh,
           lstm_b_ih, lstm_b_hh, pred_W, pred_b):
    table = node_embed_table.astype(jnp.float32)
    table128 = jnp.concatenate(
        [table, jnp.zeros((table.shape[0], 128 - D), jnp.float32)], axis=1)
    idx_flat = node_id.reshape(-1).astype(jnp.int32)
    x = _gather_rows(table128, idx_flat).reshape(G, N, 128)

    eidx = edge.reshape(G, 2, E).astype(jnp.int32)
    etype = edge_type.reshape(G, 1, E).astype(jnp.int32)

    WihT = gru_W_ih.T.astype(jnp.float32)
    WhhT = gru_W_hh.T.astype(jnp.float32)
    ggnnW = ggnn_W.astype(jnp.float32)
    top = jnp.einsum('lij,jk->lik', ggnnW, WihT)
    bot = jnp.concatenate([WhhT[:, :2 * D], jnp.zeros((D, D), jnp.float32)], axis=1)
    Wbig = jnp.concatenate([top, jnp.broadcast_to(bot[None], (4, D, 3 * D))],
                           axis=1)
    gbias = (gru_b_ih.astype(jnp.float32)
             + jnp.concatenate([gru_b_hh[:2 * D].astype(jnp.float32),
                                jnp.zeros((D,), jnp.float32)])).reshape(1, 3 * D)
    WhhTn = WhhT[:, 2 * D:]
    bhhn = gru_b_hh[2 * D:].astype(jnp.float32).reshape(1, D)

    xo = jnp.concatenate([c_embed, cur_result], axis=2)
    xoT = xo.transpose(1, 0, 2).astype(jnp.float32)
    tcT = target_c.transpose(1, 0, 2).astype(jnp.float32)
    resT = result.reshape(BS, SEQ, 1).transpose(1, 0, 2).astype(jnp.float32)

    WihT = lstm_W_ih.T.astype(jnp.float32)
    Wx = jnp.concatenate([WihT[:NC + 1], WihT[NC + 1 + D:]], axis=0)
    Wcv = WihT[NC + 1: NC + 1 + D]
    lb = (lstm_b_ih + lstm_b_hh).astype(jnp.float32).reshape(1, 4 * H)

    loss2d, fp_out = _ggnn_lstm_all(
        x, eidx, etype,
        edge_embed_table.astype(jnp.float32),
        Wbig, gbias, WhhTn, bhhn,
        gate_W.reshape(1, D).astype(jnp.float32),
        gate_b.reshape(1, 1).astype(jnp.float32),
        xoT, tcT, resT, Wx, Wcv,
        lstm_W_hh.T.astype(jnp.float32),
        lb,
        pred_W.T.astype(jnp.float32),
        pred_b.reshape(1, NC + 1).astype(jnp.float32),
    )

    loss = loss2d[0, 0]
    fp_sig = fp_out.reshape(SEQ, BS).transpose(1, 0).reshape(BS * SEQ)
    ft = result.reshape(-1)
    return loss, fp_sig, ft

# --- scband reference (transcript-rebuilt; emitter-appended) ---
"""Pipeline reference for scband-model-89507118449162 (READ-ONLY COPY).

The authoritative reference and input builder live on the scoring server;
editing this copy changes nothing except your own understanding.
"""

import jax, jax.numpy as jnp
import numpy as np

BS, SEQ, N, E, D, H, NC, VOCAB = 8, 50, 200, 200, 64, 128, 110, 10000
F_IN = 2 + NC + 1 + D


def setup_inputs(seed: int = 0):
    key = jax.random.key(seed)
    ks = jax.random.split(key, 20)
    s = 0.05
    inp = {}
    inp['p_id'] = jax.random.randint(ks[0], (BS, SEQ), 0, 16891)
    inp['c_id'] = jax.random.randint(ks[1], (BS, SEQ), 0, NC)
    inp['node_id'] = jax.random.randint(ks[2], (BS, SEQ, N), 0, VOCAB)
    inp['edge'] = jax.random.randint(ks[3], (BS, SEQ, 2, E), 0, N)
    inp['edge_type'] = jax.random.randint(ks[4], (BS, SEQ, E), 0, 8)
    inp['target_c'] = jax.random.uniform(ks[5], (BS, SEQ, NC + 1))
    inp['result'] = jax.random.uniform(ks[6], (BS * SEQ, 1))
    inp['c_embed'] = jax.random.normal(ks[7], (BS, SEQ, NC + 1))
    inp['cur_result'] = jax.random.normal(ks[8], (BS, SEQ, 2))
    inp['node_embed_table'] = jax.random.normal(ks[9], (VOCAB, D)) * s
    et = jax.random.normal(ks[10], (8, D)) * s
    inp['edge_embed_table'] = et.at[0].set(0.0)
    inp['ggnn_W'] = jax.random.normal(ks[11], (4, D, D)) * s
    inp['gru_W_ih'] = jax.random.normal(ks[12], (3 * D, D)) * s
    inp['gru_W_hh'] = jax.random.normal(ks[13], (3 * D, D)) * s
    inp['gru_b_ih'] = jnp.zeros((3 * D,))
    inp['gru_b_hh'] = jnp.zeros((3 * D,))
    inp['gate_W'] = jax.random.normal(ks[14], (1, D)) * s
    inp['gate_b'] = jnp.zeros((1,))
    inp['lstm_W_ih'] = jax.random.normal(ks[15], (4 * H, F_IN)) * s
    inp['lstm_W_hh'] = jax.random.normal(ks[16], (4 * H, H)) * s
    inp['lstm_b_ih'] = jnp.zeros((4 * H,))
    inp['lstm_b_hh'] = jnp.zeros((4 * H,))
    inp['pred_W'] = jax.random.normal(ks[17], (NC + 1, H)) * s
    inp['pred_b'] = jnp.zeros((NC + 1,))
    return inp


def _ggnn_pool(x, eidx, ew, ggnn_W, gWih, gWhh, gbih, gbhh, gateW, gateb):
    # GatedGraphConv(num_layers=4, aggr='add') followed by GlobalAttention pool
    h = x
    src = eidx[0]
    dst = eidx[1]
    for l in range(4):
        m = h @ ggnn_W[l]
        msg = ew * m[src]
        agg = jnp.zeros_like(h).at[dst].add(msg)
        gi = agg @ gWih.T + gbih
        gh = h @ gWhh.T + gbhh
        i_r, i_z, i_n = jnp.split(gi, 3, axis=1)
        h_r, h_z, h_n = jnp.split(gh, 3, axis=1)
        r = jax.nn.sigmoid(i_r + h_r)
        z = jax.nn.sigmoid(i_z + h_z)
        nn_ = jnp.tanh(i_n + r * h_n)
        h = (1.0 - z) * nn_ + z * h
    gate = jax.nn.sigmoid(h @ gateW.T + gateb)
    att = jax.nn.softmax(gate, axis=0)
    return jnp.sum(att * h, axis=0)


def _lstm(x, Wih, Whh, bih, bhh):
    B = x.shape[0]

    def step(carry, xt):
        hh, cc = carry
        g = xt @ Wih.T + bih + hh @ Whh.T + bhh
        i, f, gg, o = jnp.split(g, 4, axis=1)
        cc = jax.nn.sigmoid(f) * cc + jax.nn.sigmoid(i) * jnp.tanh(gg)
        hh = jax.nn.sigmoid(o) * jnp.tanh(cc)
        return (hh, cc), hh

    h0 = jnp.zeros((B, H), x.dtype)
    c0 = jnp.zeros((B, H), x.dtype)
    _, ys = jax.lax.scan(step, (h0, c0), jnp.swapaxes(x, 0, 1))
    return jnp.swapaxes(ys, 0, 1)


def reference(p_id, c_id, node_id, edge, edge_type, target_c, result, c_embed, cur_result,
              node_embed_table, edge_embed_table, ggnn_W, gru_W_ih, gru_W_hh, gru_b_ih, gru_b_hh,
              gate_W, gate_b, lstm_W_ih, lstm_W_hh, lstm_b_ih, lstm_b_hh, pred_W, pred_b):
    bs, seqlen, nodelen = node_id.shape
    x = node_embed_table[node_id].reshape(bs * seqlen, nodelen, -1)
    ew = edge_embed_table[edge_type].mean(-1)[..., None].reshape(bs * seqlen, -1, 1)
    eidx = edge.reshape(bs * seqlen, 2, -1)
    pool_fn = jax.vmap(lambda xx, ee, ww: _ggnn_pool(xx, ee, ww, ggnn_W, gru_W_ih, gru_W_hh,
                                                     gru_b_ih, gru_b_hh, gate_W, gate_b))
    codevec = pool_fn(x, eidx, ew).reshape(bs, seqlen, -1)
    lstm_in = jnp.concatenate([c_embed, codevec, cur_result], axis=2)
    lstm_out = _lstm(lstm_in, lstm_W_ih, lstm_W_hh, lstm_b_ih, lstm_b_hh)
    num_c = jnp.sum(target_c, axis=2).reshape(-1)
    pred = lstm_out.reshape(bs * seqlen, -1) @ pred_W.T + pred_b
    pred_1d = jnp.sum(pred * target_c.reshape(bs * seqlen, -1), axis=1)
    mask = num_c > 0
    safe = jnp.where(mask, num_c, 1.0)
    fp = pred_1d / safe
    ft = result.reshape(-1)
    bce = jnp.maximum(fp, 0.0) - fp * ft + jnp.log1p(jnp.exp(-jnp.abs(fp)))
    loss = jnp.sum(jnp.where(mask, bce, 0.0)) / jnp.maximum(jnp.sum(mask), 1)
    return loss, jax.nn.sigmoid(fp), ft

if __name__ == "__main__":
    import jax
    _d = setup_inputs()
    print(jax.jit(kernel)(*tuple(_d.values())))

</pallas_src>

<mosaic_0001>
#map = affine_map<(d0, d1) -> (0, 0, 0)>
#map1 = affine_map<(d0, d1) -> (0, 0)>
module attributes {stable_mosaic.version = 14 : i64} {
  func.func @_sc_gather(%arg0: i32, %arg1: i32, %arg2: memref<16x40x128xi32, #tpu.memory_space<hbm>>, %arg3: memref<10000x128xf32, #tpu.memory_space<hbm>>, %arg4: memref<80000x128xf32, #tpu.memory_space<hbm>>, %arg5: memref<40x128xi32, #tpu.memory_space<vmem>>, %arg6: memref<128x128xf32, #tpu.memory_space<vmem>>, %arg7: memref<128x128xf32, #tpu.memory_space<vmem>>, %arg8: memref<128x128xf32, #tpu.memory_space<vmem>>, %arg9: memref<128x128xf32, #tpu.memory_space<vmem>>, %arg10: memref<!tpu.dma_semaphore, #tpu.memory_space<semaphore_mem>>, %arg11: memref<!tpu.dma_semaphore, #tpu.memory_space<semaphore_mem>>, %arg12: memref<!tpu.dma_semaphore, #tpu.memory_space<semaphore_mem>>, %arg13: memref<!tpu.dma_semaphore, #tpu.memory_space<semaphore_mem>>, %arg14: memref<!tpu.dma_semaphore, #tpu.memory_space<semaphore_mem>>, %arg15: memref<!tpu.dma_semaphore, #tpu.memory_space<semaphore_mem>>, %arg16: memref<!tpu.dma_semaphore, #tpu.memory_space<semaphore_mem>>, %arg17: memref<!tpu.dma_semaphore, #tpu.memory_space<semaphore_mem>>) attributes {dimension_semantics = [#tpu.dimension_semantics<core_parallel>, #tpu.dimension_semantics<subcore_parallel>], iteration_bounds = array<i64: 2, 16>, scalar_prefetch = 0 : i64, scratch_operands = 13 : i64, tpu.core_type = #tpu.core_type<sc_vector_subcore>, window_params = [{transform_indices = #map}, {transform_indices = #map1}, {transform_indices = #map1}]} {
    %eq3A = arith.constant 0 : i32
    %eq3A_0 = arith.cmpi eq, %arg0, %eq3A : i32
    %jit3A = arith.constant 0 : i32
    %jit3A_1 = arith.constant 20 : i32
    %select_n3A = arith.select %eq3A_0, %jit3A, %jit3A_1 : i32
    %mul3A = arith.constant 40 : i32
    %mul3A_2 = arith.muli %arg1, %mul3A : i32
    %sub3A = arith.constant 625 : i32
    %sub3A_3 = arith.subi %sub3A, %mul3A_2 : i32
    %jit3A_4 = arith.constant 0 : i32
    %jit3A_5 = arith.constant 20 : i32
    %max3A = arith.maxsi %jit3A_4, %sub3A_3 : i32
    %min3A = arith.minsi %jit3A_5, %max3A : i32
    %mul3A_6 = arith.constant 40 : i32
    %mul3A_7 = arith.muli %arg1, %mul3A_6 : i32
    %sub3A_8 = arith.constant 625 : i32
    %sub3A_9 = arith.subi %sub3A_8, %mul3A_7 : i32
    %sub3A_10 = arith.constant 20 : i32
    %sub3A_11 = arith.subi %sub3A_9, %sub3A_10 : i32
    %jit3A_12 = arith.constant 0 : i32
    %jit3A_13 = arith.constant 20 : i32
    %max3A_14 = arith.maxsi %jit3A_12, %sub3A_11 : i32
    %min3A_15 = arith.minsi %jit3A_13, %max3A_14 : i32
    %select_n3A_16 = arith.select %eq3A_0, %min3A, %min3A_15 : i32
    %mul3A_17 = arith.constant 40 : i32
    %mul3A_18 = arith.muli %arg1, %mul3A_17 : i32
    %add3A = arith.addi %mul3A_18, %select_n3A : i32
    %mul3A_19 = arith.constant 128 : i32
    %mul3A_20 = arith.muli %add3A, %mul3A_19 : i32
    "tpu.region"() ({
      %run_scoped3A = tpu.sem_alloc : memref<!tpu.dma_semaphore, #tpu.memory_space<semaphore_mem>>
      %dma_start3A = arith.constant 0 : i32
      %dma_start3A_538 = arith.constant 0 : i32
      %dma_start3A_539 = tpu.memref_slice %arg2[%arg1, %dma_start3A, %dma_start3A_538] : memref<16x40x128xi32, #tpu.memory_space<hbm>> -> memref<1x40x128xi32, #tpu.memory_space<hbm>>
      %dma_start3A_540 = tpu.memref_squeeze %dma_start3A_539 : memref<1x40x128xi32, #tpu.memory_space<hbm>> -> memref<40x128xi32, #tpu.memory_space<hbm>>
      %dma_start3A_541 = arith.constant 0 : i32
      %dma_start3A_542 = arith.constant 0 : i32
      %dma_start3A_543 = tpu.memref_slice %arg2[%arg1, %dma_start3A_541, %dma_start3A_542] : memref<16x40x128xi32, #tpu.memory_space<hbm>> -> memref<1x40x128xi32, #tpu.memory_space<hbm>>
      %dma_start3A_544 = tpu.memref_squeeze %dma_start3A_543 : memref<1x40x128xi32, #tpu.memory_space<hbm>> -> memref<40x128xi32, #tpu.memory_space<hbm>>
      tpu.enqueue_dma source(%dma_start3A_544 : memref<40x128xi32, #tpu.memory_space<hbm>>) target(%arg5 : memref<40x128xi32, #tpu.memory_space<vmem>>) target_semaphore(%run_scoped3A : memref<!tpu.dma_semaphore, #tpu.memory_space<semaphore_mem>>)
      %dma_wait3A = arith.constant 0 : i32
      %dma_wait3A_545 = arith.constant 0 : i32
      %dma_wait3A_546 = tpu.memref_slice %arg2[%arg1, %dma_wait3A, %dma_wait3A_545] : memref<16x40x128xi32, #tpu.memory_space<hbm>> -> memref<1x40x128xi32, #tpu.memory_space<hbm>>
      %dma_wait3A_547 = tpu.memref_squeeze %dma_wait3A_546 : memref<1x40x128xi32, #tpu.memory_space<hbm>> -> memref<40x128xi32, #tpu.memory_space<hbm>>
      %dma_wait3A_548 = arith.constant 0 : i32
      %dma_wait3A_549 = arith.constant 0 : i32
      %dma_wait3A_550 = tpu.memref_slice %arg2[%arg1, %dma_wait3A_548, %dma_wait3A_549] : memref<16x40x128xi32, #tpu.memory_space<hbm>> -> memref<1x40x128xi32, #tpu.memory_space<hbm>>
      %dma_wait3A_551 = tpu.memref_squeeze %dma_wait3A_550 : memref<1x40x128xi32, #tpu.memory_space<hbm>> -> memref<40x128xi32, #tpu.memory_space<hbm>>
      tpu.wait_dma2 semaphore(%run_scoped3A : memref<!tpu.dma_semaphore, #tpu.memory_space<semaphore_mem>>) src(%dma_wait3A_551 : memref<40x128xi32, #tpu.memory_space<hbm>>) dst(%arg5 : memref<40x128xi32, #tpu.memory_space<vmem>>)
      tpu.yield
    }) : () -> ()
    %add3A_21 = arith.constant 0 : i32
    %add3A_22 = arith.addi %select_n3A, %add3A_21 : i32
    %min3A_23 = arith.constant 39 : i32
    %min3A_24 = arith.minsi %add3A_22, %min3A_23 : i32
    %gt3A = arith.constant 0 : i32
    %gt3A_25 = arith.cmpi sgt, %select_n3A_16, %gt3A : i32
    %convert_element_type3A = arith.extui %gt3A_25 : i1 to i32
    %cond3A = arith.constant 0 : i32
    %cond3A_26 = arith.cmpi ne, %convert_element_type3A, %cond3A : i32
    scf.if %cond3A_26 {
      %dma_start3A = arith.constant 0 : i32
      %dma_start3A_538 = tpu.memref_slice %arg5[%min3A_24, %dma_start3A] : memref<40x128xi32, #tpu.memory_space<vmem>> -> memref<1x128xi32, #tpu.memory_space<vmem>>
      %dma_start3A_539 = tpu.memref_squeeze %dma_start3A_538 : memref<1x128xi32, #tpu.memory_space<vmem>> -> memref<128xi32, #tpu.memory_space<vmem>>
      %dma_start3A_540 = arith.constant 0 : i32
      %dma_start3A_541 = arith.constant 0 : i32
      %dma_start3A_542 = tpu.memref_slice %arg3[%dma_start3A_540, %dma_start3A_541] : memref<10000x128xf32, #tpu.memory_space<hbm>> -> memref<10000x128xf32, #tpu.memory_space<hbm>>
      tpu.enqueue_indirect_dma source(%dma_start3A_542 : memref<10000x128xf32, #tpu.memory_space<hbm>>) target(%arg6 : memref<128x128xf32, #tpu.memory_space<vmem>>) offsets(%dma_start3A_539 : memref<128xi32, #tpu.memory_space<vmem>>) semaphore(%arg10 : memref<!tpu.dma_semaphore, #tpu.memory_space<semaphore_mem>>)
    } else {
    }
    %add3A_27 = arith.constant 1 : i32
    %add3A_28 = arith.addi %select_n3A, %add3A_27 : i32
    %min3A_29 = arith.constant 39 : i32
    %min3A_30 = arith.minsi %add3A_28, %min3A_29 : i32
    %gt3A_31 = arith.constant 1 : i32
    %gt3A_32 = arith.cmpi sgt, %select_n3A_16, %gt3A_31 : i32
    %convert_element_type3A_33 = arith.extui %gt3A_32 : i1 to i32
    %cond3A_34 = arith.constant 0 : i32
    %cond3A_35 = arith.cmpi ne, %convert_element_type3A_33, %cond3A_34 : i32
    scf.if %cond3A_35 {
      %dma_start3A = arith.constant 0 : i32
      %dma_start3A_538 = tpu.memref_slice %arg5[%min3A_30, %dma_start3A] : memref<40x128xi32, #tpu.memory_space<vmem>> -> memref<1x128xi32, #tpu.memory_space<vmem>>
      %dma_start3A_539 = tpu.memref_squeeze %dma_start3A_538 : memref<1x128xi32, #tpu.memory_space<vmem>> -> memref<128xi32, #tpu.memory_space<vmem>>
      %dma_start3A_540 = arith.constant 0 : i32
      %dma_start3A_541 = arith.constant 0 : i32
      %dma_start3A_542 = tpu.memref_slice %arg3[%dma_start3A_540, %dma_start3A_541] : memref<10000x128xf32, #tpu.memory_space<hbm>> -> memref<10000x128xf32, #tpu.memory_space<hbm>>
      tpu.enqueue_indirect_dma source(%dma_start3A_542 : memref<10000x128xf32, #tpu.memory_space<hbm>>) target(%arg7 : memref<128x128xf32, #tpu.memory_space<vmem>>) offsets(%dma_start3A_539 : memref<128xi32, #tpu.memory_space<vmem>>) semaphore(%arg11 : memref<!tpu.dma_semaphore, #tpu.memory_space<semaphore_mem>>)
    } else {
    }
    %add3A_36 = arith.constant 2 : i32
    %add3A_37 = arith.addi %select_n3A, %add3A_36 : i32
    %min3A_38 = arith.constant 39 : i32
    %min3A_39 = arith.minsi %add3A_37, %min3A_38 : i32
    %gt3A_40 = arith.constant 2 : i32
    %gt3A_41 = arith.cmpi sgt, %select_n3A_16, %gt3A_40 : i32
    %convert_element_type3A_42 = arith.extui %gt3A_41 : i1 to i32
    %cond3A_43 = arith.constant 0 : i32
    %cond3A_44 = arith.cmpi ne, %convert_element_type3A_42, %cond3A_43 : i32
    scf.if %cond3A_44 {
      %dma_start3A = arith.constant 0 : i32
      %dma_start3A_538 = tpu.memref_slice %arg5[%min3A_39, %dma_start3A] : memref<40x128xi32, #tpu.memory_space<vmem>> -> memref<1x128xi32, #tpu.memory_space<vmem>>
      %dma_start3A_539 = tpu.memref_squeeze %dma_start3A_538 : memref<1x128xi32, #tpu.memory_space<vmem>> -> memref<128xi32, #tpu.memory_space<vmem>>
      %dma_start3A_540 = arith.constant 0 : i32
      %dma_start3A_541 = arith.constant 0 : i32
      %dma_start3A_542 = tpu.memref_slice %arg3[%dma_start3A_540, %dma_start3A_541] : memref<10000x128xf32, #tpu.memory_space<hbm>> -> memref<10000x128xf32, #tpu.memory_space<hbm>>
      tpu.enqueue_indirect_dma source(%dma_start3A_542 : memref<10000x128xf32, #tpu.memory_space<hbm>>) target(%arg8 : memref<128x128xf32, #tpu.memory_space<vmem>>) offsets(%dma_start3A_539 : memref<128xi32, #tpu.memory_space<vmem>>) semaphore(%arg12 : memref<!tpu.dma_semaphore, #tpu.memory_space<semaphore_mem>>)
    } else {
    }
    %gt3A_45 = arith.constant 0 : i32
    %gt3A_46 = arith.cmpi sgt, %select_n3A_16, %gt3A_45 : i32
    %convert_element_type3A_47 = arith.extui %gt3A_46 : i1 to i32
    %cond3A_48 = arith.constant 0 : i32
    %cond3A_49 = arith.cmpi ne, %convert_element_type3A_47, %cond3A_48 : i32
    scf.if %cond3A_49 {
      %dma_wait3A = arith.constant 0 : i32
      %dma_wait3A_538 = tpu.memref_slice %arg5[%min3A_24, %dma_wait3A] : memref<40x128xi32, #tpu.memory_space<vmem>> -> memref<1x128xi32, #tpu.memory_space<vmem>>
      %dma_wait3A_539 = tpu.memref_squeeze %dma_wait3A_538 : memref<1x128xi32, #tpu.memory_space<vmem>> -> memref<128xi32, #tpu.memory_space<vmem>>
      %dma_wait3A_540 = arith.constant 0 : i32
      %dma_wait3A_541 = arith.constant 0 : i32
      %dma_wait3A_542 = tpu.memref_slice %arg3[%dma_wait3A_540, %dma_wait3A_541] : memref<10000x128xf32, #tpu.memory_space<hbm>> -> memref<10000x128xf32, #tpu.memory_space<hbm>>
      tpu.wait_indirect_dma semaphore(%arg10 : memref<!tpu.dma_semaphore, #tpu.memory_space<semaphore_mem>>) src(%dma_wait3A_542 : memref<10000x128xf32, #tpu.memory_space<hbm>>) dst(%arg6 : memref<128x128xf32, #tpu.memory_space<vmem>>)
    } else {
    }
    %add3A_50 = arith.constant 0 : i32
    %add3A_51 = arith.addi %mul3A_20, %add3A_50 : i32
    %gt3A_52 = arith.constant 0 : i32
    %gt3A_53 = arith.cmpi sgt, %select_n3A_16, %gt3A_52 : i32
    %convert_element_type3A_54 = arith.extui %gt3A_53 : i1 to i32
    %cond3A_55 = arith.constant 0 : i32
    %cond3A_56 = arith.cmpi ne, %convert_element_type3A_54, %cond3A_55 : i32
    scf.if %cond3A_56 {
      %dma_start3A = arith.constant 0 : i32
      %dma_start3A_538 = tpu.memref_slice %arg4[%add3A_51, %dma_start3A] : memref<80000x128xf32, #tpu.memory_space<hbm>> -> memref<128x128xf32, #tpu.memory_space<hbm>>
      %dma_start3A_539 = arith.constant 0 : i32
      %dma_start3A_540 = tpu.memref_slice %arg4[%add3A_51, %dma_start3A_539] : memref<80000x128xf32, #tpu.memory_space<hbm>> -> memref<128x128xf32, #tpu.memory_space<hbm>>
      tpu.enqueue_dma source(%arg6 : memref<128x128xf32, #tpu.memory_space<vmem>>) target(%dma_start3A_540 : memref<128x128xf32, #tpu.memory_space<hbm>>) target_semaphore(%arg14 : memref<!tpu.dma_semaphore, #tpu.memory_space<semaphore_mem>>)
    } else {
    }
    %add3A_57 = arith.constant 3 : i32
    %add3A_58 = arith.addi %select_n3A, %add3A_57 : i32
    %min3A_59 = arith.constant 39 : i32
    %min3A_60 = arith.minsi %add3A_58, %min3A_59 : i32
    %gt3A_61 = arith.constant 3 : i32
    %gt3A_62 = arith.cmpi sgt, %select_n3A_16, %gt3A_61 : i32
    %convert_element_type3A_63 = arith.extui %gt3A_62 : i1 to i32
    %cond3A_64 = arith.constant 0 : i32
    %cond3A_65 = arith.cmpi ne, %convert_element_type3A_63, %cond3A_64 : i32
    scf.if %cond3A_65 {
      %dma_start3A = arith.constant 0 : i32
      %dma_start3A_538 = tpu.memref_slice %arg5[%min3A_60, %dma_start3A] : memref<40x128xi32, #tpu.memory_space<vmem>> -> memref<1x128xi32, #tpu.memory_space<vmem>>
      %dma_start3A_539 = tpu.memref_squeeze %dma_start3A_538 : memref<1x128xi32, #tpu.memory_space<vmem>> -> memref<128xi32, #tpu.memory_space<vmem>>
      %dma_start3A_540 = arith.constant 0 : i32
      %dma_start3A_541 = arith.constant 0 : i32
      %dma_start3A_542 = tpu.memref_slice %arg3[%dma_start3A_540, %dma_start3A_541] : memref<10000x128xf32, #tpu.memory_space<hbm>> -> memref<10000x128xf32, #tpu.memory_space<hbm>>
      tpu.enqueue_indirect_dma source(%dma_start3A_542 : memref<10000x128xf32, #tpu.memory_space<hbm>>) target(%arg9 : memref<128x128xf32, #tpu.memory_space<vmem>>) offsets(%dma_start3A_539 : memref<128xi32, #tpu.memory_space<vmem>>) semaphore(%arg13 : memref<!tpu.dma_semaphore, #tpu.memory_space<semaphore_mem>>)
    } else {
    }
    %gt3A_66 = arith.constant 1 : i32
    %gt3A_67 = arith.cmpi sgt, %select_n3A_16, %gt3A_66 : i32
    %convert_element_type3A_68 = arith.extui %gt3A_67 : i1 to i32
    %cond3A_69 = arith.constant 0 : i32
    %cond3A_70 = arith.cmpi ne, %convert_element_type3A_68, %cond3A_69 : i32
    scf.if %cond3A_70 {
      %dma_wait3A = arith.constant 0 : i32
      %dma_wait3A_538 = tpu.memref_slice %arg5[%min3A_30, %dma_wait3A] : memref<40x128xi32, #tpu.memory_space<vmem>> -> memref<1x128xi32, #tpu.memory_space<vmem>>
      %dma_wait3A_539 = tpu.memref_squeeze %dma_wait3A_538 : memref<1x128xi32, #tpu.memory_space<vmem>> -> memref<128xi32, #tpu.memory_space<vmem>>
      %dma_wait3A_540 = arith.constant 0 : i32
      %dma_wait3A_541 = arith.constant 0 : i32
      %dma_wait3A_542 = tpu.memref_slice %arg3[%dma_wait3A_540, %dma_wait3A_541] : memref<10000x128xf32, #tpu.memory_space<hbm>> -> memref<10000x128xf32, #tpu.memory_space<hbm>>
      tpu.wait_indirect_dma semaphore(%arg11 : memref<!tpu.dma_semaphore, #tpu.memory_space<semaphore_mem>>) src(%dma_wait3A_542 : memref<10000x128xf32, #tpu.memory_space<hbm>>) dst(%arg7 : memref<128x128xf32, #tpu.memory_space<vmem>>)
    } else {
    }
    %add3A_71 = arith.constant 128 : i32
    %add3A_72 = arith.addi %mul3A_20, %add3A_71 : i32
    %gt3A_73 = arith.constant 1 : i32
    %gt3A_74 = arith.cmpi sgt, %select_n3A_16, %gt3A_73 : i32
    %convert_element_type3A_75 = arith.extui %gt3A_74 : i1 to i32
    %cond3A_76 = arith.constant 0 : i32
    %cond3A_77 = arith.cmpi ne, %convert_element_type3A_75, %cond3A_76 : i32
    scf.if %cond3A_77 {
      %dma_start3A = arith.constant 0 : i32
      %dma_start3A_538 = tpu.memref_slice %arg4[%add3A_72, %dma_start3A] : memref<80000x128xf32, #tpu.memory_space<hbm>> -> memref<128x128xf32, #tpu.memory_space<hbm>>
      %dma_start3A_539 = arith.constant 0 : i32
      %dma_start3A_540 = tpu.memref_slice %arg4[%add3A_72, %dma_start3A_539] : memref<80000x128xf32, #tpu.memory_space<hbm>> -> memref<128x128xf32, #tpu.memory_space<hbm>>
      tpu.enqueue_dma source(%arg7 : memref<128x128xf32, #tpu.memory_space<vmem>>) target(%dma_start3A_540 : memref<128x128xf32, #tpu.memory_space<hbm>>) target_semaphore(%arg15 : memref<!tpu.dma_semaphore, #tpu.memory_space<semaphore_mem>>)
    } else {
    }
    %gt3A_78 = arith.constant 0 : i32
    %gt3A_79 = arith.cmpi sgt, %select_n3A_16, %gt3A_78 : i32
    %convert_element_type3A_80 = arith.extui %gt3A_79 : i1 to i32
    %cond3A_81 = arith.constant 0 : i32
    %cond3A_82 = arith.cmpi ne, %convert_element_type3A_80, %cond3A_81 : i32
    scf.if %cond3A_82 {
      %dma_wait3A = arith.constant 0 : i32
      %dma_wait3A_538 = tpu.memref_slice %arg4[%add3A_51, %dma_wait3A] : memref<80000x128xf32, #tpu.memory_space<hbm>> -> memref<128x128xf32, #tpu.memory_space<hbm>>
      %dma_wait3A_539 = arith.constant 0 : i32
      %dma_wait3A_540 = tpu.memref_slice %arg4[%add3A_51, %dma_wait3A_539] : memref<80000x128xf32, #tpu.memory_space<hbm>> -> memref<128x128xf32, #tpu.memory_space<hbm>>
      tpu.wait_dma2 semaphore(%arg14 : memref<!tpu.dma_semaphore, #tpu.memory_space<semaphore_mem>>) src(%arg6 : memref<128x128xf32, #tpu.memory_space<vmem>>) dst(%dma_wait3A_540 : memref<128x128xf32, #tpu.memory_space<hbm>>)
    } else {
    }
    %add3A_83 = arith.constant 4 : i32
    %add3A_84 = arith.addi %select_n3A, %add3A_83 : i32
    %min3A_85 = arith.constant 39 : i32
    %min3A_86 = arith.minsi %add3A_84, %min3A_85 : i32
    %gt3A_87 = arith.constant 4 : i32
    %gt3A_88 = arith.cmpi sgt, %select_n3A_16, %gt3A_87 : i32
    %convert_element_type3A_89 = arith.extui %gt3A_88 : i1 to i32
    %cond3A_90 = arith.constant 0 : i32
    %cond3A_91 = arith.cmpi ne, %convert_element_type3A_89, %cond3A_90 : i32
    scf.if %cond3A_91 {
      %dma_start3A = arith.constant 0 : i32
      %dma_start3A_538 = tpu.memref_slice %arg5[%min3A_86, %dma_start3A] : memref<40x128xi32, #tpu.memory_space<vmem>> -> memref<1x128xi32, #tpu.memory_space<vmem>>
      %dma_start3A_539 = tpu.memref_squeeze %dma_start3A_538 : memref<1x128xi32, #tpu.memory_space<vmem>> -> memref<128xi32, #tpu.memory_space<vmem>>
      %dma_start3A_540 = arith.constant 0 : i32
      %dma_start3A_541 = arith.constant 0 : i32
      %dma_start3A_542 = tpu.memref_slice %arg3[%dma_start3A_540, %dma_start3A_541] : memref<10000x128xf32, #tpu.memory_space<hbm>> -> memref<10000x128xf32, #tpu.memory_space<hbm>>
      tpu.enqueue_indirect_dma source(%dma_start3A_542 : memref<10000x128xf32, #tpu.memory_space<hbm>>) target(%arg6 : memref<128x128xf32, #tpu.memory_space<vmem>>) offsets(%dma_start3A_539 : memref<128xi32, #tpu.memory_space<vmem>>) semaphore(%arg10 : memref<!tpu.dma_semaphore, #tpu.memory_space<semaphore_mem>>)
    } else {
    }
    %gt3A_92 = arith.constant 2 : i32
    %gt3A_93 = arith.cmpi sgt, %select_n3A_16, %gt3A_92 : i32
    %convert_element_type3A_94 = arith.extui %gt3A_93 : i1 to i32
    %cond3A_95 = arith.constant 0 : i32
    %cond3A_96 = arith.cmpi ne, %convert_element_type3A_94, %cond3A_95 : i32
    scf.if %cond3A_96 {
      %dma_wait3A = arith.constant 0 : i32
      %dma_wait3A_538 = tpu.memref_slice %arg5[%min3A_39, %dma_wait3A] : memref<40x128xi32, #tpu.memory_space<vmem>> -> memref<1x128xi32, #tpu.memory_space<vmem>>
      %dma_wait3A_539 = tpu.memref_squeeze %dma_wait3A_538 : memref<1x128xi32, #tpu.memory_space<vmem>> -> memref<128xi32, #tpu.memory_space<vmem>>
      %dma_wait3A_540 = arith.constant 0 : i32
      %dma_wait3A_541 = arith.constant 0 : i32
      %dma_wait3A_542 = tpu.memref_slice %arg3[%dma_wait3A_540, %dma_wait3A_541] : memref<10000x128xf32, #tpu.memory_space<hbm>> -> memref<10000x128xf32, #tpu.memory_space<hbm>>
      tpu.wait_indirect_dma semaphore(%arg12 : memref<!tpu.dma_semaphore, #tpu.memory_space<semaphore_mem>>) src(%dma_wait3A_542 : memref<10000x128xf32, #tpu.memory_space<hbm>>) dst(%arg8 : memref<128x128xf32, #tpu.memory_space<vmem>>)
    } else {
    }
    %add3A_97 = arith.constant 256 : i32
    %add3A_98 = arith.addi %mul3A_20, %add3A_97 : i32
    %gt3A_99 = arith.constant 2 : i32
    %gt3A_100 = arith.cmpi sgt, %select_n3A_16, %gt3A_99 : i32
    %convert_element_type3A_101 = arith.extui %gt3A_100 : i1 to i32
    %cond3A_102 = arith.constant 0 : i32
    %cond3A_103 = arith.cmpi ne, %convert_element_type3A_101, %cond3A_102 : i32
    scf.if %cond3A_103 {
      %dma_start3A = arith.constant 0 : i32
      %dma_start3A_538 = tpu.memref_slice %arg4[%add3A_98, %dma_start3A] : memref<80000x128xf32, #tpu.memory_space<hbm>> -> memref<128x128xf32, #tpu.memory_space<hbm>>
      %dma_start3A_539 = arith.constant 0 : i32
      %dma_start3A_540 = tpu.memref_slice %arg4[%add3A_98, %dma_start3A_539] : memref<80000x128xf32, #tpu.memory_space<hbm>> -> memref<128x128xf32, #tpu.memory_space<hbm>>
      tpu.enqueue_dma source(%arg8 : memref<128x128xf32, #tpu.memory_space<vmem>>) target(%dma_start3A_540 : memref<128x128xf32, #tpu.memory_space<hbm>>) target_semaphore(%arg16 : memref<!tpu.dma_semaphore, #tpu.memory_space<semaphore_mem>>)
    } else {
    }
    %gt3A_104 = arith.constant 1 : i32
    %gt3A_105 = arith.cmpi sgt, %select_n3A_16, %gt3A_104 : i32
    %convert_element_type3A_106 = arith.extui %gt3A_105 : i1 to i32
    %cond3A_107 = arith.constant 0 : i32
    %cond3A_108 = arith.cmpi ne, %convert_element_type3A_106, %cond3A_107 : i32
    scf.if %cond3A_108 {
      %dma_wait3A = arith.constant 0 : i32
      %dma_wait3A_538 = tpu.memref_slice %arg4[%add3A_72, %dma_wait3A] : memref<80000x128xf32, #tpu.memory_space<hbm>> -> memref<128x128xf32, #tpu.memory_space<hbm>>
      %dma_wait3A_539 = arith.constant 0 : i32
      %dma_wait3A_540 = tpu.memref_slice %arg4[%add3A_72, %dma_wait3A_539] : memref<80000x128xf32, #tpu.memory_space<hbm>> -> memref<128x128xf32, #tpu.memory_space<hbm>>
      tpu.wait_dma2 semaphore(%arg15 : memref<!tpu.dma_semaphore, #tpu.memory_space<semaphore_mem>>) src(%arg7 : memref<128x128xf32, #tpu.memory_space<vmem>>) dst(%dma_wait3A_540 : memref<128x128xf32, #tpu.memory_space<hbm>>)
    } else {
    }
    %add3A_109 = arith.constant 5 : i32
    %add3A_110 = arith.addi %select_n3A, %add3A_109 : i32
    %min3A_111 = arith.constant 39 : i32
    %min3A_112 = arith.minsi %add3A_110, %min3A_111 : i32
    %gt3A_113 = arith.constant 5 : i32
    %gt3A_114 = arith.cmpi sgt, %select_n3A_16, %gt3A_113 : i32
    %convert_element_type3A_115 = arith.extui %gt3A_114 : i1 to i32
    %cond3A_116 = arith.constant 0 : i32
    %cond3A_117 = arith.cmpi ne, %convert_element_type3A_115, %cond3A_116 : i32
    scf.if %cond3A_117 {
      %dma_start3A = arith.constant 0 : i32
      %dma_start3A_538 = tpu.memref_slice %arg5[%min3A_112, %dma_start3A] : memref<40x128xi32, #tpu.memory_space<vmem>> -> memref<1x128xi32, #tpu.memory_space<vmem>>
      %dma_start3A_539 = tpu.memref_squeeze %dma_start3A_538 : memref<1x128xi32, #tpu.memory_space<vmem>> -> memref<128xi32, #tpu.memory_space<vmem>>
      %dma_start3A_540 = arith.constant 0 : i32
      %dma_start3A_541 = arith.constant 0 : i32
      %dma_start3A_542 = tpu.memref_slice %arg3[%dma_start3A_540, %dma_start3A_541] : memref<10000x128xf32, #tpu.memory_space<hbm>> -> memref<10000x128xf32, #tpu.memory_space<hbm>>
      tpu.enqueue_indirect_dma source(%dma_start3A_542 : memref<10000x128xf32, #tpu.memory_space<hbm>>) target(%arg7 : memref<128x128xf32, #tpu.memory_space<vmem>>) offsets(%dma_start3A_539 : memref<128xi32, #tpu.memory_space<vmem>>) semaphore(%arg11 : memref<!tpu.dma_semaphore, #tpu.memory_space<semaphore_mem>>)
    } else {
    }
    %gt3A_118 = arith.constant 3 : i32
    %gt3A_119 = arith.cmpi sgt, %select_n3A_16, %gt3A_118 : i32
    %convert_element_type3A_120 = arith.extui %gt3A_119 : i1 to i32
    %cond3A_121 = arith.constant 0 : i32
    %cond3A_122 = arith.cmpi ne, %convert_element_type3A_120, %cond3A_121 : i32
    scf.if %cond3A_122 {
      %dma_wait3A = arith.constant 0 : i32
      %dma_wait3A_538 = tpu.memref_slice %arg5[%min3A_60, %dma_wait3A] : memref<40x128xi32, #tpu.memory_space<vmem>> -> memref<1x128xi32, #tpu.memory_space<vmem>>
      %dma_wait3A_539 = tpu.memref_squeeze %dma_wait3A_538 : memref<1x128xi32, #tpu.memory_space<vmem>> -> memref<128xi32, #tpu.memory_space<vmem>>
      %dma_wait3A_540 = arith.constant 0 : i32
      %dma_wait3A_541 = arith.constant 0 : i32
      %dma_wait3A_542 = tpu.memref_slice %arg3[%dma_wait3A_540, %dma_wait3A_541] : memref<10000x128xf32, #tpu.memory_space<hbm>> -> memref<10000x128xf32, #tpu.memory_space<hbm>>
      tpu.wait_indirect_dma semaphore(%arg13 : memref<!tpu.dma_semaphore, #tpu.memory_space<semaphore_mem>>) src(%dma_wait3A_542 : memref<10000x128xf32, #tpu.memory_space<hbm>>) dst(%arg9 : memref<128x128xf32, #tpu.memory_space<vmem>>)
    } else {
    }
    %add3A_123 = arith.constant 384 : i32
    %add3A_124 = arith.addi %mul3A_20, %add3A_123 : i32
    %gt3A_125 = arith.constant 3 : i32
    %gt3A_126 = arith.cmpi sgt, %select_n3A_16, %gt3A_125 : i32
    %convert_element_type3A_127 = arith.extui %gt3A_126 : i1 to i32
    %cond3A_128 = arith.constant 0 : i32
    %cond3A_129 = arith.cmpi ne, %convert_element_type3A_127, %cond3A_128 : i32
    scf.if %cond3A_129 {
      %dma_start3A = arith.constant 0 : i32
      %dma_start3A_538 = tpu.memref_slice %arg4[%add3A_124, %dma_start3A] : memref<80000x128xf32, #tpu.memory_space<hbm>> -> memref<128x128xf32, #tpu.memory_space<hbm>>
      %dma_start3A_539 = arith.constant 0 : i32
      %dma_start3A_540 = tpu.memref_slice %arg4[%add3A_124, %dma_start3A_539] : memref<80000x128xf32, #tpu.memory_space<hbm>> -> memref<128x128xf32, #tpu.memory_space<hbm>>
      tpu.enqueue_dma source(%arg9 : memref<128x128xf32, #tpu.memory_space<vmem>>) target(%dma_start3A_540 : memref<128x128xf32, #tpu.memory_space<hbm>>) target_semaphore(%arg17 : memref<!tpu.dma_semaphore, #tpu.memory_space<semaphore_mem>>)
    } else {
    }
    %gt3A_130 = arith.constant 2 : i32
    %gt3A_131 = arith.cmpi sgt, %select_n3A_16, %gt3A_130 : i32
    %convert_element_type3A_132 = arith.extui %gt3A_131 : i1 to i32
    %cond3A_133 = arith.constant 0 : i32
    %cond3A_134 = arith.cmpi ne, %convert_element_type3A_132, %cond3A_133 : i32
    scf.if %cond3A_134 {
      %dma_wait3A = arith.constant 0 : i32
      %dma_wait3A_538 = tpu.memref_slice %arg4[%add3A_98, %dma_wait3A] : memref<80000x128xf32, #tpu.memory_space<hbm>> -> memref<128x128xf32, #tpu.memory_space<hbm>>
      %dma_wait3A_539 = arith.constant 0 : i32
      %dma_wait3A_540 = tpu.memref_slice %arg4[%add3A_98, %dma_wait3A_539] : memref<80000x128xf32, #tpu.memory_space<hbm>> -> memref<128x128xf32, #tpu.memory_space<hbm>>
      tpu.wait_dma2 semaphore(%arg16 : memref<!tpu.dma_semaphore, #tpu.memory_space<semaphore_mem>>) src(%arg8 : memref<128x128xf32, #tpu.memory_space<vmem>>) dst(%dma_wait3A_540 : memref<128x128xf32, #tpu.memory_space<hbm>>)
    } else {
    }
    %add3A_135 = arith.constant 6 : i32
    %add3A_136 = arith.addi %select_n3A, %add3A_135 : i32
    %min3A_137 = arith.constant 39 : i32
    %min3A_138 = arith.minsi %add3A_136, %min3A_137 : i32
    %gt3A_139 = arith.constant 6 : i32
    %gt3A_140 = arith.cmpi sgt, %select_n3A_16, %gt3A_139 : i32
    %convert_element_type3A_141 = arith.extui %gt3A_140 : i1 to i32
    %cond3A_142 = arith.constant 0 : i32
    %cond3A_143 = arith.cmpi ne, %convert_element_type3A_141, %cond3A_142 : i32
    scf.if %cond3A_143 {
      %dma_start3A = arith.constant 0 : i32
      %dma_start3A_538 = tpu.memref_slice %arg5[%min3A_138, %dma_start3A] : memref<40x128xi32, #tpu.memory_space<vmem>> -> memref<1x128xi32, #tpu.memory_space<vmem>>
      %dma_start3A_539 = tpu.memref_squeeze %dma_start3A_538 : memref<1x128xi32, #tpu.memory_space<vmem>> -> memref<128xi32, #tpu.memory_space<vmem>>
      %dma_start3A_540 = arith.constant 0 : i32
      %dma_start3A_541 = arith.constant 0 : i32
      %dma_start3A_542 = tpu.memref_slice %arg3[%dma_start3A_540, %dma_start3A_541] : memref<10000x128xf32, #tpu.memory_space<hbm>> -> memref<10000x128xf32, #tpu.memory_space<hbm>>
      tpu.enqueue_indirect_dma source(%dma_start3A_542 : memref<10000x128xf32, #tpu.memory_space<hbm>>) target(%arg8 : memref<128x128xf32, #tpu.memory_space<vmem>>) offsets(%dma_start3A_539 : memref<128xi32, #tpu.memory_space<vmem>>) semaphore(%arg12 : memref<!tpu.dma_semaphore, #tpu.memory_space<semaphore_mem>>)
    } else {
    }
    %gt3A_144 = arith.constant 4 : i32
    %gt3A_145 = arith.cmpi sgt, %select_n3A_16, %gt3A_144 : i32
    %convert_element_type3A_146 = arith.extui %gt3A_145 : i1 to i32
    %cond3A_147 = arith.constant 0 : i32
    %cond3A_148 = arith.cmpi ne, %convert_element_type3A_146, %cond3A_147 : i32
    scf.if %cond3A_148 {
      %dma_wait3A = arith.constant 0 : i32
      %dma_wait3A_538 = tpu.memref_slice %arg5[%min3A_86, %dma_wait3A] : memref<40x128xi32, #tpu.memory_space<vmem>> -> memref<1x128xi32, #tpu.memory_space<vmem>>
      %dma_wait3A_539 = tpu.memref_squeeze %dma_wait3A_538 : memref<1x128xi32, #tpu.memory_space<vmem>> -> memref<128xi32, #tpu.memory_space<vmem>>
      %dma_wait3A_540 = arith.constant 0 : i32
      %dma_wait3A_541 = arith.constant 0 : i32
      %dma_wait3A_542 = tpu.memref_slice %arg3[%dma_wait3A_540, %dma_wait3A_541] : memref<10000x128xf32, #tpu.memory_space<hbm>> -> memref<10000x128xf32, #tpu.memory_space<hbm>>
      tpu.wait_indirect_dma semaphore(%arg10 : memref<!tpu.dma_semaphore, #tpu.memory_space<semaphore_mem>>) src(%dma_wait3A_542 : memref<10000x128xf32, #tpu.memory_space<hbm>>) dst(%arg6 : memref<128x128xf32, #tpu.memory_space<vmem>>)
    } else {
    }
    %add3A_149 = arith.constant 512 : i32
    %add3A_150 = arith.addi %mul3A_20, %add3A_149 : i32
    %gt3A_151 = arith.constant 4 : i32
    %gt3A_152 = arith.cmpi sgt, %select_n3A_16, %gt3A_151 : i32
    %convert_element_type3A_153 = arith.extui %gt3A_152 : i1 to i32
    %cond3A_154 = arith.constant 0 : i32
    %cond3A_155 = arith.cmpi ne, %convert_element_type3A_153, %cond3A_154 : i32
    scf.if %cond3A_155 {
      %dma_start3A = arith.constant 0 : i32
      %dma_start3A_538 = tpu.memref_slice %arg4[%add3A_150, %dma_start3A] : memref<80000x128xf32, #tpu.memory_space<hbm>> -> memref<128x128xf32, #tpu.memory_space<hbm>>
      %dma_start3A_539 = arith.constant 0 : i32
      %dma_start3A_540 = tpu.memref_slice %arg4[%add3A_150, %dma_start3A_539] : memref<80000x128xf32, #tpu.memory_space<hbm>> -> memref<128x128xf32, #tpu.memory_space<hbm>>
      tpu.enqueue_dma source(%arg6 : memref<128x128xf32, #tpu.memory_space<vmem>>) target(%dma_start3A_540 : memref<128x128xf32, #tpu.memory_space<hbm>>) target_semaphore(%arg14 : memref<!tpu.dma_semaphore, #tpu.memory_space<semaphore_mem>>)
    } else {
    }
    %gt3A_156 = arith.constant 3 : i32
    %gt3A_157 = arith.cmpi sgt, %select_n3A_16, %gt3A_156 : i32
    %convert_element_type3A_158 = arith.extui %gt3A_157 : i1 to i32
    %cond3A_159 = arith.constant 0 : i32
    %cond3A_160 = arith.cmpi ne, %convert_element_type3A_158, %cond3A_159 : i32
    scf.if %cond3A_160 {
      %dma_wait3A = arith.constant 0 : i32
      %dma_wait3A_538 = tpu.memref_slice %arg4[%add3A_124, %dma_wait3A] : memref<80000x128xf32, #tpu.memory_space<hbm>> -> memref<128x128xf32, #tpu.memory_space<hbm>>
      %dma_wait3A_539 = arith.constant 0 : i32
      %dma_wait3A_540 = tpu.memref_slice %arg4[%add3A_124, %dma_wait3A_539] : memref<80000x128xf32, #tpu.memory_space<hbm>> -> memref<128x128xf32, #tpu.memory_space<hbm>>
      tpu.wait_dma2 semaphore(%arg17 : memref<!tpu.dma_semaphore, #tpu.memory_space<semaphore_mem>>) src(%arg9 : memref<128x128xf32, #tpu.memory_space<vmem>>) dst(%dma_wait3A_540 : memref<128x128xf32, #tpu.memory_space<hbm>>)
    } else {
    }
    %add3A_161 = arith.constant 7 : i32
    %add3A_162 = arith.addi %select_n3A, %add3A_161 : i32
    %min3A_163 = arith.constant 39 : i32
    %min3A_164 = arith.minsi %add3A_162, %min3A_163 : i32
    %gt3A_165 = arith.constant 7 : i32
    %gt3A_166 = arith.cmpi sgt, %select_n3A_16, %gt3A_165 : i32
    %convert_element_type3A_167 = arith.extui %gt3A_166 : i1 to i32
    %cond3A_168 = arith.constant 0 : i32
    %cond3A_169 = arith.cmpi ne, %convert_element_type3A_167, %cond3A_168 : i32
    scf.if %cond3A_169 {
      %dma_start3A = arith.constant 0 : i32
      %dma_start3A_538 = tpu.memref_slice %arg5[%min3A_164, %dma_start3A] : memref<40x128xi32, #tpu.memory_space<vmem>> -> memref<1x128xi32, #tpu.memory_space<vmem>>
      %dma_start3A_539 = tpu.memref_squeeze %dma_start3A_538 : memref<1x128xi32, #tpu.memory_space<vmem>> -> memref<128xi32, #tpu.memory_space<vmem>>
      %dma_start3A_540 = arith.constant 0 : i32
      %dma_start3A_541 = arith.constant 0 : i32
      %dma_start3A_542 = tpu.memref_slice %arg3[%dma_start3A_540, %dma_start3A_541] : memref<10000x128xf32, #tpu.memory_space<hbm>> -> memref<10000x128xf32, #tpu.memory_space<hbm>>
      tpu.enqueue_indirect_dma source(%dma_start3A_542 : memref<10000x128xf32, #tpu.memory_space<hbm>>) target(%arg9 : memref<128x128xf32, #tpu.memory_space<vmem>>) offsets(%dma_start3A_539 : memref<128xi32, #tpu.memory_space<vmem>>) semaphore(%arg13 : memref<!tpu.dma_semaphore, #tpu.memory_space<semaphore_mem>>)
    } else {
    }
    %gt3A_170 = arith.constant 5 : i32
    %gt3A_171 = arith.cmpi sgt, %select_n3A_16, %gt3A_170 : i32
    %convert_element_type3A_172 = arith.extui %gt3A_171 : i1 to i32
    %cond3A_173 = arith.constant 0 : i32
    %cond3A_174 = arith.cmpi ne, %convert_element_type3A_172, %cond3A_173 : i32
    scf.if %cond3A_174 {
      %dma_wait3A = arith.constant 0 : i32
      %dma_wait3A_538 = tpu.memref_slice %arg5[%min3A_112, %dma_wait3A] : memref<40x128xi32, #tpu.memory_space<vmem>> -> memref<1x128xi32, #tpu.memory_space<vmem>>
      %dma_wait3A_539 = tpu.memref_squeeze %dma_wait3A_538 : memref<1x128xi32, #tpu.memory_space<vmem>> -> memref<128xi32, #tpu.memory_space<vmem>>
      %dma_wait3A_540 = arith.constant 0 : i32
      %dma_wait3A_541 = arith.constant 0 : i32
      %dma_wait3A_542 = tpu.memref_slice %arg3[%dma_wait3A_540, %dma_wait3A_541] : memref<10000x128xf32, #tpu.memory_space<hbm>> -> memref<10000x128xf32, #tpu.memory_space<hbm>>
      tpu.wait_indirect_dma semaphore(%arg11 : memref<!tpu.dma_semaphore, #tpu.memory_space<semaphore_mem>>) src(%dma_wait3A_542 : memref<10000x128xf32, #tpu.memory_space<hbm>>) dst(%arg7 : memref<128x128xf32, #tpu.memory_space<vmem>>)
    } else {
    }
    %add3A_175 = arith.constant 640 : i32
    %add3A_176 = arith.addi %mul3A_20, %add3A_175 : i32
    %gt3A_177 = arith.constant 5 : i32
    %gt3A_178 = arith.cmpi sgt, %select_n3A_16, %gt3A_177 : i32
    %convert_element_type3A_179 = arith.extui %gt3A_178 : i1 to i32
    %cond3A_180 = arith.constant 0 : i32
    %cond3A_181 = arith.cmpi ne, %convert_element_type3A_179, %cond3A_180 : i32
    scf.if %cond3A_181 {
      %dma_start3A = arith.constant 0 : i32
      %dma_start3A_538 = tpu.memref_slice %arg4[%add3A_176, %dma_start3A] : memref<80000x128xf32, #tpu.memory_space<hbm>> -> memref<128x128xf32, #tpu.memory_space<hbm>>
      %dma_start3A_539 = arith.constant 0 : i32
      %dma_start3A_540 = tpu.memref_slice %arg4[%add3A_176, %dma_start3A_539] : memref<80000x128xf32, #tpu.memory_space<hbm>> -> memref<128x128xf32, #tpu.memory_space<hbm>>
      tpu.enqueue_dma source(%arg7 : memref<128x128xf32, #tpu.memory_space<vmem>>) target(%dma_start3A_540 : memref<128x128xf32, #tpu.memory_space<hbm>>) target_semaphore(%arg15 : memref<!tpu.dma_semaphore, #tpu.memory_space<semaphore_mem>>)
    } else {
    }
    %gt3A_182 = arith.constant 4 : i32
    %gt3A_183 = arith.cmpi sgt, %select_n3A_16, %gt3A_182 : i32
    %convert_element_type3A_184 = arith.extui %gt3A_183 : i1 to i32
    %cond3A_185 = arith.constant 0 : i32
    %cond3A_186 = arith.cmpi ne, %convert_element_type3A_184, %cond3A_185 : i32
    scf.if %cond3A_186 {
      %dma_wait3A = arith.constant 0 : i32
      %dma_wait3A_538 = tpu.memref_slice %arg4[%add3A_150, %dma_wait3A] : memref<80000x128xf32, #tpu.memory_space<hbm>> -> memref<128x128xf32, #tpu.memory_space<hbm>>
      %dma_wait3A_539 = arith.constant 0 : i32
      %dma_wait3A_540 = tpu.memref_slice %arg4[%add3A_150, %dma_wait3A_539] : memref<80000x128xf32, #tpu.memory_space<hbm>> -> memref<128x128xf32, #tpu.memory_space<hbm>>
      tpu.wait_dma2 semaphore(%arg14 : memref<!tpu.dma_semaphore, #tpu.memory_space<semaphore_mem>>) src(%arg6 : memref<128x128xf32, #tpu.memory_space<vmem>>) dst(%dma_wait3A_540 : memref<128x128xf32, #tpu.memory_space<hbm>>)
    } else {
    }
    %add3A_187 = arith.constant 8 : i32
    %add3A_188 = arith.addi %select_n3A, %add3A_187 : i32
    %min3A_189 = arith.constant 39 : i32
    %min3A_190 = arith.minsi %add3A_188, %min3A_189 : i32
    %gt3A_191 = arith.constant 8 : i32
    %gt3A_192 = arith.cmpi sgt, %select_n3A_16, %gt3A_191 : i32
    %convert_element_type3A_193 = arith.extui %gt3A_192 : i1 to i32
    %cond3A_194 = arith.constant 0 : i32
    %cond3A_195 = arith.cmpi ne, %convert_element_type3A_193, %cond3A_194 : i32
    scf.if %cond3A_195 {
      %dma_start3A = arith.constant 0 : i32
      %dma_start3A_538 = tpu.memref_slice %arg5[%min3A_190, %dma_start3A] : memref<40x128xi32, #tpu.memory_space<vmem>> -> memref<1x128xi32, #tpu.memory_space<vmem>>
      %dma_start3A_539 = tpu.memref_squeeze %dma_start3A_538 : memref<1x128xi32, #tpu.memory_space<vmem>> -> memref<128xi32, #tpu.memory_space<vmem>>
      %dma_start3A_540 = arith.constant 0 : i32
      %dma_start3A_541 = arith.constant 0 : i32
      %dma_start3A_542 = tpu.memref_slice %arg3[%dma_start3A_540, %dma_start3A_541] : memref<10000x128xf32, #tpu.memory_space<hbm>> -> memref<10000x128xf32, #tpu.memory_space<hbm>>
      tpu.enqueue_indirect_dma source(%dma_start3A_542 : memref<10000x128xf32, #tpu.memory_space<hbm>>) target(%arg6 : memref<128x128xf32, #tpu.memory_space<vmem>>) offsets(%dma_start3A_539 : memref<128xi32, #tpu.memory_space<vmem>>) semaphore(%arg10 : memref<!tpu.dma_semaphore, #tpu.memory_space<semaphore_mem>>)
    } else {
    }
    %gt3A_196 = arith.constant 6 : i32
    %gt3A_197 = arith.cmpi sgt, %select_n3A_16, %gt3A_196 : i32
    %convert_element_type3A_198 = arith.extui %gt3A_197 : i1 to i32
    %cond3A_199 = arith.constant 0 : i32
    %cond3A_200 = arith.cmpi ne, %convert_element_type3A_198, %cond3A_199 : i32
    scf.if %cond3A_200 {
      %dma_wait3A = arith.constant 0 : i32
      %dma_wait3A_538 = tpu.memref_slice %arg5[%min3A_138, %dma_wait3A] : memref<40x128xi32, #tpu.memory_space<vmem>> -> memref<1x128xi32, #tpu.memory_space<vmem>>
      %dma_wait3A_539 = tpu.memref_squeeze %dma_wait3A_538 : memref<1x128xi32, #tpu.memory_space<vmem>> -> memref<128xi32, #tpu.memory_space<vmem>>
      %dma_wait3A_540 = arith.constant 0 : i32
      %dma_wait3A_541 = arith.constant 0 : i32
      %dma_wait3A_542 = tpu.memref_slice %arg3[%dma_wait3A_540, %dma_wait3A_541] : memref<10000x128xf32, #tpu.memory_space<hbm>> -> memref<10000x128xf32, #tpu.memory_space<hbm>>
      tpu.wait_indirect_dma semaphore(%arg12 : memref<!tpu.dma_semaphore, #tpu.memory_space<semaphore_mem>>) src(%dma_wait3A_542 : memref<10000x128xf32, #tpu.memory_space<hbm>>) dst(%arg8 : memref<128x128xf32, #tpu.memory_space<vmem>>)
    } else {
    }
    %add3A_201 = arith.constant 768 : i32
    %add3A_202 = arith.addi %mul3A_20, %add3A_201 : i32
    %gt3A_203 = arith.constant 6 : i32
    %gt3A_204 = arith.cmpi sgt, %select_n3A_16, %gt3A_203 : i32
    %convert_element_type3A_205 = arith.extui %gt3A_204 : i1 to i32
    %cond3A_206 = arith.constant 0 : i32
    %cond3A_207 = arith.cmpi ne, %convert_element_type3A_205, %cond3A_206 : i32
    scf.if %cond3A_207 {
      %dma_start3A = arith.constant 0 : i32
      %dma_start3A_538 = tpu.memref_slice %arg4[%add3A_202, %dma_start3A] : memref<80000x128xf32, #tpu.memory_space<hbm>> -> memref<128x128xf32, #tpu.memory_space<hbm>>
      %dma_start3A_539 = arith.constant 0 : i32
      %dma_start3A_540 = tpu.memref_slice %arg4[%add3A_202, %dma_start3A_539] : memref<80000x128xf32, #tpu.memory_space<hbm>> -> memref<128x128xf32, #tpu.memory_space<hbm>>
      tpu.enqueue_dma source(%arg8 : memref<128x128xf32, #tpu.memory_space<vmem>>) target(%dma_start3A_540 : memref<128x128xf32, #tpu.memory_space<hbm>>) target_semaphore(%arg16 : memref<!tpu.dma_semaphore, #tpu.memory_space<semaphore_mem>>)
    } else {
    }
    %gt3A_208 = arith.constant 5 : i32
    %gt3A_209 = arith.cmpi sgt, %select_n3A_16, %gt3A_208 : i32
    %convert_element_type3A_210 = arith.extui %gt3A_209 : i1 to i32
    %cond3A_211 = arith.constant 0 : i32
    %cond3A_212 = arith.cmpi ne, %convert_element_type3A_210, %cond3A_211 : i32
    scf.if %cond3A_212 {
      %dma_wait3A = arith.constant 0 : i32
      %dma_wait3A_538 = tpu.memref_slice %arg4[%add3A_176, %dma_wait3A] : memref<80000x128xf32, #tpu.memory_space<hbm>> -> memref<128x128xf32, #tpu.memory_space<hbm>>
      %dma_wait3A_539 = arith.constant 0 : i32
      %dma_wait3A_540 = tpu.memref_slice %arg4[%add3A_176, %dma_wait3A_539] : memref<80000x128xf32, #tpu.memory_space<hbm>> -> memref<128x128xf32, #tpu.memory_space<hbm>>
      tpu.wait_dma2 semaphore(%arg15 : memref<!tpu.dma_semaphore, #tpu.memory_space<semaphore_mem>>) src(%arg7 : memref<128x128xf32, #tpu.memory_space<vmem>>) dst(%dma_wait3A_540 : memref<128x128xf32, #tpu.memory_space<hbm>>)
    } else {
    }
    %add3A_213 = arith.constant 9 : i32
    %add3A_214 = arith.addi %select_n3A, %add3A_213 : i32
    %min3A_215 = arith.constant 39 : i32
    %min3A_216 = arith.minsi %add3A_214, %min3A_215 : i32
    %gt3A_217 = arith.constant 9 : i32
    %gt3A_218 = arith.cmpi sgt, %select_n3A_16, %gt3A_217 : i32
    %convert_element_type3A_219 = arith.extui %gt3A_218 : i1 to i32
    %cond3A_220 = arith.constant 0 : i32
    %cond3A_221 = arith.cmpi ne, %convert_element_type3A_219, %cond3A_220 : i32
    scf.if %cond3A_221 {
      %dma_start3A = arith.constant 0 : i32
      %dma_start3A_538 = tpu.memref_slice %arg5[%min3A_216, %dma_start3A] : memref<40x128xi32, #tpu.memory_space<vmem>> -> memref<1x128xi32, #tpu.memory_space<vmem>>
      %dma_start3A_539 = tpu.memref_squeeze %dma_start3A_538 : memref<1x128xi32, #tpu.memory_space<vmem>> -> memref<128xi32, #tpu.memory_space<vmem>>
      %dma_start3A_540 = arith.constant 0 : i32
      %dma_start3A_541 = arith.constant 0 : i32
      %dma_start3A_542 = tpu.memref_slice %arg3[%dma_start3A_540, %dma_start3A_541] : memref<10000x128xf32, #tpu.memory_space<hbm>> -> memref<10000x128xf32, #tpu.memory_space<hbm>>
      tpu.enqueue_indirect_dma source(%dma_start3A_542 : memref<10000x128xf32, #tpu.memory_space<hbm>>) target(%arg7 : memref<128x128xf32, #tpu.memory_space<vmem>>) offsets(%dma_start3A_539 : memref<128xi32, #tpu.memory_space<vmem>>) semaphore(%arg11 : memref<!tpu.dma_semaphore, #tpu.memory_space<semaphore_mem>>)
    } else {
    }
    %gt3A_222 = arith.constant 7 : i32
    %gt3A_223 = arith.cmpi sgt, %select_n3A_16, %gt3A_222 : i32
    %convert_element_type3A_224 = arith.extui %gt3A_223 : i1 to i32
    %cond3A_225 = arith.constant 0 : i32
    %cond3A_226 = arith.cmpi ne, %convert_element_type3A_224, %cond3A_225 : i32
    scf.if %cond3A_226 {
      %dma_wait3A = arith.constant 0 : i32
      %dma_wait3A_538 = tpu.memref_slice %arg5[%min3A_164, %dma_wait3A] : memref<40x128xi32, #tpu.memory_space<vmem>> -> memref<1x128xi32, #tpu.memory_space<vmem>>
      %dma_wait3A_539 = tpu.memref_squeeze %dma_wait3A_538 : memref<1x128xi32, #tpu.memory_space<vmem>> -> memref<128xi32, #tpu.memory_space<vmem>>
      %dma_wait3A_540 = arith.constant 0 : i32
      %dma_wait3A_541 = arith.constant 0 : i32
      %dma_wait3A_542 = tpu.memref_slice %arg3[%dma_wait3A_540, %dma_wait3A_541] : memref<10000x128xf32, #tpu.memory_space<hbm>> -> memref<10000x128xf32, #tpu.memory_space<hbm>>
      tpu.wait_indirect_dma semaphore(%arg13 : memref<!tpu.dma_semaphore, #tpu.memory_space<semaphore_mem>>) src(%dma_wait3A_542 : memref<10000x128xf32, #tpu.memory_space<hbm>>) dst(%arg9 : memref<128x128xf32, #tpu.memory_space<vmem>>)
    } else {
    }
    %add3A_227 = arith.constant 896 : i32
    %add3A_228 = arith.addi %mul3A_20, %add3A_227 : i32
    %gt3A_229 = arith.constant 7 : i32
    %gt3A_230 = arith.cmpi sgt, %select_n3A_16, %gt3A_229 : i32
    %convert_element_type3A_231 = arith.extui %gt3A_230 : i1 to i32
    %cond3A_232 = arith.constant 0 : i32
    %cond3A_233 = arith.cmpi ne, %convert_element_type3A_231, %cond3A_232 : i32
    scf.if %cond3A_233 {
      %dma_start3A = arith.constant 0 : i32
      %dma_start3A_538 = tpu.memref_slice %arg4[%add3A_228, %dma_start3A] : memref<80000x128xf32, #tpu.memory_space<hbm>> -> memref<128x128xf32, #tpu.memory_space<hbm>>
      %dma_start3A_539 = arith.constant 0 : i32
      %dma_start3A_540 = tpu.memref_slice %arg4[%add3A_228, %dma_start3A_539] : memref<80000x128xf32, #tpu.memory_space<hbm>> -> memref<128x128xf32, #tpu.memory_space<hbm>>
      tpu.enqueue_dma source(%arg9 : memref<128x128xf32, #tpu.memory_space<vmem>>) target(%dma_start3A_540 : memref<128x128xf32, #tpu.memory_space<hbm>>) target_semaphore(%arg17 : memref<!tpu.dma_semaphore, #tpu.memory_space<semaphore_mem>>)
    } else {
    }
    %gt3A_234 = arith.constant 6 : i32
    %gt3A_235 = arith.cmpi sgt, %select_n3A_16, %gt3A_234 : i32
    %convert_element_type3A_236 = arith.extui %gt3A_235 : i1 to i32
    %cond3A_237 = arith.constant 0 : i32
    %cond3A_238 = arith.cmpi ne, %convert_element_type3A_236, %cond3A_237 : i32
    scf.if %cond3A_238 {
      %dma_wait3A = arith.constant 0 : i32
      %dma_wait3A_538 = tpu.memref_slice %arg4[%add3A_202, %dma_wait3A] : memref<80000x128xf32, #tpu.memory_space<hbm>> -> memref<128x128xf32, #tpu.memory_space<hbm>>
      %dma_wait3A_539 = arith.constant 0 : i32
      %dma_wait3A_540 = tpu.memref_slice %arg4[%add3A_202, %dma_wait3A_539] : memref<80000x128xf32, #tpu.memory_space<hbm>> -> memref<128x128xf32, #tpu.memory_space<hbm>>
      tpu.wait_dma2 semaphore(%arg16 : memref<!tpu.dma_semaphore, #tpu.memory_space<semaphore_mem>>) src(%arg8 : memref<128x128xf32, #tpu.memory_space<vmem>>) dst(%dma_wait3A_540 : memref<128x128xf32, #tpu.memory_space<hbm>>)
    } else {
    }
    %add3A_239 = arith.constant 10 : i32
    %add3A_240 = arith.addi %select_n3A, %add3A_239 : i32
    %min3A_241 = arith.constant 39 : i32
    %min3A_242 = arith.minsi %add3A_240, %min3A_241 : i32
    %gt3A_243 = arith.constant 10 : i32
    %gt3A_244 = arith.cmpi sgt, %select_n3A_16, %gt3A_243 : i32
    %convert_element_type3A_245 = arith.extui %gt3A_244 : i1 to i32
    %cond3A_246 = arith.constant 0 : i32
    %cond3A_247 = arith.cmpi ne, %convert_element_type3A_245, %cond3A_246 : i32
    scf.if %cond3A_247 {
      %dma_start3A = arith.constant 0 : i32
      %dma_start3A_538 = tpu.memref_slice %arg5[%min3A_242, %dma_start3A] : memref<40x128xi32, #tpu.memory_space<vmem>> -> memref<1x128xi32, #tpu.memory_space<vmem>>
      %dma_start3A_539 = tpu.memref_squeeze %dma_start3A_538 : memref<1x128xi32, #tpu.memory_space<vmem>> -> memref<128xi32, #tpu.memory_space<vmem>>
      %dma_start3A_540 = arith.constant 0 : i32
      %dma_start3A_541 = arith.constant 0 : i32
      %dma_start3A_542 = tpu.memref_slice %arg3[%dma_start3A_540, %dma_start3A_541] : memref<10000x128xf32, #tpu.memory_space<hbm>> -> memref<10000x128xf32, #tpu.memory_space<hbm>>
      tpu.enqueue_indirect_dma source(%dma_start3A_542 : memref<10000x128xf32, #tpu.memory_space<hbm>>) target(%arg8 : memref<128x128xf32, #tpu.memory_space<vmem>>) offsets(%dma_start3A_539 : memref<128xi32, #tpu.memory_space<vmem>>) semaphore(%arg12 : memref<!tpu.dma_semaphore, #tpu.memory_space<semaphore_mem>>)
    } else {
    }
    %gt3A_248 = arith.constant 8 : i32
    %gt3A_249 = arith.cmpi sgt, %select_n3A_16, %gt3A_248 : i32
    %convert_element_type3A_250 = arith.extui %gt3A_249 : i1 to i32
    %cond3A_251 = arith.constant 0 : i32
    %cond3A_252 = arith.cmpi ne, %convert_element_type3A_250, %cond3A_251 : i32
    scf.if %cond3A_252 {
      %dma_wait3A = arith.constant 0 : i32
      %dma_wait3A_538 = tpu.memref_slice %arg5[%min3A_190, %dma_wait3A] : memref<40x128xi32, #tpu.memory_space<vmem>> -> memref<1x128xi32, #tpu.memory_space<vmem>>
      %dma_wait3A_539 = tpu.memref_squeeze %dma_wait3A_538 : memref<1x128xi32, #tpu.memory_space<vmem>> -> memref<128xi32, #tpu.memory_space<vmem>>
      %dma_wait3A_540 = arith.constant 0 : i32
      %dma_wait3A_541 = arith.constant 0 : i32
      %dma_wait3A_542 = tpu.memref_slice %arg3[%dma_wait3A_540, %dma_wait3A_541] : memref<10000x128xf32, #tpu.memory_space<hbm>> -> memref<10000x128xf32, #tpu.memory_space<hbm>>
      tpu.wait_indirect_dma semaphore(%arg10 : memref<!tpu.dma_semaphore, #tpu.memory_space<semaphore_mem>>) src(%dma_wait3A_542 : memref<10000x128xf32, #tpu.memory_space<hbm>>) dst(%arg6 : memref<128x128xf32, #tpu.memory_space<vmem>>)
    } else {
    }
    %add3A_253 = arith.constant 1024 : i32
    %add3A_254 = arith.addi %mul3A_20, %add3A_253 : i32
    %gt3A_255 = arith.constant 8 : i32
    %gt3A_256 = arith.cmpi sgt, %select_n3A_16, %gt3A_255 : i32
    %convert_element_type3A_257 = arith.extui %gt3A_256 : i1 to i32
    %cond3A_258 = arith.constant 0 : i32
    %cond3A_259 = arith.cmpi ne, %convert_element_type3A_257, %cond3A_258 : i32
    scf.if %cond3A_259 {
      %dma_start3A = arith.constant 0 : i32
      %dma_start3A_538 = tpu.memref_slice %arg4[%add3A_254, %dma_start3A] : memref<80000x128xf32, #tpu.memory_space<hbm>> -> memref<128x128xf32, #tpu.memory_space<hbm>>
      %dma_start3A_539 = arith.constant 0 : i32
      %dma_start3A_540 = tpu.memref_slice %arg4[%add3A_254, %dma_start3A_539] : memref<80000x128xf32, #tpu.memory_space<hbm>> -> memref<128x128xf32, #tpu.memory_space<hbm>>
      tpu.enqueue_dma source(%arg6 : memref<128x128xf32, #tpu.memory_space<vmem>>) target(%dma_start3A_540 : memref<128x128xf32, #tpu.memory_space<hbm>>) target_semaphore(%arg14 : memref<!tpu.dma_semaphore, #tpu.memory_space<semaphore_mem>>)
    } else {
    }
    %gt3A_260 = arith.constant 7 : i32
    %gt3A_261 = arith.cmpi sgt, %select_n3A_16, %gt3A_260 : i32
    %convert_element_type3A_262 = arith.extui %gt3A_261 : i1 to i32
    %cond3A_263 = arith.constant 0 : i32
    %cond3A_264 = arith.cmpi ne, %convert_element_type3A_262, %cond3A_263 : i32
    scf.if %cond3A_264 {
      %dma_wait3A = arith.constant 0 : i32
      %dma_wait3A_538 = tpu.memref_slice %arg4[%add3A_228, %dma_wait3A] : memref<80000x128xf32, #tpu.memory_space<hbm>> -> memref<128x128xf32, #tpu.memory_space<hbm>>
      %dma_wait3A_539 = arith.constant 0 : i32
      %dma_wait3A_540 = tpu.memref_slice %arg4[%add3A_228, %dma_wait3A_539] : memref<80000x128xf32, #tpu.memory_space<hbm>> -> memref<128x128xf32, #tpu.memory_space<hbm>>
      tpu.wait_dma2 semaphore(%arg17 : memref<!tpu.dma_semaphore, #tpu.memory_space<semaphore_mem>>) src(%arg9 : memref<128x128xf32, #tpu.memory_space<vmem>>) dst(%dma_wait3A_540 : memref<128x128xf32, #tpu.memory_space<hbm>>)
    } else {
    }
    %add3A_265 = arith.constant 11 : i32
    %add3A_266 = arith.addi %select_n3A, %add3A_265 : i32
    %min3A_267 = arith.constant 39 : i32
    %min3A_268 = arith.minsi %add3A_266, %min3A_267 : i32
    %gt3A_269 = arith.constant 11 : i32
    %gt3A_270 = arith.cmpi sgt, %select_n3A_16, %gt3A_269 : i32
    %convert_element_type3A_271 = arith.extui %gt3A_270 : i1 to i32
    %cond3A_272 = arith.constant 0 : i32
    %cond3A_273 = arith.cmpi ne, %convert_element_type3A_271, %cond3A_272 : i32
    scf.if %cond3A_273 {
      %dma_start3A = arith.constant 0 : i32
      %dma_start3A_538 = tpu.memref_slice %arg5[%min3A_268, %dma_start3A] : memref<40x128xi32, #tpu.memory_space<vmem>> -> memref<1x128xi32, #tpu.memory_space<vmem>>
      %dma_start3A_539 = tpu.memref_squeeze %dma_start3A_538 : memref<1x128xi32, #tpu.memory_space<vmem>> -> memref<128xi32, #tpu.memory_space<vmem>>
      %dma_start3A_540 = arith.constant 0 : i32
      %dma_start3A_541 = arith.constant 0 : i32
      %dma_start3A_542 = tpu.memref_slice %arg3[%dma_start3A_540, %dma_start3A_541] : memref<10000x128xf32, #tpu.memory_space<hbm>> -> memref<10000x128xf32, #tpu.memory_space<hbm>>
      tpu.enqueue_indirect_dma source(%dma_start3A_542 : memref<10000x128xf32, #tpu.memory_space<hbm>>) target(%arg9 : memref<128x128xf32, #tpu.memory_space<vmem>>) offsets(%dma_start3A_539 : memref<128xi32, #tpu.memory_space<vmem>>) semaphore(%arg13 : memref<!tpu.dma_semaphore, #tpu.memory_space<semaphore_mem>>)
    } else {
    }
    %gt3A_274 = arith.constant 9 : i32
    %gt3A_275 = arith.cmpi sgt, %select_n3A_16, %gt3A_274 : i32
    %convert_element_type3A_276 = arith.extui %gt3A_275 : i1 to i32
    %cond3A_277 = arith.constant 0 : i32
    %cond3A_278 = arith.cmpi ne, %convert_element_type3A_276, %cond3A_277 : i32
    scf.if %cond3A_278 {
      %dma_wait3A = arith.constant 0 : i32
      %dma_wait3A_538 = tpu.memref_slice %arg5[%min3A_216, %dma_wait3A] : memref<40x128xi32, #tpu.memory_space<vmem>> -> memref<1x128xi32, #tpu.memory_space<vmem>>
      %dma_wait3A_539 = tpu.memref_squeeze %dma_wait3A_538 : memref<1x128xi32, #tpu.memory_space<vmem>> -> memref<128xi32, #tpu.memory_space<vmem>>
      %dma_wait3A_540 = arith.constant 0 : i32
      %dma_wait3A_541 = arith.constant 0 : i32
      %dma_wait3A_542 = tpu.memref_slice %arg3[%dma_wait3A_540, %dma_wait3A_541] : memref<10000x128xf32, #tpu.memory_space<hbm>> -> memref<10000x128xf32, #tpu.memory_space<hbm>>
      tpu.wait_indirect_dma semaphore(%arg11 : memref<!tpu.dma_semaphore, #tpu.memory_space<semaphore_mem>>) src(%dma_wait3A_542 : memref<10000x128xf32, #tpu.memory_space<hbm>>) dst(%arg7 : memref<128x128xf32, #tpu.memory_space<vmem>>)
    } else {
    }
    %add3A_279 = arith.constant 1152 : i32
    %add3A_280 = arith.addi %mul3A_20, %add3A_279 : i32
    %gt3A_281 = arith.constant 9 : i32
    %gt3A_282 = arith.cmpi sgt, %select_n3A_16, %gt3A_281 : i32
    %convert_element_type3A_283 = arith.extui %gt3A_282 : i1 to i32
    %cond3A_284 = arith.constant 0 : i32
    %cond3A_285 = arith.cmpi ne, %convert_element_type3A_283, %cond3A_284 : i32
    scf.if %cond3A_285 {
      %dma_start3A = arith.constant 0 : i32
      %dma_start3A_538 = tpu.memref_slice %arg4[%add3A_280, %dma_start3A] : memref<80000x128xf32, #tpu.memory_space<hbm>> -> memref<128x128xf32, #tpu.memory_space<hbm>>
      %dma_start3A_539 = arith.constant 0 : i32
      %dma_start3A_540 = tpu.memref_slice %arg4[%add3A_280, %dma_start3A_539] : memref<80000x128xf32, #tpu.memory_space<hbm>> -> memref<128x128xf32, #tpu.memory_space<hbm>>
      tpu.enqueue_dma source(%arg7 : memref<128x128xf32, #tpu.memory_space<vmem>>) target(%dma_start3A_540 : memref<128x128xf32, #tpu.memory_space<hbm>>) target_semaphore(%arg15 : memref<!tpu.dma_semaphore, #tpu.memory_space<semaphore_mem>>)
    } else {
    }
    %gt3A_286 = arith.constant 8 : i32
    %gt3A_287 = arith.cmpi sgt, %select_n3A_16, %gt3A_286 : i32
    %convert_element_type3A_288 = arith.extui %gt3A_287 : i1 to i32
    %cond3A_289 = arith.constant 0 : i32
    %cond3A_290 = arith.cmpi ne, %convert_element_type3A_288, %cond3A_289 : i32
    scf.if %cond3A_290 {
      %dma_wait3A = arith.constant 0 : i32
      %dma_wait3A_538 = tpu.memref_slice %arg4[%add3A_254, %dma_wait3A] : memref<80000x128xf32, #tpu.memory_space<hbm>> -> memref<128x128xf32, #tpu.memory_space<hbm>>
      %dma_wait3A_539 = arith.constant 0 : i32
      %dma_wait3A_540 = tpu.memref_slice %arg4[%add3A_254, %dma_wait3A_539] : memref<80000x128xf32, #tpu.memory_space<hbm>> -> memref<128x128xf32, #tpu.memory_space<hbm>>
      tpu.wait_dma2 semaphore(%arg14 : memref<!tpu.dma_semaphore, #tpu.memory_space<semaphore_mem>>) src(%arg6 : memref<128x128xf32, #tpu.memory_space<vmem>>) dst(%dma_wait3A_540 : memref<128x128xf32, #tpu.memory_space<hbm>>)
    } else {
    }
    %add3A_291 = arith.constant 12 : i32
    %add3A_292 = arith.addi %select_n3A, %add3A_291 : i32
    %min3A_293 = arith.constant 39 : i32
    %min3A_294 = arith.minsi %add3A_292, %min3A_293 : i32
    %gt3A_295 = arith.constant 12 : i32
    %gt3A_296 = arith.cmpi sgt, %select_n3A_16, %gt3A_295 : i32
    %convert_element_type3A_297 = arith.extui %gt3A_296 : i1 to i32
    %cond3A_298 = arith.constant 0 : i32
    %cond3A_299 = arith.cmpi ne, %convert_element_type3A_297, %cond3A_298 : i32
    scf.if %cond3A_299 {
      %dma_start3A = arith.constant 0 : i32
      %dma_start3A_538 = tpu.memref_slice %arg5[%min3A_294, %dma_start3A] : memref<40x128xi32, #tpu.memory_space<vmem>> -> memref<1x128xi32, #tpu.memory_space<vmem>>
      %dma_start3A_539 = tpu.memref_squeeze %dma_start3A_538 : memref<1x128xi32, #tpu.memory_space<vmem>> -> memref<128xi32, #tpu.memory_space<vmem>>
      %dma_start3A_540 = arith.constant 0 : i32
      %dma_start3A_541 = arith.constant 0 : i32
      %dma_start3A_542 = tpu.memref_slice %arg3[%dma_start3A_540, %dma_start3A_541] : memref<10000x128xf32, #tpu.memory_space<hbm>> -> memref<10000x128xf32, #tpu.memory_space<hbm>>
      tpu.enqueue_indirect_dma source(%dma_start3A_542 : memref<10000x128xf32, #tpu.memory_space<hbm>>) target(%arg6 : memref<128x128xf32, #tpu.memory_space<vmem>>) offsets(%dma_start3A_539 : memref<128xi32, #tpu.memory_space<vmem>>) semaphore(%arg10 : memref<!tpu.dma_semaphore, #tpu.memory_space<semaphore_mem>>)
    } else {
    }
    %gt3A_300 = arith.constant 10 : i32
    %gt3A_301 = arith.cmpi sgt, %select_n3A_16, %gt3A_300 : i32
    %convert_element_type3A_302 = arith.extui %gt3A_301 : i1 to i32
    %cond3A_303 = arith.constant 0 : i32
    %cond3A_304 = arith.cmpi ne, %convert_element_type3A_302, %cond3A_303 : i32
    scf.if %cond3A_304 {
      %dma_wait3A = arith.constant 0 : i32
      %dma_wait3A_538 = tpu.memref_slice %arg5[%min3A_242, %dma_wait3A] : memref<40x128xi32, #tpu.memory_space<vmem>> -> memref<1x128xi32, #tpu.memory_space<vmem>>
      %dma_wait3A_539 = tpu.memref_squeeze %dma_wait3A_538 : memref<1x128xi32, #tpu.memory_space<vmem>> -> memref<128xi32, #tpu.memory_space<vmem>>
      %dma_wait3A_540 = arith.constant 0 : i32
      %dma_wait3A_541 = arith.constant 0 : i32
      %dma_wait3A_542 = tpu.memref_slice %arg3[%dma_wait3A_540, %dma_wait3A_541] : memref<10000x128xf32, #tpu.memory_space<hbm>> -> memref<10000x128xf32, #tpu.memory_space<hbm>>
      tpu.wait_indirect_dma semaphore(%arg12 : memref<!tpu.dma_semaphore, #tpu.memory_space<semaphore_mem>>) src(%dma_wait3A_542 : memref<10000x128xf32, #tpu.memory_space<hbm>>) dst(%arg8 : memref<128x128xf32, #tpu.memory_space<vmem>>)
    } else {
    }
    %add3A_305 = arith.constant 1280 : i32
    %add3A_306 = arith.addi %mul3A_20, %add3A_305 : i32
    %gt3A_307 = arith.constant 10 : i32
    %gt3A_308 = arith.cmpi sgt, %select_n3A_16, %gt3A_307 : i32
    %convert_element_type3A_309 = arith.extui %gt3A_308 : i1 to i32
    %cond3A_310 = arith.constant 0 : i32
    %cond3A_311 = arith.cmpi ne, %convert_element_type3A_309, %cond3A_310 : i32
    scf.if %cond3A_311 {
      %dma_start3A = arith.constant 0 : i32
      %dma_start3A_538 = tpu.memref_slice %arg4[%add3A_306, %dma_start3A] : memref<80000x128xf32, #tpu.memory_space<hbm>> -> memref<128x128xf32, #tpu.memory_space<hbm>>
      %dma_start3A_539 = arith.constant 0 : i32
      %dma_start3A_540 = tpu.memref_slice %arg4[%add3A_306, %dma_start3A_539] : memref<80000x128xf32, #tpu.memory_space<hbm>> -> memref<128x128xf32, #tpu.memory_space<hbm>>
      tpu.enqueue_dma source(%arg8 : memref<128x128xf32, #tpu.memory_space<vmem>>) target(%dma_start3A_540 : memref<128x128xf32, #tpu.memory_space<hbm>>) target_semaphore(%arg16 : memref<!tpu.dma_semaphore, #tpu.memory_space<semaphore_mem>>)
    } else {
    }
    %gt3A_312 = arith.constant 9 : i32
    %gt3A_313 = arith.cmpi sgt, %select_n3A_16, %gt3A_312 : i32
    %convert_element_type3A_314 = arith.extui %gt3A_313 : i1 to i32
    %cond3A_315 = arith.constant 0 : i32
    %cond3A_316 = arith.cmpi ne, %convert_element_type3A_314, %cond3A_315 : i32
    scf.if %cond3A_316 {
      %dma_wait3A = arith.constant 0 : i32
      %dma_wait3A_538 = tpu.memref_slice %arg4[%add3A_280, %dma_wait3A] : memref<80000x128xf32, #tpu.memory_space<hbm>> -> memref<128x128xf32, #tpu.memory_space<hbm>>
      %dma_wait3A_539 = arith.constant 0 : i32
      %dma_wait3A_540 = tpu.memref_slice %arg4[%add3A_280, %dma_wait3A_539] : memref<80000x128xf32, #tpu.memory_space<hbm>> -> memref<128x128xf32, #tpu.memory_space<hbm>>
      tpu.wait_dma2 semaphore(%arg15 : memref<!tpu.dma_semaphore, #tpu.memory_space<semaphore_mem>>) src(%arg7 : memref<128x128xf32, #tpu.memory_space<vmem>>) dst(%dma_wait3A_540 : memref<128x128xf32, #tpu.memory_space<hbm>>)
    } else {
    }
    %add3A_317 = arith.constant 13 : i32
    %add3A_318 = arith.addi %select_n3A, %add3A_317 : i32
    %min3A_319 = arith.constant 39 : i32
    %min3A_320 = arith.minsi %add3A_318, %min3A_319 : i32
    %gt3A_321 = arith.constant 13 : i32
    %gt3A_322 = arith.cmpi sgt, %select_n3A_16, %gt3A_321 : i32
    %convert_element_type3A_323 = arith.extui %gt3A_322 : i1 to i32
    %cond3A_324 = arith.constant 0 : i32
    %cond3A_325 = arith.cmpi ne, %convert_element_type3A_323, %cond3A_324 : i32
    scf.if %cond3A_325 {
      %dma_start3A = arith.constant 0 : i32
      %dma_start3A_538 = tpu.memref_slice %arg5[%min3A_320, %dma_start3A] : memref<40x128xi32, #tpu.memory_space<vmem>> -> memref<1x128xi32, #tpu.memory_space<vmem>>
      %dma_start3A_539 = tpu.memref_squeeze %dma_start3A_538 : memref<1x128xi32, #tpu.memory_space<vmem>> -> memref<128xi32, #tpu.memory_space<vmem>>
      %dma_start3A_540 = arith.constant 0 : i32
      %dma_start3A_541 = arith.constant 0 : i32
      %dma_start3A_542 = tpu.memref_slice %arg3[%dma_start3A_540, %dma_start3A_541] : memref<10000x128xf32, #tpu.memory_space<hbm>> -> memref<10000x128xf32, #tpu.memory_space<hbm>>
      tpu.enqueue_indirect_dma source(%dma_start3A_542 : memref<10000x128xf32, #tpu.memory_space<hbm>>) target(%arg7 : memref<128x128xf32, #tpu.memory_space<vmem>>) offsets(%dma_start3A_539 : memref<128xi32, #tpu.memory_space<vmem>>) semaphore(%arg11 : memref<!tpu.dma_semaphore, #tpu.memory_space<semaphore_mem>>)
    } else {
    }
    %gt3A_326 = arith.constant 11 : i32
    %gt3A_327 = arith.cmpi sgt, %select_n3A_16, %gt3A_326 : i32
    %convert_element_type3A_328 = arith.extui %gt3A_327 : i1 to i32
    %cond3A_329 = arith.constant 0 : i32
    %cond3A_330 = arith.cmpi ne, %convert_element_type3A_328, %cond3A_329 : i32
    scf.if %cond3A_330 {
      %dma_wait3A = arith.constant 0 : i32
      %dma_wait3A_538 = tpu.memref_slice %arg5[%min3A_268, %dma_wait3A] : memref<40x128xi32, #tpu.memory_space<vmem>> -> memref<1x128xi32, #tpu.memory_space<vmem>>
      %dma_wait3A_539 = tpu.memref_squeeze %dma_wait3A_538 : memref<1x128xi32, #tpu.memory_space<vmem>> -> memref<128xi32, #tpu.memory_space<vmem>>
      %dma_wait3A_540 = arith.constant 0 : i32
      %dma_wait3A_541 = arith.constant 0 : i32
      %dma_wait3A_542 = tpu.memref_slice %arg3[%dma_wait3A_540, %dma_wait3A_541] : memref<10000x128xf32, #tpu.memory_space<hbm>> -> memref<10000x128xf32, #tpu.memory_space<hbm>>
      tpu.wait_indirect_dma semaphore(%arg13 : memref<!tpu.dma_semaphore, #tpu.memory_space<semaphore_mem>>) src(%dma_wait3A_542 : memref<10000x128xf32, #tpu.memory_space<hbm>>) dst(%arg9 : memref<128x128xf32, #tpu.memory_space<vmem>>)
    } else {
    }
    %add3A_331 = arith.constant 1408 : i32
    %add3A_332 = arith.addi %mul3A_20, %add3A_331 : i32
    %gt3A_333 = arith.constant 11 : i32
    %gt3A_334 = arith.cmpi sgt, %select_n3A_16, %gt3A_333 : i32
    %convert_element_type3A_335 = arith.extui %gt3A_334 : i1 to i32
    %cond3A_336 = arith.constant 0 : i32
    %cond3A_337 = arith.cmpi ne, %convert_element_type3A_335, %cond3A_336 : i32
    scf.if %cond3A_337 {
      %dma_start3A = arith.constant 0 : i32
      %dma_start3A_538 = tpu.memref_slice %arg4[%add3A_332, %dma_start3A] : memref<80000x128xf32, #tpu.memory_space<hbm>> -> memref<128x128xf32, #tpu.memory_space<hbm>>
      %dma_start3A_539 = arith.constant 0 : i32
      %dma_start3A_540 = tpu.memref_slice %arg4[%add3A_332, %dma_start3A_539] : memref<80000x128xf32, #tpu.memory_space<hbm>> -> memref<128x128xf32, #tpu.memory_space<hbm>>
      tpu.enqueue_dma source(%arg9 : memref<128x128xf32, #tpu.memory_space<vmem>>) target(%dma_start3A_540 : memref<128x128xf32, #tpu.memory_space<hbm>>) target_semaphore(%arg17 : memref<!tpu.dma_semaphore, #tpu.memory_space<semaphore_mem>>)
    } else {
    }
    %gt3A_338 = arith.constant 10 : i32
    %gt3A_339 = arith.cmpi sgt, %select_n3A_16, %gt3A_338 : i32
    %convert_element_type3A_340 = arith.extui %gt3A_339 : i1 to i32
    %cond3A_341 = arith.constant 0 : i32
    %cond3A_342 = arith.cmpi ne, %convert_element_type3A_340, %cond3A_341 : i32
    scf.if %cond3A_342 {
      %dma_wait3A = arith.constant 0 : i32
      %dma_wait3A_538 = tpu.memref_slice %arg4[%add3A_306, %dma_wait3A] : memref<80000x128xf32, #tpu.memory_space<hbm>> -> memref<128x128xf32, #tpu.memory_space<hbm>>
      %dma_wait3A_539 = arith.constant 0 : i32
      %dma_wait3A_540 = tpu.memref_slice %arg4[%add3A_306, %dma_wait3A_539] : memref<80000x128xf32, #tpu.memory_space<hbm>> -> memref<128x128xf32, #tpu.memory_space<hbm>>
      tpu.wait_dma2 semaphore(%arg16 : memref<!tpu.dma_semaphore, #tpu.memory_space<semaphore_mem>>) src(%arg8 : memref<128x128xf32, #tpu.memory_space<vmem>>) dst(%dma_wait3A_540 : memref<128x128xf32, #tpu.memory_space<hbm>>)
    } else {
    }
    %add3A_343 = arith.constant 14 : i32
    %add3A_344 = arith.addi %select_n3A, %add3A_343 : i32
    %min3A_345 = arith.constant 39 : i32
    %min3A_346 = arith.minsi %add3A_344, %min3A_345 : i32
    %gt3A_347 = arith.constant 14 : i32
    %gt3A_348 = arith.cmpi sgt, %select_n3A_16, %gt3A_347 : i32
    %convert_element_type3A_349 = arith.extui %gt3A_348 : i1 to i32
    %cond3A_350 = arith.constant 0 : i32
    %cond3A_351 = arith.cmpi ne, %convert_element_type3A_349, %cond3A_350 : i32
    scf.if %cond3A_351 {
      %dma_start3A = arith.constant 0 : i32
      %dma_start3A_538 = tpu.memref_slice %arg5[%min3A_346, %dma_start3A] : memref<40x128xi32, #tpu.memory_space<vmem>> -> memref<1x128xi32, #tpu.memory_space<vmem>>
      %dma_start3A_539 = tpu.memref_squeeze %dma_start3A_538 : memref<1x128xi32, #tpu.memory_space<vmem>> -> memref<128xi32, #tpu.memory_space<vmem>>
      %dma_start3A_540 = arith.constant 0 : i32
      %dma_start3A_541 = arith.constant 0 : i32
      %dma_start3A_542 = tpu.memref_slice %arg3[%dma_start3A_540, %dma_start3A_541] : memref<10000x128xf32, #tpu.memory_space<hbm>> -> memref<10000x128xf32, #tpu.memory_space<hbm>>
      tpu.enqueue_indirect_dma source(%dma_start3A_542 : memref<10000x128xf32, #tpu.memory_space<hbm>>) target(%arg8 : memref<128x128xf32, #tpu.memory_space<vmem>>) offsets(%dma_start3A_539 : memref<128xi32, #tpu.memory_space<vmem>>) semaphore(%arg12 : memref<!tpu.dma_semaphore, #tpu.memory_space<semaphore_mem>>)
    } else {
    }
    %gt3A_352 = arith.constant 12 : i32
    %gt3A_353 = arith.cmpi sgt, %select_n3A_16, %gt3A_352 : i32
    %convert_element_type3A_354 = arith.extui %gt3A_353 : i1 to i32
    %cond3A_355 = arith.constant 0 : i32
    %cond3A_356 = arith.cmpi ne, %convert_element_type3A_354, %cond3A_355 : i32
    scf.if %cond3A_356 {
      %dma_wait3A = arith.constant 0 : i32
      %dma_wait3A_538 = tpu.memref_slice %arg5[%min3A_294, %dma_wait3A] : memref<40x128xi32, #tpu.memory_space<vmem>> -> memref<1x128xi32, #tpu.memory_space<vmem>>
      %dma_wait3A_539 = tpu.memref_squeeze %dma_wait3A_538 : memref<1x128xi32, #tpu.memory_space<vmem>> -> memref<128xi32, #tpu.memory_space<vmem>>
      %dma_wait3A_540 = arith.constant 0 : i32
      %dma_wait3A_541 = arith.constant 0 : i32
      %dma_wait3A_542 = tpu.memref_slice %arg3[%dma_wait3A_540, %dma_wait3A_541] : memref<10000x128xf32, #tpu.memory_space<hbm>> -> memref<10000x128xf32, #tpu.memory_space<hbm>>
      tpu.wait_indirect_dma semaphore(%arg10 : memref<!tpu.dma_semaphore, #tpu.memory_space<semaphore_mem>>) src(%dma_wait3A_542 : memref<10000x128xf32, #tpu.memory_space<hbm>>) dst(%arg6 : memref<128x128xf32, #tpu.memory_space<vmem>>)
    } else {
    }
    %add3A_357 = arith.constant 1536 : i32
    %add3A_358 = arith.addi %mul3A_20, %add3A_357 : i32
    %gt3A_359 = arith.constant 12 : i32
    %gt3A_360 = arith.cmpi sgt, %select_n3A_16, %gt3A_359 : i32
    %convert_element_type3A_361 = arith.extui %gt3A_360 : i1 to i32
    %cond3A_362 = arith.constant 0 : i32
    %cond3A_363 = arith.cmpi ne, %convert_element_type3A_361, %cond3A_362 : i32
    scf.if %cond3A_363 {
      %dma_start3A = arith.constant 0 : i32
      %dma_start3A_538 = tpu.memref_slice %arg4[%add3A_358, %dma_start3A] : memref<80000x128xf32, #tpu.memory_space<hbm>> -> memref<128x128xf32, #tpu.memory_space<hbm>>
      %dma_start3A_539 = arith.constant 0 : i32
      %dma_start3A_540 = tpu.memref_slice %arg4[%add3A_358, %dma_start3A_539] : memref<80000x128xf32, #tpu.memory_space<hbm>> -> memref<128x128xf32, #tpu.memory_space<hbm>>
      tpu.enqueue_dma source(%arg6 : memref<128x128xf32, #tpu.memory_space<vmem>>) target(%dma_start3A_540 : memref<128x128xf32, #tpu.memory_space<hbm>>) target_semaphore(%arg14 : memref<!tpu.dma_semaphore, #tpu.memory_space<semaphore_mem>>)
    } else {
    }
    %gt3A_364 = arith.constant 11 : i32
    %gt3A_365 = arith.cmpi sgt, %select_n3A_16, %gt3A_364 : i32
    %convert_element_type3A_366 = arith.extui %gt3A_365 : i1 to i32
    %cond3A_367 = arith.constant 0 : i32
    %cond3A_368 = arith.cmpi ne, %convert_element_type3A_366, %cond3A_367 : i32
    scf.if %cond3A_368 {
      %dma_wait3A = arith.constant 0 : i32
      %dma_wait3A_538 = tpu.memref_slice %arg4[%add3A_332, %dma_wait3A] : memref<80000x128xf32, #tpu.memory_space<hbm>> -> memref<128x128xf32, #tpu.memory_space<hbm>>
      %dma_wait3A_539 = arith.constant 0 : i32
      %dma_wait3A_540 = tpu.memref_slice %arg4[%add3A_332, %dma_wait3A_539] : memref<80000x128xf32, #tpu.memory_space<hbm>> -> memref<128x128xf32, #tpu.memory_space<hbm>>
      tpu.wait_dma2 semaphore(%arg17 : memref<!tpu.dma_semaphore, #tpu.memory_space<semaphore_mem>>) src(%arg9 : memref<128x128xf32, #tpu.memory_space<vmem>>) dst(%dma_wait3A_540 : memref<128x128xf32, #tpu.memory_space<hbm>>)
    } else {
    }
    %add3A_369 = arith.constant 15 : i32
    %add3A_370 = arith.addi %select_n3A, %add3A_369 : i32
    %min3A_371 = arith.constant 39 : i32
    %min3A_372 = arith.minsi %add3A_370, %min3A_371 : i32
    %gt3A_373 = arith.constant 15 : i32
    %gt3A_374 = arith.cmpi sgt, %select_n3A_16, %gt3A_373 : i32
    %convert_element_type3A_375 = arith.extui %gt3A_374 : i1 to i32
    %cond3A_376 = arith.constant 0 : i32
    %cond3A_377 = arith.cmpi ne, %convert_element_type3A_375, %cond3A_376 : i32
    scf.if %cond3A_377 {
      %dma_start3A = arith.constant 0 : i32
      %dma_start3A_538 = tpu.memref_slice %arg5[%min3A_372, %dma_start3A] : memref<40x128xi32, #tpu.memory_space<vmem>> -> memref<1x128xi32, #tpu.memory_space<vmem>>
      %dma_start3A_539 = tpu.memref_squeeze %dma_start3A_538 : memref<1x128xi32, #tpu.memory_space<vmem>> -> memref<128xi32, #tpu.memory_space<vmem>>
      %dma_start3A_540 = arith.constant 0 : i32
      %dma_start3A_541 = arith.constant 0 : i32
      %dma_start3A_542 = tpu.memref_slice %arg3[%dma_start3A_540, %dma_start3A_541] : memref<10000x128xf32, #tpu.memory_space<hbm>> -> memref<10000x128xf32, #tpu.memory_space<hbm>>
      tpu.enqueue_indirect_dma source(%dma_start3A_542 : memref<10000x128xf32, #tpu.memory_space<hbm>>) target(%arg9 : memref<128x128xf32, #tpu.memory_space<vmem>>) offsets(%dma_start3A_539 : memref<128xi32, #tpu.memory_space<vmem>>) semaphore(%arg13 : memref<!tpu.dma_semaphore, #tpu.memory_space<semaphore_mem>>)
    } else {
    }
    %gt3A_378 = arith.constant 13 : i32
    %gt3A_379 = arith.cmpi sgt, %select_n3A_16, %gt3A_378 : i32
    %convert_element_type3A_380 = arith.extui %gt3A_379 : i1 to i32
    %cond3A_381 = arith.constant 0 : i32
    %cond3A_382 = arith.cmpi ne, %convert_element_type3A_380, %cond3A_381 : i32
    scf.if %cond3A_382 {
      %dma_wait3A = arith.constant 0 : i32
      %dma_wait3A_538 = tpu.memref_slice %arg5[%min3A_320, %dma_wait3A] : memref<40x128xi32, #tpu.memory_space<vmem>> -> memref<1x128xi32, #tpu.memory_space<vmem>>
      %dma_wait3A_539 = tpu.memref_squeeze %dma_wait3A_538 : memref<1x128xi32, #tpu.memory_space<vmem>> -> memref<128xi32, #tpu.memory_space<vmem>>
      %dma_wait3A_540 = arith.constant 0 : i32
      %dma_wait3A_541 = arith.constant 0 : i32
      %dma_wait3A_542 = tpu.memref_slice %arg3[%dma_wait3A_540, %dma_wait3A_541] : memref<10000x128xf32, #tpu.memory_space<hbm>> -> memref<10000x128xf32, #tpu.memory_space<hbm>>
      tpu.wait_indirect_dma semaphore(%arg11 : memref<!tpu.dma_semaphore, #tpu.memory_space<semaphore_mem>>) src(%dma_wait3A_542 : memref<10000x128xf32, #tpu.memory_space<hbm>>) dst(%arg7 : memref<128x128xf32, #tpu.memory_space<vmem>>)
    } else {
    }
    %add3A_383 = arith.constant 1664 : i32
    %add3A_384 = arith.addi %mul3A_20, %add3A_383 : i32
    %gt3A_385 = arith.constant 13 : i32
    %gt3A_386 = arith.cmpi sgt, %select_n3A_16, %gt3A_385 : i32
    %convert_element_type3A_387 = arith.extui %gt3A_386 : i1 to i32
    %cond3A_388 = arith.constant 0 : i32
    %cond3A_389 = arith.cmpi ne, %convert_element_type3A_387, %cond3A_388 : i32
    scf.if %cond3A_389 {
      %dma_start3A = arith.constant 0 : i32
      %dma_start3A_538 = tpu.memref_slice %arg4[%add3A_384, %dma_start3A] : memref<80000x128xf32, #tpu.memory_space<hbm>> -> memref<128x128xf32, #tpu.memory_space<hbm>>
      %dma_start3A_539 = arith.constant 0 : i32
      %dma_start3A_540 = tpu.memref_slice %arg4[%add3A_384, %dma_start3A_539] : memref<80000x128xf32, #tpu.memory_space<hbm>> -> memref<128x128xf32, #tpu.memory_space<hbm>>
      tpu.enqueue_dma source(%arg7 : memref<128x128xf32, #tpu.memory_space<vmem>>) target(%dma_start3A_540 : memref<128x128xf32, #tpu.memory_space<hbm>>) target_semaphore(%arg15 : memref<!tpu.dma_semaphore, #tpu.memory_space<semaphore_mem>>)
    } else {
    }
    %gt3A_390 = arith.constant 12 : i32
    %gt3A_391 = arith.cmpi sgt, %select_n3A_16, %gt3A_390 : i32
    %convert_element_type3A_392 = arith.extui %gt3A_391 : i1 to i32
    %cond3A_393 = arith.constant 0 : i32
    %cond3A_394 = arith.cmpi ne, %convert_element_type3A_392, %cond3A_393 : i32
    scf.if %cond3A_394 {
      %dma_wait3A = arith.constant 0 : i32
      %dma_wait3A_538 = tpu.memref_slice %arg4[%add3A_358, %dma_wait3A] : memref<80000x128xf32, #tpu.memory_space<hbm>> -> memref<128x128xf32, #tpu.memory_space<hbm>>
      %dma_wait3A_539 = arith.constant 0 : i32
      %dma_wait3A_540 = tpu.memref_slice %arg4[%add3A_358, %dma_wait3A_539] : memref<80000x128xf32, #tpu.memory_space<hbm>> -> memref<128x128xf32, #tpu.memory_space<hbm>>
      tpu.wait_dma2 semaphore(%arg14 : memref<!tpu.dma_semaphore, #tpu.memory_space<semaphore_mem>>) src(%arg6 : memref<128x128xf32, #tpu.memory_space<vmem>>) dst(%dma_wait3A_540 : memref<128x128xf32, #tpu.memory_space<hbm>>)
    } else {
    }
    %add3A_395 = arith.constant 16 : i32
    %add3A_396 = arith.addi %select_n3A, %add3A_395 : i32
    %min3A_397 = arith.constant 39 : i32
    %min3A_398 = arith.minsi %add3A_396, %min3A_397 : i32
    %gt3A_399 = arith.constant 16 : i32
    %gt3A_400 = arith.cmpi sgt, %select_n3A_16, %gt3A_399 : i32
    %convert_element_type3A_401 = arith.extui %gt3A_400 : i1 to i32
    %cond3A_402 = arith.constant 0 : i32
    %cond3A_403 = arith.cmpi ne, %convert_element_type3A_401, %cond3A_402 : i32
    scf.if %cond3A_403 {
      %dma_start3A = arith.constant 0 : i32
      %dma_start3A_538 = tpu.memref_slice %arg5[%min3A_398, %dma_start3A] : memref<40x128xi32, #tpu.memory_space<vmem>> -> memref<1x128xi32, #tpu.memory_space<vmem>>
      %dma_start3A_539 = tpu.memref_squeeze %dma_start3A_538 : memref<1x128xi32, #tpu.memory_space<vmem>> -> memref<128xi32, #tpu.memory_space<vmem>>
      %dma_start3A_540 = arith.constant 0 : i32
      %dma_start3A_541 = arith.constant 0 : i32
      %dma_start3A_542 = tpu.memref_slice %arg3[%dma_start3A_540, %dma_start3A_541] : memref<10000x128xf32, #tpu.memory_space<hbm>> -> memref<10000x128xf32, #tpu.memory_space<hbm>>
      tpu.enqueue_indirect_dma source(%dma_start3A_542 : memref<10000x128xf32, #tpu.memory_space<hbm>>) target(%arg6 : memref<128x128xf32, #tpu.memory_space<vmem>>) offsets(%dma_start3A_539 : memref<128xi32, #tpu.memory_space<vmem>>) semaphore(%arg10 : memref<!tpu.dma_semaphore, #tpu.memory_space<semaphore_mem>>)
    } else {
    }
    %gt3A_404 = arith.constant 14 : i32
    %gt3A_405 = arith.cmpi sgt, %select_n3A_16, %gt3A_404 : i32
    %convert_element_type3A_406 = arith.extui %gt3A_405 : i1 to i32
    %cond3A_407 = arith.constant 0 : i32
    %cond3A_408 = arith.cmpi ne, %convert_element_type3A_406, %cond3A_407 : i32
    scf.if %cond3A_408 {
      %dma_wait3A = arith.constant 0 : i32
      %dma_wait3A_538 = tpu.memref_slice %arg5[%min3A_346, %dma_wait3A] : memref<40x128xi32, #tpu.memory_space<vmem>> -> memref<1x128xi32, #tpu.memory_space<vmem>>
      %dma_wait3A_539 = tpu.memref_squeeze %dma_wait3A_538 : memref<1x128xi32, #tpu.memory_space<vmem>> -> memref<128xi32, #tpu.memory_space<vmem>>
      %dma_wait3A_540 = arith.constant 0 : i32
      %dma_wait3A_541 = arith.constant 0 : i32
      %dma_wait3A_542 = tpu.memref_slice %arg3[%dma_wait3A_540, %dma_wait3A_541] : memref<10000x128xf32, #tpu.memory_space<hbm>> -> memref<10000x128xf32, #tpu.memory_space<hbm>>
      tpu.wait_indirect_dma semaphore(%arg12 : memref<!tpu.dma_semaphore, #tpu.memory_space<semaphore_mem>>) src(%dma_wait3A_542 : memref<10000x128xf32, #tpu.memory_space<hbm>>) dst(%arg8 : memref<128x128xf32, #tpu.memory_space<vmem>>)
    } else {
    }
    %add3A_409 = arith.constant 1792 : i32
    %add3A_410 = arith.addi %mul3A_20, %add3A_409 : i32
    %gt3A_411 = arith.constant 14 : i32
    %gt3A_412 = arith.cmpi sgt, %select_n3A_16, %gt3A_411 : i32
    %convert_element_type3A_413 = arith.extui %gt3A_412 : i1 to i32
    %cond3A_414 = arith.constant 0 : i32
    %cond3A_415 = arith.cmpi ne, %convert_element_type3A_413, %cond3A_414 : i32
    scf.if %cond3A_415 {
      %dma_start3A = arith.constant 0 : i32
      %dma_start3A_538 = tpu.memref_slice %arg4[%add3A_410, %dma_start3A] : memref<80000x128xf32, #tpu.memory_space<hbm>> -> memref<128x128xf32, #tpu.memory_space<hbm>>
      %dma_start3A_539 = arith.constant 0 : i32
      %dma_start3A_540 = tpu.memref_slice %arg4[%add3A_410, %dma_start3A_539] : memref<80000x128xf32, #tpu.memory_space<hbm>> -> memref<128x128xf32, #tpu.memory_space<hbm>>
      tpu.enqueue_dma source(%arg8 : memref<128x128xf32, #tpu.memory_space<vmem>>) target(%dma_start3A_540 : memref<128x128xf32, #tpu.memory_space<hbm>>) target_semaphore(%arg16 : memref<!tpu.dma_semaphore, #tpu.memory_space<semaphore_mem>>)
    } else {
    }
    %gt3A_416 = arith.constant 13 : i32
    %gt3A_417 = arith.cmpi sgt, %select_n3A_16, %gt3A_416 : i32
    %convert_element_type3A_418 = arith.extui %gt3A_417 : i1 to i32
    %cond3A_419 = arith.constant 0 : i32
    %cond3A_420 = arith.cmpi ne, %convert_element_type3A_418, %cond3A_419 : i32
    scf.if %cond3A_420 {
      %dma_wait3A = arith.constant 0 : i32
      %dma_wait3A_538 = tpu.memref_slice %arg4[%add3A_384, %dma_wait3A] : memref<80000x128xf32, #tpu.memory_space<hbm>> -> memref<128x128xf32, #tpu.memory_space<hbm>>
      %dma_wait3A_539 = arith.constant 0 : i32
      %dma_wait3A_540 = tpu.memref_slice %arg4[%add3A_384, %dma_wait3A_539] : memref<80000x128xf32, #tpu.memory_space<hbm>> -> memref<128x128xf32, #tpu.memory_space<hbm>>
      tpu.wait_dma2 semaphore(%arg15 : memref<!tpu.dma_semaphore, #tpu.memory_space<semaphore_mem>>) src(%arg7 : memref<128x128xf32, #tpu.memory_space<vmem>>) dst(%dma_wait3A_540 : memref<128x128xf32, #tpu.memory_space<hbm>>)
    } else {
    }
    %add3A_421 = arith.constant 17 : i32
    %add3A_422 = arith.addi %select_n3A, %add3A_421 : i32
    %min3A_423 = arith.constant 39 : i32
    %min3A_424 = arith.minsi %add3A_422, %min3A_423 : i32
    %gt3A_425 = arith.constant 17 : i32
    %gt3A_426 = arith.cmpi sgt, %select_n3A_16, %gt3A_425 : i32
    %convert_element_type3A_427 = arith.extui %gt3A_426 : i1 to i32
    %cond3A_428 = arith.constant 0 : i32
    %cond3A_429 = arith.cmpi ne, %convert_element_type3A_427, %cond3A_428 : i32
    scf.if %cond3A_429 {
      %dma_start3A = arith.constant 0 : i32
      %dma_start3A_538 = tpu.memref_slice %arg5[%min3A_424, %dma_start3A] : memref<40x128xi32, #tpu.memory_space<vmem>> -> memref<1x128xi32, #tpu.memory_space<vmem>>
      %dma_start3A_539 = tpu.memref_squeeze %dma_start3A_538 : memref<1x128xi32, #tpu.memory_space<vmem>> -> memref<128xi32, #tpu.memory_space<vmem>>
      %dma_start3A_540 = arith.constant 0 : i32
      %dma_start3A_541 = arith.constant 0 : i32
      %dma_start3A_542 = tpu.memref_slice %arg3[%dma_start3A_540, %dma_start3A_541] : memref<10000x128xf32, #tpu.memory_space<hbm>> -> memref<10000x128xf32, #tpu.memory_space<hbm>>
      tpu.enqueue_indirect_dma source(%dma_start3A_542 : memref<10000x128xf32, #tpu.memory_space<hbm>>) target(%arg7 : memref<128x128xf32, #tpu.memory_space<vmem>>) offsets(%dma_start3A_539 : memref<128xi32, #tpu.memory_space<vmem>>) semaphore(%arg11 : memref<!tpu.dma_semaphore, #tpu.memory_space<semaphore_mem>>)
    } else {
    }
    %gt3A_430 = arith.constant 15 : i32
    %gt3A_431 = arith.cmpi sgt, %select_n3A_16, %gt3A_430 : i32
    %convert_element_type3A_432 = arith.extui %gt3A_431 : i1 to i32
    %cond3A_433 = arith.constant 0 : i32
    %cond3A_434 = arith.cmpi ne, %convert_element_type3A_432, %cond3A_433 : i32
    scf.if %cond3A_434 {
      %dma_wait3A = arith.constant 0 : i32
      %dma_wait3A_538 = tpu.memref_slice %arg5[%min3A_372, %dma_wait3A] : memref<40x128xi32, #tpu.memory_space<vmem>> -> memref<1x128xi32, #tpu.memory_space<vmem>>
      %dma_wait3A_539 = tpu.memref_squeeze %dma_wait3A_538 : memref<1x128xi32, #tpu.memory_space<vmem>> -> memref<128xi32, #tpu.memory_space<vmem>>
      %dma_wait3A_540 = arith.constant 0 : i32
      %dma_wait3A_541 = arith.constant 0 : i32
      %dma_wait3A_542 = tpu.memref_slice %arg3[%dma_wait3A_540, %dma_wait3A_541] : memref<10000x128xf32, #tpu.memory_space<hbm>> -> memref<10000x128xf32, #tpu.memory_space<hbm>>
      tpu.wait_indirect_dma semaphore(%arg13 : memref<!tpu.dma_semaphore, #tpu.memory_space<semaphore_mem>>) src(%dma_wait3A_542 : memref<10000x128xf32, #tpu.memory_space<hbm>>) dst(%arg9 : memref<128x128xf32, #tpu.memory_space<vmem>>)
    } else {
    }
    %add3A_435 = arith.constant 1920 : i32
    %add3A_436 = arith.addi %mul3A_20, %add3A_435 : i32
    %gt3A_437 = arith.constant 15 : i32
    %gt3A_438 = arith.cmpi sgt, %select_n3A_16, %gt3A_437 : i32
    %convert_element_type3A_439 = arith.extui %gt3A_438 : i1 to i32
    %cond3A_440 = arith.constant 0 : i32
    %cond3A_441 = arith.cmpi ne, %convert_element_type3A_439, %cond3A_440 : i32
    scf.if %cond3A_441 {
      %dma_start3A = arith.constant 0 : i32
      %dma_start3A_538 = tpu.memref_slice %arg4[%add3A_436, %dma_start3A] : memref<80000x128xf32, #tpu.memory_space<hbm>> -> memref<128x128xf32, #tpu.memory_space<hbm>>
      %dma_start3A_539 = arith.constant 0 : i32
      %dma_start3A_540 = tpu.memref_slice %arg4[%add3A_436, %dma_start3A_539] : memref<80000x128xf32, #tpu.memory_space<hbm>> -> memref<128x128xf32, #tpu.memory_space<hbm>>
      tpu.enqueue_dma source(%arg9 : memref<128x128xf32, #tpu.memory_space<vmem>>) target(%dma_start3A_540 : memref<128x128xf32, #tpu.memory_space<hbm>>) target_semaphore(%arg17 : memref<!tpu.dma_semaphore, #tpu.memory_space<semaphore_mem>>)
    } else {
    }
    %gt3A_442 = arith.constant 14 : i32
    %gt3A_443 = arith.cmpi sgt, %select_n3A_16, %gt3A_442 : i32
    %convert_element_type3A_444 = arith.extui %gt3A_443 : i1 to i32
    %cond3A_445 = arith.constant 0 : i32
    %cond3A_446 = arith.cmpi ne, %convert_element_type3A_444, %cond3A_445 : i32
    scf.if %cond3A_446 {
      %dma_wait3A = arith.constant 0 : i32
      %dma_wait3A_538 = tpu.memref_slice %arg4[%add3A_410, %dma_wait3A] : memref<80000x128xf32, #tpu.memory_space<hbm>> -> memref<128x128xf32, #tpu.memory_space<hbm>>
      %dma_wait3A_539 = arith.constant 0 : i32
      %dma_wait3A_540 = tpu.memref_slice %arg4[%add3A_410, %dma_wait3A_539] : memref<80000x128xf32, #tpu.memory_space<hbm>> -> memref<128x128xf32, #tpu.memory_space<hbm>>
      tpu.wait_dma2 semaphore(%arg16 : memref<!tpu.dma_semaphore, #tpu.memory_space<semaphore_mem>>) src(%arg8 : memref<128x128xf32, #tpu.memory_space<vmem>>) dst(%dma_wait3A_540 : memref<128x128xf32, #tpu.memory_space<hbm>>)
    } else {
    }
    %add3A_447 = arith.constant 18 : i32
    %add3A_448 = arith.addi %select_n3A, %add3A_447 : i32
    %min3A_449 = arith.constant 39 : i32
    %min3A_450 = arith.minsi %add3A_448, %min3A_449 : i32
    %gt3A_451 = arith.constant 18 : i32
    %gt3A_452 = arith.cmpi sgt, %select_n3A_16, %gt3A_451 : i32
    %convert_element_type3A_453 = arith.extui %gt3A_452 : i1 to i32
    %cond3A_454 = arith.constant 0 : i32
    %cond3A_455 = arith.cmpi ne, %convert_element_type3A_453, %cond3A_454 : i32
    scf.if %cond3A_455 {
      %dma_start3A = arith.constant 0 : i32
      %dma_start3A_538 = tpu.memref_slice %arg5[%min3A_450, %dma_start3A] : memref<40x128xi32, #tpu.memory_space<vmem>> -> memref<1x128xi32, #tpu.memory_space<vmem>>
      %dma_start3A_539 = tpu.memref_squeeze %dma_start3A_538 : memref<1x128xi32, #tpu.memory_space<vmem>> -> memref<128xi32, #tpu.memory_space<vmem>>
      %dma_start3A_540 = arith.constant 0 : i32
      %dma_start3A_541 = arith.constant 0 : i32
      %dma_start3A_542 = tpu.memref_slice %arg3[%dma_start3A_540, %dma_start3A_541] : memref<10000x128xf32, #tpu.memory_space<hbm>> -> memref<10000x128xf32, #tpu.memory_space<hbm>>
      tpu.enqueue_indirect_dma source(%dma_start3A_542 : memref<10000x128xf32, #tpu.memory_space<hbm>>) target(%arg8 : memref<128x128xf32, #tpu.memory_space<vmem>>) offsets(%dma_start3A_539 : memref<128xi32, #tpu.memory_space<vmem>>) semaphore(%arg12 : memref<!tpu.dma_semaphore, #tpu.memory_space<semaphore_mem>>)
    } else {
    }
    %gt3A_456 = arith.constant 16 : i32
    %gt3A_457 = arith.cmpi sgt, %select_n3A_16, %gt3A_456 : i32
    %convert_element_type3A_458 = arith.extui %gt3A_457 : i1 to i32
    %cond3A_459 = arith.constant 0 : i32
    %cond3A_460 = arith.cmpi ne, %convert_element_type3A_458, %cond3A_459 : i32
    scf.if %cond3A_460 {
      %dma_wait3A = arith.constant 0 : i32
      %dma_wait3A_538 = tpu.memref_slice %arg5[%min3A_398, %dma_wait3A] : memref<40x128xi32, #tpu.memory_space<vmem>> -> memref<1x128xi32, #tpu.memory_space<vmem>>
      %dma_wait3A_539 = tpu.memref_squeeze %dma_wait3A_538 : memref<1x128xi32, #tpu.memory_space<vmem>> -> memref<128xi32, #tpu.memory_space<vmem>>
      %dma_wait3A_540 = arith.constant 0 : i32
      %dma_wait3A_541 = arith.constant 0 : i32
      %dma_wait3A_542 = tpu.memref_slice %arg3[%dma_wait3A_540, %dma_wait3A_541] : memref<10000x128xf32, #tpu.memory_space<hbm>> -> memref<10000x128xf32, #tpu.memory_space<hbm>>
      tpu.wait_indirect_dma semaphore(%arg10 : memref<!tpu.dma_semaphore, #tpu.memory_space<semaphore_mem>>) src(%dma_wait3A_542 : memref<10000x128xf32, #tpu.memory_space<hbm>>) dst(%arg6 : memref<128x128xf32, #tpu.memory_space<vmem>>)
    } else {
    }
    %add3A_461 = arith.constant 2048 : i32
    %add3A_462 = arith.addi %mul3A_20, %add3A_461 : i32
    %gt3A_463 = arith.constant 16 : i32
    %gt3A_464 = arith.cmpi sgt, %select_n3A_16, %gt3A_463 : i32
    %convert_element_type3A_465 = arith.extui %gt3A_464 : i1 to i32
    %cond3A_466 = arith.constant 0 : i32
    %cond3A_467 = arith.cmpi ne, %convert_element_type3A_465, %cond3A_466 : i32
    scf.if %cond3A_467 {
      %dma_start3A = arith.constant 0 : i32
      %dma_start3A_538 = tpu.memref_slice %arg4[%add3A_462, %dma_start3A] : memref<80000x128xf32, #tpu.memory_space<hbm>> -> memref<128x128xf32, #tpu.memory_space<hbm>>
      %dma_start3A_539 = arith.constant 0 : i32
      %dma_start3A_540 = tpu.memref_slice %arg4[%add3A_462, %dma_start3A_539] : memref<80000x128xf32, #tpu.memory_space<hbm>> -> memref<128x128xf32, #tpu.memory_space<hbm>>
      tpu.enqueue_dma source(%arg6 : memref<128x128xf32, #tpu.memory_space<vmem>>) target(%dma_start3A_540 : memref<128x128xf32, #tpu.memory_space<hbm>>) target_semaphore(%arg14 : memref<!tpu.dma_semaphore, #tpu.memory_space<semaphore_mem>>)
    } else {
    }
    %gt3A_468 = arith.constant 15 : i32
    %gt3A_469 = arith.cmpi sgt, %select_n3A_16, %gt3A_468 : i32
    %convert_element_type3A_470 = arith.extui %gt3A_469 : i1 to i32
    %cond3A_471 = arith.constant 0 : i32
    %cond3A_472 = arith.cmpi ne, %convert_element_type3A_470, %cond3A_471 : i32
    scf.if %cond3A_472 {
      %dma_wait3A = arith.constant 0 : i32
      %dma_wait3A_538 = tpu.memref_slice %arg4[%add3A_436, %dma_wait3A] : memref<80000x128xf32, #tpu.memory_space<hbm>> -> memref<128x128xf32, #tpu.memory_space<hbm>>
      %dma_wait3A_539 = arith.constant 0 : i32
      %dma_wait3A_540 = tpu.memref_slice %arg4[%add3A_436, %dma_wait3A_539] : memref<80000x128xf32, #tpu.memory_space<hbm>> -> memref<128x128xf32, #tpu.memory_space<hbm>>
      tpu.wait_dma2 semaphore(%arg17 : memref<!tpu.dma_semaphore, #tpu.memory_space<semaphore_mem>>) src(%arg9 : memref<128x128xf32, #tpu.memory_space<vmem>>) dst(%dma_wait3A_540 : memref<128x128xf32, #tpu.memory_space<hbm>>)
    } else {
    }
    %add3A_473 = arith.constant 19 : i32
    %add3A_474 = arith.addi %select_n3A, %add3A_473 : i32
    %min3A_475 = arith.constant 39 : i32
    %min3A_476 = arith.minsi %add3A_474, %min3A_475 : i32
    %gt3A_477 = arith.constant 19 : i32
    %gt3A_478 = arith.cmpi sgt, %select_n3A_16, %gt3A_477 : i32
    %convert_element_type3A_479 = arith.extui %gt3A_478 : i1 to i32
    %cond3A_480 = arith.constant 0 : i32
    %cond3A_481 = arith.cmpi ne, %convert_element_type3A_479, %cond3A_480 : i32
    scf.if %cond3A_481 {
      %dma_start3A = arith.constant 0 : i32
      %dma_start3A_538 = tpu.memref_slice %arg5[%min3A_476, %dma_start3A] : memref<40x128xi32, #tpu.memory_space<vmem>> -> memref<1x128xi32, #tpu.memory_space<vmem>>
      %dma_start3A_539 = tpu.memref_squeeze %dma_start3A_538 : memref<1x128xi32, #tpu.memory_space<vmem>> -> memref<128xi32, #tpu.memory_space<vmem>>
      %dma_start3A_540 = arith.constant 0 : i32
      %dma_start3A_541 = arith.constant 0 : i32
      %dma_start3A_542 = tpu.memref_slice %arg3[%dma_start3A_540, %dma_start3A_541] : memref<10000x128xf32, #tpu.memory_space<hbm>> -> memref<10000x128xf32, #tpu.memory_space<hbm>>
      tpu.enqueue_indirect_dma source(%dma_start3A_542 : memref<10000x128xf32, #tpu.memory_space<hbm>>) target(%arg9 : memref<128x128xf32, #tpu.memory_space<vmem>>) offsets(%dma_start3A_539 : memref<128xi32, #tpu.memory_space<vmem>>) semaphore(%arg13 : memref<!tpu.dma_semaphore, #tpu.memory_space<semaphore_mem>>)
    } else {
    }
    %gt3A_482 = arith.constant 17 : i32
    %gt3A_483 = arith.cmpi sgt, %select_n3A_16, %gt3A_482 : i32
    %convert_element_type3A_484 = arith.extui %gt3A_483 : i1 to i32
    %cond3A_485 = arith.constant 0 : i32
    %cond3A_486 = arith.cmpi ne, %convert_element_type3A_484, %cond3A_485 : i32
    scf.if %cond3A_486 {
      %dma_wait3A = arith.constant 0 : i32
      %dma_wait3A_538 = tpu.memref_slice %arg5[%min3A_424, %dma_wait3A] : memref<40x128xi32, #tpu.memory_space<vmem>> -> memref<1x128xi32, #tpu.memory_space<vmem>>
      %dma_wait3A_539 = tpu.memref_squeeze %dma_wait3A_538 : memref<1x128xi32, #tpu.memory_space<vmem>> -> memref<128xi32, #tpu.memory_space<vmem>>
      %dma_wait3A_540 = arith.constant 0 : i32
      %dma_wait3A_541 = arith.constant 0 : i32
      %dma_wait3A_542 = tpu.memref_slice %arg3[%dma_wait3A_540, %dma_wait3A_541] : memref<10000x128xf32, #tpu.memory_space<hbm>> -> memref<10000x128xf32, #tpu.memory_space<hbm>>
      tpu.wait_indirect_dma semaphore(%arg11 : memref<!tpu.dma_semaphore, #tpu.memory_space<semaphore_mem>>) src(%dma_wait3A_542 : memref<10000x128xf32, #tpu.memory_space<hbm>>) dst(%arg7 : memref<128x128xf32, #tpu.memory_space<vmem>>)
    } else {
    }
    %add3A_487 = arith.constant 2176 : i32
    %add3A_488 = arith.addi %mul3A_20, %add3A_487 : i32
    %gt3A_489 = arith.constant 17 : i32
    %gt3A_490 = arith.cmpi sgt, %select_n3A_16, %gt3A_489 : i32
    %convert_element_type3A_491 = arith.extui %gt3A_490 : i1 to i32
    %cond3A_492 = arith.constant 0 : i32
    %cond3A_493 = arith.cmpi ne, %convert_element_type3A_491, %cond3A_492 : i32
    scf.if %cond3A_493 {
      %dma_start3A = arith.constant 0 : i32
      %dma_start3A_538 = tpu.memref_slice %arg4[%add3A_488, %dma_start3A] : memref<80000x128xf32, #tpu.memory_space<hbm>> -> memref<128x128xf32, #tpu.memory_space<hbm>>
      %dma_start3A_539 = arith.constant 0 : i32
      %dma_start3A_540 = tpu.memref_slice %arg4[%add3A_488, %dma_start3A_539] : memref<80000x128xf32, #tpu.memory_space<hbm>> -> memref<128x128xf32, #tpu.memory_space<hbm>>
      tpu.enqueue_dma source(%arg7 : memref<128x128xf32, #tpu.memory_space<vmem>>) target(%dma_start3A_540 : memref<128x128xf32, #tpu.memory_space<hbm>>) target_semaphore(%arg15 : memref<!tpu.dma_semaphore, #tpu.memory_space<semaphore_mem>>)
    } else {
    }
    %gt3A_494 = arith.constant 18 : i32
    %gt3A_495 = arith.cmpi sgt, %select_n3A_16, %gt3A_494 : i32
    %convert_element_type3A_496 = arith.extui %gt3A_495 : i1 to i32
    %cond3A_497 = arith.constant 0 : i32
    %cond3A_498 = arith.cmpi ne, %convert_element_type3A_496, %cond3A_497 : i32
    scf.if %cond3A_498 {
      %dma_wait3A = arith.constant 0 : i32
      %dma_wait3A_538 = tpu.memref_slice %arg5[%min3A_450, %dma_wait3A] : memref<40x128xi32, #tpu.memory_space<vmem>> -> memref<1x128xi32, #tpu.memory_space<vmem>>
      %dma_wait3A_539 = tpu.memref_squeeze %dma_wait3A_538 : memref<1x128xi32, #tpu.memory_space<vmem>> -> memref<128xi32, #tpu.memory_space<vmem>>
      %dma_wait3A_540 = arith.constant 0 : i32
      %dma_wait3A_541 = arith.constant 0 : i32
      %dma_wait3A_542 = tpu.memref_slice %arg3[%dma_wait3A_540, %dma_wait3A_541] : memref<10000x128xf32, #tpu.memory_space<hbm>> -> memref<10000x128xf32, #tpu.memory_space<hbm>>
      tpu.wait_indirect_dma semaphore(%arg12 : memref<!tpu.dma_semaphore, #tpu.memory_space<semaphore_mem>>) src(%dma_wait3A_542 : memref<10000x128xf32, #tpu.memory_space<hbm>>) dst(%arg8 : memref<128x128xf32, #tpu.memory_space<vmem>>)
    } else {
    }
    %add3A_499 = arith.constant 2304 : i32
    %add3A_500 = arith.addi %mul3A_20, %add3A_499 : i32
    %gt3A_501 = arith.constant 18 : i32
    %gt3A_502 = arith.cmpi sgt, %select_n3A_16, %gt3A_501 : i32
    %convert_element_type3A_503 = arith.extui %gt3A_502 : i1 to i32
    %cond3A_504 = arith.constant 0 : i32
    %cond3A_505 = arith.cmpi ne, %convert_element_type3A_503, %cond3A_504 : i32
    scf.if %cond3A_505 {
      %dma_start3A = arith.constant 0 : i32
      %dma_start3A_538 = tpu.memref_slice %arg4[%add3A_500, %dma_start3A] : memref<80000x128xf32, #tpu.memory_space<hbm>> -> memref<128x128xf32, #tpu.memory_space<hbm>>
      %dma_start3A_539 = arith.constant 0 : i32
      %dma_start3A_540 = tpu.memref_slice %arg4[%add3A_500, %dma_start3A_539] : memref<80000x128xf32, #tpu.memory_space<hbm>> -> memref<128x128xf32, #tpu.memory_space<hbm>>
      tpu.enqueue_dma source(%arg8 : memref<128x128xf32, #tpu.memory_space<vmem>>) target(%dma_start3A_540 : memref<128x128xf32, #tpu.memory_space<hbm>>) target_semaphore(%arg16 : memref<!tpu.dma_semaphore, #tpu.memory_space<semaphore_mem>>)
    } else {
    }
    %gt3A_506 = arith.constant 19 : i32
    %gt3A_507 = arith.cmpi sgt, %select_n3A_16, %gt3A_506 : i32
    %convert_element_type3A_508 = arith.extui %gt3A_507 : i1 to i32
    %cond3A_509 = arith.constant 0 : i32
    %cond3A_510 = arith.cmpi ne, %convert_element_type3A_508, %cond3A_509 : i32
    scf.if %cond3A_510 {
      %dma_wait3A = arith.constant 0 : i32
      %dma_wait3A_538 = tpu.memref_slice %arg5[%min3A_476, %dma_wait3A] : memref<40x128xi32, #tpu.memory_space<vmem>> -> memref<1x128xi32, #tpu.memory_space<vmem>>
      %dma_wait3A_539 = tpu.memref_squeeze %dma_wait3A_538 : memref<1x128xi32, #tpu.memory_space<vmem>> -> memref<128xi32, #tpu.memory_space<vmem>>
      %dma_wait3A_540 = arith.constant 0 : i32
      %dma_wait3A_541 = arith.constant 0 : i32
      %dma_wait3A_542 = tpu.memref_slice %arg3[%dma_wait3A_540, %dma_wait3A_541] : memref<10000x128xf32, #tpu.memory_space<hbm>> -> memref<10000x128xf32, #tpu.memory_space<hbm>>
      tpu.wait_indirect_dma semaphore(%arg13 : memref<!tpu.dma_semaphore, #tpu.memory_space<semaphore_mem>>) src(%dma_wait3A_542 : memref<10000x128xf32, #tpu.memory_space<hbm>>) dst(%arg9 : memref<128x128xf32, #tpu.memory_space<vmem>>)
    } else {
    }
    %add3A_511 = arith.constant 2432 : i32
    %add3A_512 = arith.addi %mul3A_20, %add3A_511 : i32
    %gt3A_513 = arith.constant 19 : i32
    %gt3A_514 = arith.cmpi sgt, %select_n3A_16, %gt3A_513 : i32
    %convert_element_type3A_515 = arith.extui %gt3A_514 : i1 to i32
    %cond3A_516 = arith.constant 0 : i32
    %cond3A_517 = arith.cmpi ne, %convert_element_type3A_515, %cond3A_516 : i32
    scf.if %cond3A_517 {
      %dma_start3A = arith.constant 0 : i32
      %dma_start3A_538 = tpu.memref_slice %arg4[%add3A_512, %dma_start3A] : memref<80000x128xf32, #tpu.memory_space<hbm>> -> memref<128x128xf32, #tpu.memory_space<hbm>>
      %dma_start3A_539 = arith.constant 0 : i32
      %dma_start3A_540 = tpu.memref_slice %arg4[%add3A_512, %dma_start3A_539] : memref<80000x128xf32, #tpu.memory_space<hbm>> -> memref<128x128xf32, #tpu.memory_space<hbm>>
      tpu.enqueue_dma source(%arg9 : memref<128x128xf32, #tpu.memory_space<vmem>>) target(%dma_start3A_540 : memref<128x128xf32, #tpu.memory_space<hbm>>) target_semaphore(%arg17 : memref<!tpu.dma_semaphore, #tpu.memory_space<semaphore_mem>>)
    } else {
    }
    %gt3A_518 = arith.constant 16 : i32
    %gt3A_519 = arith.cmpi sgt, %select_n3A_16, %gt3A_518 : i32
    %convert_element_type3A_520 = arith.extui %gt3A_519 : i1 to i32
    %cond3A_521 = arith.constant 0 : i32
    %cond3A_522 = arith.cmpi ne, %convert_element_type3A_520, %cond3A_521 : i32
    scf.if %cond3A_522 {
      %dma_wait3A = arith.constant 0 : i32
      %dma_wait3A_538 = tpu.memref_slice %arg4[%add3A_462, %dma_wait3A] : memref<80000x128xf32, #tpu.memory_space<hbm>> -> memref<128x128xf32, #tpu.memory_space<hbm>>
      %dma_wait3A_539 = arith.constant 0 : i32
      %dma_wait3A_540 = tpu.memref_slice %arg4[%add3A_462, %dma_wait3A_539] : memref<80000x128xf32, #tpu.memory_space<hbm>> -> memref<128x128xf32, #tpu.memory_space<hbm>>
      tpu.wait_dma2 semaphore(%arg14 : memref<!tpu.dma_semaphore, #tpu.memory_space<semaphore_mem>>) src(%arg6 : memref<128x128xf32, #tpu.memory_space<vmem>>) dst(%dma_wait3A_540 : memref<128x128xf32, #tpu.memory_space<hbm>>)
    } else {
    }
    %gt3A_523 = arith.constant 17 : i32
    %gt3A_524 = arith.cmpi sgt, %select_n3A_16, %gt3A_523 : i32
    %convert_element_type3A_525 = arith.extui %gt3A_524 : i1 to i32
    %cond3A_526 = arith.constant 0 : i32
    %cond3A_527 = arith.cmpi ne, %convert_element_type3A_525, %cond3A_526 : i32
    scf.if %cond3A_527 {
      %dma_wait3A = arith.constant 0 : i32
      %dma_wait3A_538 = tpu.memref_slice %arg4[%add3A_488, %dma_wait3A] : memref<80000x128xf32, #tpu.memory_space<hbm>> -> memref<128x128xf32, #tpu.memory_space<hbm>>
      %dma_wait3A_539 = arith.constant 0 : i32
      %dma_wait3A_540 = tpu.memref_slice %arg4[%add3A_488, %dma_wait3A_539] : memref<80000x128xf32, #tpu.memory_space<hbm>> -> memref<128x128xf32, #tpu.memory_space<hbm>>
      tpu.wait_dma2 semaphore(%arg15 : memref<!tpu.dma_semaphore, #tpu.memory_space<semaphore_mem>>) src(%arg7 : memref<128x128xf32, #tpu.memory_space<vmem>>) dst(%dma_wait3A_540 : memref<128x128xf32, #tpu.memory_space<hbm>>)
    } else {
    }
    %gt3A_528 = arith.constant 18 : i32
    %gt3A_529 = arith.cmpi sgt, %select_n3A_16, %gt3A_528 : i32
    %convert_element_type3A_530 = arith.extui %gt3A_529 : i1 to i32
    %cond3A_531 = arith.constant 0 : i32
    %cond3A_532 = arith.cmpi ne, %convert_element_type3A_530, %cond3A_531 : i32
    scf.if %cond3A_532 {
      %dma_wait3A = arith.constant 0 : i32
      %dma_wait3A_538 = tpu.memref_slice %arg4[%add3A_500, %dma_wait3A] : memref<80000x128xf32, #tpu.memory_space<hbm>> -> memref<128x128xf32, #tpu.memory_space<hbm>>
      %dma_wait3A_539 = arith.constant 0 : i32
      %dma_wait3A_540 = tpu.memref_slice %arg4[%add3A_500, %dma_wait3A_539] : memref<80000x128xf32, #tpu.memory_space<hbm>> -> memref<128x128xf32, #tpu.memory_space<hbm>>
      tpu.wait_dma2 semaphore(%arg16 : memref<!tpu.dma_semaphore, #tpu.memory_space<semaphore_mem>>) src(%arg8 : memref<128x128xf32, #tpu.memory_space<vmem>>) dst(%dma_wait3A_540 : memref<128x128xf32, #tpu.memory_space<hbm>>)
    } else {
    }
    %gt3A_533 = arith.constant 19 : i32
    %gt3A_534 = arith.cmpi sgt, %select_n3A_16, %gt3A_533 : i32
    %convert_element_type3A_535 = arith.extui %gt3A_534 : i1 to i32
    %cond3A_536 = arith.constant 0 : i32
    %cond3A_537 = arith.cmpi ne, %convert_element_type3A_535, %cond3A_536 : i32
    scf.if %cond3A_537 {
      %dma_wait3A = arith.constant 0 : i32
      %dma_wait3A_538 = tpu.memref_slice %arg4[%add3A_512, %dma_wait3A] : memref<80000x128xf32, #tpu.memory_space<hbm>> -> memref<128x128xf32, #tpu.memory_space<hbm>>
      %dma_wait3A_539 = arith.constant 0 : i32
      %dma_wait3A_540 = tpu.memref_slice %arg4[%add3A_512, %dma_wait3A_539] : memref<80000x128xf32, #tpu.memory_space<hbm>> -> memref<128x128xf32, #tpu.memory_space<hbm>>
      tpu.wait_dma2 semaphore(%arg17 : memref<!tpu.dma_semaphore, #tpu.memory_space<semaphore_mem>>) src(%arg9 : memref<128x128xf32, #tpu.memory_space<vmem>>) dst(%dma_wait3A_540 : memref<128x128xf32, #tpu.memory_space<hbm>>)
    } else {
    }
    return
  }
}

module attributes {stable_mosaic.version = 14 : i64} {
  func.func @_ggnn_body(%arg0: i32, %arg1: memref<25x200x128xf32, #tpu.memory_space<vmem>>, %arg2: memref<25x2x200xi32, #tpu.memory_space<vmem>>, %arg3: memref<25x1x200xi32, #tpu.memory_space<vmem>>, %arg4: memref<8x64xf32, #tpu.memory_space<vmem>>, %arg5: memref<4x128x192xf32, #tpu.memory_space<vmem>>, %arg6: memref<1x192xf32, #tpu.memory_space<vmem>>, %arg7: memref<64x64xf32, #tpu.memory_space<vmem>>, %arg8: memref<1x64xf32, #tpu.memory_space<vmem>>, %arg9: memref<1x64xf32, #tpu.memory_space<vmem>>, %arg10: memref<1x1xf32, #tpu.memory_space<vmem>>, %arg11: memref<50x8x113xf32, #tpu.memory_space<vmem>>, %arg12: memref<50x8x111xf32, #tpu.memory_space<vmem>>, %arg13: memref<50x8x1xf32, #tpu.memory_space<vmem>>, %arg14: memref<113x512xf32, #tpu.memory_space<vmem>>, %arg15: memref<64x512xf32, #tpu.memory_space<vmem>>, %arg16: memref<128x512xf32, #tpu.memory_space<vmem>>, %arg17: memref<1x512xf32, #tpu.memory_space<vmem>>, %arg18: memref<128x111xf32, #tpu.memory_space<vmem>>, %arg19: memref<1x111xf32, #tpu.memory_space<vmem>>, %arg20: memref<1x1xf32, #tpu.memory_space<vmem>>, %arg21: memref<50x8x1xf32, #tpu.memory_space<vmem>>, %arg22: memref<400x64xf32, #tpu.memory_space<vmem>>) attributes {dimension_semantics = [#tpu.dimension_semantics<arbitrary>], iteration_bounds = array<i64: 16>, scalar_prefetch = 0 : i64, scratch_operands = 1 : i64, tpu.core_type = #tpu.core_type<tc>, window_params = [{transform_indices = @transform_0, window_bounds = array<i64: 25, 200, 128>}, {transform_indices = @transform_1, window_bounds = array<i64: 25, 2, 200>}, {transform_indices = @transform_2, window_bounds = array<i64: 25, 1, 200>}, {pipeline_mode = #tpu.pipeline_mode<synchronous>, transform_indices = @transform_3, window_bounds = array<i64: 8, 64>}, {pipeline_mode = #tpu.pipeline_mode<synchronous>, transform_indices = @transform_4, window_bounds = array<i64: 4, 128, 192>}, {pipeline_mode = #tpu.pipeline_mode<synchronous>, transform_indices = @transform_5, window_bounds = array<i64: 1, 192>}, {pipeline_mode = #tpu.pipeline_mode<synchronous>, transform_indices = @transform_6, window_bounds = array<i64: 64, 64>}, {pipeline_mode = #tpu.pipeline_mode<synchronous>, transform_indices = @transform_7, window_bounds = array<i64: 1, 64>}, {pipeline_mode = #tpu.pipeline_mode<synchronous>, transform_indices = @transform_8, window_bounds = array<i64: 1, 64>}, {pipeline_mode = #tpu.pipeline_mode<synchronous>, transform_indices = @transform_9, window_bounds = array<i64: 1, 1>}, {pipeline_mode = #tpu.pipeline_mode<synchronous>, transform_indices = @transform_10, window_bounds = array<i64: 50, 8, 113>}, {pipeline_mode = #tpu.pipeline_mode<synchronous>, transform_indices = @transform_11, window_bounds = array<i64: 50, 8, 111>}, {pipeline_mode = #tpu.pipeline_mode<synchronous>, transform_indices = @transform_12, window_bounds = array<i64: 50, 8, 1>}, {pipeline_mode = #tpu.pipeline_mode<synchronous>, transform_indices = @transform_13, window_bounds = array<i64: 113, 512>}, {pipeline_mode = #tpu.pipeline_mode<synchronous>, transform_indices = @transform_14, window_bounds = array<i64: 64, 512>}, {pipeline_mode = #tpu.pipeline_mode<synchronous>, transform_indices = @transform_15, window_bounds = array<i64: 128, 512>}, {pipeline_mode = #tpu.pipeline_mode<synchronous>, transform_indices = @transform_16, window_bounds = array<i64: 1, 512>}, {pipeline_mode = #tpu.pipeline_mode<synchronous>, transform_indices = @transform_17, window_bounds = array<i64: 128, 111>}, {pipeline_mode = #tpu.pipeline_mode<synchronous>, transform_indices = @transform_18, window_bounds = array<i64: 1, 111>}, {pipeline_mode = #tpu.pipeline_mode<synchronous>, transform_indices = @transform_19, window_bounds = array<i64: 1, 1>}, {pipeline_mode = #tpu.pipeline_mode<synchronous>, transform_indices = @transform_20, window_bounds = array<i64: 50, 8, 1>}]} {
    %get3A = arith.constant 0 : index
    %get3A_0 = arith.constant 0 : index
    %get3A_1 = vector.load %arg4[%get3A, %get3A_0] : memref<8x64xf32, #tpu.memory_space<vmem>>, vector<8x64xf32>
    %reduce_sum3A = arith.constant dense<0.000000e+00> : vector<8xf32>
    %reduce_sum3A_2 = vector.multi_reduction <add>, %get3A_1, %reduce_sum3A [1] : vector<8x64xf32> to vector<8xf32>
    %broadcast_in_dim3A = vector.shape_cast %reduce_sum3A_2 : vector<8xf32> to vector<8x1xf32>
    %div3A = arith.constant 6.400000e+01 : f32
    %div3A_3 = vector.broadcast %div3A : f32 to vector<8x1xf32>
    %div3A_4 = arith.divf %broadcast_in_dim3A, %div3A_3 : vector<8x1xf32>
    %iota3A = tpu.iota {dimensions = array<i32: 0>} : vector<200x200xi32>
    %iota3A_5 = tpu.iota {dimensions = array<i32: 0>} : vector<8x200xi32>
    %get3A_6 = arith.constant 0 : index
    %get3A_7 = arith.constant 0 : index
    %get3A_8 = arith.constant 0 : index
    %get3A_9 = vector.load %arg2[%get3A_6, %get3A_7, %get3A_8] : memref<25x2x200xi32, #tpu.memory_space<vmem>>, vector<1x2x200xi32>
    %get3A_10 = vector.shape_cast %get3A_9 : vector<1x2x200xi32> to vector<2x200xi32>
    %slice3A = vector.extract_strided_slice %get3A_10 {offsets = [0, 0], sizes = [1, 200], strides = [1, 1]} : vector<2x200xi32> to vector<1x200xi32>
    %slice3A_11 = vector.extract_strided_slice %get3A_10 {offsets = [1, 0], sizes = [1, 200], strides = [1, 1]} : vector<2x200xi32> to vector<1x200xi32>
    %get3A_12 = arith.constant 0 : index
    %get3A_13 = arith.constant 0 : index
    %get3A_14 = arith.constant 0 : index
    %get3A_15 = vector.load %arg3[%get3A_12, %get3A_13, %get3A_14] : memref<25x1x200xi32, #tpu.memory_space<vmem>>, vector<1x1x200xi32>
    %get3A_16 = vector.shape_cast %get3A_15 : vector<1x1x200xi32> to vector<1x200xi32>
    %eq3A = vector.broadcast %slice3A : vector<1x200xi32> to vector<200x200xi32>
    %eq3A_17 = arith.cmpi eq, %iota3A, %eq3A : vector<200x200xi32>
    %convert_element_type3A = arith.extui %eq3A_17 : vector<200x200xi1> to vector<200x200xi32>
    %convert_element_type3A_18 = arith.sitofp %convert_element_type3A : vector<200x200xi32> to vector<200x200xf32>
    %eq3A_19 = vector.broadcast %slice3A_11 : vector<1x200xi32> to vector<200x200xi32>
    %eq3A_20 = arith.cmpi eq, %iota3A, %eq3A_19 : vector<200x200xi32>
    %convert_element_type3A_21 = arith.extui %eq3A_20 : vector<200x200xi1> to vector<200x200xi32>
    %convert_element_type3A_22 = arith.sitofp %convert_element_type3A_21 : vector<200x200xi32> to vector<200x200xf32>
    %eq3A_23 = vector.broadcast %get3A_16 : vector<1x200xi32> to vector<8x200xi32>
    %eq3A_24 = arith.cmpi eq, %iota3A_5, %eq3A_23 : vector<8x200xi32>
    %convert_element_type3A_25 = arith.extui %eq3A_24 : vector<8x200xi1> to vector<8x200xi32>
    %convert_element_type3A_26 = arith.sitofp %convert_element_type3A_25 : vector<8x200xi32> to vector<8x200xf32>
    %mul3A = vector.broadcast %div3A_4 : vector<8x1xf32> to vector<8x200xf32>
    %mul3A_27 = arith.mulf %convert_element_type3A_26, %mul3A : vector<8x200xf32>
    %reduce_sum3A_28 = arith.constant dense<0.000000e+00> : vector<200xf32>
    %reduce_sum3A_29 = vector.multi_reduction <add>, %mul3A_27, %reduce_sum3A_28 [0] : vector<8x200xf32> to vector<200xf32>
    %broadcast_in_dim3A_30 = vector.shape_cast %reduce_sum3A_29 : vector<200xf32> to vector<1x200xf32>
    %mul3A_31 = vector.broadcast %broadcast_in_dim3A_30 : vector<1x200xf32> to vector<200x200xf32>
    %mul3A_32 = arith.mulf %convert_element_type3A_22, %mul3A_31 : vector<200x200xf32>
    %dot_general3A = arith.constant dense<0.000000e+00> : vector<200x200xf32>
    %dot_general3A_33 = tpu.matmul %mul3A_32, %convert_element_type3A_18, %dot_general3A {dimension_numbers = #tpu.dot_dimension_numbers<[1], [1], [0], [0], [0, 0, 1, 0], [], []>, transpose_lhs_hint = false} : vector<200x200xf32>, vector<200x200xf32>, vector<200x200xf32> -> vector<200x200xf32>
    %get3A_34 = arith.constant 1 : index
    %get3A_35 = arith.constant 0 : index
    %get3A_36 = arith.constant 0 : index
    %get3A_37 = vector.load %arg2[%get3A_34, %get3A_35, %get3A_36] : memref<25x2x200xi32, #tpu.memory_space<vmem>>, vector<1x2x200xi32>
    %get3A_38 = vector.shape_cast %get3A_37 : vector<1x2x200xi32> to vector<2x200xi32>
    %slice3A_39 = vector.extract_strided_slice %get3A_38 {offsets = [0, 0], sizes = [1, 200], strides = [1, 1]} : vector<2x200xi32> to vector<1x200xi32>
    %slice3A_40 = vector.extract_strided_slice %get3A_38 {offsets = [1, 0], sizes = [1, 200], strides = [1, 1]} : vector<2x200xi32> to vector<1x200xi32>
    %get3A_41 = arith.constant 1 : index
    %get3A_42 = arith.constant 0 : index
    %get3A_43 = arith.constant 0 : index
    %get3A_44 = vector.load %arg3[%get3A_41, %get3A_42, %get3A_43] : memref<25x1x200xi32, #tpu.memory_space<vmem>>, vector<1x1x200xi32>
    %get3A_45 = vector.shape_cast %get3A_44 : vector<1x1x200xi32> to vector<1x200xi32>
    %eq3A_46 = vector.broadcast %slice3A_39 : vector<1x200xi32> to vector<200x200xi32>
    %eq3A_47 = arith.cmpi eq, %iota3A, %eq3A_46 : vector<200x200xi32>
    %convert_element_type3A_48 = arith.extui %eq3A_47 : vector<200x200xi1> to vector<200x200xi32>
    %convert_element_type3A_49 = arith.sitofp %convert_element_type3A_48 : vector<200x200xi32> to vector<200x200xf32>
    %eq3A_50 = vector.broadcast %slice3A_40 : vector<1x200xi32> to vector<200x200xi32>
    %eq3A_51 = arith.cmpi eq, %iota3A, %eq3A_50 : vector<200x200xi32>
    %convert_element_type3A_52 = arith.extui %eq3A_51 : vector<200x200xi1> to vector<200x200xi32>
    %convert_element_type3A_53 = arith.sitofp %convert_element_type3A_52 : vector<200x200xi32> to vector<200x200xf32>
    %eq3A_54 = vector.broadcast %get3A_45 : vector<1x200xi32> to vector<8x200xi32>
    %eq3A_55 = arith.cmpi eq, %iota3A_5, %eq3A_54 : vector<8x200xi32>
    %convert_element_type3A_56 = arith.extui %eq3A_55 : vector<8x200xi1> to vector<8x200xi32>
    %convert_element_type3A_57 = arith.sitofp %convert_element_type3A_56 : vector<8x200xi32> to vector<8x200xf32>
    %mul3A_58 = vector.broadcast %div3A_4 : vector<8x1xf32> to vector<8x200xf32>
    %mul3A_59 = arith.mulf %convert_element_type3A_57, %mul3A_58 : vector<8x200xf32>
    %reduce_sum3A_60 = arith.constant dense<0.000000e+00> : vector<200xf32>
    %reduce_sum3A_61 = vector.multi_reduction <add>, %mul3A_59, %reduce_sum3A_60 [0] : vector<8x200xf32> to vector<200xf32>
    %broadcast_in_dim3A_62 = vector.shape_cast %reduce_sum3A_61 : vector<200xf32> to vector<1x200xf32>
    %mul3A_63 = vector.broadcast %broadcast_in_dim3A_62 : vector<1x200xf32> to vector<200x200xf32>
    %mul3A_64 = arith.mulf %convert_element_type3A_53, %mul3A_63 : vector<200x200xf32>
    %dot_general3A_65 = arith.constant dense<0.000000e+00> : vector<200x200xf32>
    %dot_general3A_66 = tpu.matmul %mul3A_64, %convert_element_type3A_49, %dot_general3A_65 {dimension_numbers = #tpu.dot_dimension_numbers<[1], [1], [0], [0], [0, 0, 1, 0], [], []>, transpose_lhs_hint = false} : vector<200x200xf32>, vector<200x200xf32>, vector<200x200xf32> -> vector<200x200xf32>
    %get3A_67 = arith.constant 2 : index
    %get3A_68 = arith.constant 0 : index
    %get3A_69 = arith.constant 0 : index
    %get3A_70 = vector.load %arg2[%get3A_67, %get3A_68, %get3A_69] : memref<25x2x200xi32, #tpu.memory_space<vmem>>, vector<1x2x200xi32>
    %get3A_71 = vector.shape_cast %get3A_70 : vector<1x2x200xi32> to vector<2x200xi32>
    %slice3A_72 = vector.extract_strided_slice %get3A_71 {offsets = [0, 0], sizes = [1, 200], strides = [1, 1]} : vector<2x200xi32> to vector<1x200xi32>
    %slice3A_73 = vector.extract_strided_slice %get3A_71 {offsets = [1, 0], sizes = [1, 200], strides = [1, 1]} : vector<2x200xi32> to vector<1x200xi32>
    %get3A_74 = arith.constant 2 : index
    %get3A_75 = arith.constant 0 : index
    %get3A_76 = arith.constant 0 : index
    %get3A_77 = vector.load %arg3[%get3A_74, %get3A_75, %get3A_76] : memref<25x1x200xi32, #tpu.memory_space<vmem>>, vector<1x1x200xi32>
    %get3A_78 = vector.shape_cast %get3A_77 : vector<1x1x200xi32> to vector<1x200xi32>
    %eq3A_79 = vector.broadcast %slice3A_72 : vector<1x200xi32> to vector<200x200xi32>
    %eq3A_80 = arith.cmpi eq, %iota3A, %eq3A_79 : vector<200x200xi32>
    %convert_element_type3A_81 = arith.extui %eq3A_80 : vector<200x200xi1> to vector<200x200xi32>
    %convert_element_type3A_82 = arith.sitofp %convert_element_type3A_81 : vector<200x200xi32> to vector<200x200xf32>
    %eq3A_83 = vector.broadcast %slice3A_73 : vector<1x200xi32> to vector<200x200xi32>
    %eq3A_84 = arith.cmpi eq, %iota3A, %eq3A_83 : vector<200x200xi32>
    %convert_element_type3A_85 = arith.extui %eq3A_84 : vector<200x200xi1> to vector<200x200xi32>
    %convert_element_type3A_86 = arith.sitofp %convert_element_type3A_85 : vector<200x200xi32> to vector<200x200xf32>
    %eq3A_87 = vector.broadcast %get3A_78 : vector<1x200xi32> to vector<8x200xi32>
    %eq3A_88 = arith.cmpi eq, %iota3A_5, %eq3A_87 : vector<8x200xi32>
    %convert_element_type3A_89 = arith.extui %eq3A_88 : vector<8x200xi1> to vector<8x200xi32>
    %convert_element_type3A_90 = arith.sitofp %convert_element_type3A_89 : vector<8x200xi32> to vector<8x200xf32>
    %mul3A_91 = vector.broadcast %div3A_4 : vector<8x1xf32> to vector<8x200xf32>
    %mul3A_92 = arith.mulf %convert_element_type3A_90, %mul3A_91 : vector<8x200xf32>
    %reduce_sum3A_93 = arith.constant dense<0.000000e+00> : vector<200xf32>
    %reduce_sum3A_94 = vector.multi_reduction <add>, %mul3A_92, %reduce_sum3A_93 [0] : vector<8x200xf32> to vector<200xf32>
    %broadcast_in_dim3A_95 = vector.shape_cast %reduce_sum3A_94 : vector<200xf32> to vector<1x200xf32>
    %mul3A_96 = vector.broadcast %broadcast_in_dim3A_95 : vector<1x200xf32> to vector<200x200xf32>
    %mul3A_97 = arith.mulf %convert_element_type3A_86, %mul3A_96 : vector<200x200xf32>
    %dot_general3A_98 = arith.constant dense<0.000000e+00> : vector<200x200xf32>
    %dot_general3A_99 = tpu.matmul %mul3A_97, %convert_element_type3A_82, %dot_general3A_98 {dimension_numbers = #tpu.dot_dimension_numbers<[1], [1], [0], [0], [0, 0, 1, 0], [], []>, transpose_lhs_hint = false} : vector<200x200xf32>, vector<200x200xf32>, vector<200x200xf32> -> vector<200x200xf32>
    %get3A_100 = arith.constant 3 : index
    %get3A_101 = arith.constant 0 : index
    %get3A_102 = arith.constant 0 : index
    %get3A_103 = vector.load %arg2[%get3A_100, %get3A_101, %get3A_102] : memref<25x2x200xi32, #tpu.memory_space<vmem>>, vector<1x2x200xi32>
    %get3A_104 = vector.shape_cast %get3A_103 : vector<1x2x200xi32> to vector<2x200xi32>
    %slice3A_105 = vector.extract_strided_slice %get3A_104 {offsets = [0, 0], sizes = [1, 200], strides = [1, 1]} : vector<2x200xi32> to vector<1x200xi32>
    %slice3A_106 = vector.extract_strided_slice %get3A_104 {offsets = [1, 0], sizes = [1, 200], strides = [1, 1]} : vector<2x200xi32> to vector<1x200xi32>
    %get3A_107 = arith.constant 3 : index
    %get3A_108 = arith.constant 0 : index
    %get3A_109 = arith.constant 0 : index
    %get3A_110 = vector.load %arg3[%get3A_107, %get3A_108, %get3A_109] : memref<25x1x200xi32, #tpu.memory_space<vmem>>, vector<1x1x200xi32>
    %get3A_111 = vector.shape_cast %get3A_110 : vector<1x1x200xi32> to vector<1x200xi32>
    %eq3A_112 = vector.broadcast %slice3A_105 : vector<1x200xi32> to vector<200x200xi32>
    %eq3A_113 = arith.cmpi eq, %iota3A, %eq3A_112 : vector<200x200xi32>
    %convert_element_type3A_114 = arith.extui %eq3A_113 : vector<200x200xi1> to vector<200x200xi32>
    %convert_element_type3A_115 = arith.sitofp %convert_element_type3A_114 : vector<200x200xi32> to vector<200x200xf32>
    %eq3A_116 = vector.broadcast %slice3A_106 : vector<1x200xi32> to vector<200x200xi32>
    %eq3A_117 = arith.cmpi eq, %iota3A, %eq3A_116 : vector<200x200xi32>
    %convert_element_type3A_118 = arith.extui %eq3A_117 : vector<200x200xi1> to vector<200x200xi32>
    %convert_element_type3A_119 = arith.sitofp %convert_element_type3A_118 : vector<200x200xi32> to vector<200x200xf32>
    %eq3A_120 = vector.broadcast %get3A_111 : vector<1x200xi32> to vector<8x200xi32>
    %eq3A_121 = arith.cmpi eq, %iota3A_5, %eq3A_120 : vector<8x200xi32>
    %convert_element_type3A_122 = arith.extui %eq3A_121 : vector<8x200xi1> to vector<8x200xi32>
    %convert_element_type3A_123 = arith.sitofp %convert_element_type3A_122 : vector<8x200xi32> to vector<8x200xf32>
    %mul3A_124 = vector.broadcast %div3A_4 : vector<8x1xf32> to vector<8x200xf32>
    %mul3A_125 = arith.mulf %convert_element_type3A_123, %mul3A_124 : vector<8x200xf32>
    %reduce_sum3A_126 = arith.constant dense<0.000000e+00> : vector<200xf32>
    %reduce_sum3A_127 = vector.multi_reduction <add>, %mul3A_125, %reduce_sum3A_126 [0] : vector<8x200xf32> to vector<200xf32>
    %broadcast_in_dim3A_128 = vector.shape_cast %reduce_sum3A_127 : vector<200xf32> to vector<1x200xf32>
    %mul3A_129 = vector.broadcast %broadcast_in_dim3A_128 : vector<1x200xf32> to vector<200x200xf32>
    %mul3A_130 = arith.mulf %convert_element_type3A_119, %mul3A_129 : vector<200x200xf32>
    %dot_general3A_131 = arith.constant dense<0.000000e+00> : vector<200x200xf32>
    %dot_general3A_132 = tpu.matmul %mul3A_130, %convert_element_type3A_115, %dot_general3A_131 {dimension_numbers = #tpu.dot_dimension_numbers<[1], [1], [0], [0], [0, 0, 1, 0], [], []>, transpose_lhs_hint = false} : vector<200x200xf32>, vector<200x200xf32>, vector<200x200xf32> -> vector<200x200xf32>
    %get3A_133 = arith.constant 4 : index
    %get3A_134 = arith.constant 0 : index
    %get3A_135 = arith.constant 0 : index
    %get3A_136 = vector.load %arg2[%get3A_133, %get3A_134, %get3A_135] : memref<25x2x200xi32, #tpu.memory_space<vmem>>, vector<1x2x200xi32>
    %get3A_137 = vector.shape_cast %get3A_136 : vector<1x2x200xi32> to vector<2x200xi32>
    %slice3A_138 = vector.extract_strided_slice %get3A_137 {offsets = [0, 0], sizes = [1, 200], strides = [1, 1]} : vector<2x200xi32> to vector<1x200xi32>
    %slice3A_139 = vector.extract_strided_slice %get3A_137 {offsets = [1, 0], sizes = [1, 200], strides = [1, 1]} : vector<2x200xi32> to vector<1x200xi32>
    %get3A_140 = arith.constant 4 : index
    %get3A_141 = arith.constant 0 : index
    %get3A_142 = arith.constant 0 : index
    %get3A_143 = vector.load %arg3[%get3A_140, %get3A_141, %get3A_142] : memref<25x1x200xi32, #tpu.memory_space<vmem>>, vector<1x1x200xi32>
    %get3A_144 = vector.shape_cast %get3A_143 : vector<1x1x200xi32> to vector<1x200xi32>
    %eq3A_145 = vector.broadcast %slice3A_138 : vector<1x200xi32> to vector<200x200xi32>
    %eq3A_146 = arith.cmpi eq, %iota3A, %eq3A_145 : vector<200x200xi32>
    %convert_element_type3A_147 = arith.extui %eq3A_146 : vector<200x200xi1> to vector<200x200xi32>
    %convert_element_type3A_148 = arith.sitofp %convert_element_type3A_147 : vector<200x200xi32> to vector<200x200xf32>
    %eq3A_149 = vector.broadcast %slice3A_139 : vector<1x200xi32> to vector<200x200xi32>
    %eq3A_150 = arith.cmpi eq, %iota3A, %eq3A_149 : vector<200x200xi32>
    %convert_element_type3A_151 = arith.extui %eq3A_150 : vector<200x200xi1> to vector<200x200xi32>
    %convert_element_type3A_152 = arith.sitofp %convert_element_type3A_151 : vector<200x200xi32> to vector<200x200xf32>
    %eq3A_153 = vector.broadcast %get3A_144 : vector<1x200xi32> to vector<8x200xi32>
    %eq3A_154 = arith.cmpi eq, %iota3A_5, %eq3A_153 : vector<8x200xi32>
    %convert_element_type3A_155 = arith.extui %eq3A_154 : vector<8x200xi1> to vector<8x200xi32>
    %convert_element_type3A_156 = arith.sitofp %convert_element_type3A_155 : vector<8x200xi32> to vector<8x200xf32>
    %mul3A_157 = vector.broadcast %div3A_4 : vector<8x1xf32> to vector<8x200xf32>
    %mul3A_158 = arith.mulf %convert_element_type3A_156, %mul3A_157 : vector<8x200xf32>
    %reduce_sum3A_159 = arith.constant dense<0.000000e+00> : vector<200xf32>
    %reduce_sum3A_160 = vector.multi_reduction <add>, %mul3A_158, %reduce_sum3A_159 [0] : vector<8x200xf32> to vector<200xf32>
    %broadcast_in_dim3A_161 = vector.shape_cast %reduce_sum3A_160 : vector<200xf32> to vector<1x200xf32>
    %mul3A_162 = vector.broadcast %broadcast_in_dim3A_161 : vector<1x200xf32> to vector<200x200xf32>
    %mul3A_163 = arith.mulf %convert_element_type3A_152, %mul3A_162 : vector<200x200xf32>
    %dot_general3A_164 = arith.constant dense<0.000000e+00> : vector<200x200xf32>
    %dot_general3A_165 = tpu.matmul %mul3A_163, %convert_element_type3A_148, %dot_general3A_164 {dimension_numbers = #tpu.dot_dimension_numbers<[1], [1], [0], [0], [0, 0, 1, 0], [], []>, transpose_lhs_hint = false} : vector<200x200xf32>, vector<200x200xf32>, vector<200x200xf32> -> vector<200x200xf32>
    %get3A_166 = arith.constant 5 : index
    %get3A_167 = arith.constant 0 : index
    %get3A_168 = arith.constant 0 : index
    %get3A_169 = vector.load %arg2[%get3A_166, %get3A_167, %get3A_168] : memref<25x2x200xi32, #tpu.memory_space<vmem>>, vector<1x2x200xi32>
    %get3A_170 = vector.shape_cast %get3A_169 : vector<1x2x200xi32> to vector<2x200xi32>
    %slice3A_171 = vector.extract_strided_slice %get3A_170 {offsets = [0, 0], sizes = [1, 200], strides = [1, 1]} : vector<2x200xi32> to vector<1x200xi32>
    %slice3A_172 = vector.extract_strided_slice %get3A_170 {offsets = [1, 0], sizes = [1, 200], strides = [1, 1]} : vector<2x200xi32> to vector<1x200xi32>
    %get3A_173 = arith.constant 5 : index
    %get3A_174 = arith.constant 0 : index
    %get3A_175 = arith.constant 0 : index
    %get3A_176 = vector.load %arg3[%get3A_173, %get3A_174, %get3A_175] : memref<25x1x200xi32, #tpu.memory_space<vmem>>, vector<1x1x200xi32>
    %get3A_177 = vector.shape_cast %get3A_176 : vector<1x1x200xi32> to vector<1x200xi32>
    %eq3A_178 = vector.broadcast %slice3A_171 : vector<1x200xi32> to vector<200x200xi32>
    %eq3A_179 = arith.cmpi eq, %iota3A, %eq3A_178 : vector<200x200xi32>
    %convert_element_type3A_180 = arith.extui %eq3A_179 : vector<200x200xi1> to vector<200x200xi32>
    %convert_element_type3A_181 = arith.sitofp %convert_element_type3A_180 : vector<200x200xi32> to vector<200x200xf32>
    %eq3A_182 = vector.broadcast %slice3A_172 : vector<1x200xi32> to vector<200x200xi32>
    %eq3A_183 = arith.cmpi eq, %iota3A, %eq3A_182 : vector<200x200xi32>
    %convert_element_type3A_184 = arith.extui %eq3A_183 : vector<200x200xi1> to vector<200x200xi32>
    %convert_element_type3A_185 = arith.sitofp %convert_element_type3A_184 : vector<200x200xi32> to vector<200x200xf32>
    %eq3A_186 = vector.broadcast %get3A_177 : vector<1x200xi32> to vector<8x200xi32>
    %eq3A_187 = arith.cmpi eq, %iota3A_5, %eq3A_186 : vector<8x200xi32>
    %convert_element_type3A_188 = arith.extui %eq3A_187 : vector<8x200xi1> to vector<8x200xi32>
    %convert_element_type3A_189 = arith.sitofp %convert_element_type3A_188 : vector<8x200xi32> to vector<8x200xf32>
    %mul3A_190 = vector.broadcast %div3A_4 : vector<8x1xf32> to vector<8x200xf32>
    %mul3A_191 = arith.mulf %convert_element_type3A_189, %mul3A_190 : vector<8x200xf32>
    %reduce_sum3A_192 = arith.constant dense<0.000000e+00> : vector<200xf32>
    %reduce_sum3A_193 = vector.multi_reduction <add>, %mul3A_191, %reduce_sum3A_192 [0] : vector<8x200xf32> to vector<200xf32>
    %broadcast_in_dim3A_194 = vector.shape_cast %reduce_sum3A_193 : vector<200xf32> to vector<1x200xf32>
    %mul3A_195 = vector.broadcast %broadcast_in_dim3A_194 : vector<1x200xf32> to vector<200x200xf32>
    %mul3A_196 = arith.mulf %convert_element_type3A_185, %mul3A_195 : vector<200x200xf32>
    %dot_general3A_197 = arith.constant dense<0.000000e+00> : vector<200x200xf32>
    %dot_general3A_198 = tpu.matmul %mul3A_196, %convert_element_type3A_181, %dot_general3A_197 {dimension_numbers = #tpu.dot_dimension_numbers<[1], [1], [0], [0], [0, 0, 1, 0], [], []>, transpose_lhs_hint = false} : vector<200x200xf32>, vector<200x200xf32>, vector<200x200xf32> -> vector<200x200xf32>
    %get3A_199 = arith.constant 6 : index
    %get3A_200 = arith.constant 0 : index
    %get3A_201 = arith.constant 0 : index
    %get3A_202 = vector.load %arg2[%get3A_199, %get3A_200, %get3A_201] : memref<25x2x200xi32, #tpu.memory_space<vmem>>, vector<1x2x200xi32>
    %get3A_203 = vector.shape_cast %get3A_202 : vector<1x2x200xi32> to vector<2x200xi32>
    %slice3A_204 = vector.extract_strided_slice %get3A_203 {offsets = [0, 0], sizes = [1, 200], strides = [1, 1]} : vector<2x200xi32> to vector<1x200xi32>
    %slice3A_205 = vector.extract_strided_slice %get3A_203 {offsets = [1, 0], sizes = [1, 200], strides = [1, 1]} : vector<2x200xi32> to vector<1x200xi32>
    %get3A_206 = arith.constant 6 : index
    %get3A_207 = arith.constant 0 : index
    %get3A_208 = arith.constant 0 : index
    %get3A_209 = vector.load %arg3[%get3A_206, %get3A_207, %get3A_208] : memref<25x1x200xi32, #tpu.memory_space<vmem>>, vector<1x1x200xi32>
    %get3A_210 = vector.shape_cast %get3A_209 : vector<1x1x200xi32> to vector<1x200xi32>
    %eq3A_211 = vector.broadcast %slice3A_204 : vector<1x200xi32> to vector<200x200xi32>
    %eq3A_212 = arith.cmpi eq, %iota3A, %eq3A_211 : vector<200x200xi32>
    %convert_element_type3A_213 = arith.extui %eq3A_212 : vector<200x200xi1> to vector<200x200xi32>
    %convert_element_type3A_214 = arith.sitofp %convert_element_type3A_213 : vector<200x200xi32> to vector<200x200xf32>
    %eq3A_215 = vector.broadcast %slice3A_205 : vector<1x200xi32> to vector<200x200xi32>
    %eq3A_216 = arith.cmpi eq, %iota3A, %eq3A_215 : vector<200x200xi32>
    %convert_element_type3A_217 = arith.extui %eq3A_216 : vector<200x200xi1> to vector<200x200xi32>
    %convert_element_type3A_218 = arith.sitofp %convert_element_type3A_217 : vector<200x200xi32> to vector<200x200xf32>
    %eq3A_219 = vector.broadcast %get3A_210 : vector<1x200xi32> to vector<8x200xi32>
    %eq3A_220 = arith.cmpi eq, %iota3A_5, %eq3A_219 : vector<8x200xi32>
    %convert_element_type3A_221 = arith.extui %eq3A_220 : vector<8x200xi1> to vector<8x200xi32>
    %convert_element_type3A_222 = arith.sitofp %convert_element_type3A_221 : vector<8x200xi32> to vector<8x200xf32>
    %mul3A_223 = vector.broadcast %div3A_4 : vector<8x1xf32> to vector<8x200xf32>
    %mul3A_224 = arith.mulf %convert_element_type3A_222, %mul3A_223 : vector<8x200xf32>
    %reduce_sum3A_225 = arith.constant dense<0.000000e+00> : vector<200xf32>
    %reduce_sum3A_226 = vector.multi_reduction <add>, %mul3A_224, %reduce_sum3A_225 [0] : vector<8x200xf32> to vector<200xf32>
    %broadcast_in_dim3A_227 = vector.shape_cast %reduce_sum3A_226 : vector<200xf32> to vector<1x200xf32>
    %mul3A_228 = vector.broadcast %broadcast_in_dim3A_227 : vector<1x200xf32> to vector<200x200xf32>
    %mul3A_229 = arith.mulf %convert_element_type3A_218, %mul3A_228 : vector<200x200xf32>
    %dot_general3A_230 = arith.constant dense<0.000000e+00> : vector<200x200xf32>
    %dot_general3A_231 = tpu.matmul %mul3A_229, %convert_element_type3A_214, %dot_general3A_230 {dimension_numbers = #tpu.dot_dimension_numbers<[1], [1], [0], [0], [0, 0, 1, 0], [], []>, transpose_lhs_hint = false} : vector<200x200xf32>, vector<200x200xf32>, vector<200x200xf32> -> vector<200x200xf32>
    %get3A_232 = arith.constant 7 : index
    %get3A_233 = arith.constant 0 : index
    %get3A_234 = arith.constant 0 : index
    %get3A_235 = vector.load %arg2[%get3A_232, %get3A_233, %get3A_234] : memref<25x2x200xi32, #tpu.memory_space<vmem>>, vector<1x2x200xi32>
    %get3A_236 = vector.shape_cast %get3A_235 : vector<1x2x200xi32> to vector<2x200xi32>
    %slice3A_237 = vector.extract_strided_slice %get3A_236 {offsets = [0, 0], sizes = [1, 200], strides = [1, 1]} : vector<2x200xi32> to vector<1x200xi32>
    %slice3A_238 = vector.extract_strided_slice %get3A_236 {offsets = [1, 0], sizes = [1, 200], strides = [1, 1]} : vector<2x200xi32> to vector<1x200xi32>
    %get3A_239 = arith.constant 7 : index
    %get3A_240 = arith.constant 0 : index
    %get3A_241 = arith.constant 0 : index
    %get3A_242 = vector.load %arg3[%get3A_239, %get3A_240, %get3A_241] : memref<25x1x200xi32, #tpu.memory_space<vmem>>, vector<1x1x200xi32>
    %get3A_243 = vector.shape_cast %get3A_242 : vector<1x1x200xi32> to vector<1x200xi32>
    %eq3A_244 = vector.broadcast %slice3A_237 : vector<1x200xi32> to vector<200x200xi32>
    %eq3A_245 = arith.cmpi eq, %iota3A, %eq3A_244 : vector<200x200xi32>
    %convert_element_type3A_246 = arith.extui %eq3A_245 : vector<200x200xi1> to vector<200x200xi32>
    %convert_element_type3A_247 = arith.sitofp %convert_element_type3A_246 : vector<200x200xi32> to vector<200x200xf32>
    %eq3A_248 = vector.broadcast %slice3A_238 : vector<1x200xi32> to vector<200x200xi32>
    %eq3A_249 = arith.cmpi eq, %iota3A, %eq3A_248 : vector<200x200xi32>
    %convert_element_type3A_250 = arith.extui %eq3A_249 : vector<200x200xi1> to vector<200x200xi32>
    %convert_element_type3A_251 = arith.sitofp %convert_element_type3A_250 : vector<200x200xi32> to vector<200x200xf32>
    %eq3A_252 = vector.broadcast %get3A_243 : vector<1x200xi32> to vector<8x200xi32>
    %eq3A_253 = arith.cmpi eq, %iota3A_5, %eq3A_252 : vector<8x200xi32>
    %convert_element_type3A_254 = arith.extui %eq3A_253 : vector<8x200xi1> to vector<8x200xi32>
    %convert_element_type3A_255 = arith.sitofp %convert_element_type3A_254 : vector<8x200xi32> to vector<8x200xf32>
    %mul3A_256 = vector.broadcast %div3A_4 : vector<8x1xf32> to vector<8x200xf32>
    %mul3A_257 = arith.mulf %convert_element_type3A_255, %mul3A_256 : vector<8x200xf32>
    %reduce_sum3A_258 = arith.constant dense<0.000000e+00> : vector<200xf32>
    %reduce_sum3A_259 = vector.multi_reduction <add>, %mul3A_257, %reduce_sum3A_258 [0] : vector<8x200xf32> to vector<200xf32>
    %broadcast_in_dim3A_260 = vector.shape_cast %reduce_sum3A_259 : vector<200xf32> to vector<1x200xf32>
    %mul3A_261 = vector.broadcast %broadcast_in_dim3A_260 : vector<1x200xf32> to vector<200x200xf32>
    %mul3A_262 = arith.mulf %convert_element_type3A_251, %mul3A_261 : vector<200x200xf32>
    %dot_general3A_263 = arith.constant dense<0.000000e+00> : vector<200x200xf32>
    %dot_general3A_264 = tpu.matmul %mul3A_262, %convert_element_type3A_247, %dot_general3A_263 {dimension_numbers = #tpu.dot_dimension_numbers<[1], [1], [0], [0], [0, 0, 1, 0], [], []>, transpose_lhs_hint = false} : vector<200x200xf32>, vector<200x200xf32>, vector<200x200xf32> -> vector<200x200xf32>
    %get3A_265 = arith.constant 8 : index
    %get3A_266 = arith.constant 0 : index
    %get3A_267 = arith.constant 0 : index
    %get3A_268 = vector.load %arg2[%get3A_265, %get3A_266, %get3A_267] : memref<25x2x200xi32, #tpu.memory_space<vmem>>, vector<1x2x200xi32>
    %get3A_269 = vector.shape_cast %get3A_268 : vector<1x2x200xi32> to vector<2x200xi32>
    %slice3A_270 = vector.extract_strided_slice %get3A_269 {offsets = [0, 0], sizes = [1, 200], strides = [1, 1]} : vector<2x200xi32> to vector<1x200xi32>
    %slice3A_271 = vector.extract_strided_slice %get3A_269 {offsets = [1, 0], sizes = [1, 200], strides = [1, 1]} : vector<2x200xi32> to vector<1x200xi32>
    %get3A_272 = arith.constant 8 : index
    %get3A_273 = arith.constant 0 : index
    %get3A_274 = arith.constant 0 : index
    %get3A_275 = vector.load %arg3[%get3A_272, %get3A_273, %get3A_274] : memref<25x1x200xi32, #tpu.memory_space<vmem>>, vector<1x1x200xi32>
    %get3A_276 = vector.shape_cast %get3A_275 : vector<1x1x200xi32> to vector<1x200xi32>
    %eq3A_277 = vector.broadcast %slice3A_270 : vector<1x200xi32> to vector<200x200xi32>
    %eq3A_278 = arith.cmpi eq, %iota3A, %eq3A_277 : vector<200x200xi32>
    %convert_element_type3A_279 = arith.extui %eq3A_278 : vector<200x200xi1> to vector<200x200xi32>
    %convert_element_type3A_280 = arith.sitofp %convert_element_type3A_279 : vector<200x200xi32> to vector<200x200xf32>
    %eq3A_281 = vector.broadcast %slice3A_271 : vector<1x200xi32> to vector<200x200xi32>
    %eq3A_282 = arith.cmpi eq, %iota3A, %eq3A_281 : vector<200x200xi32>
    %convert_element_type3A_283 = arith.extui %eq3A_282 : vector<200x200xi1> to vector<200x200xi32>
    %convert_element_type3A_284 = arith.sitofp %convert_element_type3A_283 : vector<200x200xi32> to vector<200x200xf32>
    %eq3A_285 = vector.broadcast %get3A_276 : vector<1x200xi32> to vector<8x200xi32>
    %eq3A_286 = arith.cmpi eq, %iota3A_5, %eq3A_285 : vector<8x200xi32>
    %convert_element_type3A_287 = arith.extui %eq3A_286 : vector<8x200xi1> to vector<8x200xi32>
    %convert_element_type3A_288 = arith.sitofp %convert_element_type3A_287 : vector<8x200xi32> to vector<8x200xf32>
    %mul3A_289 = vector.broadcast %div3A_4 : vector<8x1xf32> to vector<8x200xf32>
    %mul3A_290 = arith.mulf %convert_element_type3A_288, %mul3A_289 : vector<8x200xf32>
    %reduce_sum3A_291 = arith.constant dense<0.000000e+00> : vector<200xf32>
    %reduce_sum3A_292 = vector.multi_reduction <add>, %mul3A_290, %reduce_sum3A_291 [0] : vector<8x200xf32> to vector<200xf32>
    %broadcast_in_dim3A_293 = vector.shape_cast %reduce_sum3A_292 : vector<200xf32> to vector<1x200xf32>
    %mul3A_294 = vector.broadcast %broadcast_in_dim3A_293 : vector<1x200xf32> to vector<200x200xf32>
    %mul3A_295 = arith.mulf %convert_element_type3A_284, %mul3A_294 : vector<200x200xf32>
    %dot_general3A_296 = arith.constant dense<0.000000e+00> : vector<200x200xf32>
    %dot_general3A_297 = tpu.matmul %mul3A_295, %convert_element_type3A_280, %dot_general3A_296 {dimension_numbers = #tpu.dot_dimension_numbers<[1], [1], [0], [0], [0, 0, 1, 0], [], []>, transpose_lhs_hint = false} : vector<200x200xf32>, vector<200x200xf32>, vector<200x200xf32> -> vector<200x200xf32>
    %get3A_298 = arith.constant 9 : index
    %get3A_299 = arith.constant 0 : index
    %get3A_300 = arith.constant 0 : index
    %get3A_301 = vector.load %arg2[%get3A_298, %get3A_299, %get3A_300] : memref<25x2x200xi32, #tpu.memory_space<vmem>>, vector<1x2x200xi32>
    %get3A_302 = vector.shape_cast %get3A_301 : vector<1x2x200xi32> to vector<2x200xi32>
    %slice3A_303 = vector.extract_strided_slice %get3A_302 {offsets = [0, 0], sizes = [1, 200], strides = [1, 1]} : vector<2x200xi32> to vector<1x200xi32>
    %slice3A_304 = vector.extract_strided_slice %get3A_302 {offsets = [1, 0], sizes = [1, 200], strides = [1, 1]} : vector<2x200xi32> to vector<1x200xi32>
    %get3A_305 = arith.constant 9 : index
    %get3A_306 = arith.constant 0 : index
    %get3A_307 = arith.constant 0 : index
    %get3A_308 = vector.load %arg3[%get3A_305, %get3A_306, %get3A_307] : memref<25x1x200xi32, #tpu.memory_space<vmem>>, vector<1x1x200xi32>
    %get3A_309 = vector.shape_cast %get3A_308 : vector<1x1x200xi32> to vector<1x200xi32>
    %eq3A_310 = vector.broadcast %slice3A_303 : vector<1x200xi32> to vector<200x200xi32>
    %eq3A_311 = arith.cmpi eq, %iota3A, %eq3A_310 : vector<200x200xi32>
    %convert_element_type3A_312 = arith.extui %eq3A_311 : vector<200x200xi1> to vector<200x200xi32>
    %convert_element_type3A_313 = arith.sitofp %convert_element_type3A_312 : vector<200x200xi32> to vector<200x200xf32>
    %eq3A_314 = vector.broadcast %slice3A_304 : vector<1x200xi32> to vector<200x200xi32>
    %eq3A_315 = arith.cmpi eq, %iota3A, %eq3A_314 : vector<200x200xi32>
    %convert_element_type3A_316 = arith.extui %eq3A_315 : vector<200x200xi1> to vector<200x200xi32>
    %convert_element_type3A_317 = arith.sitofp %convert_element_type3A_316 : vector<200x200xi32> to vector<200x200xf32>
    %eq3A_318 = vector.broadcast %get3A_309 : vector<1x200xi32> to vector<8x200xi32>
    %eq3A_319 = arith.cmpi eq, %iota3A_5, %eq3A_318 : vector<8x200xi32>
    %convert_element_type3A_320 = arith.extui %eq3A_319 : vector<8x200xi1> to vector<8x200xi32>
    %convert_element_type3A_321 = arith.sitofp %convert_element_type3A_320 : vector<8x200xi32> to vector<8x200xf32>
    %mul3A_322 = vector.broadcast %div3A_4 : vector<8x1xf32> to vector<8x200xf32>
    %mul3A_323 = arith.mulf %convert_element_type3A_321, %mul3A_322 : vector<8x200xf32>
    %reduce_sum3A_324 = arith.constant dense<0.000000e+00> : vector<200xf32>
    %reduce_sum3A_325 = vector.multi_reduction <add>, %mul3A_323, %reduce_sum3A_324 [0] : vector<8x200xf32> to vector<200xf32>
    %broadcast_in_dim3A_326 = vector.shape_cast %reduce_sum3A_325 : vector<200xf32> to vector<1x200xf32>
    %mul3A_327 = vector.broadcast %broadcast_in_dim3A_326 : vector<1x200xf32> to vector<200x200xf32>
    %mul3A_328 = arith.mulf %convert_element_type3A_317, %mul3A_327 : vector<200x200xf32>
    %dot_general3A_329 = arith.constant dense<0.000000e+00> : vector<200x200xf32>
    %dot_general3A_330 = tpu.matmul %mul3A_328, %convert_element_type3A_313, %dot_general3A_329 {dimension_numbers = #tpu.dot_dimension_numbers<[1], [1], [0], [0], [0, 0, 1, 0], [], []>, transpose_lhs_hint = false} : vector<200x200xf32>, vector<200x200xf32>, vector<200x200xf32> -> vector<200x200xf32>
    %get3A_331 = arith.constant 10 : index
    %get3A_332 = arith.constant 0 : index
    %get3A_333 = arith.constant 0 : index
    %get3A_334 = vector.load %arg2[%get3A_331, %get3A_332, %get3A_333] : memref<25x2x200xi32, #tpu.memory_space<vmem>>, vector<1x2x200xi32>
    %get3A_335 = vector.shape_cast %get3A_334 : vector<1x2x200xi32> to vector<2x200xi32>
    %slice3A_336 = vector.extract_strided_slice %get3A_335 {offsets = [0, 0], sizes = [1, 200], strides = [1, 1]} : vector<2x200xi32> to vector<1x200xi32>
    %slice3A_337 = vector.extract_strided_slice %get3A_335 {offsets = [1, 0], sizes = [1, 200], strides = [1, 1]} : vector<2x200xi32> to vector<1x200xi32>
    %get3A_338 = arith.constant 10 : index
    %get3A_339 = arith.constant 0 : index
    %get3A_340 = arith.constant 0 : index
    %get3A_341 = vector.load %arg3[%get3A_338, %get3A_339, %get3A_340] : memref<25x1x200xi32, #tpu.memory_space<vmem>>, vector<1x1x200xi32>
    %get3A_342 = vector.shape_cast %get3A_341 : vector<1x1x200xi32> to vector<1x200xi32>
    %eq3A_343 = vector.broadcast %slice3A_336 : vector<1x200xi32> to vector<200x200xi32>
    %eq3A_344 = arith.cmpi eq, %iota3A, %eq3A_343 : vector<200x200xi32>
    %convert_element_type3A_345 = arith.extui %eq3A_344 : vector<200x200xi1> to vector<200x200xi32>
    %convert_element_type3A_346 = arith.sitofp %convert_element_type3A_345 : vector<200x200xi32> to vector<200x200xf32>
    %eq3A_347 = vector.broadcast %slice3A_337 : vector<1x200xi32> to vector<200x200xi32>
    %eq3A_348 = arith.cmpi eq, %iota3A, %eq3A_347 : vector<200x200xi32>
    %convert_element_type3A_349 = arith.extui %eq3A_348 : vector<200x200xi1> to vector<200x200xi32>
    %convert_element_type3A_350 = arith.sitofp %convert_element_type3A_349 : vector<200x200xi32> to vector<200x200xf32>
    %eq3A_351 = vector.broadcast %get3A_342 : vector<1x200xi32> to vector<8x200xi32>
    %eq3A_352 = arith.cmpi eq, %iota3A_5, %eq3A_351 : vector<8x200xi32>
    %convert_element_type3A_353 = arith.extui %eq3A_352 : vector<8x200xi1> to vector<8x200xi32>
    %convert_element_type3A_354 = arith.sitofp %convert_element_type3A_353 : vector<8x200xi32> to vector<8x200xf32>
    %mul3A_355 = vector.broadcast %div3A_4 : vector<8x1xf32> to vector<8x200xf32>
    %mul3A_356 = arith.mulf %convert_element_type3A_354, %mul3A_355 : vector<8x200xf32>
    %reduce_sum3A_357 = arith.constant dense<0.000000e+00> : vector<200xf32>
    %reduce_sum3A_358 = vector.multi_reduction <add>, %mul3A_356, %reduce_sum3A_357 [0] : vector<8x200xf32> to vector<200xf32>
    %broadcast_in_dim3A_359 = vector.shape_cast %reduce_sum3A_358 : vector<200xf32> to vector<1x200xf32>
    %mul3A_360 = vector.broadcast %broadcast_in_dim3A_359 : vector<1x200xf32> to vector<200x200xf32>
    %mul3A_361 = arith.mulf %convert_element_type3A_350, %mul3A_360 : vector<200x200xf32>
    %dot_general3A_362 = arith.constant dense<0.000000e+00> : vector<200x200xf32>
    %dot_general3A_363 = tpu.matmul %mul3A_361, %convert_element_type3A_346, %dot_general3A_362 {dimension_numbers = #tpu.dot_dimension_numbers<[1], [1], [0], [0], [0, 0, 1, 0], [], []>, transpose_lhs_hint = false} : vector<200x200xf32>, vector<200x200xf32>, vector<200x200xf32> -> vector<200x200xf32>
    %get3A_364 = arith.constant 11 : index
    %get3A_365 = arith.constant 0 : index
    %get3A_366 = arith.constant 0 : index
    %get3A_367 = vector.load %arg2[%get3A_364, %get3A_365, %get3A_366] : memref<25x2x200xi32, #tpu.memory_space<vmem>>, vector<1x2x200xi32>
    %get3A_368 = vector.shape_cast %get3A_367 : vector<1x2x200xi32> to vector<2x200xi32>
    %slice3A_369 = vector.extract_strided_slice %get3A_368 {offsets = [0, 0], sizes = [1, 200], strides = [1, 1]} : vector<2x200xi32> to vector<1x200xi32>
    %slice3A_370 = vector.extract_strided_slice %get3A_368 {offsets = [1, 0], sizes = [1, 200], strides = [1, 1]} : vector<2x200xi32> to vector<1x200xi32>
    %get3A_371 = arith.constant 11 : index
    %get3A_372 = arith.constant 0 : index
    %get3A_373 = arith.constant 0 : index
    %get3A_374 = vector.load %arg3[%get3A_371, %get3A_372, %get3A_373] : memref<25x1x200xi32, #tpu.memory_space<vmem>>, vector<1x1x200xi32>
    %get3A_375 = vector.shape_cast %get3A_374 : vector<1x1x200xi32> to vector<1x200xi32>
    %eq3A_376 = vector.broadcast %slice3A_369 : vector<1x200xi32> to vector<200x200xi32>
    %eq3A_377 = arith.cmpi eq, %iota3A, %eq3A_376 : vector<200x200xi32>
    %convert_element_type3A_378 = arith.extui %eq3A_377 : vector<200x200xi1> to vector<200x200xi32>
    %convert_element_type3A_379 = arith.sitofp %convert_element_type3A_378 : vector<200x200xi32> to vector<200x200xf32>
    %eq3A_380 = vector.broadcast %slice3A_370 : vector<1x200xi32> to vector<200x200xi32>
    %eq3A_381 = arith.cmpi eq, %iota3A, %eq3A_380 : vector<200x200xi32>
    %convert_element_type3A_382 = arith.extui %eq3A_381 : vector<200x200xi1> to vector<200x200xi32>
    %convert_element_type3A_383 = arith.sitofp %convert_element_type3A_382 : vector<200x200xi32> to vector<200x200xf32>
    %eq3A_384 = vector.broadcast %get3A_375 : vector<1x200xi32> to vector<8x200xi32>
    %eq3A_385 = arith.cmpi eq, %iota3A_5, %eq3A_384 : vector<8x200xi32>
    %convert_element_type3A_386 = arith.extui %eq3A_385 : vector<8x200xi1> to vector<8x200xi32>
    %convert_element_type3A_387 = arith.sitofp %convert_element_type3A_386 : vector<8x200xi32> to vector<8x200xf32>
    %mul3A_388 = vector.broadcast %div3A_4 : vector<8x1xf32> to vector<8x200xf32>
    %mul3A_389 = arith.mulf %convert_element_type3A_387, %mul3A_388 : vector<8x200xf32>
    %reduce_sum3A_390 = arith.constant dense<0.000000e+00> : vector<200xf32>
    %reduce_sum3A_391 = vector.multi_reduction <add>, %mul3A_389, %reduce_sum3A_390 [0] : vector<8x200xf32> to vector<200xf32>
    %broadcast_in_dim3A_392 = vector.shape_cast %reduce_sum3A_391 : vector<200xf32> to vector<1x200xf32>
    %mul3A_393 = vector.broadcast %broadcast_in_dim3A_392 : vector<1x200xf32> to vector<200x200xf32>
    %mul3A_394 = arith.mulf %convert_element_type3A_383, %mul3A_393 : vector<200x200xf32>
    %dot_general3A_395 = arith.constant dense<0.000000e+00> : vector<200x200xf32>
    %dot_general3A_396 = tpu.matmul %mul3A_394, %convert_element_type3A_379, %dot_general3A_395 {dimension_numbers = #tpu.dot_dimension_numbers<[1], [1], [0], [0], [0, 0, 1, 0], [], []>, transpose_lhs_hint = false} : vector<200x200xf32>, vector<200x200xf32>, vector<200x200xf32> -> vector<200x200xf32>
    %get3A_397 = arith.constant 12 : index
    %get3A_398 = arith.constant 0 : index
    %get3A_399 = arith.constant 0 : index
    %get3A_400 = vector.load %arg2[%get3A_397, %get3A_398, %get3A_399] : memref<25x2x200xi32, #tpu.memory_space<vmem>>, vector<1x2x200xi32>
    %get3A_401 = vector.shape_cast %get3A_400 : vector<1x2x200xi32> to vector<2x200xi32>
    %slice3A_402 = vector.extract_strided_slice %get3A_401 {offsets = [0, 0], sizes = [1, 200], strides = [1, 1]} : vector<2x200xi32> to vector<1x200xi32>
    %slice3A_403 = vector.extract_strided_slice %get3A_401 {offsets = [1, 0], sizes = [1, 200], strides = [1, 1]} : vector<2x200xi32> to vector<1x200xi32>
    %get3A_404 = arith.constant 12 : index
    %get3A_405 = arith.constant 0 : index
    %get3A_406 = arith.constant 0 : index
    %get3A_407 = vector.load %arg3[%get3A_404, %get3A_405, %get3A_406] : memref<25x1x200xi32, #tpu.memory_space<vmem>>, vector<1x1x200xi32>
    %get3A_408 = vector.shape_cast %get3A_407 : vector<1x1x200xi32> to vector<1x200xi32>
    %eq3A_409 = vector.broadcast %slice3A_402 : vector<1x200xi32> to vector<200x200xi32>
    %eq3A_410 = arith.cmpi eq, %iota3A, %eq3A_409 : vector<200x200xi32>
    %convert_element_type3A_411 = arith.extui %eq3A_410 : vector<200x200xi1> to vector<200x200xi32>
    %convert_element_type3A_412 = arith.sitofp %convert_element_type3A_411 : vector<200x200xi32> to vector<200x200xf32>
    %eq3A_413 = vector.broadcast %slice3A_403 : vector<1x200xi32> to vector<200x200xi32>
    %eq3A_414 = arith.cmpi eq, %iota3A, %eq3A_413 : vector<200x200xi32>
    %convert_element_type3A_415 = arith.extui %eq3A_414 : vector<200x200xi1> to vector<200x200xi32>
    %convert_element_type3A_416 = arith.sitofp %convert_element_type3A_415 : vector<200x200xi32> to vector<200x200xf32>
    %eq3A_417 = vector.broadcast %get3A_408 : vector<1x200xi32> to vector<8x200xi32>
    %eq3A_418 = arith.cmpi eq, %iota3A_5, %eq3A_417 : vector<8x200xi32>
    %convert_element_type3A_419 = arith.extui %eq3A_418 : vector<8x200xi1> to vector<8x200xi32>
    %convert_element_type3A_420 = arith.sitofp %convert_element_type3A_419 : vector<8x200xi32> to vector<8x200xf32>
    %mul3A_421 = vector.broadcast %div3A_4 : vector<8x1xf32> to vector<8x200xf32>
    %mul3A_422 = arith.mulf %convert_element_type3A_420, %mul3A_421 : vector<8x200xf32>
    %reduce_sum3A_423 = arith.constant dense<0.000000e+00> : vector<200xf32>
    %reduce_sum3A_424 = vector.multi_reduction <add>, %mul3A_422, %reduce_sum3A_423 [0] : vector<8x200xf32> to vector<200xf32>
    %broadcast_in_dim3A_425 = vector.shape_cast %reduce_sum3A_424 : vector<200xf32> to vector<1x200xf32>
    %mul3A_426 = vector.broadcast %broadcast_in_dim3A_425 : vector<1x200xf32> to vector<200x200xf32>
    %mul3A_427 = arith.mulf %convert_element_type3A_416, %mul3A_426 : vector<200x200xf32>
    %dot_general3A_428 = arith.constant dense<0.000000e+00> : vector<200x200xf32>
    %dot_general3A_429 = tpu.matmul %mul3A_427, %convert_element_type3A_412, %dot_general3A_428 {dimension_numbers = #tpu.dot_dimension_numbers<[1], [1], [0], [0], [0, 0, 1, 0], [], []>, transpose_lhs_hint = false} : vector<200x200xf32>, vector<200x200xf32>, vector<200x200xf32> -> vector<200x200xf32>
    %get3A_430 = arith.constant 13 : index
    %get3A_431 = arith.constant 0 : index
    %get3A_432 = arith.constant 0 : index
    %get3A_433 = vector.load %arg2[%get3A_430, %get3A_431, %get3A_432] : memref<25x2x200xi32, #tpu.memory_space<vmem>>, vector<1x2x200xi32>
    %get3A_434 = vector.shape_cast %get3A_433 : vector<1x2x200xi32> to vector<2x200xi32>
    %slice3A_435 = vector.extract_strided_slice %get3A_434 {offsets = [0, 0], sizes = [1, 200], strides = [1, 1]} : vector<2x200xi32> to vector<1x200xi32>
    %slice3A_436 = vector.extract_strided_slice %get3A_434 {offsets = [1, 0], sizes = [1, 200], strides = [1, 1]} : vector<2x200xi32> to vector<1x200xi32>
    %get3A_437 = arith.constant 13 : index
    %get3A_438 = arith.constant 0 : index
    %get3A_439 = arith.constant 0 : index
    %get3A_440 = vector.load %arg3[%get3A_437, %get3A_438, %get3A_439] : memref<25x1x200xi32, #tpu.memory_space<vmem>>, vector<1x1x200xi32>
    %get3A_441 = vector.shape_cast %get3A_440 : vector<1x1x200xi32> to vector<1x200xi32>
    %eq3A_442 = vector.broadcast %slice3A_435 : vector<1x200xi32> to vector<200x200xi32>
    %eq3A_443 = arith.cmpi eq, %iota3A, %eq3A_442 : vector<200x200xi32>
    %convert_element_type3A_444 = arith.extui %eq3A_443 : vector<200x200xi1> to vector<200x200xi32>
    %convert_element_type3A_445 = arith.sitofp %convert_element_type3A_444 : vector<200x200xi32> to vector<200x200xf32>
    %eq3A_446 = vector.broadcast %slice3A_436 : vector<1x200xi32> to vector<200x200xi32>
    %eq3A_447 = arith.cmpi eq, %iota3A, %eq3A_446 : vector<200x200xi32>
    %convert_element_type3A_448 = arith.extui %eq3A_447 : vector<200x200xi1> to vector<200x200xi32>
    %convert_element_type3A_449 = arith.sitofp %convert_element_type3A_448 : vector<200x200xi32> to vector<200x200xf32>
    %eq3A_450 = vector.broadcast %get3A_441 : vector<1x200xi32> to vector<8x200xi32>
    %eq3A_451 = arith.cmpi eq, %iota3A_5, %eq3A_450 : vector<8x200xi32>
    %convert_element_type3A_452 = arith.extui %eq3A_451 : vector<8x200xi1> to vector<8x200xi32>
    %convert_element_type3A_453 = arith.sitofp %convert_element_type3A_452 : vector<8x200xi32> to vector<8x200xf32>
    %mul3A_454 = vector.broadcast %div3A_4 : vector<8x1xf32> to vector<8x200xf32>
    %mul3A_455 = arith.mulf %convert_element_type3A_453, %mul3A_454 : vector<8x200xf32>
    %reduce_sum3A_456 = arith.constant dense<0.000000e+00> : vector<200xf32>
    %reduce_sum3A_457 = vector.multi_reduction <add>, %mul3A_455, %reduce_sum3A_456 [0] : vector<8x200xf32> to vector<200xf32>
    %broadcast_in_dim3A_458 = vector.shape_cast %reduce_sum3A_457 : vector<200xf32> to vector<1x200xf32>
    %mul3A_459 = vector.broadcast %broadcast_in_dim3A_458 : vector<1x200xf32> to vector<200x200xf32>
    %mul3A_460 = arith.mulf %convert_element_type3A_449, %mul3A_459 : vector<200x200xf32>
    %dot_general3A_461 = arith.constant dense<0.000000e+00> : vector<200x200xf32>
    %dot_general3A_462 = tpu.matmul %mul3A_460, %convert_element_type3A_445, %dot_general3A_461 {dimension_numbers = #tpu.dot_dimension_numbers<[1], [1], [0], [0], [0, 0, 1, 0], [], []>, transpose_lhs_hint = false} : vector<200x200xf32>, vector<200x200xf32>, vector<200x200xf32> -> vector<200x200xf32>
    %get3A_463 = arith.constant 14 : index
    %get3A_464 = arith.constant 0 : index
    %get3A_465 = arith.constant 0 : index
    %get3A_466 = vector.load %arg2[%get3A_463, %get3A_464, %get3A_465] : memref<25x2x200xi32, #tpu.memory_space<vmem>>, vector<1x2x200xi32>
    %get3A_467 = vector.shape_cast %get3A_466 : vector<1x2x200xi32> to vector<2x200xi32>
    %slice3A_468 = vector.extract_strided_slice %get3A_467 {offsets = [0, 0], sizes = [1, 200], strides = [1, 1]} : vector<2x200xi32> to vector<1x200xi32>
    %slice3A_469 = vector.extract_strided_slice %get3A_467 {offsets = [1, 0], sizes = [1, 200], strides = [1, 1]} : vector<2x200xi32> to vector<1x200xi32>
    %get3A_470 = arith.constant 14 : index
    %get3A_471 = arith.constant 0 : index
    %get3A_472 = arith.constant 0 : index
    %get3A_473 = vector.load %arg3[%get3A_470, %get3A_471, %get3A_472] : memref<25x1x200xi32, #tpu.memory_space<vmem>>, vector<1x1x200xi32>
    %get3A_474 = vector.shape_cast %get3A_473 : vector<1x1x200xi32> to vector<1x200xi32>
    %eq3A_475 = vector.broadcast %slice3A_468 : vector<1x200xi32> to vector<200x200xi32>
    %eq3A_476 = arith.cmpi eq, %iota3A, %eq3A_475 : vector<200x200xi32>
    %convert_element_type3A_477 = arith.extui %eq3A_476 : vector<200x200xi1> to vector<200x200xi32>
    %convert_element_type3A_478 = arith.sitofp %convert_element_type3A_477 : vector<200x200xi32> to vector<200x200xf32>
    %eq3A_479 = vector.broadcast %slice3A_469 : vector<1x200xi32> to vector<200x200xi32>
    %eq3A_480 = arith.cmpi eq, %iota3A, %eq3A_479 : vector<200x200xi32>
    %convert_element_type3A_481 = arith.extui %eq3A_480 : vector<200x200xi1> to vector<200x200xi32>
    %convert_element_type3A_482 = arith.sitofp %convert_element_type3A_481 : vector<200x200xi32> to vector<200x200xf32>
    %eq3A_483 = vector.broadcast %get3A_474 : vector<1x200xi32> to vector<8x200xi32>
    %eq3A_484 = arith.cmpi eq, %iota3A_5, %eq3A_483 : vector<8x200xi32>
    %convert_element_type3A_485 = arith.extui %eq3A_484 : vector<8x200xi1> to vector<8x200xi32>
    %convert_element_type3A_486 = arith.sitofp %convert_element_type3A_485 : vector<8x200xi32> to vector<8x200xf32>
    %mul3A_487 = vector.broadcast %div3A_4 : vector<8x1xf32> to vector<8x200xf32>
    %mul3A_488 = arith.mulf %convert_element_type3A_486, %mul3A_487 : vector<8x200xf32>
    %reduce_sum3A_489 = arith.constant dense<0.000000e+00> : vector<200xf32>
    %reduce_sum3A_490 = vector.multi_reduction <add>, %mul3A_488, %reduce_sum3A_489 [0] : vector<8x200xf32> to vector<200xf32>
    %broadcast_in_dim3A_491 = vector.shape_cast %reduce_sum3A_490 : vector<200xf32> to vector<1x200xf32>
    %mul3A_492 = vector.broadcast %broadcast_in_dim3A_491 : vector<1x200xf32> to vector<200x200xf32>
    %mul3A_493 = arith.mulf %convert_element_type3A_482, %mul3A_492 : vector<200x200xf32>
    %dot_general3A_494 = arith.constant dense<0.000000e+00> : vector<200x200xf32>
    %dot_general3A_495 = tpu.matmul %mul3A_493, %convert_element_type3A_478, %dot_general3A_494 {dimension_numbers = #tpu.dot_dimension_numbers<[1], [1], [0], [0], [0, 0, 1, 0], [], []>, transpose_lhs_hint = false} : vector<200x200xf32>, vector<200x200xf32>, vector<200x200xf32> -> vector<200x200xf32>
    %get3A_496 = arith.constant 15 : index
    %get3A_497 = arith.constant 0 : index
    %get3A_498 = arith.constant 0 : index
    %get3A_499 = vector.load %arg2[%get3A_496, %get3A_497, %get3A_498] : memref<25x2x200xi32, #tpu.memory_space<vmem>>, vector<1x2x200xi32>
    %get3A_500 = vector.shape_cast %get3A_499 : vector<1x2x200xi32> to vector<2x200xi32>
    %slice3A_501 = vector.extract_strided_slice %get3A_500 {offsets = [0, 0], sizes = [1, 200], strides = [1, 1]} : vector<2x200xi32> to vector<1x200xi32>
    %slice3A_502 = vector.extract_strided_slice %get3A_500 {offsets = [1, 0], sizes = [1, 200], strides = [1, 1]} : vector<2x200xi32> to vector<1x200xi32>
    %get3A_503 = arith.constant 15 : index
    %get3A_504 = arith.constant 0 : index
    %get3A_505 = arith.constant 0 : index
    %get3A_506 = vector.load %arg3[%get3A_503, %get3A_504, %get3A_505] : memref<25x1x200xi32, #tpu.memory_space<vmem>>, vector<1x1x200xi32>
    %get3A_507 = vector.shape_cast %get3A_506 : vector<1x1x200xi32> to vector<1x200xi32>
    %eq3A_508 = vector.broadcast %slice3A_501 : vector<1x200xi32> to vector<200x200xi32>
    %eq3A_509 = arith.cmpi eq, %iota3A, %eq3A_508 : vector<200x200xi32>
    %convert_element_type3A_510 = arith.extui %eq3A_509 : vector<200x200xi1> to vector<200x200xi32>
    %convert_element_type3A_511 = arith.sitofp %convert_element_type3A_510 : vector<200x200xi32> to vector<200x200xf32>
    %eq3A_512 = vector.broadcast %slice3A_502 : vector<1x200xi32> to vector<200x200xi32>
    %eq3A_513 = arith.cmpi eq, %iota3A, %eq3A_512 : vector<200x200xi32>
    %convert_element_type3A_514 = arith.extui %eq3A_513 : vector<200x200xi1> to vector<200x200xi32>
    %convert_element_type3A_515 = arith.sitofp %convert_element_type3A_514 : vector<200x200xi32> to vector<200x200xf32>
    %eq3A_516 = vector.broadcast %get3A_507 : vector<1x200xi32> to vector<8x200xi32>
    %eq3A_517 = arith.cmpi eq, %iota3A_5, %eq3A_516 : vector<8x200xi32>
    %convert_element_type3A_518 = arith.extui %eq3A_517 : vector<8x200xi1> to vector<8x200xi32>
    %convert_element_type3A_519 = arith.sitofp %convert_element_type3A_518 : vector<8x200xi32> to vector<8x200xf32>
    %mul3A_520 = vector.broadcast %div3A_4 : vector<8x1xf32> to vector<8x200xf32>
    %mul3A_521 = arith.mulf %convert_element_type3A_519, %mul3A_520 : vector<8x200xf32>
    %reduce_sum3A_522 = arith.constant dense<0.000000e+00> : vector<200xf32>
    %reduce_sum3A_523 = vector.multi_reduction <add>, %mul3A_521, %reduce_sum3A_522 [0] : vector<8x200xf32> to vector<200xf32>
    %broadcast_in_dim3A_524 = vector.shape_cast %reduce_sum3A_523 : vector<200xf32> to vector<1x200xf32>
    %mul3A_525 = vector.broadcast %broadcast_in_dim3A_524 : vector<1x200xf32> to vector<200x200xf32>
    %mul3A_526 = arith.mulf %convert_element_type3A_515, %mul3A_525 : vector<200x200xf32>
    %dot_general3A_527 = arith.constant dense<0.000000e+00> : vector<200x200xf32>
    %dot_general3A_528 = tpu.matmul %mul3A_526, %convert_element_type3A_511, %dot_general3A_527 {dimension_numbers = #tpu.dot_dimension_numbers<[1], [1], [0], [0], [0, 0, 1, 0], [], []>, transpose_lhs_hint = false} : vector<200x200xf32>, vector<200x200xf32>, vector<200x200xf32> -> vector<200x200xf32>
    %get3A_529 = arith.constant 16 : index
    %get3A_530 = arith.constant 0 : index
    %get3A_531 = arith.constant 0 : index
    %get3A_532 = vector.load %arg2[%get3A_529, %get3A_530, %get3A_531] : memref<25x2x200xi32, #tpu.memory_space<vmem>>, vector<1x2x200xi32>
    %get3A_533 = vector.shape_cast %get3A_532 : vector<1x2x200xi32> to vector<2x200xi32>
    %slice3A_534 = vector.extract_strided_slice %get3A_533 {offsets = [0, 0], sizes = [1, 200], strides = [1, 1]} : vector<2x200xi32> to vector<1x200xi32>
    %slice3A_535 = vector.extract_strided_slice %get3A_533 {offsets = [1, 0], sizes = [1, 200], strides = [1, 1]} : vector<2x200xi32> to vector<1x200xi32>
    %get3A_536 = arith.constant 16 : index
    %get3A_537 = arith.constant 0 : index
    %get3A_538 = arith.constant 0 : index
    %get3A_539 = vector.load %arg3[%get3A_536, %get3A_537, %get3A_538] : memref<25x1x200xi32, #tpu.memory_space<vmem>>, vector<1x1x200xi32>
    %get3A_540 = vector.shape_cast %get3A_539 : vector<1x1x200xi32> to vector<1x200xi32>
    %eq3A_541 = vector.broadcast %slice3A_534 : vector<1x200xi32> to vector<200x200xi32>
    %eq3A_542 = arith.cmpi eq, %iota3A, %eq3A_541 : vector<200x200xi32>
    %convert_element_type3A_543 = arith.extui %eq3A_542 : vector<200x200xi1> to vector<200x200xi32>
    %convert_element_type3A_544 = arith.sitofp %convert_element_type3A_543 : vector<200x200xi32> to vector<200x200xf32>
    %eq3A_545 = vector.broadcast %slice3A_535 : vector<1x200xi32> to vector<200x200xi32>
    %eq3A_546 = arith.cmpi eq, %iota3A, %eq3A_545 : vector<200x200xi32>
    %convert_element_type3A_547 = arith.extui %eq3A_546 : vector<200x200xi1> to vector<200x200xi32>
    %convert_element_type3A_548 = arith.sitofp %convert_element_type3A_547 : vector<200x200xi32> to vector<200x200xf32>
    %eq3A_549 = vector.broadcast %get3A_540 : vector<1x200xi32> to vector<8x200xi32>
    %eq3A_550 = arith.cmpi eq, %iota3A_5, %eq3A_549 : vector<8x200xi32>
    %convert_element_type3A_551 = arith.extui %eq3A_550 : vector<8x200xi1> to vector<8x200xi32>
    %convert_element_type3A_552 = arith.sitofp %convert_element_type3A_551 : vector<8x200xi32> to vector<8x200xf32>
    %mul3A_553 = vector.broadcast %div3A_4 : vector<8x1xf32> to vector<8x200xf32>
    %mul3A_554 = arith.mulf %convert_element_type3A_552, %mul3A_553 : vector<8x200xf32>
    %reduce_sum3A_555 = arith.constant dense<0.000000e+00> : vector<200xf32>
    %reduce_sum3A_556 = vector.multi_reduction <add>, %mul3A_554, %reduce_sum3A_555 [0] : vector<8x200xf32> to vector<200xf32>
    %broadcast_in_dim3A_557 = vector.shape_cast %reduce_sum3A_556 : vector<200xf32> to vector<1x200xf32>
    %mul3A_558 = vector.broadcast %broadcast_in_dim3A_557 : vector<1x200xf32> to vector<200x200xf32>
    %mul3A_559 = arith.mulf %convert_element_type3A_548, %mul3A_558 : vector<200x200xf32>
    %dot_general3A_560 = arith.constant dense<0.000000e+00> : vector<200x200xf32>
    %dot_general3A_561 = tpu.matmul %mul3A_559, %convert_element_type3A_544, %dot_general3A_560 {dimension_numbers = #tpu.dot_dimension_numbers<[1], [1], [0], [0], [0, 0, 1, 0], [], []>, transpose_lhs_hint = false} : vector<200x200xf32>, vector<200x200xf32>, vector<200x200xf32> -> vector<200x200xf32>
    %get3A_562 = arith.constant 17 : index
    %get3A_563 = arith.constant 0 : index
    %get3A_564 = arith.constant 0 : index
    %get3A_565 = vector.load %arg2[%get3A_562, %get3A_563, %get3A_564] : memref<25x2x200xi32, #tpu.memory_space<vmem>>, vector<1x2x200xi32>
    %get3A_566 = vector.shape_cast %get3A_565 : vector<1x2x200xi32> to vector<2x200xi32>
    %slice3A_567 = vector.extract_strided_slice %get3A_566 {offsets = [0, 0], sizes = [1, 200], strides = [1, 1]} : vector<2x200xi32> to vector<1x200xi32>
    %slice3A_568 = vector.extract_strided_slice %get3A_566 {offsets = [1, 0], sizes = [1, 200], strides = [1, 1]} : vector<2x200xi32> to vector<1x200xi32>
    %get3A_569 = arith.constant 17 : index
    %get3A_570 = arith.constant 0 : index
    %get3A_571 = arith.constant 0 : index
    %get3A_572 = vector.load %arg3[%get3A_569, %get3A_570, %get3A_571] : memref<25x1x200xi32, #tpu.memory_space<vmem>>, vector<1x1x200xi32>
    %get3A_573 = vector.shape_cast %get3A_572 : vector<1x1x200xi32> to vector<1x200xi32>
    %eq3A_574 = vector.broadcast %slice3A_567 : vector<1x200xi32> to vector<200x200xi32>
    %eq3A_575 = arith.cmpi eq, %iota3A, %eq3A_574 : vector<200x200xi32>
    %convert_element_type3A_576 = arith.extui %eq3A_575 : vector<200x200xi1> to vector<200x200xi32>
    %convert_element_type3A_577 = arith.sitofp %convert_element_type3A_576 : vector<200x200xi32> to vector<200x200xf32>
    %eq3A_578 = vector.broadcast %slice3A_568 : vector<1x200xi32> to vector<200x200xi32>
    %eq3A_579 = arith.cmpi eq, %iota3A, %eq3A_578 : vector<200x200xi32>
    %convert_element_type3A_580 = arith.extui %eq3A_579 : vector<200x200xi1> to vector<200x200xi32>
    %convert_element_type3A_581 = arith.sitofp %convert_element_type3A_580 : vector<200x200xi32> to vector<200x200xf32>
    %eq3A_582 = vector.broadcast %get3A_573 : vector<1x200xi32> to vector<8x200xi32>
    %eq3A_583 = arith.cmpi eq, %iota3A_5, %eq3A_582 : vector<8x200xi32>
    %convert_element_type3A_584 = arith.extui %eq3A_583 : vector<8x200xi1> to vector<8x200xi32>
    %convert_element_type3A_585 = arith.sitofp %convert_element_type3A_584 : vector<8x200xi32> to vector<8x200xf32>
    %mul3A_586 = vector.broadcast %div3A_4 : vector<8x1xf32> to vector<8x200xf32>
    %mul3A_587 = arith.mulf %convert_element_type3A_585, %mul3A_586 : vector<8x200xf32>
    %reduce_sum3A_588 = arith.constant dense<0.000000e+00> : vector<200xf32>
    %reduce_sum3A_589 = vector.multi_reduction <add>, %mul3A_587, %reduce_sum3A_588 [0] : vector<8x200xf32> to vector<200xf32>
    %broadcast_in_dim3A_590 = vector.shape_cast %reduce_sum3A_589 : vector<200xf32> to vector<1x200xf32>
    %mul3A_591 = vector.broadcast %broadcast_in_dim3A_590 : vector<1x200xf32> to vector<200x200xf32>
    %mul3A_592 = arith.mulf %convert_element_type3A_581, %mul3A_591 : vector<200x200xf32>
    %dot_general3A_593 = arith.constant dense<0.000000e+00> : vector<200x200xf32>
    %dot_general3A_594 = tpu.matmul %mul3A_592, %convert_element_type3A_577, %dot_general3A_593 {dimension_numbers = #tpu.dot_dimension_numbers<[1], [1], [0], [0], [0, 0, 1, 0], [], []>, transpose_lhs_hint = false} : vector<200x200xf32>, vector<200x200xf32>, vector<200x200xf32> -> vector<200x200xf32>
    %get3A_595 = arith.constant 18 : index
    %get3A_596 = arith.constant 0 : index
    %get3A_597 = arith.constant 0 : index
    %get3A_598 = vector.load %arg2[%get3A_595, %get3A_596, %get3A_597] : memref<25x2x200xi32, #tpu.memory_space<vmem>>, vector<1x2x200xi32>
    %get3A_599 = vector.shape_cast %get3A_598 : vector<1x2x200xi32> to vector<2x200xi32>
    %slice3A_600 = vector.extract_strided_slice %get3A_599 {offsets = [0, 0], sizes = [1, 200], strides = [1, 1]} : vector<2x200xi32> to vector<1x200xi32>
    %slice3A_601 = vector.extract_strided_slice %get3A_599 {offsets = [1, 0], sizes = [1, 200], strides = [1, 1]} : vector<2x200xi32> to vector<1x200xi32>
    %get3A_602 = arith.constant 18 : index
    %get3A_603 = arith.constant 0 : index
    %get3A_604 = arith.constant 0 : index
    %get3A_605 = vector.load %arg3[%get3A_602, %get3A_603, %get3A_604] : memref<25x1x200xi32, #tpu.memory_space<vmem>>, vector<1x1x200xi32>
    %get3A_606 = vector.shape_cast %get3A_605 : vector<1x1x200xi32> to vector<1x200xi32>
    %eq3A_607 = vector.broadcast %slice3A_600 : vector<1x200xi32> to vector<200x200xi32>
    %eq3A_608 = arith.cmpi eq, %iota3A, %eq3A_607 : vector<200x200xi32>
    %convert_element_type3A_609 = arith.extui %eq3A_608 : vector<200x200xi1> to vector<200x200xi32>
    %convert_element_type3A_610 = arith.sitofp %convert_element_type3A_609 : vector<200x200xi32> to vector<200x200xf32>
    %eq3A_611 = vector.broadcast %slice3A_601 : vector<1x200xi32> to vector<200x200xi32>
    %eq3A_612 = arith.cmpi eq, %iota3A, %eq3A_611 : vector<200x200xi32>
    %convert_element_type3A_613 = arith.extui %eq3A_612 : vector<200x200xi1> to vector<200x200xi32>
    %convert_element_type3A_614 = arith.sitofp %convert_element_type3A_613 : vector<200x200xi32> to vector<200x200xf32>
    %eq3A_615 = vector.broadcast %get3A_606 : vector<1x200xi32> to vector<8x200xi32>
    %eq3A_616 = arith.cmpi eq, %iota3A_5, %eq3A_615 : vector<8x200xi32>
    %convert_element_type3A_617 = arith.extui %eq3A_616 : vector<8x200xi1> to vector<8x200xi32>
    %convert_element_type3A_618 = arith.sitofp %convert_element_type3A_617 : vector<8x200xi32> to vector<8x200xf32>
    %mul3A_619 = vector.broadcast %div3A_4 : vector<8x1xf32> to vector<8x200xf32>
    %mul3A_620 = arith.mulf %convert_element_type3A_618, %mul3A_619 : vector<8x200xf32>
    %reduce_sum3A_621 = arith.constant dense<0.000000e+00> : vector<200xf32>
    %reduce_sum3A_622 = vector.multi_reduction <add>, %mul3A_620, %reduce_sum3A_621 [0] : vector<8x200xf32> to vector<200xf32>
    %broadcast_in_dim3A_623 = vector.shape_cast %reduce_sum3A_622 : vector<200xf32> to vector<1x200xf32>
    %mul3A_624 = vector.broadcast %broadcast_in_dim3A_623 : vector<1x200xf32> to vector<200x200xf32>
    %mul3A_625 = arith.mulf %convert_element_type3A_614, %mul3A_624 : vector<200x200xf32>
    %dot_general3A_626 = arith.constant dense<0.000000e+00> : vector<200x200xf32>
    %dot_general3A_627 = tpu.matmul %mul3A_625, %convert_element_type3A_610, %dot_general3A_626 {dimension_numbers = #tpu.dot_dimension_numbers<[1], [1], [0], [0], [0, 0, 1, 0], [], []>, transpose_lhs_hint = false} : vector<200x200xf32>, vector<200x200xf32>, vector<200x200xf32> -> vector<200x200xf32>
    %get3A_628 = arith.constant 19 : index
    %get3A_629 = arith.constant 0 : index
    %get3A_630 = arith.constant 0 : index
    %get3A_631 = vector.load %arg2[%get3A_628, %get3A_629, %get3A_630] : memref<25x2x200xi32, #tpu.memory_space<vmem>>, vector<1x2x200xi32>
    %get3A_632 = vector.shape_cast %get3A_631 : vector<1x2x200xi32> to vector<2x200xi32>
    %slice3A_633 = vector.extract_strided_slice %get3A_632 {offsets = [0, 0], sizes = [1, 200], strides = [1, 1]} : vector<2x200xi32> to vector<1x200xi32>
    %slice3A_634 = vector.extract_strided_slice %get3A_632 {offsets = [1, 0], sizes = [1, 200], strides = [1, 1]} : vector<2x200xi32> to vector<1x200xi32>
    %get3A_635 = arith.constant 19 : index
    %get3A_636 = arith.constant 0 : index
    %get3A_637 = arith.constant 0 : index
    %get3A_638 = vector.load %arg3[%get3A_635, %get3A_636, %get3A_637] : memref<25x1x200xi32, #tpu.memory_space<vmem>>, vector<1x1x200xi32>
    %get3A_639 = vector.shape_cast %get3A_638 : vector<1x1x200xi32> to vector<1x200xi32>
    %eq3A_640 = vector.broadcast %slice3A_633 : vector<1x200xi32> to vector<200x200xi32>
    %eq3A_641 = arith.cmpi eq, %iota3A, %eq3A_640 : vector<200x200xi32>
    %convert_element_type3A_642 = arith.extui %eq3A_641 : vector<200x200xi1> to vector<200x200xi32>
    %convert_element_type3A_643 = arith.sitofp %convert_element_type3A_642 : vector<200x200xi32> to vector<200x200xf32>
    %eq3A_644 = vector.broadcast %slice3A_634 : vector<1x200xi32> to vector<200x200xi32>
    %eq3A_645 = arith.cmpi eq, %iota3A, %eq3A_644 : vector<200x200xi32>
    %convert_element_type3A_646 = arith.extui %eq3A_645 : vector<200x200xi1> to vector<200x200xi32>
    %convert_element_type3A_647 = arith.sitofp %convert_element_type3A_646 : vector<200x200xi32> to vector<200x200xf32>
    %eq3A_648 = vector.broadcast %get3A_639 : vector<1x200xi32> to vector<8x200xi32>
    %eq3A_649 = arith.cmpi eq, %iota3A_5, %eq3A_648 : vector<8x200xi32>
    %convert_element_type3A_650 = arith.extui %eq3A_649 : vector<8x200xi1> to vector<8x200xi32>
    %convert_element_type3A_651 = arith.sitofp %convert_element_type3A_650 : vector<8x200xi32> to vector<8x200xf32>
    %mul3A_652 = vector.broadcast %div3A_4 : vector<8x1xf32> to vector<8x200xf32>
    %mul3A_653 = arith.mulf %convert_element_type3A_651, %mul3A_652 : vector<8x200xf32>
    %reduce_sum3A_654 = arith.constant dense<0.000000e+00> : vector<200xf32>
    %reduce_sum3A_655 = vector.multi_reduction <add>, %mul3A_653, %reduce_sum3A_654 [0] : vector<8x200xf32> to vector<200xf32>
    %broadcast_in_dim3A_656 = vector.shape_cast %reduce_sum3A_655 : vector<200xf32> to vector<1x200xf32>
    %mul3A_657 = vector.broadcast %broadcast_in_dim3A_656 : vector<1x200xf32> to vector<200x200xf32>
    %mul3A_658 = arith.mulf %convert_element_type3A_647, %mul3A_657 : vector<200x200xf32>
    %dot_general3A_659 = arith.constant dense<0.000000e+00> : vector<200x200xf32>
    %dot_general3A_660 = tpu.matmul %mul3A_658, %convert_element_type3A_643, %dot_general3A_659 {dimension_numbers = #tpu.dot_dimension_numbers<[1], [1], [0], [0], [0, 0, 1, 0], [], []>, transpose_lhs_hint = false} : vector<200x200xf32>, vector<200x200xf32>, vector<200x200xf32> -> vector<200x200xf32>
    %get3A_661 = arith.constant 20 : index
    %get3A_662 = arith.constant 0 : index
    %get3A_663 = arith.constant 0 : index
    %get3A_664 = vector.load %arg2[%get3A_661, %get3A_662, %get3A_663] : memref<25x2x200xi32, #tpu.memory_space<vmem>>, vector<1x2x200xi32>
    %get3A_665 = vector.shape_cast %get3A_664 : vector<1x2x200xi32> to vector<2x200xi32>
    %slice3A_666 = vector.extract_strided_slice %get3A_665 {offsets = [0, 0], sizes = [1, 200], strides = [1, 1]} : vector<2x200xi32> to vector<1x200xi32>
    %slice3A_667 = vector.extract_strided_slice %get3A_665 {offsets = [1, 0], sizes = [1, 200], strides = [1, 1]} : vector<2x200xi32> to vector<1x200xi32>
    %get3A_668 = arith.constant 20 : index
    %get3A_669 = arith.constant 0 : index
    %get3A_670 = arith.constant 0 : index
    %get3A_671 = vector.load %arg3[%get3A_668, %get3A_669, %get3A_670] : memref<25x1x200xi32, #tpu.memory_space<vmem>>, vector<1x1x200xi32>
    %get3A_672 = vector.shape_cast %get3A_671 : vector<1x1x200xi32> to vector<1x200xi32>
    %eq3A_673 = vector.broadcast %slice3A_666 : vector<1x200xi32> to vector<200x200xi32>
    %eq3A_674 = arith.cmpi eq, %iota3A, %eq3A_673 : vector<200x200xi32>
    %convert_element_type3A_675 = arith.extui %eq3A_674 : vector<200x200xi1> to vector<200x200xi32>
    %convert_element_type3A_676 = arith.sitofp %convert_element_type3A_675 : vector<200x200xi32> to vector<200x200xf32>
    %eq3A_677 = vector.broadcast %slice3A_667 : vector<1x200xi32> to vector<200x200xi32>
    %eq3A_678 = arith.cmpi eq, %iota3A, %eq3A_677 : vector<200x200xi32>
    %convert_element_type3A_679 = arith.extui %eq3A_678 : vector<200x200xi1> to vector<200x200xi32>
    %convert_element_type3A_680 = arith.sitofp %convert_element_type3A_679 : vector<200x200xi32> to vector<200x200xf32>
    %eq3A_681 = vector.broadcast %get3A_672 : vector<1x200xi32> to vector<8x200xi32>
    %eq3A_682 = arith.cmpi eq, %iota3A_5, %eq3A_681 : vector<8x200xi32>
    %convert_element_type3A_683 = arith.extui %eq3A_682 : vector<8x200xi1> to vector<8x200xi32>
    %convert_element_type3A_684 = arith.sitofp %convert_element_type3A_683 : vector<8x200xi32> to vector<8x200xf32>
    %mul3A_685 = vector.broadcast %div3A_4 : vector<8x1xf32> to vector<8x200xf32>
    %mul3A_686 = arith.mulf %convert_element_type3A_684, %mul3A_685 : vector<8x200xf32>
    %reduce_sum3A_687 = arith.constant dense<0.000000e+00> : vector<200xf32>
    %reduce_sum3A_688 = vector.multi_reduction <add>, %mul3A_686, %reduce_sum3A_687 [0] : vector<8x200xf32> to vector<200xf32>
    %broadcast_in_dim3A_689 = vector.shape_cast %reduce_sum3A_688 : vector<200xf32> to vector<1x200xf32>
    %mul3A_690 = vector.broadcast %broadcast_in_dim3A_689 : vector<1x200xf32> to vector<200x200xf32>
    %mul3A_691 = arith.mulf %convert_element_type3A_680, %mul3A_690 : vector<200x200xf32>
    %dot_general3A_692 = arith.constant dense<0.000000e+00> : vector<200x200xf32>
    %dot_general3A_693 = tpu.matmul %mul3A_691, %convert_element_type3A_676, %dot_general3A_692 {dimension_numbers = #tpu.dot_dimension_numbers<[1], [1], [0], [0], [0, 0, 1, 0], [], []>, transpose_lhs_hint = false} : vector<200x200xf32>, vector<200x200xf32>, vector<200x200xf32> -> vector<200x200xf32>
    %get3A_694 = arith.constant 21 : index
    %get3A_695 = arith.constant 0 : index
    %get3A_696 = arith.constant 0 : index
    %get3A_697 = vector.load %arg2[%get3A_694, %get3A_695, %get3A_696] : memref<25x2x200xi32, #tpu.memory_space<vmem>>, vector<1x2x200xi32>
    %get3A_698 = vector.shape_cast %get3A_697 : vector<1x2x200xi32> to vector<2x200xi32>
    %slice3A_699 = vector.extract_strided_slice %get3A_698 {offsets = [0, 0], sizes = [1, 200], strides = [1, 1]} : vector<2x200xi32> to vector<1x200xi32>
    %slice3A_700 = vector.extract_strided_slice %get3A_698 {offsets = [1, 0], sizes = [1, 200], strides = [1, 1]} : vector<2x200xi32> to vector<1x200xi32>
    %get3A_701 = arith.constant 21 : index
    %get3A_702 = arith.constant 0 : index
    %get3A_703 = arith.constant 0 : index
    %get3A_704 = vector.load %arg3[%get3A_701, %get3A_702, %get3A_703] : memref<25x1x200xi32, #tpu.memory_space<vmem>>, vector<1x1x200xi32>
    %get3A_705 = vector.shape_cast %get3A_704 : vector<1x1x200xi32> to vector<1x200xi32>
    %eq3A_706 = vector.broadcast %slice3A_699 : vector<1x200xi32> to vector<200x200xi32>
    %eq3A_707 = arith.cmpi eq, %iota3A, %eq3A_706 : vector<200x200xi32>
    %convert_element_type3A_708 = arith.extui %eq3A_707 : vector<200x200xi1> to vector<200x200xi32>
    %convert_element_type3A_709 = arith.sitofp %convert_element_type3A_708 : vector<200x200xi32> to vector<200x200xf32>
    %eq3A_710 = vector.broadcast %slice3A_700 : vector<1x200xi32> to vector<200x200xi32>
    %eq3A_711 = arith.cmpi eq, %iota3A, %eq3A_710 : vector<200x200xi32>
    %convert_element_type3A_712 = arith.extui %eq3A_711 : vector<200x200xi1> to vector<200x200xi32>
    %convert_element_type3A_713 = arith.sitofp %convert_element_type3A_712 : vector<200x200xi32> to vector<200x200xf32>
    %eq3A_714 = vector.broadcast %get3A_705 : vector<1x200xi32> to vector<8x200xi32>
    %eq3A_715 = arith.cmpi eq, %iota3A_5, %eq3A_714 : vector<8x200xi32>
    %convert_element_type3A_716 = arith.extui %eq3A_715 : vector<8x200xi1> to vector<8x200xi32>
    %convert_element_type3A_717 = arith.sitofp %convert_element_type3A_716 : vector<8x200xi32> to vector<8x200xf32>
    %mul3A_718 = vector.broadcast %div3A_4 : vector<8x1xf32> to vector<8x200xf32>
    %mul3A_719 = arith.mulf %convert_element_type3A_717, %mul3A_718 : vector<8x200xf32>
    %reduce_sum3A_720 = arith.constant dense<0.000000e+00> : vector<200xf32>
    %reduce_sum3A_721 = vector.multi_reduction <add>, %mul3A_719, %reduce_sum3A_720 [0] : vector<8x200xf32> to vector<200xf32>
    %broadcast_in_dim3A_722 = vector.shape_cast %reduce_sum3A_721 : vector<200xf32> to vector<1x200xf32>
    %mul3A_723 = vector.broadcast %broadcast_in_dim3A_722 : vector<1x200xf32> to vector<200x200xf32>
    %mul3A_724 = arith.mulf %convert_element_type3A_713, %mul3A_723 : vector<200x200xf32>
    %dot_general3A_725 = arith.constant dense<0.000000e+00> : vector<200x200xf32>
    %dot_general3A_726 = tpu.matmul %mul3A_724, %convert_element_type3A_709, %dot_general3A_725 {dimension_numbers = #tpu.dot_dimension_numbers<[1], [1], [0], [0], [0, 0, 1, 0], [], []>, transpose_lhs_hint = false} : vector<200x200xf32>, vector<200x200xf32>, vector<200x200xf32> -> vector<200x200xf32>
    %get3A_727 = arith.constant 22 : index
    %get3A_728 = arith.constant 0 : index
    %get3A_729 = arith.constant 0 : index
    %get3A_730 = vector.load %arg2[%get3A_727, %get3A_728, %get3A_729] : memref<25x2x200xi32, #tpu.memory_space<vmem>>, vector<1x2x200xi32>
    %get3A_731 = vector.shape_cast %get3A_730 : vector<1x2x200xi32> to vector<2x200xi32>
    %slice3A_732 = vector.extract_strided_slice %get3A_731 {offsets = [0, 0], sizes = [1, 200], strides = [1, 1]} : vector<2x200xi32> to vector<1x200xi32>
    %slice3A_733 = vector.extract_strided_slice %get3A_731 {offsets = [1, 0], sizes = [1, 200], strides = [1, 1]} : vector<2x200xi32> to vector<1x200xi32>
    %get3A_734 = arith.constant 22 : index
    %get3A_735 = arith.constant 0 : index
    %get3A_736 = arith.constant 0 : index
    %get3A_737 = vector.load %arg3[%get3A_734, %get3A_735, %get3A_736] : memref<25x1x200xi32, #tpu.memory_space<vmem>>, vector<1x1x200xi32>
    %get3A_738 = vector.shape_cast %get3A_737 : vector<1x1x200xi32> to vector<1x200xi32>
    %eq3A_739 = vector.broadcast %slice3A_732 : vector<1x200xi32> to vector<200x200xi32>
    %eq3A_740 = arith.cmpi eq, %iota3A, %eq3A_739 : vector<200x200xi32>
    %convert_element_type3A_741 = arith.extui %eq3A_740 : vector<200x200xi1> to vector<200x200xi32>
    %convert_element_type3A_742 = arith.sitofp %convert_element_type3A_741 : vector<200x200xi32> to vector<200x200xf32>
    %eq3A_743 = vector.broadcast %slice3A_733 : vector<1x200xi32> to vector<200x200xi32>
    %eq3A_744 = arith.cmpi eq, %iota3A, %eq3A_743 : vector<200x200xi32>
    %convert_element_type3A_745 = arith.extui %eq3A_744 : vector<200x200xi1> to vector<200x200xi32>
    %convert_element_type3A_746 = arith.sitofp %convert_element_type3A_745 : vector<200x200xi32> to vector<200x200xf32>
    %eq3A_747 = vector.broadcast %get3A_738 : vector<1x200xi32> to vector<8x200xi32>
    %eq3A_748 = arith.cmpi eq, %iota3A_5, %eq3A_747 : vector<8x200xi32>
    %convert_element_type3A_749 = arith.extui %eq3A_748 : vector<8x200xi1> to vector<8x200xi32>
    %convert_element_type3A_750 = arith.sitofp %convert_element_type3A_749 : vector<8x200xi32> to vector<8x200xf32>
    %mul3A_751 = vector.broadcast %div3A_4 : vector<8x1xf32> to vector<8x200xf32>
    %mul3A_752 = arith.mulf %convert_element_type3A_750, %mul3A_751 : vector<8x200xf32>
    %reduce_sum3A_753 = arith.constant dense<0.000000e+00> : vector<200xf32>
    %reduce_sum3A_754 = vector.multi_reduction <add>, %mul3A_752, %reduce_sum3A_753 [0] : vector<8x200xf32> to vector<200xf32>
    %broadcast_in_dim3A_755 = vector.shape_cast %reduce_sum3A_754 : vector<200xf32> to vector<1x200xf32>
    %mul3A_756 = vector.broadcast %broadcast_in_dim3A_755 : vector<1x200xf32> to vector<200x200xf32>
    %mul3A_757 = arith.mulf %convert_element_type3A_746, %mul3A_756 : vector<200x200xf32>
    %dot_general3A_758 = arith.constant dense<0.000000e+00> : vector<200x200xf32>
    %dot_general3A_759 = tpu.matmul %mul3A_757, %convert_element_type3A_742, %dot_general3A_758 {dimension_numbers = #tpu.dot_dimension_numbers<[1], [1], [0], [0], [0, 0, 1, 0], [], []>, transpose_lhs_hint = false} : vector<200x200xf32>, vector<200x200xf32>, vector<200x200xf32> -> vector<200x200xf32>
    %get3A_760 = arith.constant 23 : index
    %get3A_761 = arith.constant 0 : index
    %get3A_762 = arith.constant 0 : index
    %get3A_763 = vector.load %arg2[%get3A_760, %get3A_761, %get3A_762] : memref<25x2x200xi32, #tpu.memory_space<vmem>>, vector<1x2x200xi32>
    %get3A_764 = vector.shape_cast %get3A_763 : vector<1x2x200xi32> to vector<2x200xi32>
    %slice3A_765 = vector.extract_strided_slice %get3A_764 {offsets = [0, 0], sizes = [1, 200], strides = [1, 1]} : vector<2x200xi32> to vector<1x200xi32>
    %slice3A_766 = vector.extract_strided_slice %get3A_764 {offsets = [1, 0], sizes = [1, 200], strides = [1, 1]} : vector<2x200xi32> to vector<1x200xi32>
    %get3A_767 = arith.constant 23 : index
    %get3A_768 = arith.constant 0 : index
    %get3A_769 = arith.constant 0 : index
    %get3A_770 = vector.load %arg3[%get3A_767, %get3A_768, %get3A_769] : memref<25x1x200xi32, #tpu.memory_space<vmem>>, vector<1x1x200xi32>
    %get3A_771 = vector.shape_cast %get3A_770 : vector<1x1x200xi32> to vector<1x200xi32>
    %eq3A_772 = vector.broadcast %slice3A_765 : vector<1x200xi32> to vector<200x200xi32>
    %eq3A_773 = arith.cmpi eq, %iota3A, %eq3A_772 : vector<200x200xi32>
    %convert_element_type3A_774 = arith.extui %eq3A_773 : vector<200x200xi1> to vector<200x200xi32>
    %convert_element_type3A_775 = arith.sitofp %convert_element_type3A_774 : vector<200x200xi32> to vector<200x200xf32>
    %eq3A_776 = vector.broadcast %slice3A_766 : vector<1x200xi32> to vector<200x200xi32>
    %eq3A_777 = arith.cmpi eq, %iota3A, %eq3A_776 : vector<200x200xi32>
    %convert_element_type3A_778 = arith.extui %eq3A_777 : vector<200x200xi1> to vector<200x200xi32>
    %convert_element_type3A_779 = arith.sitofp %convert_element_type3A_778 : vector<200x200xi32> to vector<200x200xf32>
    %eq3A_780 = vector.broadcast %get3A_771 : vector<1x200xi32> to vector<8x200xi32>
    %eq3A_781 = arith.cmpi eq, %iota3A_5, %eq3A_780 : vector<8x200xi32>
    %convert_element_type3A_782 = arith.extui %eq3A_781 : vector<8x200xi1> to vector<8x200xi32>
    %convert_element_type3A_783 = arith.sitofp %convert_element_type3A_782 : vector<8x200xi32> to vector<8x200xf32>
    %mul3A_784 = vector.broadcast %div3A_4 : vector<8x1xf32> to vector<8x200xf32>
    %mul3A_785 = arith.mulf %convert_element_type3A_783, %mul3A_784 : vector<8x200xf32>
    %reduce_sum3A_786 = arith.constant dense<0.000000e+00> : vector<200xf32>
    %reduce_sum3A_787 = vector.multi_reduction <add>, %mul3A_785, %reduce_sum3A_786 [0] : vector<8x200xf32> to vector<200xf32>
    %broadcast_in_dim3A_788 = vector.shape_cast %reduce_sum3A_787 : vector<200xf32> to vector<1x200xf32>
    %mul3A_789 = vector.broadcast %broadcast_in_dim3A_788 : vector<1x200xf32> to vector<200x200xf32>
    %mul3A_790 = arith.mulf %convert_element_type3A_779, %mul3A_789 : vector<200x200xf32>
    %dot_general3A_791 = arith.constant dense<0.000000e+00> : vector<200x200xf32>
    %dot_general3A_792 = tpu.matmul %mul3A_790, %convert_element_type3A_775, %dot_general3A_791 {dimension_numbers = #tpu.dot_dimension_numbers<[1], [1], [0], [0], [0, 0, 1, 0], [], []>, transpose_lhs_hint = false} : vector<200x200xf32>, vector<200x200xf32>, vector<200x200xf32> -> vector<200x200xf32>
    %get3A_793 = arith.constant 24 : index
    %get3A_794 = arith.constant 0 : index
    %get3A_795 = arith.constant 0 : index
    %get3A_796 = vector.load %arg2[%get3A_793, %get3A_794, %get3A_795] : memref<25x2x200xi32, #tpu.memory_space<vmem>>, vector<1x2x200xi32>
    %get3A_797 = vector.shape_cast %get3A_796 : vector<1x2x200xi32> to vector<2x200xi32>
    %slice3A_798 = vector.extract_strided_slice %get3A_797 {offsets = [0, 0], sizes = [1, 200], strides = [1, 1]} : vector<2x200xi32> to vector<1x200xi32>
    %slice3A_799 = vector.extract_strided_slice %get3A_797 {offsets = [1, 0], sizes = [1, 200], strides = [1, 1]} : vector<2x200xi32> to vector<1x200xi32>
    %get3A_800 = arith.constant 24 : index
    %get3A_801 = arith.constant 0 : index
    %get3A_802 = arith.constant 0 : index
    %get3A_803 = vector.load %arg3[%get3A_800, %get3A_801, %get3A_802] : memref<25x1x200xi32, #tpu.memory_space<vmem>>, vector<1x1x200xi32>
    %get3A_804 = vector.shape_cast %get3A_803 : vector<1x1x200xi32> to vector<1x200xi32>
    %eq3A_805 = vector.broadcast %slice3A_798 : vector<1x200xi32> to vector<200x200xi32>
    %eq3A_806 = arith.cmpi eq, %iota3A, %eq3A_805 : vector<200x200xi32>
    %convert_element_type3A_807 = arith.extui %eq3A_806 : vector<200x200xi1> to vector<200x200xi32>
    %convert_element_type3A_808 = arith.sitofp %convert_element_type3A_807 : vector<200x200xi32> to vector<200x200xf32>
    %eq3A_809 = vector.broadcast %slice3A_799 : vector<1x200xi32> to vector<200x200xi32>
    %eq3A_810 = arith.cmpi eq, %iota3A, %eq3A_809 : vector<200x200xi32>
    %convert_element_type3A_811 = arith.extui %eq3A_810 : vector<200x200xi1> to vector<200x200xi32>
    %convert_element_type3A_812 = arith.sitofp %convert_element_type3A_811 : vector<200x200xi32> to vector<200x200xf32>
    %eq3A_813 = vector.broadcast %get3A_804 : vector<1x200xi32> to vector<8x200xi32>
    %eq3A_814 = arith.cmpi eq, %iota3A_5, %eq3A_813 : vector<8x200xi32>
    %convert_element_type3A_815 = arith.extui %eq3A_814 : vector<8x200xi1> to vector<8x200xi32>
    %convert_element_type3A_816 = arith.sitofp %convert_element_type3A_815 : vector<8x200xi32> to vector<8x200xf32>
    %mul3A_817 = vector.broadcast %div3A_4 : vector<8x1xf32> to vector<8x200xf32>
    %mul3A_818 = arith.mulf %convert_element_type3A_816, %mul3A_817 : vector<8x200xf32>
    %reduce_sum3A_819 = arith.constant dense<0.000000e+00> : vector<200xf32>
    %reduce_sum3A_820 = vector.multi_reduction <add>, %mul3A_818, %reduce_sum3A_819 [0] : vector<8x200xf32> to vector<200xf32>
    %broadcast_in_dim3A_821 = vector.shape_cast %reduce_sum3A_820 : vector<200xf32> to vector<1x200xf32>
    %mul3A_822 = vector.broadcast %broadcast_in_dim3A_821 : vector<1x200xf32> to vector<200x200xf32>
    %mul3A_823 = arith.mulf %convert_element_type3A_812, %mul3A_822 : vector<200x200xf32>
    %dot_general3A_824 = arith.constant dense<0.000000e+00> : vector<200x200xf32>
    %dot_general3A_825 = tpu.matmul %mul3A_823, %convert_element_type3A_808, %dot_general3A_824 {dimension_numbers = #tpu.dot_dimension_numbers<[1], [1], [0], [0], [0, 0, 1, 0], [], []>, transpose_lhs_hint = false} : vector<200x200xf32>, vector<200x200xf32>, vector<200x200xf32> -> vector<200x200xf32>
    %get3A_826 = arith.constant 0 : index
    %get3A_827 = arith.constant 0 : index
    %get3A_828 = arith.constant 0 : index
    %get3A_829 = vector.load %arg1[%get3A_826, %get3A_827, %get3A_828] : memref<25x200x128xf32, #tpu.memory_space<vmem>>, vector<25x200x128xf32>
    %slice3A_830 = vector.extract_strided_slice %get3A_829 {offsets = [0, 0, 0], sizes = [25, 200, 64], strides = [1, 1, 1]} : vector<25x200x128xf32> to vector<25x200x64xf32>
    %reshape3A = vector.shape_cast %slice3A_830 : vector<25x200x64xf32> to vector<5000x64xf32>
    %get3A_831 = arith.constant 0 : index
    %get3A_832 = arith.constant 0 : index
    %get3A_833 = vector.load %arg6[%get3A_831, %get3A_832] : memref<1x192xf32, #tpu.memory_space<vmem>>, vector<1x192xf32>
    %get3A_834 = arith.constant 0 : index
    %get3A_835 = arith.constant 0 : index
    %get3A_836 = vector.load %arg7[%get3A_834, %get3A_835] : memref<64x64xf32, #tpu.memory_space<vmem>>, vector<64x64xf32>
    %get3A_837 = arith.constant 0 : index
    %get3A_838 = arith.constant 0 : index
    %get3A_839 = vector.load %arg8[%get3A_837, %get3A_838] : memref<1x64xf32, #tpu.memory_space<vmem>>, vector<1x64xf32>
    %slice3A_840 = vector.extract_strided_slice %reshape3A {offsets = [0, 0], sizes = [200, 64], strides = [1, 1]} : vector<5000x64xf32> to vector<200x64xf32>
    %dot_general3A_841 = arith.constant dense<0.000000e+00> : vector<200x64xf32>
    %dot_general3A_842 = tpu.matmul %dot_general3A_33, %slice3A_840, %dot_general3A_841 {dimension_numbers = #tpu.dot_dimension_numbers<[1], [0], [0], [1], [0, 0, 1, 1], [], []>, transpose_lhs_hint = false} : vector<200x200xf32>, vector<200x64xf32>, vector<200x64xf32> -> vector<200x64xf32>
    %slice3A_843 = vector.extract_strided_slice %reshape3A {offsets = [200, 0], sizes = [200, 64], strides = [1, 1]} : vector<5000x64xf32> to vector<200x64xf32>
    %dot_general3A_844 = arith.constant dense<0.000000e+00> : vector<200x64xf32>
    %dot_general3A_845 = tpu.matmul %dot_general3A_66, %slice3A_843, %dot_general3A_844 {dimension_numbers = #tpu.dot_dimension_numbers<[1], [0], [0], [1], [0, 0, 1, 1], [], []>, transpose_lhs_hint = false} : vector<200x200xf32>, vector<200x64xf32>, vector<200x64xf32> -> vector<200x64xf32>
    %slice3A_846 = vector.extract_strided_slice %reshape3A {offsets = [400, 0], sizes = [200, 64], strides = [1, 1]} : vector<5000x64xf32> to vector<200x64xf32>
    %dot_general3A_847 = arith.constant dense<0.000000e+00> : vector<200x64xf32>
    %dot_general3A_848 = tpu.matmul %dot_general3A_99, %slice3A_846, %dot_general3A_847 {dimension_numbers = #tpu.dot_dimension_numbers<[1], [0], [0], [1], [0, 0, 1, 1], [], []>, transpose_lhs_hint = false} : vector<200x200xf32>, vector<200x64xf32>, vector<200x64xf32> -> vector<200x64xf32>
    %slice3A_849 = vector.extract_strided_slice %reshape3A {offsets = [600, 0], sizes = [200, 64], strides = [1, 1]} : vector<5000x64xf32> to vector<200x64xf32>
    %dot_general3A_850 = arith.constant dense<0.000000e+00> : vector<200x64xf32>
    %dot_general3A_851 = tpu.matmul %dot_general3A_132, %slice3A_849, %dot_general3A_850 {dimension_numbers = #tpu.dot_dimension_numbers<[1], [0], [0], [1], [0, 0, 1, 1], [], []>, transpose_lhs_hint = false} : vector<200x200xf32>, vector<200x64xf32>, vector<200x64xf32> -> vector<200x64xf32>
    %slice3A_852 = vector.extract_strided_slice %reshape3A {offsets = [800, 0], sizes = [200, 64], strides = [1, 1]} : vector<5000x64xf32> to vector<200x64xf32>
    %dot_general3A_853 = arith.constant dense<0.000000e+00> : vector<200x64xf32>
    %dot_general3A_854 = tpu.matmul %dot_general3A_165, %slice3A_852, %dot_general3A_853 {dimension_numbers = #tpu.dot_dimension_numbers<[1], [0], [0], [1], [0, 0, 1, 1], [], []>, transpose_lhs_hint = false} : vector<200x200xf32>, vector<200x64xf32>, vector<200x64xf32> -> vector<200x64xf32>
    %slice3A_855 = vector.extract_strided_slice %reshape3A {offsets = [1000, 0], sizes = [200, 64], strides = [1, 1]} : vector<5000x64xf32> to vector<200x64xf32>
    %dot_general3A_856 = arith.constant dense<0.000000e+00> : vector<200x64xf32>
    %dot_general3A_857 = tpu.matmul %dot_general3A_198, %slice3A_855, %dot_general3A_856 {dimension_numbers = #tpu.dot_dimension_numbers<[1], [0], [0], [1], [0, 0, 1, 1], [], []>, transpose_lhs_hint = false} : vector<200x200xf32>, vector<200x64xf32>, vector<200x64xf32> -> vector<200x64xf32>
    %slice3A_858 = vector.extract_strided_slice %reshape3A {offsets = [1200, 0], sizes = [200, 64], strides = [1, 1]} : vector<5000x64xf32> to vector<200x64xf32>
    %dot_general3A_859 = arith.constant dense<0.000000e+00> : vector<200x64xf32>
    %dot_general3A_860 = tpu.matmul %dot_general3A_231, %slice3A_858, %dot_general3A_859 {dimension_numbers = #tpu.dot_dimension_numbers<[1], [0], [0], [1], [0, 0, 1, 1], [], []>, transpose_lhs_hint = false} : vector<200x200xf32>, vector<200x64xf32>, vector<200x64xf32> -> vector<200x64xf32>
    %slice3A_861 = vector.extract_strided_slice %reshape3A {offsets = [1400, 0], sizes = [200, 64], strides = [1, 1]} : vector<5000x64xf32> to vector<200x64xf32>
    %dot_general3A_862 = arith.constant dense<0.000000e+00> : vector<200x64xf32>
    %dot_general3A_863 = tpu.matmul %dot_general3A_264, %slice3A_861, %dot_general3A_862 {dimension_numbers = #tpu.dot_dimension_numbers<[1], [0], [0], [1], [0, 0, 1, 1], [], []>, transpose_lhs_hint = false} : vector<200x200xf32>, vector<200x64xf32>, vector<200x64xf32> -> vector<200x64xf32>
    %slice3A_864 = vector.extract_strided_slice %reshape3A {offsets = [1600, 0], sizes = [200, 64], strides = [1, 1]} : vector<5000x64xf32> to vector<200x64xf32>
    %dot_general3A_865 = arith.constant dense<0.000000e+00> : vector<200x64xf32>
    %dot_general3A_866 = tpu.matmul %dot_general3A_297, %slice3A_864, %dot_general3A_865 {dimension_numbers = #tpu.dot_dimension_numbers<[1], [0], [0], [1], [0, 0, 1, 1], [], []>, transpose_lhs_hint = false} : vector<200x200xf32>, vector<200x64xf32>, vector<200x64xf32> -> vector<200x64xf32>
    %slice3A_867 = vector.extract_strided_slice %reshape3A {offsets = [1800, 0], sizes = [200, 64], strides = [1, 1]} : vector<5000x64xf32> to vector<200x64xf32>
    %dot_general3A_868 = arith.constant dense<0.000000e+00> : vector<200x64xf32>
    %dot_general3A_869 = tpu.matmul %dot_general3A_330, %slice3A_867, %dot_general3A_868 {dimension_numbers = #tpu.dot_dimension_numbers<[1], [0], [0], [1], [0, 0, 1, 1], [], []>, transpose_lhs_hint = false} : vector<200x200xf32>, vector<200x64xf32>, vector<200x64xf32> -> vector<200x64xf32>
    %slice3A_870 = vector.extract_strided_slice %reshape3A {offsets = [2000, 0], sizes = [200, 64], strides = [1, 1]} : vector<5000x64xf32> to vector<200x64xf32>
    %dot_general3A_871 = arith.constant dense<0.000000e+00> : vector<200x64xf32>
    %dot_general3A_872 = tpu.matmul %dot_general3A_363, %slice3A_870, %dot_general3A_871 {dimension_numbers = #tpu.dot_dimension_numbers<[1], [0], [0], [1], [0, 0, 1, 1], [], []>, transpose_lhs_hint = false} : vector<200x200xf32>, vector<200x64xf32>, vector<200x64xf32> -> vector<200x64xf32>
    %slice3A_873 = vector.extract_strided_slice %reshape3A {offsets = [2200, 0], sizes = [200, 64], strides = [1, 1]} : vector<5000x64xf32> to vector<200x64xf32>
    %dot_general3A_874 = arith.constant dense<0.000000e+00> : vector<200x64xf32>
    %dot_general3A_875 = tpu.matmul %dot_general3A_396, %slice3A_873, %dot_general3A_874 {dimension_numbers = #tpu.dot_dimension_numbers<[1], [0], [0], [1], [0, 0, 1, 1], [], []>, transpose_lhs_hint = false} : vector<200x200xf32>, vector<200x64xf32>, vector<200x64xf32> -> vector<200x64xf32>
    %slice3A_876 = vector.extract_strided_slice %reshape3A {offsets = [2400, 0], sizes = [200, 64], strides = [1, 1]} : vector<5000x64xf32> to vector<200x64xf32>
    %dot_general3A_877 = arith.constant dense<0.000000e+00> : vector<200x64xf32>
    %dot_general3A_878 = tpu.matmul %dot_general3A_429, %slice3A_876, %dot_general3A_877 {dimension_numbers = #tpu.dot_dimension_numbers<[1], [0], [0], [1], [0, 0, 1, 1], [], []>, transpose_lhs_hint = false} : vector<200x200xf32>, vector<200x64xf32>, vector<200x64xf32> -> vector<200x64xf32>
    %slice3A_879 = vector.extract_strided_slice %reshape3A {offsets = [2600, 0], sizes = [200, 64], strides = [1, 1]} : vector<5000x64xf32> to vector<200x64xf32>
    %dot_general3A_880 = arith.constant dense<0.000000e+00> : vector<200x64xf32>
    %dot_general3A_881 = tpu.matmul %dot_general3A_462, %slice3A_879, %dot_general3A_880 {dimension_numbers = #tpu.dot_dimension_numbers<[1], [0], [0], [1], [0, 0, 1, 1], [], []>, transpose_lhs_hint = false} : vector<200x200xf32>, vector<200x64xf32>, vector<200x64xf32> -> vector<200x64xf32>
    %slice3A_882 = vector.extract_strided_slice %reshape3A {offsets = [2800, 0], sizes = [200, 64], strides = [1, 1]} : vector<5000x64xf32> to vector<200x64xf32>
    %dot_general3A_883 = arith.constant dense<0.000000e+00> : vector<200x64xf32>
    %dot_general3A_884 = tpu.matmul %dot_general3A_495, %slice3A_882, %dot_general3A_883 {dimension_numbers = #tpu.dot_dimension_numbers<[1], [0], [0], [1], [0, 0, 1, 1], [], []>, transpose_lhs_hint = false} : vector<200x200xf32>, vector<200x64xf32>, vector<200x64xf32> -> vector<200x64xf32>
    %slice3A_885 = vector.extract_strided_slice %reshape3A {offsets = [3000, 0], sizes = [200, 64], strides = [1, 1]} : vector<5000x64xf32> to vector<200x64xf32>
    %dot_general3A_886 = arith.constant dense<0.000000e+00> : vector<200x64xf32>
    %dot_general3A_887 = tpu.matmul %dot_general3A_528, %slice3A_885, %dot_general3A_886 {dimension_numbers = #tpu.dot_dimension_numbers<[1], [0], [0], [1], [0, 0, 1, 1], [], []>, transpose_lhs_hint = false} : vector<200x200xf32>, vector<200x64xf32>, vector<200x64xf32> -> vector<200x64xf32>
    %slice3A_888 = vector.extract_strided_slice %reshape3A {offsets = [3200, 0], sizes = [200, 64], strides = [1, 1]} : vector<5000x64xf32> to vector<200x64xf32>
    %dot_general3A_889 = arith.constant dense<0.000000e+00> : vector<200x64xf32>
    %dot_general3A_890 = tpu.matmul %dot_general3A_561, %slice3A_888, %dot_general3A_889 {dimension_numbers = #tpu.dot_dimension_numbers<[1], [0], [0], [1], [0, 0, 1, 1], [], []>, transpose_lhs_hint = false} : vector<200x200xf32>, vector<200x64xf32>, vector<200x64xf32> -> vector<200x64xf32>
    %slice3A_891 = vector.extract_strided_slice %reshape3A {offsets = [3400, 0], sizes = [200, 64], strides = [1, 1]} : vector<5000x64xf32> to vector<200x64xf32>
    %dot_general3A_892 = arith.constant dense<0.000000e+00> : vector<200x64xf32>
    %dot_general3A_893 = tpu.matmul %dot_general3A_594, %slice3A_891, %dot_general3A_892 {dimension_numbers = #tpu.dot_dimension_numbers<[1], [0], [0], [1], [0, 0, 1, 1], [], []>, transpose_lhs_hint = false} : vector<200x200xf32>, vector<200x64xf32>, vector<200x64xf32> -> vector<200x64xf32>
    %slice3A_894 = vector.extract_strided_slice %reshape3A {offsets = [3600, 0], sizes = [200, 64], strides = [1, 1]} : vector<5000x64xf32> to vector<200x64xf32>
    %dot_general3A_895 = arith.constant dense<0.000000e+00> : vector<200x64xf32>
    %dot_general3A_896 = tpu.matmul %dot_general3A_627, %slice3A_894, %dot_general3A_895 {dimension_numbers = #tpu.dot_dimension_numbers<[1], [0], [0], [1], [0, 0, 1, 1], [], []>, transpose_lhs_hint = false} : vector<200x200xf32>, vector<200x64xf32>, vector<200x64xf32> -> vector<200x64xf32>
    %slice3A_897 = vector.extract_strided_slice %reshape3A {offsets = [3800, 0], sizes = [200, 64], strides = [1, 1]} : vector<5000x64xf32> to vector<200x64xf32>
    %dot_general3A_898 = arith.constant dense<0.000000e+00> : vector<200x64xf32>
    %dot_general3A_899 = tpu.matmul %dot_general3A_660, %slice3A_897, %dot_general3A_898 {dimension_numbers = #tpu.dot_dimension_numbers<[1], [0], [0], [1], [0, 0, 1, 1], [], []>, transpose_lhs_hint = false} : vector<200x200xf32>, vector<200x64xf32>, vector<200x64xf32> -> vector<200x64xf32>
    %slice3A_900 = vector.extract_strided_slice %reshape3A {offsets = [4000, 0], sizes = [200, 64], strides = [1, 1]} : vector<5000x64xf32> to vector<200x64xf32>
    %dot_general3A_901 = arith.constant dense<0.000000e+00> : vector<200x64xf32>
    %dot_general3A_902 = tpu.matmul %dot_general3A_693, %slice3A_900, %dot_general3A_901 {dimension_numbers = #tpu.dot_dimension_numbers<[1], [0], [0], [1], [0, 0, 1, 1], [], []>, transpose_lhs_hint = false} : vector<200x200xf32>, vector<200x64xf32>, vector<200x64xf32> -> vector<200x64xf32>
    %slice3A_903 = vector.extract_strided_slice %reshape3A {offsets = [4200, 0], sizes = [200, 64], strides = [1, 1]} : vector<5000x64xf32> to vector<200x64xf32>
    %dot_general3A_904 = arith.constant dense<0.000000e+00> : vector<200x64xf32>
    %dot_general3A_905 = tpu.matmul %dot_general3A_726, %slice3A_903, %dot_general3A_904 {dimension_numbers = #tpu.dot_dimension_numbers<[1], [0], [0], [1], [0, 0, 1, 1], [], []>, transpose_lhs_hint = false} : vector<200x200xf32>, vector<200x64xf32>, vector<200x64xf32> -> vector<200x64xf32>
    %slice3A_906 = vector.extract_strided_slice %reshape3A {offsets = [4400, 0], sizes = [200, 64], strides = [1, 1]} : vector<5000x64xf32> to vector<200x64xf32>
    %dot_general3A_907 = arith.constant dense<0.000000e+00> : vector<200x64xf32>
    %dot_general3A_908 = tpu.matmul %dot_general3A_759, %slice3A_906, %dot_general3A_907 {dimension_numbers = #tpu.dot_dimension_numbers<[1], [0], [0], [1], [0, 0, 1, 1], [], []>, transpose_lhs_hint = false} : vector<200x200xf32>, vector<200x64xf32>, vector<200x64xf32> -> vector<200x64xf32>
    %slice3A_909 = vector.extract_strided_slice %reshape3A {offsets = [4600, 0], sizes = [200, 64], strides = [1, 1]} : vector<5000x64xf32> to vector<200x64xf32>
    %dot_general3A_910 = arith.constant dense<0.000000e+00> : vector<200x64xf32>
    %dot_general3A_911 = tpu.matmul %dot_general3A_792, %slice3A_909, %dot_general3A_910 {dimension_numbers = #tpu.dot_dimension_numbers<[1], [0], [0], [1], [0, 0, 1, 1], [], []>, transpose_lhs_hint = false} : vector<200x200xf32>, vector<200x64xf32>, vector<200x64xf32> -> vector<200x64xf32>
    %slice3A_912 = vector.extract_strided_slice %reshape3A {offsets = [4800, 0], sizes = [200, 64], strides = [1, 1]} : vector<5000x64xf32> to vector<200x64xf32>
    %dot_general3A_913 = arith.constant dense<0.000000e+00> : vector<200x64xf32>
    %dot_general3A_914 = tpu.matmul %dot_general3A_825, %slice3A_912, %dot_general3A_913 {dimension_numbers = #tpu.dot_dimension_numbers<[1], [0], [0], [1], [0, 0, 1, 1], [], []>, transpose_lhs_hint = false} : vector<200x200xf32>, vector<200x64xf32>, vector<200x64xf32> -> vector<200x64xf32>
    %concatenate3A = tpu.concatenate %dot_general3A_842, %dot_general3A_845, %dot_general3A_848, %dot_general3A_851, %dot_general3A_854, %dot_general3A_857, %dot_general3A_860, %dot_general3A_863, %dot_general3A_866, %dot_general3A_869, %dot_general3A_872, %dot_general3A_875, %dot_general3A_878, %dot_general3A_881, %dot_general3A_884, %dot_general3A_887, %dot_general3A_890, %dot_general3A_893, %dot_general3A_896, %dot_general3A_899, %dot_general3A_902, %dot_general3A_905, %dot_general3A_908, %dot_general3A_911, %dot_general3A_914 in 0 : vector<200x64xf32>, vector<200x64xf32>, vector<200x64xf32>, vector<200x64xf32>, vector<200x64xf32>, vector<200x64xf32>, vector<200x64xf32>, vector<200x64xf32>, vector<200x64xf32>, vector<200x64xf32>, vector<200x64xf32>, vector<200x64xf32>, vector<200x64xf32>, vector<200x64xf32>, vector<200x64xf32>, vector<200x64xf32>, vector<200x64xf32>, vector<200x64xf32>, vector<200x64xf32>, vector<200x64xf32>, vector<200x64xf32>, vector<200x64xf32>, vector<200x64xf32>, vector<200x64xf32>, vector<200x64xf32> -> vector<5000x64xf32>
    %concatenate3A_915 = tpu.concatenate %concatenate3A, %reshape3A in 1 : vector<5000x64xf32>, vector<5000x64xf32> -> vector<5000x128xf32>
    %get3A_916 = arith.constant 0 : index
    %get3A_917 = arith.constant 0 : index
    %get3A_918 = arith.constant 0 : index
    %get3A_919 = vector.load %arg5[%get3A_916, %get3A_917, %get3A_918] : memref<4x128x192xf32, #tpu.memory_space<vmem>>, vector<1x128x192xf32>
    %get3A_920 = vector.shape_cast %get3A_919 : vector<1x128x192xf32> to vector<128x192xf32>
    %dot_general3A_921 = arith.constant dense<0.000000e+00> : vector<5000x192xf32>
    %dot_general3A_922 = tpu.matmul %concatenate3A_915, %get3A_920, %dot_general3A_921 {dimension_numbers = #tpu.dot_dimension_numbers<[1], [0], [0], [1], [0, 0, 1, 1], [], []>, transpose_lhs_hint = false} : vector<5000x128xf32>, vector<128x192xf32>, vector<5000x192xf32> -> vector<5000x192xf32>
    %add3A = vector.broadcast %get3A_833 : vector<1x192xf32> to vector<5000x192xf32>
    %add3A_923 = arith.addf %dot_general3A_922, %add3A : vector<5000x192xf32>
    %slice3A_924 = vector.extract_strided_slice %add3A_923 {offsets = [0, 0], sizes = [5000, 64], strides = [1, 1]} : vector<5000x192xf32> to vector<5000x64xf32>
    %logistic3A = arith.negf %slice3A_924 : vector<5000x64xf32>
    %logistic3A_925 = math.exp %logistic3A : vector<5000x64xf32>
    %logistic3A_926 = arith.constant 1.000000e+00 : f32
    %logistic3A_927 = vector.broadcast %logistic3A_926 : f32 to vector<5000x64xf32>
    %logistic3A_928 = arith.addf %logistic3A_927, %logistic3A_925 : vector<5000x64xf32>
    %logistic3A_929 = arith.divf %logistic3A_927, %logistic3A_928 : vector<5000x64xf32>
    %slice3A_930 = vector.extract_strided_slice %add3A_923 {offsets = [0, 64], sizes = [5000, 64], strides = [1, 1]} : vector<5000x192xf32> to vector<5000x64xf32>
    %logistic3A_931 = arith.negf %slice3A_930 : vector<5000x64xf32>
    %logistic3A_932 = math.exp %logistic3A_931 : vector<5000x64xf32>
    %logistic3A_933 = arith.constant 1.000000e+00 : f32
    %logistic3A_934 = vector.broadcast %logistic3A_933 : f32 to vector<5000x64xf32>
    %logistic3A_935 = arith.addf %logistic3A_934, %logistic3A_932 : vector<5000x64xf32>
    %logistic3A_936 = arith.divf %logistic3A_934, %logistic3A_935 : vector<5000x64xf32>
    %slice3A_937 = vector.extract_strided_slice %add3A_923 {offsets = [0, 128], sizes = [5000, 64], strides = [1, 1]} : vector<5000x192xf32> to vector<5000x64xf32>
    %dot_general3A_938 = arith.constant dense<0.000000e+00> : vector<5000x64xf32>
    %dot_general3A_939 = tpu.matmul %reshape3A, %get3A_836, %dot_general3A_938 {dimension_numbers = #tpu.dot_dimension_numbers<[1], [0], [0], [1], [0, 0, 1, 1], [], []>, transpose_lhs_hint = false} : vector<5000x64xf32>, vector<64x64xf32>, vector<5000x64xf32> -> vector<5000x64xf32>
    %add3A_940 = vector.broadcast %get3A_839 : vector<1x64xf32> to vector<5000x64xf32>
    %add3A_941 = arith.addf %dot_general3A_939, %add3A_940 : vector<5000x64xf32>
    %mul3A_942 = arith.mulf %logistic3A_929, %add3A_941 : vector<5000x64xf32>
    %add3A_943 = arith.addf %slice3A_937, %mul3A_942 : vector<5000x64xf32>
    %tanh3A = math.tanh %add3A_943 : vector<5000x64xf32>
    %sub3A = arith.constant 1.000000e+00 : f32
    %sub3A_944 = vector.broadcast %sub3A : f32 to vector<5000x64xf32>
    %sub3A_945 = arith.subf %sub3A_944, %logistic3A_936 : vector<5000x64xf32>
    %mul3A_946 = arith.mulf %sub3A_945, %tanh3A : vector<5000x64xf32>
    %mul3A_947 = arith.mulf %logistic3A_936, %reshape3A : vector<5000x64xf32>
    %add3A_948 = arith.addf %mul3A_946, %mul3A_947 : vector<5000x64xf32>
    %slice3A_949 = vector.extract_strided_slice %add3A_948 {offsets = [0, 0], sizes = [200, 64], strides = [1, 1]} : vector<5000x64xf32> to vector<200x64xf32>
    %dot_general3A_950 = arith.constant dense<0.000000e+00> : vector<200x64xf32>
    %dot_general3A_951 = tpu.matmul %dot_general3A_33, %slice3A_949, %dot_general3A_950 {dimension_numbers = #tpu.dot_dimension_numbers<[1], [0], [0], [1], [0, 0, 1, 1], [], []>, transpose_lhs_hint = false} : vector<200x200xf32>, vector<200x64xf32>, vector<200x64xf32> -> vector<200x64xf32>
    %slice3A_952 = vector.extract_strided_slice %add3A_948 {offsets = [200, 0], sizes = [200, 64], strides = [1, 1]} : vector<5000x64xf32> to vector<200x64xf32>
    %dot_general3A_953 = arith.constant dense<0.000000e+00> : vector<200x64xf32>
    %dot_general3A_954 = tpu.matmul %dot_general3A_66, %slice3A_952, %dot_general3A_953 {dimension_numbers = #tpu.dot_dimension_numbers<[1], [0], [0], [1], [0, 0, 1, 1], [], []>, transpose_lhs_hint = false} : vector<200x200xf32>, vector<200x64xf32>, vector<200x64xf32> -> vector<200x64xf32>
    %slice3A_955 = vector.extract_strided_slice %add3A_948 {offsets = [400, 0], sizes = [200, 64], strides = [1, 1]} : vector<5000x64xf32> to vector<200x64xf32>
    %dot_general3A_956 = arith.constant dense<0.000000e+00> : vector<200x64xf32>
    %dot_general3A_957 = tpu.matmul %dot_general3A_99, %slice3A_955, %dot_general3A_956 {dimension_numbers = #tpu.dot_dimension_numbers<[1], [0], [0], [1], [0, 0, 1, 1], [], []>, transpose_lhs_hint = false} : vector<200x200xf32>, vector<200x64xf32>, vector<200x64xf32> -> vector<200x64xf32>
    %slice3A_958 = vector.extract_strided_slice %add3A_948 {offsets = [600, 0], sizes = [200, 64], strides = [1, 1]} : vector<5000x64xf32> to vector<200x64xf32>
    %dot_general3A_959 = arith.constant dense<0.000000e+00> : vector<200x64xf32>
    %dot_general3A_960 = tpu.matmul %dot_general3A_132, %slice3A_958, %dot_general3A_959 {dimension_numbers = #tpu.dot_dimension_numbers<[1], [0], [0], [1], [0, 0, 1, 1], [], []>, transpose_lhs_hint = false} : vector<200x200xf32>, vector<200x64xf32>, vector<200x64xf32> -> vector<200x64xf32>
    %slice3A_961 = vector.extract_strided_slice %add3A_948 {offsets = [800, 0], sizes = [200, 64], strides = [1, 1]} : vector<5000x64xf32> to vector<200x64xf32>
    %dot_general3A_962 = arith.constant dense<0.000000e+00> : vector<200x64xf32>
    %dot_general3A_963 = tpu.matmul %dot_general3A_165, %slice3A_961, %dot_general3A_962 {dimension_numbers = #tpu.dot_dimension_numbers<[1], [0], [0], [1], [0, 0, 1, 1], [], []>, transpose_lhs_hint = false} : vector<200x200xf32>, vector<200x64xf32>, vector<200x64xf32> -> vector<200x64xf32>
    %slice3A_964 = vector.extract_strided_slice %add3A_948 {offsets = [1000, 0], sizes = [200, 64], strides = [1, 1]} : vector<5000x64xf32> to vector<200x64xf32>
    %dot_general3A_965 = arith.constant dense<0.000000e+00> : vector<200x64xf32>
    %dot_general3A_966 = tpu.matmul %dot_general3A_198, %slice3A_964, %dot_general3A_965 {dimension_numbers = #tpu.dot_dimension_numbers<[1], [0], [0], [1], [0, 0, 1, 1], [], []>, transpose_lhs_hint = false} : vector<200x200xf32>, vector<200x64xf32>, vector<200x64xf32> -> vector<200x64xf32>
    %slice3A_967 = vector.extract_strided_slice %add3A_948 {offsets = [1200, 0], sizes = [200, 64], strides = [1, 1]} : vector<5000x64xf32> to vector<200x64xf32>
    %dot_general3A_968 = arith.constant dense<0.000000e+00> : vector<200x64xf32>
    %dot_general3A_969 = tpu.matmul %dot_general3A_231, %slice3A_967, %dot_general3A_968 {dimension_numbers = #tpu.dot_dimension_numbers<[1], [0], [0], [1], [0, 0, 1, 1], [], []>, transpose_lhs_hint = false} : vector<200x200xf32>, vector<200x64xf32>, vector<200x64xf32> -> vector<200x64xf32>
    %slice3A_970 = vector.extract_strided_slice %add3A_948 {offsets = [1400, 0], sizes = [200, 64], strides = [1, 1]} : vector<5000x64xf32> to vector<200x64xf32>
    %dot_general3A_971 = arith.constant dense<0.000000e+00> : vector<200x64xf32>
    %dot_general3A_972 = tpu.matmul %dot_general3A_264, %slice3A_970, %dot_general3A_971 {dimension_numbers = #tpu.dot_dimension_numbers<[1], [0], [0], [1], [0, 0, 1, 1], [], []>, transpose_lhs_hint = false} : vector<200x200xf32>, vector<200x64xf32>, vector<200x64xf32> -> vector<200x64xf32>
    %slice3A_973 = vector.extract_strided_slice %add3A_948 {offsets = [1600, 0], sizes = [200, 64], strides = [1, 1]} : vector<5000x64xf32> to vector<200x64xf32>
    %dot_general3A_974 = arith.constant dense<0.000000e+00> : vector<200x64xf32>
    %dot_general3A_975 = tpu.matmul %dot_general3A_297, %slice3A_973, %dot_general3A_974 {dimension_numbers = #tpu.dot_dimension_numbers<[1], [0], [0], [1], [0, 0, 1, 1], [], []>, transpose_lhs_hint = false} : vector<200x200xf32>, vector<200x64xf32>, vector<200x64xf32> -> vector<200x64xf32>
    %slice3A_976 = vector.extract_strided_slice %add3A_948 {offsets = [1800, 0], sizes = [200, 64], strides = [1, 1]} : vector<5000x64xf32> to vector<200x64xf32>
    %dot_general3A_977 = arith.constant dense<0.000000e+00> : vector<200x64xf32>
    %dot_general3A_978 = tpu.matmul %dot_general3A_330, %slice3A_976, %dot_general3A_977 {dimension_numbers = #tpu.dot_dimension_numbers<[1], [0], [0], [1], [0, 0, 1, 1], [], []>, transpose_lhs_hint = false} : vector<200x200xf32>, vector<200x64xf32>, vector<200x64xf32> -> vector<200x64xf32>
    %slice3A_979 = vector.extract_strided_slice %add3A_948 {offsets = [2000, 0], sizes = [200, 64], strides = [1, 1]} : vector<5000x64xf32> to vector<200x64xf32>
    %dot_general3A_980 = arith.constant dense<0.000000e+00> : vector<200x64xf32>
    %dot_general3A_981 = tpu.matmul %dot_general3A_363, %slice3A_979, %dot_general3A_980 {dimension_numbers = #tpu.dot_dimension_numbers<[1], [0], [0], [1], [0, 0, 1, 1], [], []>, transpose_lhs_hint = false} : vector<200x200xf32>, vector<200x64xf32>, vector<200x64xf32> -> vector<200x64xf32>
    %slice3A_982 = vector.extract_strided_slice %add3A_948 {offsets = [2200, 0], sizes = [200, 64], strides = [1, 1]} : vector<5000x64xf32> to vector<200x64xf32>
    %dot_general3A_983 = arith.constant dense<0.000000e+00> : vector<200x64xf32>
    %dot_general3A_984 = tpu.matmul %dot_general3A_396, %slice3A_982, %dot_general3A_983 {dimension_numbers = #tpu.dot_dimension_numbers<[1], [0], [0], [1], [0, 0, 1, 1], [], []>, transpose_lhs_hint = false} : vector<200x200xf32>, vector<200x64xf32>, vector<200x64xf32> -> vector<200x64xf32>
    %slice3A_985 = vector.extract_strided_slice %add3A_948 {offsets = [2400, 0], sizes = [200, 64], strides = [1, 1]} : vector<5000x64xf32> to vector<200x64xf32>
    %dot_general3A_986 = arith.constant dense<0.000000e+00> : vector<200x64xf32>
    %dot_general3A_987 = tpu.matmul %dot_general3A_429, %slice3A_985, %dot_general3A_986 {dimension_numbers = #tpu.dot_dimension_numbers<[1], [0], [0], [1], [0, 0, 1, 1], [], []>, transpose_lhs_hint = false} : vector<200x200xf32>, vector<200x64xf32>, vector<200x64xf32> -> vector<200x64xf32>
    %slice3A_988 = vector.extract_strided_slice %add3A_948 {offsets = [2600, 0], sizes = [200, 64], strides = [1, 1]} : vector<5000x64xf32> to vector<200x64xf32>
    %dot_general3A_989 = arith.constant dense<0.000000e+00> : vector<200x64xf32>
    %dot_general3A_990 = tpu.matmul %dot_general3A_462, %slice3A_988, %dot_general3A_989 {dimension_numbers = #tpu.dot_dimension_numbers<[1], [0], [0], [1], [0, 0, 1, 1], [], []>, transpose_lhs_hint = false} : vector<200x200xf32>, vector<200x64xf32>, vector<200x64xf32> -> vector<200x64xf32>
    %slice3A_991 = vector.extract_strided_slice %add3A_948 {offsets = [2800, 0], sizes = [200, 64], strides = [1, 1]} : vector<5000x64xf32> to vector<200x64xf32>
    %dot_general3A_992 = arith.constant dense<0.000000e+00> : vector<200x64xf32>
    %dot_general3A_993 = tpu.matmul %dot_general3A_495, %slice3A_991, %dot_general3A_992 {dimension_numbers = #tpu.dot_dimension_numbers<[1], [0], [0], [1], [0, 0, 1, 1], [], []>, transpose_lhs_hint = false} : vector<200x200xf32>, vector<200x64xf32>, vector<200x64xf32> -> vector<200x64xf32>
    %slice3A_994 = vector.extract_strided_slice %add3A_948 {offsets = [3000, 0], sizes = [200, 64], strides = [1, 1]} : vector<5000x64xf32> to vector<200x64xf32>
    %dot_general3A_995 = arith.constant dense<0.000000e+00> : vector<200x64xf32>
    %dot_general3A_996 = tpu.matmul %dot_general3A_528, %slice3A_994, %dot_general3A_995 {dimension_numbers = #tpu.dot_dimension_numbers<[1], [0], [0], [1], [0, 0, 1, 1], [], []>, transpose_lhs_hint = false} : vector<200x200xf32>, vector<200x64xf32>, vector<200x64xf32> -> vector<200x64xf32>
    %slice3A_997 = vector.extract_strided_slice %add3A_948 {offsets = [3200, 0], sizes = [200, 64], strides = [1, 1]} : vector<5000x64xf32> to vector<200x64xf32>
    %dot_general3A_998 = arith.constant dense<0.000000e+00> : vector<200x64xf32>
    %dot_general3A_999 = tpu.matmul %dot_general3A_561, %slice3A_997, %dot_general3A_998 {dimension_numbers = #tpu.dot_dimension_numbers<[1], [0], [0], [1], [0, 0, 1, 1], [], []>, transpose_lhs_hint = false} : vector<200x200xf32>, vector<200x64xf32>, vector<200x64xf32> -> vector<200x64xf32>
    %slice3A_1000 = vector.extract_strided_slice %add3A_948 {offsets = [3400, 0], sizes = [200, 64], strides = [1, 1]} : vector<5000x64xf32> to vector<200x64xf32>
    %dot_general3A_1001 = arith.constant dense<0.000000e+00> : vector<200x64xf32>
    %dot_general3A_1002 = tpu.matmul %dot_general3A_594, %slice3A_1000, %dot_general3A_1001 {dimension_numbers = #tpu.dot_dimension_numbers<[1], [0], [0], [1], [0, 0, 1, 1], [], []>, transpose_lhs_hint = false} : vector<200x200xf32>, vector<200x64xf32>, vector<200x64xf32> -> vector<200x64xf32>
    %slice3A_1003 = vector.extract_strided_slice %add3A_948 {offsets = [3600, 0], sizes = [200, 64], strides = [1, 1]} : vector<5000x64xf32> to vector<200x64xf32>
    %dot_general3A_1004 = arith.constant dense<0.000000e+00> : vector<200x64xf32>
    %dot_general3A_1005 = tpu.matmul %dot_general3A_627, %slice3A_1003, %dot_general3A_1004 {dimension_numbers = #tpu.dot_dimension_numbers<[1], [0], [0], [1], [0, 0, 1, 1], [], []>, transpose_lhs_hint = false} : vector<200x200xf32>, vector<200x64xf32>, vector<200x64xf32> -> vector<200x64xf32>
    %slice3A_1006 = vector.extract_strided_slice %add3A_948 {offsets = [3800, 0], sizes = [200, 64], strides = [1, 1]} : vector<5000x64xf32> to vector<200x64xf32>
    %dot_general3A_1007 = arith.constant dense<0.000000e+00> : vector<200x64xf32>
    %dot_general3A_1008 = tpu.matmul %dot_general3A_660, %slice3A_1006, %dot_general3A_1007 {dimension_numbers = #tpu.dot_dimension_numbers<[1], [0], [0], [1], [0, 0, 1, 1], [], []>, transpose_lhs_hint = false} : vector<200x200xf32>, vector<200x64xf32>, vector<200x64xf32> -> vector<200x64xf32>
    %slice3A_1009 = vector.extract_strided_slice %add3A_948 {offsets = [4000, 0], sizes = [200, 64], strides = [1, 1]} : vector<5000x64xf32> to vector<200x64xf32>
    %dot_general3A_1010 = arith.constant dense<0.000000e+00> : vector<200x64xf32>
    %dot_general3A_1011 = tpu.matmul %dot_general3A_693, %slice3A_1009, %dot_general3A_1010 {dimension_numbers = #tpu.dot_dimension_numbers<[1], [0], [0], [1], [0, 0, 1, 1], [], []>, transpose_lhs_hint = false} : vector<200x200xf32>, vector<200x64xf32>, vector<200x64xf32> -> vector<200x64xf32>
    %slice3A_1012 = vector.extract_strided_slice %add3A_948 {offsets = [4200, 0], sizes = [200, 64], strides = [1, 1]} : vector<5000x64xf32> to vector<200x64xf32>
    %dot_general3A_1013 = arith.constant dense<0.000000e+00> : vector<200x64xf32>
    %dot_general3A_1014 = tpu.matmul %dot_general3A_726, %slice3A_1012, %dot_general3A_1013 {dimension_numbers = #tpu.dot_dimension_numbers<[1], [0], [0], [1], [0, 0, 1, 1], [], []>, transpose_lhs_hint = false} : vector<200x200xf32>, vector<200x64xf32>, vector<200x64xf32> -> vector<200x64xf32>
    %slice3A_1015 = vector.extract_strided_slice %add3A_948 {offsets = [4400, 0], sizes = [200, 64], strides = [1, 1]} : vector<5000x64xf32> to vector<200x64xf32>
    %dot_general3A_1016 = arith.constant dense<0.000000e+00> : vector<200x64xf32>
    %dot_general3A_1017 = tpu.matmul %dot_general3A_759, %slice3A_1015, %dot_general3A_1016 {dimension_numbers = #tpu.dot_dimension_numbers<[1], [0], [0], [1], [0, 0, 1, 1], [], []>, transpose_lhs_hint = false} : vector<200x200xf32>, vector<200x64xf32>, vector<200x64xf32> -> vector<200x64xf32>
    %slice3A_1018 = vector.extract_strided_slice %add3A_948 {offsets = [4600, 0], sizes = [200, 64], strides = [1, 1]} : vector<5000x64xf32> to vector<200x64xf32>
    %dot_general3A_1019 = arith.constant dense<0.000000e+00> : vector<200x64xf32>
    %dot_general3A_1020 = tpu.matmul %dot_general3A_792, %slice3A_1018, %dot_general3A_1019 {dimension_numbers = #tpu.dot_dimension_numbers<[1], [0], [0], [1], [0, 0, 1, 1], [], []>, transpose_lhs_hint = false} : vector<200x200xf32>, vector<200x64xf32>, vector<200x64xf32> -> vector<200x64xf32>
    %slice3A_1021 = vector.extract_strided_slice %add3A_948 {offsets = [4800, 0], sizes = [200, 64], strides = [1, 1]} : vector<5000x64xf32> to vector<200x64xf32>
    %dot_general3A_1022 = arith.constant dense<0.000000e+00> : vector<200x64xf32>
    %dot_general3A_1023 = tpu.matmul %dot_general3A_825, %slice3A_1021, %dot_general3A_1022 {dimension_numbers = #tpu.dot_dimension_numbers<[1], [0], [0], [1], [0, 0, 1, 1], [], []>, transpose_lhs_hint = false} : vector<200x200xf32>, vector<200x64xf32>, vector<200x64xf32> -> vector<200x64xf32>
    %concatenate3A_1024 = tpu.concatenate %dot_general3A_951, %dot_general3A_954, %dot_general3A_957, %dot_general3A_960, %dot_general3A_963, %dot_general3A_966, %dot_general3A_969, %dot_general3A_972, %dot_general3A_975, %dot_general3A_978, %dot_general3A_981, %dot_general3A_984, %dot_general3A_987, %dot_general3A_990, %dot_general3A_993, %dot_general3A_996, %dot_general3A_999, %dot_general3A_1002, %dot_general3A_1005, %dot_general3A_1008, %dot_general3A_1011, %dot_general3A_1014, %dot_general3A_1017, %dot_general3A_1020, %dot_general3A_1023 in 0 : vector<200x64xf32>, vector<200x64xf32>, vector<200x64xf32>, vector<200x64xf32>, vector<200x64xf32>, vector<200x64xf32>, vector<200x64xf32>, vector<200x64xf32>, vector<200x64xf32>, vector<200x64xf32>, vector<200x64xf32>, vector<200x64xf32>, vector<200x64xf32>, vector<200x64xf32>, vector<200x64xf32>, vector<200x64xf32>, vector<200x64xf32>, vector<200x64xf32>, vector<200x64xf32>, vector<200x64xf32>, vector<200x64xf32>, vector<200x64xf32>, vector<200x64xf32>, vector<200x64xf32>, vector<200x64xf32> -> vector<5000x64xf32>
    %concatenate3A_1025 = tpu.concatenate %concatenate3A_1024, %add3A_948 in 1 : vector<5000x64xf32>, vector<5000x64xf32> -> vector<5000x128xf32>
    %get3A_1026 = arith.constant 1 : index
    %get3A_1027 = arith.constant 0 : index
    %get3A_1028 = arith.constant 0 : index
    %get3A_1029 = vector.load %arg5[%get3A_1026, %get3A_1027, %get3A_1028] : memref<4x128x192xf32, #tpu.memory_space<vmem>>, vector<1x128x192xf32>
    %get3A_1030 = vector.shape_cast %get3A_1029 : vector<1x128x192xf32> to vector<128x192xf32>
    %dot_general3A_1031 = arith.constant dense<0.000000e+00> : vector<5000x192xf32>
    %dot_general3A_1032 = tpu.matmul %concatenate3A_1025, %get3A_1030, %dot_general3A_1031 {dimension_numbers = #tpu.dot_dimension_numbers<[1], [0], [0], [1], [0, 0, 1, 1], [], []>, transpose_lhs_hint = false} : vector<5000x128xf32>, vector<128x192xf32>, vector<5000x192xf32> -> vector<5000x192xf32>
    %add3A_1033 = vector.broadcast %get3A_833 : vector<1x192xf32> to vector<5000x192xf32>
    %add3A_1034 = arith.addf %dot_general3A_1032, %add3A_1033 : vector<5000x192xf32>
    %slice3A_1035 = vector.extract_strided_slice %add3A_1034 {offsets = [0, 0], sizes = [5000, 64], strides = [1, 1]} : vector<5000x192xf32> to vector<5000x64xf32>
    %logistic3A_1036 = arith.negf %slice3A_1035 : vector<5000x64xf32>
    %logistic3A_1037 = math.exp %logistic3A_1036 : vector<5000x64xf32>
    %logistic3A_1038 = arith.constant 1.000000e+00 : f32
    %logistic3A_1039 = vector.broadcast %logistic3A_1038 : f32 to vector<5000x64xf32>
    %logistic3A_1040 = arith.addf %logistic3A_1039, %logistic3A_1037 : vector<5000x64xf32>
    %logistic3A_1041 = arith.divf %logistic3A_1039, %logistic3A_1040 : vector<5000x64xf32>
    %slice3A_1042 = vector.extract_strided_slice %add3A_1034 {offsets = [0, 64], sizes = [5000, 64], strides = [1, 1]} : vector<5000x192xf32> to vector<5000x64xf32>
    %logistic3A_1043 = arith.negf %slice3A_1042 : vector<5000x64xf32>
    %logistic3A_1044 = math.exp %logistic3A_1043 : vector<5000x64xf32>
    %logistic3A_1045 = arith.constant 1.000000e+00 : f32
    %logistic3A_1046 = vector.broadcast %logistic3A_1045 : f32 to vector<5000x64xf32>
    %logistic3A_1047 = arith.addf %logistic3A_1046, %logistic3A_1044 : vector<5000x64xf32>
    %logistic3A_1048 = arith.divf %logistic3A_1046, %logistic3A_1047 : vector<5000x64xf32>
    %slice3A_1049 = vector.extract_strided_slice %add3A_1034 {offsets = [0, 128], sizes = [5000, 64], strides = [1, 1]} : vector<5000x192xf32> to vector<5000x64xf32>
    %dot_general3A_1050 = arith.constant dense<0.000000e+00> : vector<5000x64xf32>
    %dot_general3A_1051 = tpu.matmul %add3A_948, %get3A_836, %dot_general3A_1050 {dimension_numbers = #tpu.dot_dimension_numbers<[1], [0], [0], [1], [0, 0, 1, 1], [], []>, transpose_lhs_hint = false} : vector<5000x64xf32>, vector<64x64xf32>, vector<5000x64xf32> -> vector<5000x64xf32>
    %add3A_1052 = vector.broadcast %get3A_839 : vector<1x64xf32> to vector<5000x64xf32>
    %add3A_1053 = arith.addf %dot_general3A_1051, %add3A_1052 : vector<5000x64xf32>
    %mul3A_1054 = arith.mulf %logistic3A_1041, %add3A_1053 : vector<5000x64xf32>
    %add3A_1055 = arith.addf %slice3A_1049, %mul3A_1054 : vector<5000x64xf32>
    %tanh3A_1056 = math.tanh %add3A_1055 : vector<5000x64xf32>
    %sub3A_1057 = arith.constant 1.000000e+00 : f32
    %sub3A_1058 = vector.broadcast %sub3A_1057 : f32 to vector<5000x64xf32>
    %sub3A_1059 = arith.subf %sub3A_1058, %logistic3A_1048 : vector<5000x64xf32>
    %mul3A_1060 = arith.mulf %sub3A_1059, %tanh3A_1056 : vector<5000x64xf32>
    %mul3A_1061 = arith.mulf %logistic3A_1048, %add3A_948 : vector<5000x64xf32>
    %add3A_1062 = arith.addf %mul3A_1060, %mul3A_1061 : vector<5000x64xf32>
    %slice3A_1063 = vector.extract_strided_slice %add3A_1062 {offsets = [0, 0], sizes = [200, 64], strides = [1, 1]} : vector<5000x64xf32> to vector<200x64xf32>
    %dot_general3A_1064 = arith.constant dense<0.000000e+00> : vector<200x64xf32>
    %dot_general3A_1065 = tpu.matmul %dot_general3A_33, %slice3A_1063, %dot_general3A_1064 {dimension_numbers = #tpu.dot_dimension_numbers<[1], [0], [0], [1], [0, 0, 1, 1], [], []>, transpose_lhs_hint = false} : vector<200x200xf32>, vector<200x64xf32>, vector<200x64xf32> -> vector<200x64xf32>
    %slice3A_1066 = vector.extract_strided_slice %add3A_1062 {offsets = [200, 0], sizes = [200, 64], strides = [1, 1]} : vector<5000x64xf32> to vector<200x64xf32>
    %dot_general3A_1067 = arith.constant dense<0.000000e+00> : vector<200x64xf32>
    %dot_general3A_1068 = tpu.matmul %dot_general3A_66, %slice3A_1066, %dot_general3A_1067 {dimension_numbers = #tpu.dot_dimension_numbers<[1], [0], [0], [1], [0, 0, 1, 1], [], []>, transpose_lhs_hint = false} : vector<200x200xf32>, vector<200x64xf32>, vector<200x64xf32> -> vector<200x64xf32>
    %slice3A_1069 = vector.extract_strided_slice %add3A_1062 {offsets = [400, 0], sizes = [200, 64], strides = [1, 1]} : vector<5000x64xf32> to vector<200x64xf32>
    %dot_general3A_1070 = arith.constant dense<0.000000e+00> : vector<200x64xf32>
    %dot_general3A_1071 = tpu.matmul %dot_general3A_99, %slice3A_1069, %dot_general3A_1070 {dimension_numbers = #tpu.dot_dimension_numbers<[1], [0], [0], [1], [0, 0, 1, 1], [], []>, transpose_lhs_hint = false} : vector<200x200xf32>, vector<200x64xf32>, vector<200x64xf32> -> vector<200x64xf32>
    %slice3A_1072 = vector.extract_strided_slice %add3A_1062 {offsets = [600, 0], sizes = [200, 64], strides = [1, 1]} : vector<5000x64xf32> to vector<200x64xf32>
    %dot_general3A_1073 = arith.constant dense<0.000000e+00> : vector<200x64xf32>
    %dot_general3A_1074 = tpu.matmul %dot_general3A_132, %slice3A_1072, %dot_general3A_1073 {dimension_numbers = #tpu.dot_dimension_numbers<[1], [0], [0], [1], [0, 0, 1, 1], [], []>, transpose_lhs_hint = false} : vector<200x200xf32>, vector<200x64xf32>, vector<200x64xf32> -> vector<200x64xf32>
    %slice3A_1075 = vector.extract_strided_slice %add3A_1062 {offsets = [800, 0], sizes = [200, 64], strides = [1, 1]} : vector<5000x64xf32> to vector<200x64xf32>
    %dot_general3A_1076 = arith.constant dense<0.000000e+00> : vector<200x64xf32>
    %dot_general3A_1077 = tpu.matmul %dot_general3A_165, %slice3A_1075, %dot_general3A_1076 {dimension_numbers = #tpu.dot_dimension_numbers<[1], [0], [0], [1], [0, 0, 1, 1], [], []>, transpose_lhs_hint = false} : vector<200x200xf32>, vector<200x64xf32>, vector<200x64xf32> -> vector<200x64xf32>
    %slice3A_1078 = vector.extract_strided_slice %add3A_1062 {offsets = [1000, 0], sizes = [200, 64], strides = [1, 1]} : vector<5000x64xf32> to vector<200x64xf32>
    %dot_general3A_1079 = arith.constant dense<0.000000e+00> : vector<200x64xf32>
    %dot_general3A_1080 = tpu.matmul %dot_general3A_198, %slice3A_1078, %dot_general3A_1079 {dimension_numbers = #tpu.dot_dimension_numbers<[1], [0], [0], [1], [0, 0, 1, 1], [], []>, transpose_lhs_hint = false} : vector<200x200xf32>, vector<200x64xf32>, vector<200x64xf32> -> vector<200x64xf32>
    %slice3A_1081 = vector.extract_strided_slice %add3A_1062 {offsets = [1200, 0], sizes = [200, 64], strides = [1, 1]} : vector<5000x64xf32> to vector<200x64xf32>
    %dot_general3A_1082 = arith.constant dense<0.000000e+00> : vector<200x64xf32>
    %dot_general3A_1083 = tpu.matmul %dot_general3A_231, %slice3A_1081, %dot_general3A_1082 {dimension_numbers = #tpu.dot_dimension_numbers<[1], [0], [0], [1], [0, 0, 1, 1], [], []>, transpose_lhs_hint = false} : vector<200x200xf32>, vector<200x64xf32>, vector<200x64xf32> -> vector<200x64xf32>
    %slice3A_1084 = vector.extract_strided_slice %add3A_1062 {offsets = [1400, 0], sizes = [200, 64], strides = [1, 1]} : vector<5000x64xf32> to vector<200x64xf32>
    %dot_general3A_1085 = arith.constant dense<0.000000e+00> : vector<200x64xf32>
    %dot_general3A_1086 = tpu.matmul %dot_general3A_264, %slice3A_1084, %dot_general3A_1085 {dimension_numbers = #tpu.dot_dimension_numbers<[1], [0], [0], [1], [0, 0, 1, 1], [], []>, transpose_lhs_hint = false} : vector<200x200xf32>, vector<200x64xf32>, vector<200x64xf32> -> vector<200x64xf32>
    %slice3A_1087 = vector.extract_strided_slice %add3A_1062 {offsets = [1600, 0], sizes = [200, 64], strides = [1, 1]} : vector<5000x64xf32> to vector<200x64xf32>
    %dot_general3A_1088 = arith.constant dense<0.000000e+00> : vector<200x64xf32>
    %dot_general3A_1089 = tpu.matmul %dot_general3A_297, %slice3A_1087, %dot_general3A_1088 {dimension_numbers = #tpu.dot_dimension_numbers<[1], [0], [0], [1], [0, 0, 1, 1], [], []>, transpose_lhs_hint = false} : vector<200x200xf32>, vector<200x64xf32>, vector<200x64xf32> -> vector<200x64xf32>
    %slice3A_1090 = vector.extract_strided_slice %add3A_1062 {offsets = [1800, 0], sizes = [200, 64], strides = [1, 1]} : vector<5000x64xf32> to vector<200x64xf32>
    %dot_general3A_1091 = arith.constant dense<0.000000e+00> : vector<200x64xf32>
    %dot_general3A_1092 = tpu.matmul %dot_general3A_330, %slice3A_1090, %dot_general3A_1091 {dimension_numbers = #tpu.dot_dimension_numbers<[1], [0], [0], [1], [0, 0, 1, 1], [], []>, transpose_lhs_hint = false} : vector<200x200xf32>, vector<200x64xf32>, vector<200x64xf32> -> vector<200x64xf32>
    %slice3A_1093 = vector.extract_strided_slice %add3A_1062 {offsets = [2000, 0], sizes = [200, 64], strides = [1, 1]} : vector<5000x64xf32> to vector<200x64xf32>
    %dot_general3A_1094 = arith.constant dense<0.000000e+00> : vector<200x64xf32>
    %dot_general3A_1095 = tpu.matmul %dot_general3A_363, %slice3A_1093, %dot_general3A_1094 {dimension_numbers = #tpu.dot_dimension_numbers<[1], [0], [0], [1], [0, 0, 1, 1], [], []>, transpose_lhs_hint = false} : vector<200x200xf32>, vector<200x64xf32>, vector<200x64xf32> -> vector<200x64xf32>
    %slice3A_1096 = vector.extract_strided_slice %add3A_1062 {offsets = [2200, 0], sizes = [200, 64], strides = [1, 1]} : vector<5000x64xf32> to vector<200x64xf32>
    %dot_general3A_1097 = arith.constant dense<0.000000e+00> : vector<200x64xf32>
    %dot_general3A_1098 = tpu.matmul %dot_general3A_396, %slice3A_1096, %dot_general3A_1097 {dimension_numbers = #tpu.dot_dimension_numbers<[1], [0], [0], [1], [0, 0, 1, 1], [], []>, transpose_lhs_hint = false} : vector<200x200xf32>, vector<200x64xf32>, vector<200x64xf32> -> vector<200x64xf32>
    %slice3A_1099 = vector.extract_strided_slice %add3A_1062 {offsets = [2400, 0], sizes = [200, 64], strides = [1, 1]} : vector<5000x64xf32> to vector<200x64xf32>
    %dot_general3A_1100 = arith.constant dense<0.000000e+00> : vector<200x64xf32>
    %dot_general3A_1101 = tpu.matmul %dot_general3A_429, %slice3A_1099, %dot_general3A_1100 {dimension_numbers = #tpu.dot_dimension_numbers<[1], [0], [0], [1], [0, 0, 1, 1], [], []>, transpose_lhs_hint = false} : vector<200x200xf32>, vector<200x64xf32>, vector<200x64xf32> -> vector<200x64xf32>
    %slice3A_1102 = vector.extract_strided_slice %add3A_1062 {offsets = [2600, 0], sizes = [200, 64], strides = [1, 1]} : vector<5000x64xf32> to vector<200x64xf32>
    %dot_general3A_1103 = arith.constant dense<0.000000e+00> : vector<200x64xf32>
    %dot_general3A_1104 = tpu.matmul %dot_general3A_462, %slice3A_1102, %dot_general3A_1103 {dimension_numbers = #tpu.dot_dimension_numbers<[1], [0], [0], [1], [0, 0, 1, 1], [], []>, transpose_lhs_hint = false} : vector<200x200xf32>, vector<200x64xf32>, vector<200x64xf32> -> vector<200x64xf32>
    %slice3A_1105 = vector.extract_strided_slice %add3A_1062 {offsets = [2800, 0], sizes = [200, 64], strides = [1, 1]} : vector<5000x64xf32> to vector<200x64xf32>
    %dot_general3A_1106 = arith.constant dense<0.000000e+00> : vector<200x64xf32>
    %dot_general3A_1107 = tpu.matmul %dot_general3A_495, %slice3A_1105, %dot_general3A_1106 {dimension_numbers = #tpu.dot_dimension_numbers<[1], [0], [0], [1], [0, 0, 1, 1], [], []>, transpose_lhs_hint = false} : vector<200x200xf32>, vector<200x64xf32>, vector<200x64xf32> -> vector<200x64xf32>
    %slice3A_1108 = vector.extract_strided_slice %add3A_1062 {offsets = [3000, 0], sizes = [200, 64], strides = [1, 1]} : vector<5000x64xf32> to vector<200x64xf32>
    %dot_general3A_1109 = arith.constant dense<0.000000e+00> : vector<200x64xf32>
    %dot_general3A_1110 = tpu.matmul %dot_general3A_528, %slice3A_1108, %dot_general3A_1109 {dimension_numbers = #tpu.dot_dimension_numbers<[1], [0], [0], [1], [0, 0, 1, 1], [], []>, transpose_lhs_hint = false} : vector<200x200xf32>, vector<200x64xf32>, vector<200x64xf32> -> vector<200x64xf32>
    %slice3A_1111 = vector.extract_strided_slice %add3A_1062 {offsets = [3200, 0], sizes = [200, 64], strides = [1, 1]} : vector<5000x64xf32> to vector<200x64xf32>
    %dot_general3A_1112 = arith.constant dense<0.000000e+00> : vector<200x64xf32>
    %dot_general3A_1113 = tpu.matmul %dot_general3A_561, %slice3A_1111, %dot_general3A_1112 {dimension_numbers = #tpu.dot_dimension_numbers<[1], [0], [0], [1], [0, 0, 1, 1], [], []>, transpose_lhs_hint = false} : vector<200x200xf32>, vector<200x64xf32>, vector<200x64xf32> -> vector<200x64xf32>
    %slice3A_1114 = vector.extract_strided_slice %add3A_1062 {offsets = [3400, 0], sizes = [200, 64], strides = [1, 1]} : vector<5000x64xf32> to vector<200x64xf32>
    %dot_general3A_1115 = arith.constant dense<0.000000e+00> : vector<200x64xf32>
    %dot_general3A_1116 = tpu.matmul %dot_general3A_594, %slice3A_1114, %dot_general3A_1115 {dimension_numbers = #tpu.dot_dimension_numbers<[1], [0], [0], [1], [0, 0, 1, 1], [], []>, transpose_lhs_hint = false} : vector<200x200xf32>, vector<200x64xf32>, vector<200x64xf32> -> vector<200x64xf32>
    %slice3A_1117 = vector.extract_strided_slice %add3A_1062 {offsets = [3600, 0], sizes = [200, 64], strides = [1, 1]} : vector<5000x64xf32> to vector<200x64xf32>
    %dot_general3A_1118 = arith.constant dense<0.000000e+00> : vector<200x64xf32>
    %dot_general3A_1119 = tpu.matmul %dot_general3A_627, %slice3A_1117, %dot_general3A_1118 {dimension_numbers = #tpu.dot_dimension_numbers<[1], [0], [0], [1], [0, 0, 1, 1], [], []>, transpose_lhs_hint = false} : vector<200x200xf32>, vector<200x64xf32>, vector<200x64xf32> -> vector<200x64xf32>
    %slice3A_1120 = vector.extract_strided_slice %add3A_1062 {offsets = [3800, 0], sizes = [200, 64], strides = [1, 1]} : vector<5000x64xf32> to vector<200x64xf32>
    %dot_general3A_1121 = arith.constant dense<0.000000e+00> : vector<200x64xf32>
    %dot_general3A_1122 = tpu.matmul %dot_general3A_660, %slice3A_1120, %dot_general3A_1121 {dimension_numbers = #tpu.dot_dimension_numbers<[1], [0], [0], [1], [0, 0, 1, 1], [], []>, transpose_lhs_hint = false} : vector<200x200xf32>, vector<200x64xf32>, vector<200x64xf32> -> vector<200x64xf32>
    %slice3A_1123 = vector.extract_strided_slice %add3A_1062 {offsets = [4000, 0], sizes = [200, 64], strides = [1, 1]} : vector<5000x64xf32> to vector<200x64xf32>
    %dot_general3A_1124 = arith.constant dense<0.000000e+00> : vector<200x64xf32>
    %dot_general3A_1125 = tpu.matmul %dot_general3A_693, %slice3A_1123, %dot_general3A_1124 {dimension_numbers = #tpu.dot_dimension_numbers<[1], [0], [0], [1], [0, 0, 1, 1], [], []>, transpose_lhs_hint = false} : vector<200x200xf32>, vector<200x64xf32>, vector<200x64xf32> -> vector<200x64xf32>
    %slice3A_1126 = vector.extract_strided_slice %add3A_1062 {offsets = [4200, 0], sizes = [200, 64], strides = [1, 1]} : vector<5000x64xf32> to vector<200x64xf32>
    %dot_general3A_1127 = arith.constant dense<0.000000e+00> : vector<200x64xf32>
    %dot_general3A_1128 = tpu.matmul %dot_general3A_726, %slice3A_1126, %dot_general3A_1127 {dimension_numbers = #tpu.dot_dimension_numbers<[1], [0], [0], [1], [0, 0, 1, 1], [], []>, transpose_lhs_hint = false} : vector<200x200xf32>, vector<200x64xf32>, vector<200x64xf32> -> vector<200x64xf32>
    %slice3A_1129 = vector.extract_strided_slice %add3A_1062 {offsets = [4400, 0], sizes = [200, 64], strides = [1, 1]} : vector<5000x64xf32> to vector<200x64xf32>
    %dot_general3A_1130 = arith.constant dense<0.000000e+00> : vector<200x64xf32>
    %dot_general3A_1131 = tpu.matmul %dot_general3A_759, %slice3A_1129, %dot_general3A_1130 {dimension_numbers = #tpu.dot_dimension_numbers<[1], [0], [0], [1], [0, 0, 1, 1], [], []>, transpose_lhs_hint = false} : vector<200x200xf32>, vector<200x64xf32>, vector<200x64xf32> -> vector<200x64xf32>
    %slice3A_1132 = vector.extract_strided_slice %add3A_1062 {offsets = [4600, 0], sizes = [200, 64], strides = [1, 1]} : vector<5000x64xf32> to vector<200x64xf32>
    %dot_general3A_1133 = arith.constant dense<0.000000e+00> : vector<200x64xf32>
    %dot_general3A_1134 = tpu.matmul %dot_general3A_792, %slice3A_1132, %dot_general3A_1133 {dimension_numbers = #tpu.dot_dimension_numbers<[1], [0], [0], [1], [0, 0, 1, 1], [], []>, transpose_lhs_hint = false} : vector<200x200xf32>, vector<200x64xf32>, vector<200x64xf32> -> vector<200x64xf32>
    %slice3A_1135 = vector.extract_strided_slice %add3A_1062 {offsets = [4800, 0], sizes = [200, 64], strides = [1, 1]} : vector<5000x64xf32> to vector<200x64xf32>
    %dot_general3A_1136 = arith.constant dense<0.000000e+00> : vector<200x64xf32>
    %dot_general3A_1137 = tpu.matmul %dot_general3A_825, %slice3A_1135, %dot_general3A_1136 {dimension_numbers = #tpu.dot_dimension_numbers<[1], [0], [0], [1], [0, 0, 1, 1], [], []>, transpose_lhs_hint = false} : vector<200x200xf32>, vector<200x64xf32>, vector<200x64xf32> -> vector<200x64xf32>
    %concatenate3A_1138 = tpu.concatenate %dot_general3A_1065, %dot_general3A_1068, %dot_general3A_1071, %dot_general3A_1074, %dot_general3A_1077, %dot_general3A_1080, %dot_general3A_1083, %dot_general3A_1086, %dot_general3A_1089, %dot_general3A_1092, %dot_general3A_1095, %dot_general3A_1098, %dot_general3A_1101, %dot_general3A_1104, %dot_general3A_1107, %dot_general3A_1110, %dot_general3A_1113, %dot_general3A_1116, %dot_general3A_1119, %dot_general3A_1122, %dot_general3A_1125, %dot_general3A_1128, %dot_general3A_1131, %dot_general3A_1134, %dot_general3A_1137 in 0 : vector<200x64xf32>, vector<200x64xf32>, vector<200x64xf32>, vector<200x64xf32>, vector<200x64xf32>, vector<200x64xf32>, vector<200x64xf32>, vector<200x64xf32>, vector<200x64xf32>, vector<200x64xf32>, vector<200x64xf32>, vector<200x64xf32>, vector<200x64xf32>, vector<200x64xf32>, vector<200x64xf32>, vector<200x64xf32>, vector<200x64xf32>, vector<200x64xf32>, vector<200x64xf32>, vector<200x64xf32>, vector<200x64xf32>, vector<200x64xf32>, vector<200x64xf32>, vector<200x64xf32>, vector<200x64xf32> -> vector<5000x64xf32>
    %concatenate3A_1139 = tpu.concatenate %concatenate3A_1138, %add3A_1062 in 1 : vector<5000x64xf32>, vector<5000x64xf32> -> vector<5000x128xf32>
    %get3A_1140 = arith.constant 2 : index
    %get3A_1141 = arith.constant 0 : index
    %get3A_1142 = arith.constant 0 : index
    %get3A_1143 = vector.load %arg5[%get3A_1140, %get3A_1141, %get3A_1142] : memref<4x128x192xf32, #tpu.memory_space<vmem>>, vector<1x128x192xf32>
    %get3A_1144 = vector.shape_cast %get3A_1143 : vector<1x128x192xf32> to vector<128x192xf32>
    %dot_general3A_1145 = arith.constant dense<0.000000e+00> : vector<5000x192xf32>
    %dot_general3A_1146 = tpu.matmul %concatenate3A_1139, %get3A_1144, %dot_general3A_1145 {dimension_numbers = #tpu.dot_dimension_numbers<[1], [0], [0], [1], [0, 0, 1, 1], [], []>, transpose_lhs_hint = false} : vector<5000x128xf32>, vector<128x192xf32>, vector<5000x192xf32> -> vector<5000x192xf32>
    %add3A_1147 = vector.broadcast %get3A_833 : vector<1x192xf32> to vector<5000x192xf32>
    %add3A_1148 = arith.addf %dot_general3A_1146, %add3A_1147 : vector<5000x192xf32>
    %slice3A_1149 = vector.extract_strided_slice %add3A_1148 {offsets = [0, 0], sizes = [5000, 64], strides = [1, 1]} : vector<5000x192xf32> to vector<5000x64xf32>
    %logistic3A_1150 = arith.negf %slice3A_1149 : vector<5000x64xf32>
    %logistic3A_1151 = math.exp %logistic3A_1150 : vector<5000x64xf32>
    %logistic3A_1152 = arith.constant 1.000000e+00 : f32
    %logistic3A_1153 = vector.broadcast %logistic3A_1152 : f32 to vector<5000x64xf32>
    %logistic3A_1154 = arith.addf %logistic3A_1153, %logistic3A_1151 : vector<5000x64xf32>
    %logistic3A_1155 = arith.divf %logistic3A_1153, %logistic3A_1154 : vector<5000x64xf32>
    %slice3A_1156 = vector.extract_strided_slice %add3A_1148 {offsets = [0, 64], sizes = [5000, 64], strides = [1, 1]} : vector<5000x192xf32> to vector<5000x64xf32>
    %logistic3A_1157 = arith.negf %slice3A_1156 : vector<5000x64xf32>
    %logistic3A_1158 = math.exp %logistic3A_1157 : vector<5000x64xf32>
    %logistic3A_1159 = arith.constant 1.000000e+00 : f32
    %logistic3A_1160 = vector.broadcast %logistic3A_1159 : f32 to vector<5000x64xf32>
    %logistic3A_1161 = arith.addf %logistic3A_1160, %logistic3A_1158 : vector<5000x64xf32>
    %logistic3A_1162 = arith.divf %logistic3A_1160, %logistic3A_1161 : vector<5000x64xf32>
    %slice3A_1163 = vector.extract_strided_slice %add3A_1148 {offsets = [0, 128], sizes = [5000, 64], strides = [1, 1]} : vector<5000x192xf32> to vector<5000x64xf32>
    %dot_general3A_1164 = arith.constant dense<0.000000e+00> : vector<5000x64xf32>
    %dot_general3A_1165 = tpu.matmul %add3A_1062, %get3A_836, %dot_general3A_1164 {dimension_numbers = #tpu.dot_dimension_numbers<[1], [0], [0], [1], [0, 0, 1, 1], [], []>, transpose_lhs_hint = false} : vector<5000x64xf32>, vector<64x64xf32>, vector<5000x64xf32> -> vector<5000x64xf32>
    %add3A_1166 = vector.broadcast %get3A_839 : vector<1x64xf32> to vector<5000x64xf32>
    %add3A_1167 = arith.addf %dot_general3A_1165, %add3A_1166 : vector<5000x64xf32>
    %mul3A_1168 = arith.mulf %logistic3A_1155, %add3A_1167 : vector<5000x64xf32>
    %add3A_1169 = arith.addf %slice3A_1163, %mul3A_1168 : vector<5000x64xf32>
    %tanh3A_1170 = math.tanh %add3A_1169 : vector<5000x64xf32>
    %sub3A_1171 = arith.constant 1.000000e+00 : f32
    %sub3A_1172 = vector.broadcast %sub3A_1171 : f32 to vector<5000x64xf32>
    %sub3A_1173 = arith.subf %sub3A_1172, %logistic3A_1162 : vector<5000x64xf32>
    %mul3A_1174 = arith.mulf %sub3A_1173, %tanh3A_1170 : vector<5000x64xf32>
    %mul3A_1175 = arith.mulf %logistic3A_1162, %add3A_1062 : vector<5000x64xf32>
    %add3A_1176 = arith.addf %mul3A_1174, %mul3A_1175 : vector<5000x64xf32>
    %slice3A_1177 = vector.extract_strided_slice %add3A_1176 {offsets = [0, 0], sizes = [200, 64], strides = [1, 1]} : vector<5000x64xf32> to vector<200x64xf32>
    %dot_general3A_1178 = arith.constant dense<0.000000e+00> : vector<200x64xf32>
    %dot_general3A_1179 = tpu.matmul %dot_general3A_33, %slice3A_1177, %dot_general3A_1178 {dimension_numbers = #tpu.dot_dimension_numbers<[1], [0], [0], [1], [0, 0, 1, 1], [], []>, transpose_lhs_hint = false} : vector<200x200xf32>, vector<200x64xf32>, vector<200x64xf32> -> vector<200x64xf32>
    %slice3A_1180 = vector.extract_strided_slice %add3A_1176 {offsets = [200, 0], sizes = [200, 64], strides = [1, 1]} : vector<5000x64xf32> to vector<200x64xf32>
    %dot_general3A_1181 = arith.constant dense<0.000000e+00> : vector<200x64xf32>
    %dot_general3A_1182 = tpu.matmul %dot_general3A_66, %slice3A_1180, %dot_general3A_1181 {dimension_numbers = #tpu.dot_dimension_numbers<[1], [0], [0], [1], [0, 0, 1, 1], [], []>, transpose_lhs_hint = false} : vector<200x200xf32>, vector<200x64xf32>, vector<200x64xf32> -> vector<200x64xf32>
    %slice3A_1183 = vector.extract_strided_slice %add3A_1176 {offsets = [400, 0], sizes = [200, 64], strides = [1, 1]} : vector<5000x64xf32> to vector<200x64xf32>
    %dot_general3A_1184 = arith.constant dense<0.000000e+00> : vector<200x64xf32>
    %dot_general3A_1185 = tpu.matmul %dot_general3A_99, %slice3A_1183, %dot_general3A_1184 {dimension_numbers = #tpu.dot_dimension_numbers<[1], [0], [0], [1], [0, 0, 1, 1], [], []>, transpose_lhs_hint = false} : vector<200x200xf32>, vector<200x64xf32>, vector<200x64xf32> -> vector<200x64xf32>
    %slice3A_1186 = vector.extract_strided_slice %add3A_1176 {offsets = [600, 0], sizes = [200, 64], strides = [1, 1]} : vector<5000x64xf32> to vector<200x64xf32>
    %dot_general3A_1187 = arith.constant dense<0.000000e+00> : vector<200x64xf32>
    %dot_general3A_1188 = tpu.matmul %dot_general3A_132, %slice3A_1186, %dot_general3A_1187 {dimension_numbers = #tpu.dot_dimension_numbers<[1], [0], [0], [1], [0, 0, 1, 1], [], []>, transpose_lhs_hint = false} : vector<200x200xf32>, vector<200x64xf32>, vector<200x64xf32> -> vector<200x64xf32>
    %slice3A_1189 = vector.extract_strided_slice %add3A_1176 {offsets = [800, 0], sizes = [200, 64], strides = [1, 1]} : vector<5000x64xf32> to vector<200x64xf32>
    %dot_general3A_1190 = arith.constant dense<0.000000e+00> : vector<200x64xf32>
    %dot_general3A_1191 = tpu.matmul %dot_general3A_165, %slice3A_1189, %dot_general3A_1190 {dimension_numbers = #tpu.dot_dimension_numbers<[1], [0], [0], [1], [0, 0, 1, 1], [], []>, transpose_lhs_hint = false} : vector<200x200xf32>, vector<200x64xf32>, vector<200x64xf32> -> vector<200x64xf32>
    %slice3A_1192 = vector.extract_strided_slice %add3A_1176 {offsets = [1000, 0], sizes = [200, 64], strides = [1, 1]} : vector<5000x64xf32> to vector<200x64xf32>
    %dot_general3A_1193 = arith.constant dense<0.000000e+00> : vector<200x64xf32>
    %dot_general3A_1194 = tpu.matmul %dot_general3A_198, %slice3A_1192, %dot_general3A_1193 {dimension_numbers = #tpu.dot_dimension_numbers<[1], [0], [0], [1], [0, 0, 1, 1], [], []>, transpose_lhs_hint = false} : vector<200x200xf32>, vector<200x64xf32>, vector<200x64xf32> -> vector<200x64xf32>
    %slice3A_1195 = vector.extract_strided_slice %add3A_1176 {offsets = [1200, 0], sizes = [200, 64], strides = [1, 1]} : vector<5000x64xf32> to vector<200x64xf32>
    %dot_general3A_1196 = arith.constant dense<0.000000e+00> : vector<200x64xf32>
    %dot_general3A_1197 = tpu.matmul %dot_general3A_231, %slice3A_1195, %dot_general3A_1196 {dimension_numbers = #tpu.dot_dimension_numbers<[1], [0], [0], [1], [0, 0, 1, 1], [], []>, transpose_lhs_hint = false} : vector<200x200xf32>, vector<200x64xf32>, vector<200x64xf32> -> vector<200x64xf32>
    %slice3A_1198 = vector.extract_strided_slice %add3A_1176 {offsets = [1400, 0], sizes = [200, 64], strides = [1, 1]} : vector<5000x64xf32> to vector<200x64xf32>
    %dot_general3A_1199 = arith.constant dense<0.000000e+00> : vector<200x64xf32>
    %dot_general3A_1200 = tpu.matmul %dot_general3A_264, %slice3A_1198, %dot_general3A_1199 {dimension_numbers = #tpu.dot_dimension_numbers<[1], [0], [0], [1], [0, 0, 1, 1], [], []>, transpose_lhs_hint = false} : vector<200x200xf32>, vector<200x64xf32>, vector<200x64xf32> -> vector<200x64xf32>
    %slice3A_1201 = vector.extract_strided_slice %add3A_1176 {offsets = [1600, 0], sizes = [200, 64], strides = [1, 1]} : vector<5000x64xf32> to vector<200x64xf32>
    %dot_general3A_1202 = arith.constant dense<0.000000e+00> : vector<200x64xf32>
    %dot_general3A_1203 = tpu.matmul %dot_general3A_297, %slice3A_1201, %dot_general3A_1202 {dimension_numbers = #tpu.dot_dimension_numbers<[1], [0], [0], [1], [0, 0, 1, 1], [], []>, transpose_lhs_hint = false} : vector<200x200xf32>, vector<200x64xf32>, vector<200x64xf32> -> vector<200x64xf32>
    %slice3A_1204 = vector.extract_strided_slice %add3A_1176 {offsets = [1800, 0], sizes = [200, 64], strides = [1, 1]} : vector<5000x64xf32> to vector<200x64xf32>
    %dot_general3A_1205 = arith.constant dense<0.000000e+00> : vector<200x64xf32>
    %dot_general3A_1206 = tpu.matmul %dot_general3A_330, %slice3A_1204, %dot_general3A_1205 {dimension_numbers = #tpu.dot_dimension_numbers<[1], [0], [0], [1], [0, 0, 1, 1], [], []>, transpose_lhs_hint = false} : vector<200x200xf32>, vector<200x64xf32>, vector<200x64xf32> -> vector<200x64xf32>
    %slice3A_1207 = vector.extract_strided_slice %add3A_1176 {offsets = [2000, 0], sizes = [200, 64], strides = [1, 1]} : vector<5000x64xf32> to vector<200x64xf32>
    %dot_general3A_1208 = arith.constant dense<0.000000e+00> : vector<200x64xf32>
    %dot_general3A_1209 = tpu.matmul %dot_general3A_363, %slice3A_1207, %dot_general3A_1208 {dimension_numbers = #tpu.dot_dimension_numbers<[1], [0], [0], [1], [0, 0, 1, 1], [], []>, transpose_lhs_hint = false} : vector<200x200xf32>, vector<200x64xf32>, vector<200x64xf32> -> vector<200x64xf32>
    %slice3A_1210 = vector.extract_strided_slice %add3A_1176 {offsets = [2200, 0], sizes = [200, 64], strides = [1, 1]} : vector<5000x64xf32> to vector<200x64xf32>
    %dot_general3A_1211 = arith.constant dense<0.000000e+00> : vector<200x64xf32>
    %dot_general3A_1212 = tpu.matmul %dot_general3A_396, %slice3A_1210, %dot_general3A_1211 {dimension_numbers = #tpu.dot_dimension_numbers<[1], [0], [0], [1], [0, 0, 1, 1], [], []>, transpose_lhs_hint = false} : vector<200x200xf32>, vector<200x64xf32>, vector<200x64xf32> -> vector<200x64xf32>
    %slice3A_1213 = vector.extract_strided_slice %add3A_1176 {offsets = [2400, 0], sizes = [200, 64], strides = [1, 1]} : vector<5000x64xf32> to vector<200x64xf32>
    %dot_general3A_1214 = arith.constant dense<0.000000e+00> : vector<200x64xf32>
    %dot_general3A_1215 = tpu.matmul %dot_general3A_429, %slice3A_1213, %dot_general3A_1214 {dimension_numbers = #tpu.dot_dimension_numbers<[1], [0], [0], [1], [0, 0, 1, 1], [], []>, transpose_lhs_hint = false} : vector<200x200xf32>, vector<200x64xf32>, vector<200x64xf32> -> vector<200x64xf32>
    %slice3A_1216 = vector.extract_strided_slice %add3A_1176 {offsets = [2600, 0], sizes = [200, 64], strides = [1, 1]} : vector<5000x64xf32> to vector<200x64xf32>
    %dot_general3A_1217 = arith.constant dense<0.000000e+00> : vector<200x64xf32>
    %dot_general3A_1218 = tpu.matmul %dot_general3A_462, %slice3A_1216, %dot_general3A_1217 {dimension_numbers = #tpu.dot_dimension_numbers<[1], [0], [0], [1], [0, 0, 1, 1], [], []>, transpose_lhs_hint = false} : vector<200x200xf32>, vector<200x64xf32>, vector<200x64xf32> -> vector<200x64xf32>
    %slice3A_1219 = vector.extract_strided_slice %add3A_1176 {offsets = [2800, 0], sizes = [200, 64], strides = [1, 1]} : vector<5000x64xf32> to vector<200x64xf32>
    %dot_general3A_1220 = arith.constant dense<0.000000e+00> : vector<200x64xf32>
    %dot_general3A_1221 = tpu.matmul %dot_general3A_495, %slice3A_1219, %dot_general3A_1220 {dimension_numbers = #tpu.dot_dimension_numbers<[1], [0], [0], [1], [0, 0, 1, 1], [], []>, transpose_lhs_hint = false} : vector<200x200xf32>, vector<200x64xf32>, vector<200x64xf32> -> vector<200x64xf32>
    %slice3A_1222 = vector.extract_strided_slice %add3A_1176 {offsets = [3000, 0], sizes = [200, 64], strides = [1, 1]} : vector<5000x64xf32> to vector<200x64xf32>
    %dot_general3A_1223 = arith.constant dense<0.000000e+00> : vector<200x64xf32>
    %dot_general3A_1224 = tpu.matmul %dot_general3A_528, %slice3A_1222, %dot_general3A_1223 {dimension_numbers = #tpu.dot_dimension_numbers<[1], [0], [0], [1], [0, 0, 1, 1], [], []>, transpose_lhs_hint = false} : vector<200x200xf32>, vector<200x64xf32>, vector<200x64xf32> -> vector<200x64xf32>
    %slice3A_1225 = vector.extract_strided_slice %add3A_1176 {offsets = [3200, 0], sizes = [200, 64], strides = [1, 1]} : vector<5000x64xf32> to vector<200x64xf32>
    %dot_general3A_1226 = arith.constant dense<0.000000e+00> : vector<200x64xf32>
    %dot_general3A_1227 = tpu.matmul %dot_general3A_561, %slice3A_1225, %dot_general3A_1226 {dimension_numbers = #tpu.dot_dimension_numbers<[1], [0], [0], [1], [0, 0, 1, 1], [], []>, transpose_lhs_hint = false} : vector<200x200xf32>, vector<200x64xf32>, vector<200x64xf32> -> vector<200x64xf32>
    %slice3A_1228 = vector.extract_strided_slice %add3A_1176 {offsets = [3400, 0], sizes = [200, 64], strides = [1, 1]} : vector<5000x64xf32> to vector<200x64xf32>
    %dot_general3A_1229 = arith.constant dense<0.000000e+00> : vector<200x64xf32>
    %dot_general3A_1230 = tpu.matmul %dot_general3A_594, %slice3A_1228, %dot_general3A_1229 {dimension_numbers = #tpu.dot_dimension_numbers<[1], [0], [0], [1], [0, 0, 1, 1], [], []>, transpose_lhs_hint = false} : vector<200x200xf32>, vector<200x64xf32>, vector<200x64xf32> -> vector<200x64xf32>
    %slice3A_1231 = vector.extract_strided_slice %add3A_1176 {offsets = [3600, 0], sizes = [200, 64], strides = [1, 1]} : vector<5000x64xf32> to vector<200x64xf32>
    %dot_general3A_1232 = arith.constant dense<0.000000e+00> : vector<200x64xf32>
    %dot_general3A_1233 = tpu.matmul %dot_general3A_627, %slice3A_1231, %dot_general3A_1232 {dimension_numbers = #tpu.dot_dimension_numbers<[1], [0], [0], [1], [0, 0, 1, 1], [], []>, transpose_lhs_hint = false} : vector<200x200xf32>, vector<200x64xf32>, vector<200x64xf32> -> vector<200x64xf32>
    %slice3A_1234 = vector.extract_strided_slice %add3A_1176 {offsets = [3800, 0], sizes = [200, 64], strides = [1, 1]} : vector<5000x64xf32> to vector<200x64xf32>
    %dot_general3A_1235 = arith.constant dense<0.000000e+00> : vector<200x64xf32>
    %dot_general3A_1236 = tpu.matmul %dot_general3A_660, %slice3A_1234, %dot_general3A_1235 {dimension_numbers = #tpu.dot_dimension_numbers<[1], [0], [0], [1], [0, 0, 1, 1], [], []>, transpose_lhs_hint = false} : vector<200x200xf32>, vector<200x64xf32>, vector<200x64xf32> -> vector<200x64xf32>
    %slice3A_1237 = vector.extract_strided_slice %add3A_1176 {offsets = [4000, 0], sizes = [200, 64], strides = [1, 1]} : vector<5000x64xf32> to vector<200x64xf32>
    %dot_general3A_1238 = arith.constant dense<0.000000e+00> : vector<200x64xf32>
    %dot_general3A_1239 = tpu.matmul %dot_general3A_693, %slice3A_1237, %dot_general3A_1238 {dimension_numbers = #tpu.dot_dimension_numbers<[1], [0], [0], [1], [0, 0, 1, 1], [], []>, transpose_lhs_hint = false} : vector<200x200xf32>, vector<200x64xf32>, vector<200x64xf32> -> vector<200x64xf32>
    %slice3A_1240 = vector.extract_strided_slice %add3A_1176 {offsets = [4200, 0], sizes = [200, 64], strides = [1, 1]} : vector<5000x64xf32> to vector<200x64xf32>
    %dot_general3A_1241 = arith.constant dense<0.000000e+00> : vector<200x64xf32>
    %dot_general3A_1242 = tpu.matmul %dot_general3A_726, %slice3A_1240, %dot_general3A_1241 {dimension_numbers = #tpu.dot_dimension_numbers<[1], [0], [0], [1], [0, 0, 1, 1], [], []>, transpose_lhs_hint = false} : vector<200x200xf32>, vector<200x64xf32>, vector<200x64xf32> -> vector<200x64xf32>
    %slice3A_1243 = vector.extract_strided_slice %add3A_1176 {offsets = [4400, 0], sizes = [200, 64], strides = [1, 1]} : vector<5000x64xf32> to vector<200x64xf32>
    %dot_general3A_1244 = arith.constant dense<0.000000e+00> : vector<200x64xf32>
    %dot_general3A_1245 = tpu.matmul %dot_general3A_759, %slice3A_1243, %dot_general3A_1244 {dimension_numbers = #tpu.dot_dimension_numbers<[1], [0], [0], [1], [0, 0, 1, 1], [], []>, transpose_lhs_hint = false} : vector<200x200xf32>, vector<200x64xf32>, vector<200x64xf32> -> vector<200x64xf32>
    %slice3A_1246 = vector.extract_strided_slice %add3A_1176 {offsets = [4600, 0], sizes = [200, 64], strides = [1, 1]} : vector<5000x64xf32> to vector<200x64xf32>
    %dot_general3A_1247 = arith.constant dense<0.000000e+00> : vector<200x64xf32>
    %dot_general3A_1248 = tpu.matmul %dot_general3A_792, %slice3A_1246, %dot_general3A_1247 {dimension_numbers = #tpu.dot_dimension_numbers<[1], [0], [0], [1], [0, 0, 1, 1], [], []>, transpose_lhs_hint = false} : vector<200x200xf32>, vector<200x64xf32>, vector<200x64xf32> -> vector<200x64xf32>
    %slice3A_1249 = vector.extract_strided_slice %add3A_1176 {offsets = [4800, 0], sizes = [200, 64], strides = [1, 1]} : vector<5000x64xf32> to vector<200x64xf32>
    %dot_general3A_1250 = arith.constant dense<0.000000e+00> : vector<200x64xf32>
    %dot_general3A_1251 = tpu.matmul %dot_general3A_825, %slice3A_1249, %dot_general3A_1250 {dimension_numbers = #tpu.dot_dimension_numbers<[1], [0], [0], [1], [0, 0, 1, 1], [], []>, transpose_lhs_hint = false} : vector<200x200xf32>, vector<200x64xf32>, vector<200x64xf32> -> vector<200x64xf32>
    %concatenate3A_1252 = tpu.concatenate %dot_general3A_1179, %dot_general3A_1182, %dot_general3A_1185, %dot_general3A_1188, %dot_general3A_1191, %dot_general3A_1194, %dot_general3A_1197, %dot_general3A_1200, %dot_general3A_1203, %dot_general3A_1206, %dot_general3A_1209, %dot_general3A_1212, %dot_general3A_1215, %dot_general3A_1218, %dot_general3A_1221, %dot_general3A_1224, %dot_general3A_1227, %dot_general3A_1230, %dot_general3A_1233, %dot_general3A_1236, %dot_general3A_1239, %dot_general3A_1242, %dot_general3A_1245, %dot_general3A_1248, %dot_general3A_1251 in 0 : vector<200x64xf32>, vector<200x64xf32>, vector<200x64xf32>, vector<200x64xf32>, vector<200x64xf32>, vector<200x64xf32>, vector<200x64xf32>, vector<200x64xf32>, vector<200x64xf32>, vector<200x64xf32>, vector<200x64xf32>, vector<200x64xf32>, vector<200x64xf32>, vector<200x64xf32>, vector<200x64xf32>, vector<200x64xf32>, vector<200x64xf32>, vector<200x64xf32>, vector<200x64xf32>, vector<200x64xf32>, vector<200x64xf32>, vector<200x64xf32>, vector<200x64xf32>, vector<200x64xf32>, vector<200x64xf32> -> vector<5000x64xf32>
    %concatenate3A_1253 = tpu.concatenate %concatenate3A_1252, %add3A_1176 in 1 : vector<5000x64xf32>, vector<5000x64xf32> -> vector<5000x128xf32>
    %get3A_1254 = arith.constant 3 : index
    %get3A_1255 = arith.constant 0 : index
    %get3A_1256 = arith.constant 0 : index
    %get3A_1257 = vector.load %arg5[%get3A_1254, %get3A_1255, %get3A_1256] : memref<4x128x192xf32, #tpu.memory_space<vmem>>, vector<1x128x192xf32>
    %get3A_1258 = vector.shape_cast %get3A_1257 : vector<1x128x192xf32> to vector<128x192xf32>
    %dot_general3A_1259 = arith.constant dense<0.000000e+00> : vector<5000x192xf32>
    %dot_general3A_1260 = tpu.matmul %concatenate3A_1253, %get3A_1258, %dot_general3A_1259 {dimension_numbers = #tpu.dot_dimension_numbers<[1], [0], [0], [1], [0, 0, 1, 1], [], []>, transpose_lhs_hint = false} : vector<5000x128xf32>, vector<128x192xf32>, vector<5000x192xf32> -> vector<5000x192xf32>
    %add3A_1261 = vector.broadcast %get3A_833 : vector<1x192xf32> to vector<5000x192xf32>
    %add3A_1262 = arith.addf %dot_general3A_1260, %add3A_1261 : vector<5000x192xf32>
    %slice3A_1263 = vector.extract_strided_slice %add3A_1262 {offsets = [0, 0], sizes = [5000, 64], strides = [1, 1]} : vector<5000x192xf32> to vector<5000x64xf32>
    %logistic3A_1264 = arith.negf %slice3A_1263 : vector<5000x64xf32>
    %logistic3A_1265 = math.exp %logistic3A_1264 : vector<5000x64xf32>
    %logistic3A_1266 = arith.constant 1.000000e+00 : f32
    %logistic3A_1267 = vector.broadcast %logistic3A_1266 : f32 to vector<5000x64xf32>
    %logistic3A_1268 = arith.addf %logistic3A_1267, %logistic3A_1265 : vector<5000x64xf32>
    %logistic3A_1269 = arith.divf %logistic3A_1267, %logistic3A_1268 : vector<5000x64xf32>
    %slice3A_1270 = vector.extract_strided_slice %add3A_1262 {offsets = [0, 64], sizes = [5000, 64], strides = [1, 1]} : vector<5000x192xf32> to vector<5000x64xf32>
    %logistic3A_1271 = arith.negf %slice3A_1270 : vector<5000x64xf32>
    %logistic3A_1272 = math.exp %logistic3A_1271 : vector<5000x64xf32>
    %logistic3A_1273 = arith.constant 1.000000e+00 : f32
    %logistic3A_1274 = vector.broadcast %logistic3A_1273 : f32 to vector<5000x64xf32>
    %logistic3A_1275 = arith.addf %logistic3A_1274, %logistic3A_1272 : vector<5000x64xf32>
    %logistic3A_1276 = arith.divf %logistic3A_1274, %logistic3A_1275 : vector<5000x64xf32>
    %slice3A_1277 = vector.extract_strided_slice %add3A_1262 {offsets = [0, 128], sizes = [5000, 64], strides = [1, 1]} : vector<5000x192xf32> to vector<5000x64xf32>
    %dot_general3A_1278 = arith.constant dense<0.000000e+00> : vector<5000x64xf32>
    %dot_general3A_1279 = tpu.matmul %add3A_1176, %get3A_836, %dot_general3A_1278 {dimension_numbers = #tpu.dot_dimension_numbers<[1], [0], [0], [1], [0, 0, 1, 1], [], []>, transpose_lhs_hint = false} : vector<5000x64xf32>, vector<64x64xf32>, vector<5000x64xf32> -> vector<5000x64xf32>
    %add3A_1280 = vector.broadcast %get3A_839 : vector<1x64xf32> to vector<5000x64xf32>
    %add3A_1281 = arith.addf %dot_general3A_1279, %add3A_1280 : vector<5000x64xf32>
    %mul3A_1282 = arith.mulf %logistic3A_1269, %add3A_1281 : vector<5000x64xf32>
    %add3A_1283 = arith.addf %slice3A_1277, %mul3A_1282 : vector<5000x64xf32>
    %tanh3A_1284 = math.tanh %add3A_1283 : vector<5000x64xf32>
    %sub3A_1285 = arith.constant 1.000000e+00 : f32
    %sub3A_1286 = vector.broadcast %sub3A_1285 : f32 to vector<5000x64xf32>
    %sub3A_1287 = arith.subf %sub3A_1286, %logistic3A_1276 : vector<5000x64xf32>
    %mul3A_1288 = arith.mulf %sub3A_1287, %tanh3A_1284 : vector<5000x64xf32>
    %mul3A_1289 = arith.mulf %logistic3A_1276, %add3A_1176 : vector<5000x64xf32>
    %add3A_1290 = arith.addf %mul3A_1288, %mul3A_1289 : vector<5000x64xf32>
    %get3A_1291 = arith.constant 0 : index
    %get3A_1292 = arith.constant 0 : index
    %get3A_1293 = vector.load %arg9[%get3A_1291, %get3A_1292] : memref<1x64xf32, #tpu.memory_space<vmem>>, vector<1x64xf32>
    %mul3A_1294 = vector.broadcast %get3A_1293 : vector<1x64xf32> to vector<5000x64xf32>
    %mul3A_1295 = arith.mulf %add3A_1290, %mul3A_1294 : vector<5000x64xf32>
    %reduce_sum3A_1296 = arith.constant dense<0.000000e+00> : vector<5000xf32>
    %reduce_sum3A_1297 = vector.multi_reduction <add>, %mul3A_1295, %reduce_sum3A_1296 [1] : vector<5000x64xf32> to vector<5000xf32>
    %broadcast_in_dim3A_1298 = vector.shape_cast %reduce_sum3A_1297 : vector<5000xf32> to vector<5000x1xf32>
    %get3A_1299 = arith.constant 0 : index
    %get3A_1300 = arith.constant 0 : index
    %get3A_1301 = vector.load %arg10[%get3A_1299, %get3A_1300] : memref<1x1xf32, #tpu.memory_space<vmem>>, vector<1x1xf32>
    %add3A_1302 = vector.broadcast %get3A_1301 : vector<1x1xf32> to vector<5000x1xf32>
    %add3A_1303 = arith.addf %broadcast_in_dim3A_1298, %add3A_1302 : vector<5000x1xf32>
    %logistic3A_1304 = arith.negf %add3A_1303 : vector<5000x1xf32>
    %logistic3A_1305 = math.exp %logistic3A_1304 : vector<5000x1xf32>
    %logistic3A_1306 = arith.constant 1.000000e+00 : f32
    %logistic3A_1307 = vector.broadcast %logistic3A_1306 : f32 to vector<5000x1xf32>
    %logistic3A_1308 = arith.addf %logistic3A_1307, %logistic3A_1305 : vector<5000x1xf32>
    %logistic3A_1309 = arith.divf %logistic3A_1307, %logistic3A_1308 : vector<5000x1xf32>
    %slice3A_1310 = vector.extract_strided_slice %logistic3A_1309 {offsets = [0, 0], sizes = [200, 1], strides = [1, 1]} : vector<5000x1xf32> to vector<200x1xf32>
    %slice3A_1311 = vector.extract_strided_slice %add3A_1290 {offsets = [0, 0], sizes = [200, 64], strides = [1, 1]} : vector<5000x64xf32> to vector<200x64xf32>
    %reduce_max3A = arith.constant dense<0xFF800000> : vector<1xf32>
    %reduce_max3A_1312 = vector.multi_reduction <maximumf>, %slice3A_1310, %reduce_max3A [0] : vector<200x1xf32> to vector<1xf32>
    %broadcast_in_dim3A_1313 = vector.shape_cast %reduce_max3A_1312 : vector<1xf32> to vector<1x1xf32>
    %sub3A_1314 = vector.broadcast %broadcast_in_dim3A_1313 : vector<1x1xf32> to vector<200x1xf32>
    %sub3A_1315 = arith.subf %slice3A_1310, %sub3A_1314 : vector<200x1xf32>
    %exp3A = math.exp %sub3A_1315 : vector<200x1xf32>
    %reduce_sum3A_1316 = arith.constant dense<0.000000e+00> : vector<1xf32>
    %reduce_sum3A_1317 = vector.multi_reduction <add>, %exp3A, %reduce_sum3A_1316 [0] : vector<200x1xf32> to vector<1xf32>
    %broadcast_in_dim3A_1318 = vector.shape_cast %reduce_sum3A_1317 : vector<1xf32> to vector<1x1xf32>
    %div3A_1319 = vector.broadcast %broadcast_in_dim3A_1318 : vector<1x1xf32> to vector<200x1xf32>
    %div3A_1320 = arith.divf %exp3A, %div3A_1319 : vector<200x1xf32>
    %mul3A_1321 = arith.constant 25 : i32
    %mul3A_1322 = arith.muli %arg0, %mul3A_1321 : i32
    %add3A_1323 = arith.constant 0 : i32
    %add3A_1324 = arith.addi %mul3A_1322, %add3A_1323 : i32
    %jit3A = arith.constant 50 : i32
    %eq3A_1325 = arith.constant 0 : i32
    %eq3A_1326 = arith.cmpi eq, %jit3A, %eq3A_1325 : i32
    %jit3A_1327 = arith.constant 1 : i32
    %select_n3A = arith.select %eq3A_1326, %jit3A_1327, %jit3A : i32
    %rem3A = arith.remsi %add3A_1324, %select_n3A : i32
    %ne3A = arith.constant 0 : i32
    %ne3A_1328 = arith.cmpi ne, %rem3A, %ne3A : i32
    %lt3A = arith.constant 0 : i32
    %lt3A_1329 = arith.cmpi slt, %rem3A, %lt3A : i32
    %lt3A_1330 = arith.constant 0 : i32
    %lt3A_1331 = arith.cmpi slt, %select_n3A, %lt3A_1330 : i32
    %ne3A_1332 = arith.xori %lt3A_1329, %lt3A_1331 : i1
    %and3A = arith.andi %ne3A_1332, %ne3A_1328 : i1
    %add3A_1333 = arith.addi %rem3A, %select_n3A : i32
    %select_n3A_1334 = arith.select %and3A, %add3A_1333, %rem3A : i32
    %mul3A_1335 = arith.constant 8 : i32
    %mul3A_1336 = arith.muli %select_n3A_1334, %mul3A_1335 : i32
    %jit3A_1337 = arith.constant 50 : i32
    %div3A_1338 = arith.divsi %add3A_1324, %jit3A_1337 : i32
    %sign3A = arith.constant 0 : i32
    %sign3A_1339 = arith.cmpi sgt, %add3A_1324, %sign3A : i32
    %sign3A_1340 = arith.extui %sign3A_1339 : i1 to i32
    %sign3A_1341 = arith.constant 0 : i32
    %sign3A_1342 = arith.cmpi slt, %add3A_1324, %sign3A_1341 : i32
    %sign3A_1343 = arith.extui %sign3A_1342 : i1 to i32
    %sign3A_1344 = arith.subi %sign3A_1340, %sign3A_1343 : i32
    %sign3A_1345 = arith.constant 0 : i32
    %sign3A_1346 = arith.cmpi sgt, %jit3A_1337, %sign3A_1345 : i32
    %sign3A_1347 = arith.extui %sign3A_1346 : i1 to i32
    %sign3A_1348 = arith.constant 0 : i32
    %sign3A_1349 = arith.cmpi slt, %jit3A_1337, %sign3A_1348 : i32
    %sign3A_1350 = arith.extui %sign3A_1349 : i1 to i32
    %sign3A_1351 = arith.subi %sign3A_1347, %sign3A_1350 : i32
    %ne3A_1352 = arith.cmpi ne, %sign3A_1344, %sign3A_1351 : i32
    %rem3A_1353 = arith.remsi %add3A_1324, %jit3A_1337 : i32
    %ne3A_1354 = arith.constant 0 : i32
    %ne3A_1355 = arith.cmpi ne, %rem3A_1353, %ne3A_1354 : i32
    %and3A_1356 = arith.andi %ne3A_1352, %ne3A_1355 : i1
    %sub3A_1357 = arith.constant 1 : i32
    %sub3A_1358 = arith.subi %div3A_1338, %sub3A_1357 : i32
    %select_n3A_1359 = arith.select %and3A_1356, %sub3A_1358, %div3A_1338 : i32
    %add3A_1360 = arith.addi %mul3A_1336, %select_n3A_1359 : i32
    %mul3A_1361 = vector.broadcast %div3A_1320 : vector<200x1xf32> to vector<200x64xf32>
    %mul3A_1362 = arith.mulf %mul3A_1361, %slice3A_1311 : vector<200x64xf32>
    %reduce_sum3A_1363 = arith.constant dense<0.000000e+00> : vector<64xf32>
    %reduce_sum3A_1364 = vector.multi_reduction <add>, %mul3A_1362, %reduce_sum3A_1363 [0] : vector<200x64xf32> to vector<64xf32>
    %broadcast_in_dim3A_1365 = vector.shape_cast %reduce_sum3A_1364 : vector<64xf32> to vector<1x64xf32>
    %swap3A = arith.index_cast %add3A_1360 : i32 to index
    %swap3A_1366 = arith.constant 0 : index
    %swap3A_1367 = vector.load %arg22[%swap3A, %swap3A_1366] : memref<400x64xf32, #tpu.memory_space<vmem>>, vector<1x64xf32>
    tpu.vector_store %arg22[%swap3A, %swap3A_1366], %broadcast_in_dim3A_1365 {strides = array<i32>} : memref<400x64xf32, #tpu.memory_space<vmem>>, vector<1x64xf32>,
    %slice3A_1368 = vector.extract_strided_slice %logistic3A_1309 {offsets = [200, 0], sizes = [200, 1], strides = [1, 1]} : vector<5000x1xf32> to vector<200x1xf32>
    %slice3A_1369 = vector.extract_strided_slice %add3A_1290 {offsets = [200, 0], sizes = [200, 64], strides = [1, 1]} : vector<5000x64xf32> to vector<200x64xf32>
    %reduce_max3A_1370 = arith.constant dense<0xFF800000> : vector<1xf32>
    %reduce_max3A_1371 = vector.multi_reduction <maximumf>, %slice3A_1368, %reduce_max3A_1370 [0] : vector<200x1xf32> to vector<1xf32>
    %broadcast_in_dim3A_1372 = vector.shape_cast %reduce_max3A_1371 : vector<1xf32> to vector<1x1xf32>
    %sub3A_1373 = vector.broadcast %broadcast_in_dim3A_1372 : vector<1x1xf32> to vector<200x1xf32>
    %sub3A_1374 = arith.subf %slice3A_1368, %sub3A_1373 : vector<200x1xf32>
    %exp3A_1375 = math.exp %sub3A_1374 : vector<200x1xf32>
    %reduce_sum3A_1376 = arith.constant dense<0.000000e+00> : vector<1xf32>
    %reduce_sum3A_1377 = vector.multi_reduction <add>, %exp3A_1375, %reduce_sum3A_1376 [0] : vector<200x1xf32> to vector<1xf32>
    %broadcast_in_dim3A_1378 = vector.shape_cast %reduce_sum3A_1377 : vector<1xf32> to vector<1x1xf32>
    %div3A_1379 = vector.broadcast %broadcast_in_dim3A_1378 : vector<1x1xf32> to vector<200x1xf32>
    %div3A_1380 = arith.divf %exp3A_1375, %div3A_1379 : vector<200x1xf32>
    %mul3A_1381 = arith.constant 25 : i32
    %mul3A_1382 = arith.muli %arg0, %mul3A_1381 : i32
    %add3A_1383 = arith.constant 1 : i32
    %add3A_1384 = arith.addi %mul3A_1382, %add3A_1383 : i32
    %jit3A_1385 = arith.constant 50 : i32
    %eq3A_1386 = arith.constant 0 : i32
    %eq3A_1387 = arith.cmpi eq, %jit3A_1385, %eq3A_1386 : i32
    %jit3A_1388 = arith.constant 1 : i32
    %select_n3A_1389 = arith.select %eq3A_1387, %jit3A_1388, %jit3A_1385 : i32
    %rem3A_1390 = arith.remsi %add3A_1384, %select_n3A_1389 : i32
    %ne3A_1391 = arith.constant 0 : i32
    %ne3A_1392 = arith.cmpi ne, %rem3A_1390, %ne3A_1391 : i32
    %lt3A_1393 = arith.constant 0 : i32
    %lt3A_1394 = arith.cmpi slt, %rem3A_1390, %lt3A_1393 : i32
    %lt3A_1395 = arith.constant 0 : i32
    %lt3A_1396 = arith.cmpi slt, %select_n3A_1389, %lt3A_1395 : i32
    %ne3A_1397 = arith.xori %lt3A_1394, %lt3A_1396 : i1
    %and3A_1398 = arith.andi %ne3A_1397, %ne3A_1392 : i1
    %add3A_1399 = arith.addi %rem3A_1390, %select_n3A_1389 : i32
    %select_n3A_1400 = arith.select %and3A_1398, %add3A_1399, %rem3A_1390 : i32
    %mul3A_1401 = arith.constant 8 : i32
    %mul3A_1402 = arith.muli %select_n3A_1400, %mul3A_1401 : i32
    %jit3A_1403 = arith.constant 50 : i32
    %div3A_1404 = arith.divsi %add3A_1384, %jit3A_1403 : i32
    %sign3A_1405 = arith.constant 0 : i32
    %sign3A_1406 = arith.cmpi sgt, %add3A_1384, %sign3A_1405 : i32
    %sign3A_1407 = arith.extui %sign3A_1406 : i1 to i32
    %sign3A_1408 = arith.constant 0 : i32
    %sign3A_1409 = arith.cmpi slt, %add3A_1384, %sign3A_1408 : i32
    %sign3A_1410 = arith.extui %sign3A_1409 : i1 to i32
    %sign3A_1411 = arith.subi %sign3A_1407, %sign3A_1410 : i32
    %sign3A_1412 = arith.constant 0 : i32
    %sign3A_1413 = arith.cmpi sgt, %jit3A_1403, %sign3A_1412 : i32
    %sign3A_1414 = arith.extui %sign3A_1413 : i1 to i32
    %sign3A_1415 = arith.constant 0 : i32
    %sign3A_1416 = arith.cmpi slt, %jit3A_1403, %sign3A_1415 : i32
    %sign3A_1417 = arith.extui %sign3A_1416 : i1 to i32
    %sign3A_1418 = arith.subi %sign3A_1414, %sign3A_1417 : i32
    %ne3A_1419 = arith.cmpi ne, %sign3A_1411, %sign3A_1418 : i32
    %rem3A_1420 = arith.remsi %add3A_1384, %jit3A_1403 : i32
    %ne3A_1421 = arith.constant 0 : i32
    %ne3A_1422 = arith.cmpi ne, %rem3A_1420, %ne3A_1421 : i32
    %and3A_1423 = arith.andi %ne3A_1419, %ne3A_1422 : i1
    %sub3A_1424 = arith.constant 1 : i32
    %sub3A_1425 = arith.subi %div3A_1404, %sub3A_1424 : i32
    %select_n3A_1426 = arith.select %and3A_1423, %sub3A_1425, %div3A_1404 : i32
    %add3A_1427 = arith.addi %mul3A_1402, %select_n3A_1426 : i32
    %mul3A_1428 = vector.broadcast %div3A_1380 : vector<200x1xf32> to vector<200x64xf32>
    %mul3A_1429 = arith.mulf %mul3A_1428, %slice3A_1369 : vector<200x64xf32>
    %reduce_sum3A_1430 = arith.constant dense<0.000000e+00> : vector<64xf32>
    %reduce_sum3A_1431 = vector.multi_reduction <add>, %mul3A_1429, %reduce_sum3A_1430 [0] : vector<200x64xf32> to vector<64xf32>
    %broadcast_in_dim3A_1432 = vector.shape_cast %reduce_sum3A_1431 : vector<64xf32> to vector<1x64xf32>
    %swap3A_1433 = arith.index_cast %add3A_1427 : i32 to index
    %swap3A_1434 = arith.constant 0 : index
    %swap3A_1435 = vector.load %arg22[%swap3A_1433, %swap3A_1434] : memref<400x64xf32, #tpu.memory_space<vmem>>, vector<1x64xf32>
    tpu.vector_store %arg22[%swap3A_1433, %swap3A_1434], %broadcast_in_dim3A_1432 {strides = array<i32>} : memref<400x64xf32, #tpu.memory_space<vmem>>, vector<1x64xf32>,
    %slice3A_1436 = vector.extract_strided_slice %logistic3A_1309 {offsets = [400, 0], sizes = [200, 1], strides = [1, 1]} : vector<5000x1xf32> to vector<200x1xf32>
    %slice3A_1437 = vector.extract_strided_slice %add3A_1290 {offsets = [400, 0], sizes = [200, 64], strides = [1, 1]} : vector<5000x64xf32> to vector<200x64xf32>
    %reduce_max3A_1438 = arith.constant dense<0xFF800000> : vector<1xf32>
    %reduce_max3A_1439 = vector.multi_reduction <maximumf>, %slice3A_1436, %reduce_max3A_1438 [0] : vector<200x1xf32> to vector<1xf32>
    %broadcast_in_dim3A_1440 = vector.shape_cast %reduce_max3A_1439 : vector<1xf32> to vector<1x1xf32>
    %sub3A_1441 = vector.broadcast %broadcast_in_dim3A_1440 : vector<1x1xf32> to vector<200x1xf32>
    %sub3A_1442 = arith.subf %slice3A_1436, %sub3A_1441 : vector<200x1xf32>
    %exp3A_1443 = math.exp %sub3A_1442 : vector<200x1xf32>
    %reduce_sum3A_1444 = arith.constant dense<0.000000e+00> : vector<1xf32>
    %reduce_sum3A_1445 = vector.multi_reduction <add>, %exp3A_1443, %reduce_sum3A_1444 [0] : vector<200x1xf32> to vector<1xf32>
    %broadcast_in_dim3A_1446 = vector.shape_cast %reduce_sum3A_1445 : vector<1xf32> to vector<1x1xf32>
    %div3A_1447 = vector.broadcast %broadcast_in_dim3A_1446 : vector<1x1xf32> to vector<200x1xf32>
    %div3A_1448 = arith.divf %exp3A_1443, %div3A_1447 : vector<200x1xf32>
    %mul3A_1449 = arith.constant 25 : i32
    %mul3A_1450 = arith.muli %arg0, %mul3A_1449 : i32
    %add3A_1451 = arith.constant 2 : i32
    %add3A_1452 = arith.addi %mul3A_1450, %add3A_1451 : i32
    %jit3A_1453 = arith.constant 50 : i32
    %eq3A_1454 = arith.constant 0 : i32
    %eq3A_1455 = arith.cmpi eq, %jit3A_1453, %eq3A_1454 : i32
    %jit3A_1456 = arith.constant 1 : i32
    %select_n3A_1457 = arith.select %eq3A_1455, %jit3A_1456, %jit3A_1453 : i32
    %rem3A_1458 = arith.remsi %add3A_1452, %select_n3A_1457 : i32
    %ne3A_1459 = arith.constant 0 : i32
    %ne3A_1460 = arith.cmpi ne, %rem3A_1458, %ne3A_1459 : i32
    %lt3A_1461 = arith.constant 0 : i32
    %lt3A_1462 = arith.cmpi slt, %rem3A_1458, %lt3A_1461 : i32
    %lt3A_1463 = arith.constant 0 : i32
    %lt3A_1464 = arith.cmpi slt, %select_n3A_1457, %lt3A_1463 : i32
    %ne3A_1465 = arith.xori %lt3A_1462, %lt3A_1464 : i1
    %and3A_1466 = arith.andi %ne3A_1465, %ne3A_1460 : i1
    %add3A_1467 = arith.addi %rem3A_1458, %select_n3A_1457 : i32
    %select_n3A_1468 = arith.select %and3A_1466, %add3A_1467, %rem3A_1458 : i32
    %mul3A_1469 = arith.constant 8 : i32
    %mul3A_1470 = arith.muli %select_n3A_1468, %mul3A_1469 : i32
    %jit3A_1471 = arith.constant 50 : i32
    %div3A_1472 = arith.divsi %add3A_1452, %jit3A_1471 : i32
    %sign3A_1473 = arith.constant 0 : i32
    %sign3A_1474 = arith.cmpi sgt, %add3A_1452, %sign3A_1473 : i32
    %sign3A_1475 = arith.extui %sign3A_1474 : i1 to i32
    %sign3A_1476 = arith.constant 0 : i32
    %sign3A_1477 = arith.cmpi slt, %add3A_1452, %sign3A_1476 : i32
    %sign3A_1478 = arith.extui %sign3A_1477 : i1 to i32
    %sign3A_1479 = arith.subi %sign3A_1475, %sign3A_1478 : i32
    %sign3A_1480 = arith.constant 0 : i32
    %sign3A_1481 = arith.cmpi sgt, %jit3A_1471, %sign3A_1480 : i32
    %sign3A_1482 = arith.extui %sign3A_1481 : i1 to i32
    %sign3A_1483 = arith.constant 0 : i32
    %sign3A_1484 = arith.cmpi slt, %jit3A_1471, %sign3A_1483 : i32
    %sign3A_1485 = arith.extui %sign3A_1484 : i1 to i32
    %sign3A_1486 = arith.subi %sign3A_1482, %sign3A_1485 : i32
    %ne3A_1487 = arith.cmpi ne, %sign3A_1479, %sign3A_1486 : i32
    %rem3A_1488 = arith.remsi %add3A_1452, %jit3A_1471 : i32
    %ne3A_1489 = arith.constant 0 : i32
    %ne3A_1490 = arith.cmpi ne, %rem3A_1488, %ne3A_1489 : i32
    %and3A_1491 = arith.andi %ne3A_1487, %ne3A_1490 : i1
    %sub3A_1492 = arith.constant 1 : i32
    %sub3A_1493 = arith.subi %div3A_1472, %sub3A_1492 : i32
    %select_n3A_1494 = arith.select %and3A_1491, %sub3A_1493, %div3A_1472 : i32
    %add3A_1495 = arith.addi %mul3A_1470, %select_n3A_1494 : i32
    %mul3A_1496 = vector.broadcast %div3A_1448 : vector<200x1xf32> to vector<200x64xf32>
    %mul3A_1497 = arith.mulf %mul3A_1496, %slice3A_1437 : vector<200x64xf32>
    %reduce_sum3A_1498 = arith.constant dense<0.000000e+00> : vector<64xf32>
    %reduce_sum3A_1499 = vector.multi_reduction <add>, %mul3A_1497, %reduce_sum3A_1498 [0] : vector<200x64xf32> to vector<64xf32>
    %broadcast_in_dim3A_1500 = vector.shape_cast %reduce_sum3A_1499 : vector<64xf32> to vector<1x64xf32>
    %swap3A_1501 = arith.index_cast %add3A_1495 : i32 to index
    %swap3A_1502 = arith.constant 0 : index
    %swap3A_1503 = vector.load %arg22[%swap3A_1501, %swap3A_1502] : memref<400x64xf32, #tpu.memory_space<vmem>>, vector<1x64xf32>
    tpu.vector_store %arg22[%swap3A_1501, %swap3A_1502], %broadcast_in_dim3A_1500 {strides = array<i32>} : memref<400x64xf32, #tpu.memory_space<vmem>>, vector<1x64xf32>,
    %slice3A_1504 = vector.extract_strided_slice %logistic3A_1309 {offsets = [600, 0], sizes = [200, 1], strides = [1, 1]} : vector<5000x1xf32> to vector<200x1xf32>
    %slice3A_1505 = vector.extract_strided_slice %add3A_1290 {offsets = [600, 0], sizes = [200, 64], strides = [1, 1]} : vector<5000x64xf32> to vector<200x64xf32>
    %reduce_max3A_1506 = arith.constant dense<0xFF800000> : vector<1xf32>
    %reduce_max3A_1507 = vector.multi_reduction <maximumf>, %slice3A_1504, %reduce_max3A_1506 [0] : vector<200x1xf32> to vector<1xf32>
    %broadcast_in_dim3A_1508 = vector.shape_cast %reduce_max3A_1507 : vector<1xf32> to vector<1x1xf32>
    %sub3A_1509 = vector.broadcast %broadcast_in_dim3A_1508 : vector<1x1xf32> to vector<200x1xf32>
    %sub3A_1510 = arith.subf %slice3A_1504, %sub3A_1509 : vector<200x1xf32>
    %exp3A_1511 = math.exp %sub3A_1510 : vector<200x1xf32>
    %reduce_sum3A_1512 = arith.constant dense<0.000000e+00> : vector<1xf32>
    %reduce_sum3A_1513 = vector.multi_reduction <add>, %exp3A_1511, %reduce_sum3A_1512 [0] : vector<200x1xf32> to vector<1xf32>
    %broadcast_in_dim3A_1514 = vector.shape_cast %reduce_sum3A_1513 : vector<1xf32> to vector<1x1xf32>
    %div3A_1515 = vector.broadcast %broadcast_in_dim3A_1514 : vector<1x1xf32> to vector<200x1xf32>
    %div3A_1516 = arith.divf %exp3A_1511, %div3A_1515 : vector<200x1xf32>
    %mul3A_1517 = arith.constant 25 : i32
    %mul3A_1518 = arith.muli %arg0, %mul3A_1517 : i32
    %add3A_1519 = arith.constant 3 : i32
    %add3A_1520 = arith.addi %mul3A_1518, %add3A_1519 : i32
    %jit3A_1521 = arith.constant 50 : i32
    %eq3A_1522 = arith.constant 0 : i32
    %eq3A_1523 = arith.cmpi eq, %jit3A_1521, %eq3A_1522 : i32
    %jit3A_1524 = arith.constant 1 : i32
    %select_n3A_1525 = arith.select %eq3A_1523, %jit3A_1524, %jit3A_1521 : i32
    %rem3A_1526 = arith.remsi %add3A_1520, %select_n3A_1525 : i32
    %ne3A_1527 = arith.constant 0 : i32
    %ne3A_1528 = arith.cmpi ne, %rem3A_1526, %ne3A_1527 : i32
    %lt3A_1529 = arith.constant 0 : i32
    %lt3A_1530 = arith.cmpi slt, %rem3A_1526, %lt3A_1529 : i32
    %lt3A_1531 = arith.constant 0 : i32
    %lt3A_1532 = arith.cmpi slt, %select_n3A_1525, %lt3A_1531 : i32
    %ne3A_1533 = arith.xori %lt3A_1530, %lt3A_1532 : i1
    %and3A_1534 = arith.andi %ne3A_1533, %ne3A_1528 : i1
    %add3A_1535 = arith.addi %rem3A_1526, %select_n3A_1525 : i32
    %select_n3A_1536 = arith.select %and3A_1534, %add3A_1535, %rem3A_1526 : i32
    %mul3A_1537 = arith.constant 8 : i32
    %mul3A_1538 = arith.muli %select_n3A_1536, %mul3A_1537 : i32
    %jit3A_1539 = arith.constant 50 : i32
    %div3A_1540 = arith.divsi %add3A_1520, %jit3A_1539 : i32
    %sign3A_1541 = arith.constant 0 : i32
    %sign3A_1542 = arith.cmpi sgt, %add3A_1520, %sign3A_1541 : i32
    %sign3A_1543 = arith.extui %sign3A_1542 : i1 to i32
    %sign3A_1544 = arith.constant 0 : i32
    %sign3A_1545 = arith.cmpi slt, %add3A_1520, %sign3A_1544 : i32
    %sign3A_1546 = arith.extui %sign3A_1545 : i1 to i32
    %sign3A_1547 = arith.subi %sign3A_1543, %sign3A_1546 : i32
    %sign3A_1548 = arith.constant 0 : i32
    %sign3A_1549 = arith.cmpi sgt, %jit3A_1539, %sign3A_1548 : i32
    %sign3A_1550 = arith.extui %sign3A_1549 : i1 to i32
    %sign3A_1551 = arith.constant 0 : i32
    %sign3A_1552 = arith.cmpi slt, %jit3A_1539, %sign3A_1551 : i32
    %sign3A_1553 = arith.extui %sign3A_1552 : i1 to i32
    %sign3A_1554 = arith.subi %sign3A_1550, %sign3A_1553 : i32
    %ne3A_1555 = arith.cmpi ne, %sign3A_1547, %sign3A_1554 : i32
    %rem3A_1556 = arith.remsi %add3A_1520, %jit3A_1539 : i32
    %ne3A_1557 = arith.constant 0 : i32
    %ne3A_1558 = arith.cmpi ne, %rem3A_1556, %ne3A_1557 : i32
    %and3A_1559 = arith.andi %ne3A_1555, %ne3A_1558 : i1
    %sub3A_1560 = arith.constant 1 : i32
    %sub3A_1561 = arith.subi %div3A_1540, %sub3A_1560 : i32
    %select_n3A_1562 = arith.select %and3A_1559, %sub3A_1561, %div3A_1540 : i32
    %add3A_1563 = arith.addi %mul3A_1538, %select_n3A_1562 : i32
    %mul3A_1564 = vector.broadcast %div3A_1516 : vector<200x1xf32> to vector<200x64xf32>
    %mul3A_1565 = arith.mulf %mul3A_1564, %slice3A_1505 : vector<200x64xf32>
    %reduce_sum3A_1566 = arith.constant dense<0.000000e+00> : vector<64xf32>
    %reduce_sum3A_1567 = vector.multi_reduction <add>, %mul3A_1565, %reduce_sum3A_1566 [0] : vector<200x64xf32> to vector<64xf32>
    %broadcast_in_dim3A_1568 = vector.shape_cast %reduce_sum3A_1567 : vector<64xf32> to vector<1x64xf32>
    %swap3A_1569 = arith.index_cast %add3A_1563 : i32 to index
    %swap3A_1570 = arith.constant 0 : index
    %swap3A_1571 = vector.load %arg22[%swap3A_1569, %swap3A_1570] : memref<400x64xf32, #tpu.memory_space<vmem>>, vector<1x64xf32>
    tpu.vector_store %arg22[%swap3A_1569, %swap3A_1570], %broadcast_in_dim3A_1568 {strides = array<i32>} : memref<400x64xf32, #tpu.memory_space<vmem>>, vector<1x64xf32>,
    %slice3A_1572 = vector.extract_strided_slice %logistic3A_1309 {offsets = [800, 0], sizes = [200, 1], strides = [1, 1]} : vector<5000x1xf32> to vector<200x1xf32>
    %slice3A_1573 = vector.extract_strided_slice %add3A_1290 {offsets = [800, 0], sizes = [200, 64], strides = [1, 1]} : vector<5000x64xf32> to vector<200x64xf32>
    %reduce_max3A_1574 = arith.constant dense<0xFF800000> : vector<1xf32>
    %reduce_max3A_1575 = vector.multi_reduction <maximumf>, %slice3A_1572, %reduce_max3A_1574 [0] : vector<200x1xf32> to vector<1xf32>
    %broadcast_in_dim3A_1576 = vector.shape_cast %reduce_max3A_1575 : vector<1xf32> to vector<1x1xf32>
    %sub3A_1577 = vector.broadcast %broadcast_in_dim3A_1576 : vector<1x1xf32> to vector<200x1xf32>
    %sub3A_1578 = arith.subf %slice3A_1572, %sub3A_1577 : vector<200x1xf32>
    %exp3A_1579 = math.exp %sub3A_1578 : vector<200x1xf32>
    %reduce_sum3A_1580 = arith.constant dense<0.000000e+00> : vector<1xf32>
    %reduce_sum3A_1581 = vector.multi_reduction <add>, %exp3A_1579, %reduce_sum3A_1580 [0] : vector<200x1xf32> to vector<1xf32>
    %broadcast_in_dim3A_1582 = vector.shape_cast %reduce_sum3A_1581 : vector<1xf32> to vector<1x1xf32>
    %div3A_1583 = vector.broadcast %broadcast_in_dim3A_1582 : vector<1x1xf32> to vector<200x1xf32>
    %div3A_1584 = arith.divf %exp3A_1579, %div3A_1583 : vector<200x1xf32>
    %mul3A_1585 = arith.constant 25 : i32
    %mul3A_1586 = arith.muli %arg0, %mul3A_1585 : i32
    %add3A_1587 = arith.constant 4 : i32
    %add3A_1588 = arith.addi %mul3A_1586, %add3A_1587 : i32
    %jit3A_1589 = arith.constant 50 : i32
    %eq3A_1590 = arith.constant 0 : i32
    %eq3A_1591 = arith.cmpi eq, %jit3A_1589, %eq3A_1590 : i32
    %jit3A_1592 = arith.constant 1 : i32
    %select_n3A_1593 = arith.select %eq3A_1591, %jit3A_1592, %jit3A_1589 : i32
    %rem3A_1594 = arith.remsi %add3A_1588, %select_n3A_1593 : i32
    %ne3A_1595 = arith.constant 0 : i32
    %ne3A_1596 = arith.cmpi ne, %rem3A_1594, %ne3A_1595 : i32
    %lt3A_1597 = arith.constant 0 : i32
    %lt3A_1598 = arith.cmpi slt, %rem3A_1594, %lt3A_1597 : i32
    %lt3A_1599 = arith.constant 0 : i32
    %lt3A_1600 = arith.cmpi slt, %select_n3A_1593, %lt3A_1599 : i32
    %ne3A_1601 = arith.xori %lt3A_1598, %lt3A_1600 : i1
    %and3A_1602 = arith.andi %ne3A_1601, %ne3A_1596 : i1
    %add3A_1603 = arith.addi %rem3A_1594, %select_n3A_1593 : i32
    %select_n3A_1604 = arith.select %and3A_1602, %add3A_1603, %rem3A_1594 : i32
    %mul3A_1605 = arith.constant 8 : i32
    %mul3A_1606 = arith.muli %select_n3A_1604, %mul3A_1605 : i32
    %jit3A_1607 = arith.constant 50 : i32
    %div3A_1608 = arith.divsi %add3A_1588, %jit3A_1607 : i32
    %sign3A_1609 = arith.constant 0 : i32
    %sign3A_1610 = arith.cmpi sgt, %add3A_1588, %sign3A_1609 : i32
    %sign3A_1611 = arith.extui %sign3A_1610 : i1 to i32
    %sign3A_1612 = arith.constant 0 : i32
    %sign3A_1613 = arith.cmpi slt, %add3A_1588, %sign3A_1612 : i32
    %sign3A_1614 = arith.extui %sign3A_1613 : i1 to i32
    %sign3A_1615 = arith.subi %sign3A_1611, %sign3A_1614 : i32
    %sign3A_1616 = arith.constant 0 : i32
    %sign3A_1617 = arith.cmpi sgt, %jit3A_1607, %sign3A_1616 : i32
    %sign3A_1618 = arith.extui %sign3A_1617 : i1 to i32
    %sign3A_1619 = arith.constant 0 : i32
    %sign3A_1620 = arith.cmpi slt, %jit3A_1607, %sign3A_1619 : i32
    %sign3A_1621 = arith.extui %sign3A_1620 : i1 to i32
    %sign3A_1622 = arith.subi %sign3A_1618, %sign3A_1621 : i32
    %ne3A_1623 = arith.cmpi ne, %sign3A_1615, %sign3A_1622 : i32
    %rem3A_1624 = arith.remsi %add3A_1588, %jit3A_1607 : i32
    %ne3A_1625 = arith.constant 0 : i32
    %ne3A_1626 = arith.cmpi ne, %rem3A_1624, %ne3A_1625 : i32
    %and3A_1627 = arith.andi %ne3A_1623, %ne3A_1626 : i1
    %sub3A_1628 = arith.constant 1 : i32
    %sub3A_1629 = arith.subi %div3A_1608, %sub3A_1628 : i32
    %select_n3A_1630 = arith.select %and3A_1627, %sub3A_1629, %div3A_1608 : i32
    %add3A_1631 = arith.addi %mul3A_1606, %select_n3A_1630 : i32
    %mul3A_1632 = vector.broadcast %div3A_1584 : vector<200x1xf32> to vector<200x64xf32>
    %mul3A_1633 = arith.mulf %mul3A_1632, %slice3A_1573 : vector<200x64xf32>
    %reduce_sum3A_1634 = arith.constant dense<0.000000e+00> : vector<64xf32>
    %reduce_sum3A_1635 = vector.multi_reduction <add>, %mul3A_1633, %reduce_sum3A_1634 [0] : vector<200x64xf32> to vector<64xf32>
    %broadcast_in_dim3A_1636 = vector.shape_cast %reduce_sum3A_1635 : vector<64xf32> to vector<1x64xf32>
    %swap3A_1637 = arith.index_cast %add3A_1631 : i32 to index
    %swap3A_1638 = arith.constant 0 : index
    %swap3A_1639 = vector.load %arg22[%swap3A_1637, %swap3A_1638] : memref<400x64xf32, #tpu.memory_space<vmem>>, vector<1x64xf32>
    tpu.vector_store %arg22[%swap3A_1637, %swap3A_1638], %broadcast_in_dim3A_1636 {strides = array<i32>} : memref<400x64xf32, #tpu.memory_space<vmem>>, vector<1x64xf32>,
    %slice3A_1640 = vector.extract_strided_slice %logistic3A_1309 {offsets = [1000, 0], sizes = [200, 1], strides = [1, 1]} : vector<5000x1xf32> to vector<200x1xf32>
    %slice3A_1641 = vector.extract_strided_slice %add3A_1290 {offsets = [1000, 0], sizes = [200, 64], strides = [1, 1]} : vector<5000x64xf32> to vector<200x64xf32>
    %reduce_max3A_1642 = arith.constant dense<0xFF800000> : vector<1xf32>
    %reduce_max3A_1643 = vector.multi_reduction <maximumf>, %slice3A_1640, %reduce_max3A_1642 [0] : vector<200x1xf32> to vector<1xf32>
    %broadcast_in_dim3A_1644 = vector.shape_cast %reduce_max3A_1643 : vector<1xf32> to vector<1x1xf32>
    %sub3A_1645 = vector.broadcast %broadcast_in_dim3A_1644 : vector<1x1xf32> to vector<200x1xf32>
    %sub3A_1646 = arith.subf %slice3A_1640, %sub3A_1645 : vector<200x1xf32>
    %exp3A_1647 = math.exp %sub3A_1646 : vector<200x1xf32>
    %reduce_sum3A_1648 = arith.constant dense<0.000000e+00> : vector<1xf32>
    %reduce_sum3A_1649 = vector.multi_reduction <add>, %exp3A_1647, %reduce_sum3A_1648 [0] : vector<200x1xf32> to vector<1xf32>
    %broadcast_in_dim3A_1650 = vector.shape_cast %reduce_sum3A_1649 : vector<1xf32> to vector<1x1xf32>
    %div3A_1651 = vector.broadcast %broadcast_in_dim3A_1650 : vector<1x1xf32> to vector<200x1xf32>
    %div3A_1652 = arith.divf %exp3A_1647, %div3A_1651 : vector<200x1xf32>
    %mul3A_1653 = arith.constant 25 : i32
    %mul3A_1654 = arith.muli %arg0, %mul3A_1653 : i32
    %add3A_1655 = arith.constant 5 : i32
    %add3A_1656 = arith.addi %mul3A_1654, %add3A_1655 : i32
    %jit3A_1657 = arith.constant 50 : i32
    %eq3A_1658 = arith.constant 0 : i32
    %eq3A_1659 = arith.cmpi eq, %jit3A_1657, %eq3A_1658 : i32
    %jit3A_1660 = arith.constant 1 : i32
    %select_n3A_1661 = arith.select %eq3A_1659, %jit3A_1660, %jit3A_1657 : i32
    %rem3A_1662 = arith.remsi %add3A_1656, %select_n3A_1661 : i32
    %ne3A_1663 = arith.constant 0 : i32
    %ne3A_1664 = arith.cmpi ne, %rem3A_1662, %ne3A_1663 : i32
    %lt3A_1665 = arith.constant 0 : i32
    %lt3A_1666 = arith.cmpi slt, %rem3A_1662, %lt3A_1665 : i32
    %lt3A_1667 = arith.constant 0 : i32
    %lt3A_1668 = arith.cmpi slt, %select_n3A_1661, %lt3A_1667 : i32
    %ne3A_1669 = arith.xori %lt3A_1666, %lt3A_1668 : i1
    %and3A_1670 = arith.andi %ne3A_1669, %ne3A_1664 : i1
    %add3A_1671 = arith.addi %rem3A_1662, %select_n3A_1661 : i32
    %select_n3A_1672 = arith.select %and3A_1670, %add3A_1671, %rem3A_1662 : i32
    %mul3A_1673 = arith.constant 8 : i32
    %mul3A_1674 = arith.muli %select_n3A_1672, %mul3A_1673 : i32
    %jit3A_1675 = arith.constant 50 : i32
    %div3A_1676 = arith.divsi %add3A_1656, %jit3A_1675 : i32
    %sign3A_1677 = arith.constant 0 : i32
    %sign3A_1678 = arith.cmpi sgt, %add3A_1656, %sign3A_1677 : i32
    %sign3A_1679 = arith.extui %sign3A_1678 : i1 to i32
    %sign3A_1680 = arith.constant 0 : i32
    %sign3A_1681 = arith.cmpi slt, %add3A_1656, %sign3A_1680 : i32
    %sign3A_1682 = arith.extui %sign3A_1681 : i1 to i32
    %sign3A_1683 = arith.subi %sign3A_1679, %sign3A_1682 : i32
    %sign3A_1684 = arith.constant 0 : i32
    %sign3A_1685 = arith.cmpi sgt, %jit3A_1675, %sign3A_1684 : i32
    %sign3A_1686 = arith.extui %sign3A_1685 : i1 to i32
    %sign3A_1687 = arith.constant 0 : i32
    %sign3A_1688 = arith.cmpi slt, %jit3A_1675, %sign3A_1687 : i32
    %sign3A_1689 = arith.extui %sign3A_1688 : i1 to i32
    %sign3A_1690 = arith.subi %sign3A_1686, %sign3A_1689 : i32
    %ne3A_1691 = arith.cmpi ne, %sign3A_1683, %sign3A_1690 : i32
    %rem3A_1692 = arith.remsi %add3A_1656, %jit3A_1675 : i32
    %ne3A_1693 = arith.constant 0 : i32
    %ne3A_1694 = arith.cmpi ne, %rem3A_1692, %ne3A_1693 : i32
    %and3A_1695 = arith.andi %ne3A_1691, %ne3A_1694 : i1
    %sub3A_1696 = arith.constant 1 : i32
    %sub3A_1697 = arith.subi %div3A_1676, %sub3A_1696 : i32
    %select_n3A_1698 = arith.select %and3A_1695, %sub3A_1697, %div3A_1676 : i32
    %add3A_1699 = arith.addi %mul3A_1674, %select_n3A_1698 : i32
    %mul3A_1700 = vector.broadcast %div3A_1652 : vector<200x1xf32> to vector<200x64xf32>
    %mul3A_1701 = arith.mulf %mul3A_1700, %slice3A_1641 : vector<200x64xf32>
    %reduce_sum3A_1702 = arith.constant dense<0.000000e+00> : vector<64xf32>
    %reduce_sum3A_1703 = vector.multi_reduction <add>, %mul3A_1701, %reduce_sum3A_1702 [0] : vector<200x64xf32> to vector<64xf32>
    %broadcast_in_dim3A_1704 = vector.shape_cast %reduce_sum3A_1703 : vector<64xf32> to vector<1x64xf32>
    %swap3A_1705 = arith.index_cast %add3A_1699 : i32 to index
    %swap3A_1706 = arith.constant 0 : index
    %swap3A_1707 = vector.load %arg22[%swap3A_1705, %swap3A_1706] : memref<400x64xf32, #tpu.memory_space<vmem>>, vector<1x64xf32>
    tpu.vector_store %arg22[%swap3A_1705, %swap3A_1706], %broadcast_in_dim3A_1704 {strides = array<i32>} : memref<400x64xf32, #tpu.memory_space<vmem>>, vector<1x64xf32>,
    %slice3A_1708 = vector.extract_strided_slice %logistic3A_1309 {offsets = [1200, 0], sizes = [200, 1], strides = [1, 1]} : vector<5000x1xf32> to vector<200x1xf32>
    %slice3A_1709 = vector.extract_strided_slice %add3A_1290 {offsets = [1200, 0], sizes = [200, 64], strides = [1, 1]} : vector<5000x64xf32> to vector<200x64xf32>
    %reduce_max3A_1710 = arith.constant dense<0xFF800000> : vector<1xf32>
    %reduce_max3A_1711 = vector.multi_reduction <maximumf>, %slice3A_1708, %reduce_max3A_1710 [0] : vector<200x1xf32> to vector<1xf32>
    %broadcast_in_dim3A_1712 = vector.shape_cast %reduce_max3A_1711 : vector<1xf32> to vector<1x1xf32>
    %sub3A_1713 = vector.broadcast %broadcast_in_dim3A_1712 : vector<1x1xf32> to vector<200x1xf32>
    %sub3A_1714 = arith.subf %slice3A_1708, %sub3A_1713 : vector<200x1xf32>
    %exp3A_1715 = math.exp %sub3A_1714 : vector<200x1xf32>
    %reduce_sum3A_1716 = arith.constant dense<0.000000e+00> : vector<1xf32>
    %reduce_sum3A_1717 = vector.multi_reduction <add>, %exp3A_1715, %reduce_sum3A_1716 [0] : vector<200x1xf32> to vector<1xf32>
    %broadcast_in_dim3A_1718 = vector.shape_cast %reduce_sum3A_1717 : vector<1xf32> to vector<1x1xf32>
    %div3A_1719 = vector.broadcast %broadcast_in_dim3A_1718 : vector<1x1xf32> to vector<200x1xf32>
    %div3A_1720 = arith.divf %exp3A_1715, %div3A_1719 : vector<200x1xf32>
    %mul3A_1721 = arith.constant 25 : i32
    %mul3A_1722 = arith.muli %arg0, %mul3A_1721 : i32
    %add3A_1723 = arith.constant 6 : i32
    %add3A_1724 = arith.addi %mul3A_1722, %add3A_1723 : i32
    %jit3A_1725 = arith.constant 50 : i32
    %eq3A_1726 = arith.constant 0 : i32
    %eq3A_1727 = arith.cmpi eq, %jit3A_1725, %eq3A_1726 : i32
    %jit3A_1728 = arith.constant 1 : i32
    %select_n3A_1729 = arith.select %eq3A_1727, %jit3A_1728, %jit3A_1725 : i32
    %rem3A_1730 = arith.remsi %add3A_1724, %select_n3A_1729 : i32
    %ne3A_1731 = arith.constant 0 : i32
    %ne3A_1732 = arith.cmpi ne, %rem3A_1730, %ne3A_1731 : i32
    %lt3A_1733 = arith.constant 0 : i32
    %lt3A_1734 = arith.cmpi slt, %rem3A_1730, %lt3A_1733 : i32
    %lt3A_1735 = arith.constant 0 : i32
    %lt3A_1736 = arith.cmpi slt, %select_n3A_1729, %lt3A_1735 : i32
    %ne3A_1737 = arith.xori %lt3A_1734, %lt3A_1736 : i1
    %and3A_1738 = arith.andi %ne3A_1737, %ne3A_1732 : i1
    %add3A_1739 = arith.addi %rem3A_1730, %select_n3A_1729 : i32
    %select_n3A_1740 = arith.select %and3A_1738, %add3A_1739, %rem3A_1730 : i32
    %mul3A_1741 = arith.constant 8 : i32
    %mul3A_1742 = arith.muli %select_n3A_1740, %mul3A_1741 : i32
    %jit3A_1743 = arith.constant 50 : i32
    %div3A_1744 = arith.divsi %add3A_1724, %jit3A_1743 : i32
    %sign3A_1745 = arith.constant 0 : i32
    %sign3A_1746 = arith.cmpi sgt, %add3A_1724, %sign3A_1745 : i32
    %sign3A_1747 = arith.extui %sign3A_1746 : i1 to i32
    %sign3A_1748 = arith.constant 0 : i32
    %sign3A_1749 = arith.cmpi slt, %add3A_1724, %sign3A_1748 : i32
    %sign3A_1750 = arith.extui %sign3A_1749 : i1 to i32
    %sign3A_1751 = arith.subi %sign3A_1747, %sign3A_1750 : i32
    %sign3A_1752 = arith.constant 0 : i32
    %sign3A_1753 = arith.cmpi sgt, %jit3A_1743, %sign3A_1752 : i32
    %sign3A_1754 = arith.extui %sign3A_1753 : i1 to i32
    %sign3A_1755 = arith.constant 0 : i32
    %sign3A_1756 = arith.cmpi slt, %jit3A_1743, %sign3A_1755 : i32
    %sign3A_1757 = arith.extui %sign3A_1756 : i1 to i32
    %sign3A_1758 = arith.subi %sign3A_1754, %sign3A_1757 : i32
    %ne3A_1759 = arith.cmpi ne, %sign3A_1751, %sign3A_1758 : i32
    %rem3A_1760 = arith.remsi %add3A_1724, %jit3A_1743 : i32
    %ne3A_1761 = arith.constant 0 : i32
    %ne3A_1762 = arith.cmpi ne, %rem3A_1760, %ne3A_1761 : i32
    %and3A_1763 = arith.andi %ne3A_1759, %ne3A_1762 : i1
    %sub3A_1764 = arith.constant 1 : i32
    %sub3A_1765 = arith.subi %div3A_1744, %sub3A_1764 : i32
    %select_n3A_1766 = arith.select %and3A_1763, %sub3A_1765, %div3A_1744 : i32
    %add3A_1767 = arith.addi %mul3A_1742, %select_n3A_1766 : i32
    %mul3A_1768 = vector.broadcast %div3A_1720 : vector<200x1xf32> to vector<200x64xf32>
    %mul3A_1769 = arith.mulf %mul3A_1768, %slice3A_1709 : vector<200x64xf32>
    %reduce_sum3A_1770 = arith.constant dense<0.000000e+00> : vector<64xf32>
    %reduce_sum3A_1771 = vector.multi_reduction <add>, %mul3A_1769, %reduce_sum3A_1770 [0] : vector<200x64xf32> to vector<64xf32>
    %broadcast_in_dim3A_1772 = vector.shape_cast %reduce_sum3A_1771 : vector<64xf32> to vector<1x64xf32>
    %swap3A_1773 = arith.index_cast %add3A_1767 : i32 to index
    %swap3A_1774 = arith.constant 0 : index
    %swap3A_1775 = vector.load %arg22[%swap3A_1773, %swap3A_1774] : memref<400x64xf32, #tpu.memory_space<vmem>>, vector<1x64xf32>
    tpu.vector_store %arg22[%swap3A_1773, %swap3A_1774], %broadcast_in_dim3A_1772 {strides = array<i32>} : memref<400x64xf32, #tpu.memory_space<vmem>>, vector<1x64xf32>,
    %slice3A_1776 = vector.extract_strided_slice %logistic3A_1309 {offsets = [1400, 0], sizes = [200, 1], strides = [1, 1]} : vector<5000x1xf32> to vector<200x1xf32>
    %slice3A_1777 = vector.extract_strided_slice %add3A_1290 {offsets = [1400, 0], sizes = [200, 64], strides = [1, 1]} : vector<5000x64xf32> to vector<200x64xf32>
    %reduce_max3A_1778 = arith.constant dense<0xFF800000> : vector<1xf32>
    %reduce_max3A_1779 = vector.multi_reduction <maximumf>, %slice3A_1776, %reduce_max3A_1778 [0] : vector<200x1xf32> to vector<1xf32>
    %broadcast_in_dim3A_1780 = vector.shape_cast %reduce_max3A_1779 : vector<1xf32> to vector<1x1xf32>
    %sub3A_1781 = vector.broadcast %broadcast_in_dim3A_1780 : vector<1x1xf32> to vector<200x1xf32>
    %sub3A_1782 = arith.subf %slice3A_1776, %sub3A_1781 : vector<200x1xf32>
    %exp3A_1783 = math.exp %sub3A_1782 : vector<200x1xf32>
    %reduce_sum3A_1784 = arith.constant dense<0.000000e+00> : vector<1xf32>
    %reduce_sum3A_1785 = vector.multi_reduction <add>, %exp3A_1783, %reduce_sum3A_1784 [0] : vector<200x1xf32> to vector<1xf32>
    %broadcast_in_dim3A_1786 = vector.shape_cast %reduce_sum3A_1785 : vector<1xf32> to vector<1x1xf32>
    %div3A_1787 = vector.broadcast %broadcast_in_dim3A_1786 : vector<1x1xf32> to vector<200x1xf32>
    %div3A_1788 = arith.divf %exp3A_1783, %div3A_1787 : vector<200x1xf32>
    %mul3A_1789 = arith.constant 25 : i32
    %mul3A_1790 = arith.muli %arg0, %mul3A_1789 : i32
    %add3A_1791 = arith.constant 7 : i32
    %add3A_1792 = arith.addi %mul3A_1790, %add3A_1791 : i32
    %jit3A_1793 = arith.constant 50 : i32
    %eq3A_1794 = arith.constant 0 : i32
    %eq3A_1795 = arith.cmpi eq, %jit3A_1793, %eq3A_1794 : i32
    %jit3A_1796 = arith.constant 1 : i32
    %select_n3A_1797 = arith.select %eq3A_1795, %jit3A_1796, %jit3A_1793 : i32
    %rem3A_1798 = arith.remsi %add3A_1792, %select_n3A_1797 : i32
    %ne3A_1799 = arith.constant 0 : i32
    %ne3A_1800 = arith.cmpi ne, %rem3A_1798, %ne3A_1799 : i32
    %lt3A_1801 = arith.constant 0 : i32
    %lt3A_1802 = arith.cmpi slt, %rem3A_1798, %lt3A_1801 : i32
    %lt3A_1803 = arith.constant 0 : i32
    %lt3A_1804 = arith.cmpi slt, %select_n3A_1797, %lt3A_1803 : i32
    %ne3A_1805 = arith.xori %lt3A_1802, %lt3A_1804 : i1
    %and3A_1806 = arith.andi %ne3A_1805, %ne3A_1800 : i1
    %add3A_1807 = arith.addi %rem3A_1798, %select_n3A_1797 : i32
    %select_n3A_1808 = arith.select %and3A_1806, %add3A_1807, %rem3A_1798 : i32
    %mul3A_1809 = arith.constant 8 : i32
    %mul3A_1810 = arith.muli %select_n3A_1808, %mul3A_1809 : i32
    %jit3A_1811 = arith.constant 50 : i32
    %div3A_1812 = arith.divsi %add3A_1792, %jit3A_1811 : i32
    %sign3A_1813 = arith.constant 0 : i32
    %sign3A_1814 = arith.cmpi sgt, %add3A_1792, %sign3A_1813 : i32
    %sign3A_1815 = arith.extui %sign3A_1814 : i1 to i32
    %sign3A_1816 = arith.constant 0 : i32
    %sign3A_1817 = arith.cmpi slt, %add3A_1792, %sign3A_1816 : i32
    %sign3A_1818 = arith.extui %sign3A_1817 : i1 to i32
    %sign3A_1819 = arith.subi %sign3A_1815, %sign3A_1818 : i32
    %sign3A_1820 = arith.constant 0 : i32
    %sign3A_1821 = arith.cmpi sgt, %jit3A_1811, %sign3A_1820 : i32
    %sign3A_1822 = arith.extui %sign3A_1821 : i1 to i32
    %sign3A_1823 = arith.constant 0 : i32
    %sign3A_1824 = arith.cmpi slt, %jit3A_1811, %sign3A_1823 : i32
    %sign3A_1825 = arith.extui %sign3A_1824 : i1 to i32
    %sign3A_1826 = arith.subi %sign3A_1822, %sign3A_1825 : i32
    %ne3A_1827 = arith.cmpi ne, %sign3A_1819, %sign3A_1826 : i32
    %rem3A_1828 = arith.remsi %add3A_1792, %jit3A_1811 : i32
    %ne3A_1829 = arith.constant 0 : i32
    %ne3A_1830 = arith.cmpi ne, %rem3A_1828, %ne3A_1829 : i32
    %and3A_1831 = arith.andi %ne3A_1827, %ne3A_1830 : i1
    %sub3A_1832 = arith.constant 1 : i32
    %sub3A_1833 = arith.subi %div3A_1812, %sub3A_1832 : i32
    %select_n3A_1834 = arith.select %and3A_1831, %sub3A_1833, %div3A_1812 : i32
    %add3A_1835 = arith.addi %mul3A_1810, %select_n3A_1834 : i32
    %mul3A_1836 = vector.broadcast %div3A_1788 : vector<200x1xf32> to vector<200x64xf32>
    %mul3A_1837 = arith.mulf %mul3A_1836, %slice3A_1777 : vector<200x64xf32>
    %reduce_sum3A_1838 = arith.constant dense<0.000000e+00> : vector<64xf32>
    %reduce_sum3A_1839 = vector.multi_reduction <add>, %mul3A_1837, %reduce_sum3A_1838 [0] : vector<200x64xf32> to vector<64xf32>
    %broadcast_in_dim3A_1840 = vector.shape_cast %reduce_sum3A_1839 : vector<64xf32> to vector<1x64xf32>
    %swap3A_1841 = arith.index_cast %add3A_1835 : i32 to index
    %swap3A_1842 = arith.constant 0 : index
    %swap3A_1843 = vector.load %arg22[%swap3A_1841, %swap3A_1842] : memref<400x64xf32, #tpu.memory_space<vmem>>, vector<1x64xf32>
    tpu.vector_store %arg22[%swap3A_1841, %swap3A_1842], %broadcast_in_dim3A_1840 {strides = array<i32>} : memref<400x64xf32, #tpu.memory_space<vmem>>, vector<1x64xf32>,
    %slice3A_1844 = vector.extract_strided_slice %logistic3A_1309 {offsets = [1600, 0], sizes = [200, 1], strides = [1, 1]} : vector<5000x1xf32> to vector<200x1xf32>
    %slice3A_1845 = vector.extract_strided_slice %add3A_1290 {offsets = [1600, 0], sizes = [200, 64], strides = [1, 1]} : vector<5000x64xf32> to vector<200x64xf32>
    %reduce_max3A_1846 = arith.constant dense<0xFF800000> : vector<1xf32>
    %reduce_max3A_1847 = vector.multi_reduction <maximumf>, %slice3A_1844, %reduce_max3A_1846 [0] : vector<200x1xf32> to vector<1xf32>
    %broadcast_in_dim3A_1848 = vector.shape_cast %reduce_max3A_1847 : vector<1xf32> to vector<1x1xf32>
    %sub3A_1849 = vector.broadcast %broadcast_in_dim3A_1848 : vector<1x1xf32> to vector<200x1xf32>
    %sub3A_1850 = arith.subf %slice3A_1844, %sub3A_1849 : vector<200x1xf32>
    %exp3A_1851 = math.exp %sub3A_1850 : vector<200x1xf32>
    %reduce_sum3A_1852 = arith.constant dense<0.000000e+00> : vector<1xf32>
    %reduce_sum3A_1853 = vector.multi_reduction <add>, %exp3A_1851, %reduce_sum3A_1852 [0] : vector<200x1xf32> to vector<1xf32>
    %broadcast_in_dim3A_1854 = vector.shape_cast %reduce_sum3A_1853 : vector<1xf32> to vector<1x1xf32>
    %div3A_1855 = vector.broadcast %broadcast_in_dim3A_1854 : vector<1x1xf32> to vector<200x1xf32>
    %div3A_1856 = arith.divf %exp3A_1851, %div3A_1855 : vector<200x1xf32>
    %mul3A_1857 = arith.constant 25 : i32
    %mul3A_1858 = arith.muli %arg0, %mul3A_1857 : i32
    %add3A_1859 = arith.constant 8 : i32
    %add3A_1860 = arith.addi %mul3A_1858, %add3A_1859 : i32
    %jit3A_1861 = arith.constant 50 : i32
    %eq3A_1862 = arith.constant 0 : i32
    %eq3A_1863 = arith.cmpi eq, %jit3A_1861, %eq3A_1862 : i32
    %jit3A_1864 = arith.constant 1 : i32
    %select_n3A_1865 = arith.select %eq3A_1863, %jit3A_1864, %jit3A_1861 : i32
    %rem3A_1866 = arith.remsi %add3A_1860, %select_n3A_1865 : i32
    %ne3A_1867 = arith.constant 0 : i32
    %ne3A_1868 = arith.cmpi ne, %rem3A_1866, %ne3A_1867 : i32
    %lt3A_1869 = arith.constant 0 : i32
    %lt3A_1870 = arith.cmpi slt, %rem3A_1866, %lt3A_1869 : i32
    %lt3A_1871 = arith.constant 0 : i32
    %lt3A_1872 = arith.cmpi slt, %select_n3A_1865, %lt3A_1871 : i32
    %ne3A_1873 = arith.xori %lt3A_1870, %lt3A_1872 : i1
    %and3A_1874 = arith.andi %ne3A_1873, %ne3A_1868 : i1
    %add3A_1875 = arith.addi %rem3A_1866, %select_n3A_1865 : i32
    %select_n3A_1876 = arith.select %and3A_1874, %add3A_1875, %rem3A_1866 : i32
    %mul3A_1877 = arith.constant 8 : i32
    %mul3A_1878 = arith.muli %select_n3A_1876, %mul3A_1877 : i32
    %jit3A_1879 = arith.constant 50 : i32
    %div3A_1880 = arith.divsi %add3A_1860, %jit3A_1879 : i32
    %sign3A_1881 = arith.constant 0 : i32
    %sign3A_1882 = arith.cmpi sgt, %add3A_1860, %sign3A_1881 : i32
    %sign3A_1883 = arith.extui %sign3A_1882 : i1 to i32
    %sign3A_1884 = arith.constant 0 : i32
    %sign3A_1885 = arith.cmpi slt, %add3A_1860, %sign3A_1884 : i32
    %sign3A_1886 = arith.extui %sign3A_1885 : i1 to i32
    %sign3A_1887 = arith.subi %sign3A_1883, %sign3A_1886 : i32
    %sign3A_1888 = arith.constant 0 : i32
    %sign3A_1889 = arith.cmpi sgt, %jit3A_1879, %sign3A_1888 : i32
    %sign3A_1890 = arith.extui %sign3A_1889 : i1 to i32
    %sign3A_1891 = arith.constant 0 : i32
    %sign3A_1892 = arith.cmpi slt, %jit3A_1879, %sign3A_1891 : i32
    %sign3A_1893 = arith.extui %sign3A_1892 : i1 to i32
    %sign3A_1894 = arith.subi %sign3A_1890, %sign3A_1893 : i32
    %ne3A_1895 = arith.cmpi ne, %sign3A_1887, %sign3A_1894 : i32
    %rem3A_1896 = arith.remsi %add3A_1860, %jit3A_1879 : i32
    %ne3A_1897 = arith.constant 0 : i32
    %ne3A_1898 = arith.cmpi ne, %rem3A_1896, %ne3A_1897 : i32
    %and3A_1899 = arith.andi %ne3A_1895, %ne3A_1898 : i1
    %sub3A_1900 = arith.constant 1 : i32
    %sub3A_1901 = arith.subi %div3A_1880, %sub3A_1900 : i32
    %select_n3A_1902 = arith.select %and3A_1899, %sub3A_1901, %div3A_1880 : i32
    %add3A_1903 = arith.addi %mul3A_1878, %select_n3A_1902 : i32
    %mul3A_1904 = vector.broadcast %div3A_1856 : vector<200x1xf32> to vector<200x64xf32>
    %mul3A_1905 = arith.mulf %mul3A_1904, %slice3A_1845 : vector<200x64xf32>
    %reduce_sum3A_1906 = arith.constant dense<0.000000e+00> : vector<64xf32>
    %reduce_sum3A_1907 = vector.multi_reduction <add>, %mul3A_1905, %reduce_sum3A_1906 [0] : vector<200x64xf32> to vector<64xf32>
    %broadcast_in_dim3A_1908 = vector.shape_cast %reduce_sum3A_1907 : vector<64xf32> to vector<1x64xf32>
    %swap3A_1909 = arith.index_cast %add3A_1903 : i32 to index
    %swap3A_1910 = arith.constant 0 : index
    %swap3A_1911 = vector.load %arg22[%swap3A_1909, %swap3A_1910] : memref<400x64xf32, #tpu.memory_space<vmem>>, vector<1x64xf32>
    tpu.vector_store %arg22[%swap3A_1909, %swap3A_1910], %broadcast_in_dim3A_1908 {strides = array<i32>} : memref<400x64xf32, #tpu.memory_space<vmem>>, vector<1x64xf32>,
    %slice3A_1912 = vector.extract_strided_slice %logistic3A_1309 {offsets = [1800, 0], sizes = [200, 1], strides = [1, 1]} : vector<5000x1xf32> to vector<200x1xf32>
    %slice3A_1913 = vector.extract_strided_slice %add3A_1290 {offsets = [1800, 0], sizes = [200, 64], strides = [1, 1]} : vector<5000x64xf32> to vector<200x64xf32>
    %reduce_max3A_1914 = arith.constant dense<0xFF800000> : vector<1xf32>
    %reduce_max3A_1915 = vector.multi_reduction <maximumf>, %slice3A_1912, %reduce_max3A_1914 [0] : vector<200x1xf32> to vector<1xf32>
    %broadcast_in_dim3A_1916 = vector.shape_cast %reduce_max3A_1915 : vector<1xf32> to vector<1x1xf32>
    %sub3A_1917 = vector.broadcast %broadcast_in_dim3A_1916 : vector<1x1xf32> to vector<200x1xf32>
    %sub3A_1918 = arith.subf %slice3A_1912, %sub3A_1917 : vector<200x1xf32>
    %exp3A_1919 = math.exp %sub3A_1918 : vector<200x1xf32>
    %reduce_sum3A_1920 = arith.constant dense<0.000000e+00> : vector<1xf32>
    %reduce_sum3A_1921 = vector.multi_reduction <add>, %exp3A_1919, %reduce_sum3A_1920 [0] : vector<200x1xf32> to vector<1xf32>
    %broadcast_in_dim3A_1922 = vector.shape_cast %reduce_sum3A_1921 : vector<1xf32> to vector<1x1xf32>
    %div3A_1923 = vector.broadcast %broadcast_in_dim3A_1922 : vector<1x1xf32> to vector<200x1xf32>
    %div3A_1924 = arith.divf %exp3A_1919, %div3A_1923 : vector<200x1xf32>
    %mul3A_1925 = arith.constant 25 : i32
    %mul3A_1926 = arith.muli %arg0, %mul3A_1925 : i32
    %add3A_1927 = arith.constant 9 : i32
    %add3A_1928 = arith.addi %mul3A_1926, %add3A_1927 : i32
    %jit3A_1929 = arith.constant 50 : i32
    %eq3A_1930 = arith.constant 0 : i32
    %eq3A_1931 = arith.cmpi eq, %jit3A_1929, %eq3A_1930 : i32
    %jit3A_1932 = arith.constant 1 : i32
    %select_n3A_1933 = arith.select %eq3A_1931, %jit3A_1932, %jit3A_1929 : i32
    %rem3A_1934 = arith.remsi %add3A_1928, %select_n3A_1933 : i32
    %ne3A_1935 = arith.constant 0 : i32
    %ne3A_1936 = arith.cmpi ne, %rem3A_1934, %ne3A_1935 : i32
    %lt3A_1937 = arith.constant 0 : i32
    %lt3A_1938 = arith.cmpi slt, %rem3A_1934, %lt3A_1937 : i32
    %lt3A_1939 = arith.constant 0 : i32
    %lt3A_1940 = arith.cmpi slt, %select_n3A_1933, %lt3A_1939 : i32
    %ne3A_1941 = arith.xori %lt3A_1938, %lt3A_1940 : i1
    %and3A_1942 = arith.andi %ne3A_1941, %ne3A_1936 : i1
    %add3A_1943 = arith.addi %rem3A_1934, %select_n3A_1933 : i32
    %select_n3A_1944 = arith.select %and3A_1942, %add3A_1943, %rem3A_1934 : i32
    %mul3A_1945 = arith.constant 8 : i32
    %mul3A_1946 = arith.muli %select_n3A_1944, %mul3A_1945 : i32
    %jit3A_1947 = arith.constant 50 : i32
    %div3A_1948 = arith.divsi %add3A_1928, %jit3A_1947 : i32
    %sign3A_1949 = arith.constant 0 : i32
    %sign3A_1950 = arith.cmpi sgt, %add3A_1928, %sign3A_1949 : i32
    %sign3A_1951 = arith.extui %sign3A_1950 : i1 to i32
    %sign3A_1952 = arith.constant 0 : i32
    %sign3A_1953 = arith.cmpi slt, %add3A_1928, %sign3A_1952 : i32
    %sign3A_1954 = arith.extui %sign3A_1953 : i1 to i32
    %sign3A_1955 = arith.subi %sign3A_1951, %sign3A_1954 : i32
    %sign3A_1956 = arith.constant 0 : i32
    %sign3A_1957 = arith.cmpi sgt, %jit3A_1947, %sign3A_1956 : i32
    %sign3A_1958 = arith.extui %sign3A_1957 : i1 to i32
    %sign3A_1959 = arith.constant 0 : i32
    %sign3A_1960 = arith.cmpi slt, %jit3A_1947, %sign3A_1959 : i32
    %sign3A_1961 = arith.extui %sign3A_1960 : i1 to i32
    %sign3A_1962 = arith.subi %sign3A_1958, %sign3A_1961 : i32
    %ne3A_1963 = arith.cmpi ne, %sign3A_1955, %sign3A_1962 : i32
    %rem3A_1964 = arith.remsi %add3A_1928, %jit3A_1947 : i32
    %ne3A_1965 = arith.constant 0 : i32
    %ne3A_1966 = arith.cmpi ne, %rem3A_1964, %ne3A_1965 : i32
    %and3A_1967 = arith.andi %ne3A_1963, %ne3A_1966 : i1
    %sub3A_1968 = arith.constant 1 : i32
    %sub3A_1969 = arith.subi %div3A_1948, %sub3A_1968 : i32
    %select_n3A_1970 = arith.select %and3A_1967, %sub3A_1969, %div3A_1948 : i32
    %add3A_1971 = arith.addi %mul3A_1946, %select_n3A_1970 : i32
    %mul3A_1972 = vector.broadcast %div3A_1924 : vector<200x1xf32> to vector<200x64xf32>
    %mul3A_1973 = arith.mulf %mul3A_1972, %slice3A_1913 : vector<200x64xf32>
    %reduce_sum3A_1974 = arith.constant dense<0.000000e+00> : vector<64xf32>
    %reduce_sum3A_1975 = vector.multi_reduction <add>, %mul3A_1973, %reduce_sum3A_1974 [0] : vector<200x64xf32> to vector<64xf32>
    %broadcast_in_dim3A_1976 = vector.shape_cast %reduce_sum3A_1975 : vector<64xf32> to vector<1x64xf32>
    %swap3A_1977 = arith.index_cast %add3A_1971 : i32 to index
    %swap3A_1978 = arith.constant 0 : index
    %swap3A_1979 = vector.load %arg22[%swap3A_1977, %swap3A_1978] : memref<400x64xf32, #tpu.memory_space<vmem>>, vector<1x64xf32>
    tpu.vector_store %arg22[%swap3A_1977, %swap3A_1978], %broadcast_in_dim3A_1976 {strides = array<i32>} : memref<400x64xf32, #tpu.memory_space<vmem>>, vector<1x64xf32>,
    %slice3A_1980 = vector.extract_strided_slice %logistic3A_1309 {offsets = [2000, 0], sizes = [200, 1], strides = [1, 1]} : vector<5000x1xf32> to vector<200x1xf32>
    %slice3A_1981 = vector.extract_strided_slice %add3A_1290 {offsets = [2000, 0], sizes = [200, 64], strides = [1, 1]} : vector<5000x64xf32> to vector<200x64xf32>
    %reduce_max3A_1982 = arith.constant dense<0xFF800000> : vector<1xf32>
    %reduce_max3A_1983 = vector.multi_reduction <maximumf>, %slice3A_1980, %reduce_max3A_1982 [0] : vector<200x1xf32> to vector<1xf32>
    %broadcast_in_dim3A_1984 = vector.shape_cast %reduce_max3A_1983 : vector<1xf32> to vector<1x1xf32>
    %sub3A_1985 = vector.broadcast %broadcast_in_dim3A_1984 : vector<1x1xf32> to vector<200x1xf32>
    %sub3A_1986 = arith.subf %slice3A_1980, %sub3A_1985 : vector<200x1xf32>
    %exp3A_1987 = math.exp %sub3A_1986 : vector<200x1xf32>
    %reduce_sum3A_1988 = arith.constant dense<0.000000e+00> : vector<1xf32>
    %reduce_sum3A_1989 = vector.multi_reduction <add>, %exp3A_1987, %reduce_sum3A_1988 [0] : vector<200x1xf32> to vector<1xf32>
    %broadcast_in_dim3A_1990 = vector.shape_cast %reduce_sum3A_1989 : vector<1xf32> to vector<1x1xf32>
    %div3A_1991 = vector.broadcast %broadcast_in_dim3A_1990 : vector<1x1xf32> to vector<200x1xf32>
    %div3A_1992 = arith.divf %exp3A_1987, %div3A_1991 : vector<200x1xf32>
    %mul3A_1993 = arith.constant 25 : i32
    %mul3A_1994 = arith.muli %arg0, %mul3A_1993 : i32
    %add3A_1995 = arith.constant 10 : i32
    %add3A_1996 = arith.addi %mul3A_1994, %add3A_1995 : i32
    %jit3A_1997 = arith.constant 50 : i32
    %eq3A_1998 = arith.constant 0 : i32
    %eq3A_1999 = arith.cmpi eq, %jit3A_1997, %eq3A_1998 : i32
    %jit3A_2000 = arith.constant 1 : i32
    %select_n3A_2001 = arith.select %eq3A_1999, %jit3A_2000, %jit3A_1997 : i32
    %rem3A_2002 = arith.remsi %add3A_1996, %select_n3A_2001 : i32
    %ne3A_2003 = arith.constant 0 : i32
    %ne3A_2004 = arith.cmpi ne, %rem3A_2002, %ne3A_2003 : i32
    %lt3A_2005 = arith.constant 0 : i32
    %lt3A_2006 = arith.cmpi slt, %rem3A_2002, %lt3A_2005 : i32
    %lt3A_2007 = arith.constant 0 : i32
    %lt3A_2008 = arith.cmpi slt, %select_n3A_2001, %lt3A_2007 : i32
    %ne3A_2009 = arith.xori %lt3A_2006, %lt3A_2008 : i1
    %and3A_2010 = arith.andi %ne3A_2009, %ne3A_2004 : i1
    %add3A_2011 = arith.addi %rem3A_2002, %select_n3A_2001 : i32
    %select_n3A_2012 = arith.select %and3A_2010, %add3A_2011, %rem3A_2002 : i32
    %mul3A_2013 = arith.constant 8 : i32
    %mul3A_2014 = arith.muli %select_n3A_2012, %mul3A_2013 : i32
    %jit3A_2015 = arith.constant 50 : i32
    %div3A_2016 = arith.divsi %add3A_1996, %jit3A_2015 : i32
    %sign3A_2017 = arith.constant 0 : i32
    %sign3A_2018 = arith.cmpi sgt, %add3A_1996, %sign3A_2017 : i32
    %sign3A_2019 = arith.extui %sign3A_2018 : i1 to i32
    %sign3A_2020 = arith.constant 0 : i32
    %sign3A_2021 = arith.cmpi slt, %add3A_1996, %sign3A_2020 : i32
    %sign3A_2022 = arith.extui %sign3A_2021 : i1 to i32
    %sign3A_2023 = arith.subi %sign3A_2019, %sign3A_2022 : i32
    %sign3A_2024 = arith.constant 0 : i32
    %sign3A_2025 = arith.cmpi sgt, %jit3A_2015, %sign3A_2024 : i32
    %sign3A_2026 = arith.extui %sign3A_2025 : i1 to i32
    %sign3A_2027 = arith.constant 0 : i32
    %sign3A_2028 = arith.cmpi slt, %jit3A_2015, %sign3A_2027 : i32
    %sign3A_2029 = arith.extui %sign3A_2028 : i1 to i32
    %sign3A_2030 = arith.subi %sign3A_2026, %sign3A_2029 : i32
    %ne3A_2031 = arith.cmpi ne, %sign3A_2023, %sign3A_2030 : i32
    %rem3A_2032 = arith.remsi %add3A_1996, %jit3A_2015 : i32
    %ne3A_2033 = arith.constant 0 : i32
    %ne3A_2034 = arith.cmpi ne, %rem3A_2032, %ne3A_2033 : i32
    %and3A_2035 = arith.andi %ne3A_2031, %ne3A_2034 : i1
    %sub3A_2036 = arith.constant 1 : i32
    %sub3A_2037 = arith.subi %div3A_2016, %sub3A_2036 : i32
    %select_n3A_2038 = arith.select %and3A_2035, %sub3A_2037, %div3A_2016 : i32
    %add3A_2039 = arith.addi %mul3A_2014, %select_n3A_2038 : i32
    %mul3A_2040 = vector.broadcast %div3A_1992 : vector<200x1xf32> to vector<200x64xf32>
    %mul3A_2041 = arith.mulf %mul3A_2040, %slice3A_1981 : vector<200x64xf32>
    %reduce_sum3A_2042 = arith.constant dense<0.000000e+00> : vector<64xf32>
    %reduce_sum3A_2043 = vector.multi_reduction <add>, %mul3A_2041, %reduce_sum3A_2042 [0] : vector<200x64xf32> to vector<64xf32>
    %broadcast_in_dim3A_2044 = vector.shape_cast %reduce_sum3A_2043 : vector<64xf32> to vector<1x64xf32>
    %swap3A_2045 = arith.index_cast %add3A_2039 : i32 to index
    %swap3A_2046 = arith.constant 0 : index
    %swap3A_2047 = vector.load %arg22[%swap3A_2045, %swap3A_2046] : memref<400x64xf32, #tpu.memory_space<vmem>>, vector<1x64xf32>
    tpu.vector_store %arg22[%swap3A_2045, %swap3A_2046], %broadcast_in_dim3A_2044 {strides = array<i32>} : memref<400x64xf32, #tpu.memory_space<vmem>>, vector<1x64xf32>,
    %slice3A_2048 = vector.extract_strided_slice %logistic3A_1309 {offsets = [2200, 0], sizes = [200, 1], strides = [1, 1]} : vector<5000x1xf32> to vector<200x1xf32>
    %slice3A_2049 = vector.extract_strided_slice %add3A_1290 {offsets = [2200, 0], sizes = [200, 64], strides = [1, 1]} : vector<5000x64xf32> to vector<200x64xf32>
    %reduce_max3A_2050 = arith.constant dense<0xFF800000> : vector<1xf32>
    %reduce_max3A_2051 = vector.multi_reduction <maximumf>, %slice3A_2048, %reduce_max3A_2050 [0] : vector<200x1xf32> to vector<1xf32>
    %broadcast_in_dim3A_2052 = vector.shape_cast %reduce_max3A_2051 : vector<1xf32> to vector<1x1xf32>
    %sub3A_2053 = vector.broadcast %broadcast_in_dim3A_2052 : vector<1x1xf32> to vector<200x1xf32>
    %sub3A_2054 = arith.subf %slice3A_2048, %sub3A_2053 : vector<200x1xf32>
    %exp3A_2055 = math.exp %sub3A_2054 : vector<200x1xf32>
    %reduce_sum3A_2056 = arith.constant dense<0.000000e+00> : vector<1xf32>
    %reduce_sum3A_2057 = vector.multi_reduction <add>, %exp3A_2055, %reduce_sum3A_2056 [0] : vector<200x1xf32> to vector<1xf32>
    %broadcast_in_dim3A_2058 = vector.shape_cast %reduce_sum3A_2057 : vector<1xf32> to vector<1x1xf32>
    %div3A_2059 = vector.broadcast %broadcast_in_dim3A_2058 : vector<1x1xf32> to vector<200x1xf32>
    %div3A_2060 = arith.divf %exp3A_2055, %div3A_2059 : vector<200x1xf32>
    %mul3A_2061 = arith.constant 25 : i32
    %mul3A_2062 = arith.muli %arg0, %mul3A_2061 : i32
    %add3A_2063 = arith.constant 11 : i32
    %add3A_2064 = arith.addi %mul3A_2062, %add3A_2063 : i32
    %jit3A_2065 = arith.constant 50 : i32
    %eq3A_2066 = arith.constant 0 : i32
    %eq3A_2067 = arith.cmpi eq, %jit3A_2065, %eq3A_2066 : i32
    %jit3A_2068 = arith.constant 1 : i32
    %select_n3A_2069 = arith.select %eq3A_2067, %jit3A_2068, %jit3A_2065 : i32
    %rem3A_2070 = arith.remsi %add3A_2064, %select_n3A_2069 : i32
    %ne3A_2071 = arith.constant 0 : i32
    %ne3A_2072 = arith.cmpi ne, %rem3A_2070, %ne3A_2071 : i32
    %lt3A_2073 = arith.constant 0 : i32
    %lt3A_2074 = arith.cmpi slt, %rem3A_2070, %lt3A_2073 : i32
    %lt3A_2075 = arith.constant 0 : i32
    %lt3A_2076 = arith.cmpi slt, %select_n3A_2069, %lt3A_2075 : i32
    %ne3A_2077 = arith.xori %lt3A_2074, %lt3A_2076 : i1
    %and3A_2078 = arith.andi %ne3A_2077, %ne3A_2072 : i1
    %add3A_2079 = arith.addi %rem3A_2070, %select_n3A_2069 : i32
    %select_n3A_2080 = arith.select %and3A_2078, %add3A_2079, %rem3A_2070 : i32
    %mul3A_2081 = arith.constant 8 : i32
    %mul3A_2082 = arith.muli %select_n3A_2080, %mul3A_2081 : i32
    %jit3A_2083 = arith.constant 50 : i32
    %div3A_2084 = arith.divsi %add3A_2064, %jit3A_2083 : i32
    %sign3A_2085 = arith.constant 0 : i32
    %sign3A_2086 = arith.cmpi sgt, %add3A_2064, %sign3A_2085 : i32
    %sign3A_2087 = arith.extui %sign3A_2086 : i1 to i32
    %sign3A_2088 = arith.constant 0 : i32
    %sign3A_2089 = arith.cmpi slt, %add3A_2064, %sign3A_2088 : i32
    %sign3A_2090 = arith.extui %sign3A_2089 : i1 to i32
    %sign3A_2091 = arith.subi %sign3A_2087, %sign3A_2090 : i32
    %sign3A_2092 = arith.constant 0 : i32
    %sign3A_2093 = arith.cmpi sgt, %jit3A_2083, %sign3A_2092 : i32
    %sign3A_2094 = arith.extui %sign3A_2093 : i1 to i32
    %sign3A_2095 = arith.constant 0 : i32
    %sign3A_2096 = arith.cmpi slt, %jit3A_2083, %sign3A_2095 : i32
    %sign3A_2097 = arith.extui %sign3A_2096 : i1 to i32
    %sign3A_2098 = arith.subi %sign3A_2094, %sign3A_2097 : i32
    %ne3A_2099 = arith.cmpi ne, %sign3A_2091, %sign3A_2098 : i32
    %rem3A_2100 = arith.remsi %add3A_2064, %jit3A_2083 : i32
    %ne3A_2101 = arith.constant 0 : i32
    %ne3A_2102 = arith.cmpi ne, %rem3A_2100, %ne3A_2101 : i32
    %and3A_2103 = arith.andi %ne3A_2099, %ne3A_2102 : i1
    %sub3A_2104 = arith.constant 1 : i32
    %sub3A_2105 = arith.subi %div3A_2084, %sub3A_2104 : i32
    %select_n3A_2106 = arith.select %and3A_2103, %sub3A_2105, %div3A_2084 : i32
    %add3A_2107 = arith.addi %mul3A_2082, %select_n3A_2106 : i32
    %mul3A_2108 = vector.broadcast %div3A_2060 : vector<200x1xf32> to vector<200x64xf32>
    %mul3A_2109 = arith.mulf %mul3A_2108, %slice3A_2049 : vector<200x64xf32>
    %reduce_sum3A_2110 = arith.constant dense<0.000000e+00> : vector<64xf32>
    %reduce_sum3A_2111 = vector.multi_reduction <add>, %mul3A_2109, %reduce_sum3A_2110 [0] : vector<200x64xf32> to vector<64xf32>
    %broadcast_in_dim3A_2112 = vector.shape_cast %reduce_sum3A_2111 : vector<64xf32> to vector<1x64xf32>
    %swap3A_2113 = arith.index_cast %add3A_2107 : i32 to index
    %swap3A_2114 = arith.constant 0 : index
    %swap3A_2115 = vector.load %arg22[%swap3A_2113, %swap3A_2114] : memref<400x64xf32, #tpu.memory_space<vmem>>, vector<1x64xf32>
    tpu.vector_store %arg22[%swap3A_2113, %swap3A_2114], %broadcast_in_dim3A_2112 {strides = array<i32>} : memref<400x64xf32, #tpu.memory_space<vmem>>, vector<1x64xf32>,
    %slice3A_2116 = vector.extract_strided_slice %logistic3A_1309 {offsets = [2400, 0], sizes = [200, 1], strides = [1, 1]} : vector<5000x1xf32> to vector<200x1xf32>
    %slice3A_2117 = vector.extract_strided_slice %add3A_1290 {offsets = [2400, 0], sizes = [200, 64], strides = [1, 1]} : vector<5000x64xf32> to vector<200x64xf32>
    %reduce_max3A_2118 = arith.constant dense<0xFF800000> : vector<1xf32>
    %reduce_max3A_2119 = vector.multi_reduction <maximumf>, %slice3A_2116, %reduce_max3A_2118 [0] : vector<200x1xf32> to vector<1xf32>
    %broadcast_in_dim3A_2120 = vector.shape_cast %reduce_max3A_2119 : vector<1xf32> to vector<1x1xf32>
    %sub3A_2121 = vector.broadcast %broadcast_in_dim3A_2120 : vector<1x1xf32> to vector<200x1xf32>
    %sub3A_2122 = arith.subf %slice3A_2116, %sub3A_2121 : vector<200x1xf32>
    %exp3A_2123 = math.exp %sub3A_2122 : vector<200x1xf32>
    %reduce_sum3A_2124 = arith.constant dense<0.000000e+00> : vector<1xf32>
    %reduce_sum3A_2125 = vector.multi_reduction <add>, %exp3A_2123, %reduce_sum3A_2124 [0] : vector<200x1xf32> to vector<1xf32>
    %broadcast_in_dim3A_2126 = vector.shape_cast %reduce_sum3A_2125 : vector<1xf32> to vector<1x1xf32>
    %div3A_2127 = vector.broadcast %broadcast_in_dim3A_2126 : vector<1x1xf32> to vector<200x1xf32>
    %div3A_2128 = arith.divf %exp3A_2123, %div3A_2127 : vector<200x1xf32>
    %mul3A_2129 = arith.constant 25 : i32
    %mul3A_2130 = arith.muli %arg0, %mul3A_2129 : i32
    %add3A_2131 = arith.constant 12 : i32
    %add3A_2132 = arith.addi %mul3A_2130, %add3A_2131 : i32
    %jit3A_2133 = arith.constant 50 : i32
    %eq3A_2134 = arith.constant 0 : i32
    %eq3A_2135 = arith.cmpi eq, %jit3A_2133, %eq3A_2134 : i32
    %jit3A_2136 = arith.constant 1 : i32
    %select_n3A_2137 = arith.select %eq3A_2135, %jit3A_2136, %jit3A_2133 : i32
    %rem3A_2138 = arith.remsi %add3A_2132, %select_n3A_2137 : i32
    %ne3A_2139 = arith.constant 0 : i32
    %ne3A_2140 = arith.cmpi ne, %rem3A_2138, %ne3A_2139 : i32
    %lt3A_2141 = arith.constant 0 : i32
    %lt3A_2142 = arith.cmpi slt, %rem3A_2138, %lt3A_2141 : i32
    %lt3A_2143 = arith.constant 0 : i32
    %lt3A_2144 = arith.cmpi slt, %select_n3A_2137, %lt3A_2143 : i32
    %ne3A_2145 = arith.xori %lt3A_2142, %lt3A_2144 : i1
    %and3A_2146 = arith.andi %ne3A_2145, %ne3A_2140 : i1
    %add3A_2147 = arith.addi %rem3A_2138, %select_n3A_2137 : i32
    %select_n3A_2148 = arith.select %and3A_2146, %add3A_2147, %rem3A_2138 : i32
    %mul3A_2149 = arith.constant 8 : i32
    %mul3A_2150 = arith.muli %select_n3A_2148, %mul3A_2149 : i32
    %jit3A_2151 = arith.constant 50 : i32
    %div3A_2152 = arith.divsi %add3A_2132, %jit3A_2151 : i32
    %sign3A_2153 = arith.constant 0 : i32
    %sign3A_2154 = arith.cmpi sgt, %add3A_2132, %sign3A_2153 : i32
    %sign3A_2155 = arith.extui %sign3A_2154 : i1 to i32
    %sign3A_2156 = arith.constant 0 : i32
    %sign3A_2157 = arith.cmpi slt, %add3A_2132, %sign3A_2156 : i32
    %sign3A_2158 = arith.extui %sign3A_2157 : i1 to i32
    %sign3A_2159 = arith.subi %sign3A_2155, %sign3A_2158 : i32
    %sign3A_2160 = arith.constant 0 : i32
    %sign3A_2161 = arith.cmpi sgt, %jit3A_2151, %sign3A_2160 : i32
    %sign3A_2162 = arith.extui %sign3A_2161 : i1 to i32
    %sign3A_2163 = arith.constant 0 : i32
    %sign3A_2164 = arith.cmpi slt, %jit3A_2151, %sign3A_2163 : i32
    %sign3A_2165 = arith.extui %sign3A_2164 : i1 to i32
    %sign3A_2166 = arith.subi %sign3A_2162, %sign3A_2165 : i32
    %ne3A_2167 = arith.cmpi ne, %sign3A_2159, %sign3A_2166 : i32
    %rem3A_2168 = arith.remsi %add3A_2132, %jit3A_2151 : i32
    %ne3A_2169 = arith.constant 0 : i32
    %ne3A_2170 = arith.cmpi ne, %rem3A_2168, %ne3A_2169 : i32
    %and3A_2171 = arith.andi %ne3A_2167, %ne3A_2170 : i1
    %sub3A_2172 = arith.constant 1 : i32
    %sub3A_2173 = arith.subi %div3A_2152, %sub3A_2172 : i32
    %select_n3A_2174 = arith.select %and3A_2171, %sub3A_2173, %div3A_2152 : i32
    %add3A_2175 = arith.addi %mul3A_2150, %select_n3A_2174 : i32
    %mul3A_2176 = vector.broadcast %div3A_2128 : vector<200x1xf32> to vector<200x64xf32>
    %mul3A_2177 = arith.mulf %mul3A_2176, %slice3A_2117 : vector<200x64xf32>
    %reduce_sum3A_2178 = arith.constant dense<0.000000e+00> : vector<64xf32>
    %reduce_sum3A_2179 = vector.multi_reduction <add>, %mul3A_2177, %reduce_sum3A_2178 [0] : vector<200x64xf32> to vector<64xf32>
    %broadcast_in_dim3A_2180 = vector.shape_cast %reduce_sum3A_2179 : vector<64xf32> to vector<1x64xf32>
    %swap3A_2181 = arith.index_cast %add3A_2175 : i32 to index
    %swap3A_2182 = arith.constant 0 : index
    %swap3A_2183 = vector.load %arg22[%swap3A_2181, %swap3A_2182] : memref<400x64xf32, #tpu.memory_space<vmem>>, vector<1x64xf32>
    tpu.vector_store %arg22[%swap3A_2181, %swap3A_2182], %broadcast_in_dim3A_2180 {strides = array<i32>} : memref<400x64xf32, #tpu.memory_space<vmem>>, vector<1x64xf32>,
    %slice3A_2184 = vector.extract_strided_slice %logistic3A_1309 {offsets = [2600, 0], sizes = [200, 1], strides = [1, 1]} : vector<5000x1xf32> to vector<200x1xf32>
    %slice3A_2185 = vector.extract_strided_slice %add3A_1290 {offsets = [2600, 0], sizes = [200, 64], strides = [1, 1]} : vector<5000x64xf32> to vector<200x64xf32>
    %reduce_max3A_2186 = arith.constant dense<0xFF800000> : vector<1xf32>
    %reduce_max3A_2187 = vector.multi_reduction <maximumf>, %slice3A_2184, %reduce_max3A_2186 [0] : vector<200x1xf32> to vector<1xf32>
    %broadcast_in_dim3A_2188 = vector.shape_cast %reduce_max3A_2187 : vector<1xf32> to vector<1x1xf32>
    %sub3A_2189 = vector.broadcast %broadcast_in_dim3A_2188 : vector<1x1xf32> to vector<200x1xf32>
    %sub3A_2190 = arith.subf %slice3A_2184, %sub3A_2189 : vector<200x1xf32>
    %exp3A_2191 = math.exp %sub3A_2190 : vector<200x1xf32>
    %reduce_sum3A_2192 = arith.constant dense<0.000000e+00> : vector<1xf32>
    %reduce_sum3A_2193 = vector.multi_reduction <add>, %exp3A_2191, %reduce_sum3A_2192 [0] : vector<200x1xf32> to vector<1xf32>
    %broadcast_in_dim3A_2194 = vector.shape_cast %reduce_sum3A_2193 : vector<1xf32> to vector<1x1xf32>
    %div3A_2195 = vector.broadcast %broadcast_in_dim3A_2194 : vector<1x1xf32> to vector<200x1xf32>
    %div3A_2196 = arith.divf %exp3A_2191, %div3A_2195 : vector<200x1xf32>
    %mul3A_2197 = arith.constant 25 : i32
    %mul3A_2198 = arith.muli %arg0, %mul3A_2197 : i32
    %add3A_2199 = arith.constant 13 : i32
    %add3A_2200 = arith.addi %mul3A_2198, %add3A_2199 : i32
    %jit3A_2201 = arith.constant 50 : i32
    %eq3A_2202 = arith.constant 0 : i32
    %eq3A_2203 = arith.cmpi eq, %jit3A_2201, %eq3A_2202 : i32
    %jit3A_2204 = arith.constant 1 : i32
    %select_n3A_2205 = arith.select %eq3A_2203, %jit3A_2204, %jit3A_2201 : i32
    %rem3A_2206 = arith.remsi %add3A_2200, %select_n3A_2205 : i32
    %ne3A_2207 = arith.constant 0 : i32
    %ne3A_2208 = arith.cmpi ne, %rem3A_2206, %ne3A_2207 : i32
    %lt3A_2209 = arith.constant 0 : i32
    %lt3A_2210 = arith.cmpi slt, %rem3A_2206, %lt3A_2209 : i32
    %lt3A_2211 = arith.constant 0 : i32
    %lt3A_2212 = arith.cmpi slt, %select_n3A_2205, %lt3A_2211 : i32
    %ne3A_2213 = arith.xori %lt3A_2210, %lt3A_2212 : i1
    %and3A_2214 = arith.andi %ne3A_2213, %ne3A_2208 : i1
    %add3A_2215 = arith.addi %rem3A_2206, %select_n3A_2205 : i32
    %select_n3A_2216 = arith.select %and3A_2214, %add3A_2215, %rem3A_2206 : i32
    %mul3A_2217 = arith.constant 8 : i32
    %mul3A_2218 = arith.muli %select_n3A_2216, %mul3A_2217 : i32
    %jit3A_2219 = arith.constant 50 : i32
    %div3A_2220 = arith.divsi %add3A_2200, %jit3A_2219 : i32
    %sign3A_2221 = arith.constant 0 : i32
    %sign3A_2222 = arith.cmpi sgt, %add3A_2200, %sign3A_2221 : i32
    %sign3A_2223 = arith.extui %sign3A_2222 : i1 to i32
    %sign3A_2224 = arith.constant 0 : i32
    %sign3A_2225 = arith.cmpi slt, %add3A_2200, %sign3A_2224 : i32
    %sign3A_2226 = arith.extui %sign3A_2225 : i1 to i32
    %sign3A_2227 = arith.subi %sign3A_2223, %sign3A_2226 : i32
    %sign3A_2228 = arith.constant 0 : i32
    %sign3A_2229 = arith.cmpi sgt, %jit3A_2219, %sign3A_2228 : i32
    %sign3A_2230 = arith.extui %sign3A_2229 : i1 to i32
    %sign3A_2231 = arith.constant 0 : i32
    %sign3A_2232 = arith.cmpi slt, %jit3A_2219, %sign3A_2231 : i32
    %sign3A_2233 = arith.extui %sign3A_2232 : i1 to i32
    %sign3A_2234 = arith.subi %sign3A_2230, %sign3A_2233 : i32
    %ne3A_2235 = arith.cmpi ne, %sign3A_2227, %sign3A_2234 : i32
    %rem3A_2236 = arith.remsi %add3A_2200, %jit3A_2219 : i32
    %ne3A_2237 = arith.constant 0 : i32
    %ne3A_2238 = arith.cmpi ne, %rem3A_2236, %ne3A_2237 : i32
    %and3A_2239 = arith.andi %ne3A_2235, %ne3A_2238 : i1
    %sub3A_2240 = arith.constant 1 : i32
    %sub3A_2241 = arith.subi %div3A_2220, %sub3A_2240 : i32
    %select_n3A_2242 = arith.select %and3A_2239, %sub3A_2241, %div3A_2220 : i32
    %add3A_2243 = arith.addi %mul3A_2218, %select_n3A_2242 : i32
    %mul3A_2244 = vector.broadcast %div3A_2196 : vector<200x1xf32> to vector<200x64xf32>
    %mul3A_2245 = arith.mulf %mul3A_2244, %slice3A_2185 : vector<200x64xf32>
    %reduce_sum3A_2246 = arith.constant dense<0.000000e+00> : vector<64xf32>
    %reduce_sum3A_2247 = vector.multi_reduction <add>, %mul3A_2245, %reduce_sum3A_2246 [0] : vector<200x64xf32> to vector<64xf32>
    %broadcast_in_dim3A_2248 = vector.shape_cast %reduce_sum3A_2247 : vector<64xf32> to vector<1x64xf32>
    %swap3A_2249 = arith.index_cast %add3A_2243 : i32 to index
    %swap3A_2250 = arith.constant 0 : index
    %swap3A_2251 = vector.load %arg22[%swap3A_2249, %swap3A_2250] : memref<400x64xf32, #tpu.memory_space<vmem>>, vector<1x64xf32>
    tpu.vector_store %arg22[%swap3A_2249, %swap3A_2250], %broadcast_in_dim3A_2248 {strides = array<i32>} : memref<400x64xf32, #tpu.memory_space<vmem>>, vector<1x64xf32>,
    %slice3A_2252 = vector.extract_strided_slice %logistic3A_1309 {offsets = [2800, 0], sizes = [200, 1], strides = [1, 1]} : vector<5000x1xf32> to vector<200x1xf32>
    %slice3A_2253 = vector.extract_strided_slice %add3A_1290 {offsets = [2800, 0], sizes = [200, 64], strides = [1, 1]} : vector<5000x64xf32> to vector<200x64xf32>
    %reduce_max3A_2254 = arith.constant dense<0xFF800000> : vector<1xf32>
    %reduce_max3A_2255 = vector.multi_reduction <maximumf>, %slice3A_2252, %reduce_max3A_2254 [0] : vector<200x1xf32> to vector<1xf32>
    %broadcast_in_dim3A_2256 = vector.shape_cast %reduce_max3A_2255 : vector<1xf32> to vector<1x1xf32>
    %sub3A_2257 = vector.broadcast %broadcast_in_dim3A_2256 : vector<1x1xf32> to vector<200x1xf32>
    %sub3A_2258 = arith.subf %slice3A_2252, %sub3A_2257 : vector<200x1xf32>
    %exp3A_2259 = math.exp %sub3A_2258 : vector<200x1xf32>
    %reduce_sum3A_2260 = arith.constant dense<0.000000e+00> : vector<1xf32>
    %reduce_sum3A_2261 = vector.multi_reduction <add>, %exp3A_2259, %reduce_sum3A_2260 [0] : vector<200x1xf32> to vector<1xf32>
    %broadcast_in_dim3A_2262 = vector.shape_cast %reduce_sum3A_2261 : vector<1xf32> to vector<1x1xf32>
    %div3A_2263 = vector.broadcast %broadcast_in_dim3A_2262 : vector<1x1xf32> to vector<200x1xf32>
    %div3A_2264 = arith.divf %exp3A_2259, %div3A_2263 : vector<200x1xf32>
    %mul3A_2265 = arith.constant 25 : i32
    %mul3A_2266 = arith.muli %arg0, %mul3A_2265 : i32
    %add3A_2267 = arith.constant 14 : i32
    %add3A_2268 = arith.addi %mul3A_2266, %add3A_2267 : i32
    %jit3A_2269 = arith.constant 50 : i32
    %eq3A_2270 = arith.constant 0 : i32
    %eq3A_2271 = arith.cmpi eq, %jit3A_2269, %eq3A_2270 : i32
    %jit3A_2272 = arith.constant 1 : i32
    %select_n3A_2273 = arith.select %eq3A_2271, %jit3A_2272, %jit3A_2269 : i32
    %rem3A_2274 = arith.remsi %add3A_2268, %select_n3A_2273 : i32
    %ne3A_2275 = arith.constant 0 : i32
    %ne3A_2276 = arith.cmpi ne, %rem3A_2274, %ne3A_2275 : i32
    %lt3A_2277 = arith.constant 0 : i32
    %lt3A_2278 = arith.cmpi slt, %rem3A_2274, %lt3A_2277 : i32
    %lt3A_2279 = arith.constant 0 : i32
    %lt3A_2280 = arith.cmpi slt, %select_n3A_2273, %lt3A_2279 : i32
    %ne3A_2281 = arith.xori %lt3A_2278, %lt3A_2280 : i1
    %and3A_2282 = arith.andi %ne3A_2281, %ne3A_2276 : i1
    %add3A_2283 = arith.addi %rem3A_2274, %select_n3A_2273 : i32
    %select_n3A_2284 = arith.select %and3A_2282, %add3A_2283, %rem3A_2274 : i32
    %mul3A_2285 = arith.constant 8 : i32
    %mul3A_2286 = arith.muli %select_n3A_2284, %mul3A_2285 : i32
    %jit3A_2287 = arith.constant 50 : i32
    %div3A_2288 = arith.divsi %add3A_2268, %jit3A_2287 : i32
    %sign3A_2289 = arith.constant 0 : i32
    %sign3A_2290 = arith.cmpi sgt, %add3A_2268, %sign3A_2289 : i32
    %sign3A_2291 = arith.extui %sign3A_2290 : i1 to i32
    %sign3A_2292 = arith.constant 0 : i32
    %sign3A_2293 = arith.cmpi slt, %add3A_2268, %sign3A_2292 : i32
    %sign3A_2294 = arith.extui %sign3A_2293 : i1 to i32
    %sign3A_2295 = arith.subi %sign3A_2291, %sign3A_2294 : i32
    %sign3A_2296 = arith.constant 0 : i32
    %sign3A_2297 = arith.cmpi sgt, %jit3A_2287, %sign3A_2296 : i32
    %sign3A_2298 = arith.extui %sign3A_2297 : i1 to i32
    %sign3A_2299 = arith.constant 0 : i32
    %sign3A_2300 = arith.cmpi slt, %jit3A_2287, %sign3A_2299 : i32
    %sign3A_2301 = arith.extui %sign3A_2300 : i1 to i32
    %sign3A_2302 = arith.subi %sign3A_2298, %sign3A_2301 : i32
    %ne3A_2303 = arith.cmpi ne, %sign3A_2295, %sign3A_2302 : i32
    %rem3A_2304 = arith.remsi %add3A_2268, %jit3A_2287 : i32
    %ne3A_2305 = arith.constant 0 : i32
    %ne3A_2306 = arith.cmpi ne, %rem3A_2304, %ne3A_2305 : i32
    %and3A_2307 = arith.andi %ne3A_2303, %ne3A_2306 : i1
    %sub3A_2308 = arith.constant 1 : i32
    %sub3A_2309 = arith.subi %div3A_2288, %sub3A_2308 : i32
    %select_n3A_2310 = arith.select %and3A_2307, %sub3A_2309, %div3A_2288 : i32
    %add3A_2311 = arith.addi %mul3A_2286, %select_n3A_2310 : i32
    %mul3A_2312 = vector.broadcast %div3A_2264 : vector<200x1xf32> to vector<200x64xf32>
    %mul3A_2313 = arith.mulf %mul3A_2312, %slice3A_2253 : vector<200x64xf32>
    %reduce_sum3A_2314 = arith.constant dense<0.000000e+00> : vector<64xf32>
    %reduce_sum3A_2315 = vector.multi_reduction <add>, %mul3A_2313, %reduce_sum3A_2314 [0] : vector<200x64xf32> to vector<64xf32>
    %broadcast_in_dim3A_2316 = vector.shape_cast %reduce_sum3A_2315 : vector<64xf32> to vector<1x64xf32>
    %swap3A_2317 = arith.index_cast %add3A_2311 : i32 to index
    %swap3A_2318 = arith.constant 0 : index
    %swap3A_2319 = vector.load %arg22[%swap3A_2317, %swap3A_2318] : memref<400x64xf32, #tpu.memory_space<vmem>>, vector<1x64xf32>
    tpu.vector_store %arg22[%swap3A_2317, %swap3A_2318], %broadcast_in_dim3A_2316 {strides = array<i32>} : memref<400x64xf32, #tpu.memory_space<vmem>>, vector<1x64xf32>,
    %slice3A_2320 = vector.extract_strided_slice %logistic3A_1309 {offsets = [3000, 0], sizes = [200, 1], strides = [1, 1]} : vector<5000x1xf32> to vector<200x1xf32>
    %slice3A_2321 = vector.extract_strided_slice %add3A_1290 {offsets = [3000, 0], sizes = [200, 64], strides = [1, 1]} : vector<5000x64xf32> to vector<200x64xf32>
    %reduce_max3A_2322 = arith.constant dense<0xFF800000> : vector<1xf32>
    %reduce_max3A_2323 = vector.multi_reduction <maximumf>, %slice3A_2320, %reduce_max3A_2322 [0] : vector<200x1xf32> to vector<1xf32>
    %broadcast_in_dim3A_2324 = vector.shape_cast %reduce_max3A_2323 : vector<1xf32> to vector<1x1xf32>
    %sub3A_2325 = vector.broadcast %broadcast_in_dim3A_2324 : vector<1x1xf32> to vector<200x1xf32>
    %sub3A_2326 = arith.subf %slice3A_2320, %sub3A_2325 : vector<200x1xf32>
    %exp3A_2327 = math.exp %sub3A_2326 : vector<200x1xf32>
    %reduce_sum3A_2328 = arith.constant dense<0.000000e+00> : vector<1xf32>
    %reduce_sum3A_2329 = vector.multi_reduction <add>, %exp3A_2327, %reduce_sum3A_2328 [0] : vector<200x1xf32> to vector<1xf32>
    %broadcast_in_dim3A_2330 = vector.shape_cast %reduce_sum3A_2329 : vector<1xf32> to vector<1x1xf32>
    %div3A_2331 = vector.broadcast %broadcast_in_dim3A_2330 : vector<1x1xf32> to vector<200x1xf32>
    %div3A_2332 = arith.divf %exp3A_2327, %div3A_2331 : vector<200x1xf32>
    %mul3A_2333 = arith.constant 25 : i32
    %mul3A_2334 = arith.muli %arg0, %mul3A_2333 : i32
    %add3A_2335 = arith.constant 15 : i32
    %add3A_2336 = arith.addi %mul3A_2334, %add3A_2335 : i32
    %jit3A_2337 = arith.constant 50 : i32
    %eq3A_2338 = arith.constant 0 : i32
    %eq3A_2339 = arith.cmpi eq, %jit3A_2337, %eq3A_2338 : i32
    %jit3A_2340 = arith.constant 1 : i32
    %select_n3A_2341 = arith.select %eq3A_2339, %jit3A_2340, %jit3A_2337 : i32
    %rem3A_2342 = arith.remsi %add3A_2336, %select_n3A_2341 : i32
    %ne3A_2343 = arith.constant 0 : i32
    %ne3A_2344 = arith.cmpi ne, %rem3A_2342, %ne3A_2343 : i32
    %lt3A_2345 = arith.constant 0 : i32
    %lt3A_2346 = arith.cmpi slt, %rem3A_2342, %lt3A_2345 : i32
    %lt3A_2347 = arith.constant 0 : i32
    %lt3A_2348 = arith.cmpi slt, %select_n3A_2341, %lt3A_2347 : i32
    %ne3A_2349 = arith.xori %lt3A_2346, %lt3A_2348 : i1
    %and3A_2350 = arith.andi %ne3A_2349, %ne3A_2344 : i1
    %add3A_2351 = arith.addi %rem3A_2342, %select_n3A_2341 : i32
    %select_n3A_2352 = arith.select %and3A_2350, %add3A_2351, %rem3A_2342 : i32
    %mul3A_2353 = arith.constant 8 : i32
    %mul3A_2354 = arith.muli %select_n3A_2352, %mul3A_2353 : i32
    %jit3A_2355 = arith.constant 50 : i32
    %div3A_2356 = arith.divsi %add3A_2336, %jit3A_2355 : i32
    %sign3A_2357 = arith.constant 0 : i32
    %sign3A_2358 = arith.cmpi sgt, %add3A_2336, %sign3A_2357 : i32
    %sign3A_2359 = arith.extui %sign3A_2358 : i1 to i32
    %sign3A_2360 = arith.constant 0 : i32
    %sign3A_2361 = arith.cmpi slt, %add3A_2336, %sign3A_2360 : i32
    %sign3A_2362 = arith.extui %sign3A_2361 : i1 to i32
    %sign3A_2363 = arith.subi %sign3A_2359, %sign3A_2362 : i32
    %sign3A_2364 = arith.constant 0 : i32
    %sign3A_2365 = arith.cmpi sgt, %jit3A_2355, %sign3A_2364 : i32
    %sign3A_2366 = arith.extui %sign3A_2365 : i1 to i32
    %sign3A_2367 = arith.constant 0 : i32
    %sign3A_2368 = arith.cmpi slt, %jit3A_2355, %sign3A_2367 : i32
    %sign3A_2369 = arith.extui %sign3A_2368 : i1 to i32
    %sign3A_2370 = arith.subi %sign3A_2366, %sign3A_2369 : i32
    %ne3A_2371 = arith.cmpi ne, %sign3A_2363, %sign3A_2370 : i32
    %rem3A_2372 = arith.remsi %add3A_2336, %jit3A_2355 : i32
    %ne3A_2373 = arith.constant 0 : i32
    %ne3A_2374 = arith.cmpi ne, %rem3A_2372, %ne3A_2373 : i32
    %and3A_2375 = arith.andi %ne3A_2371, %ne3A_2374 : i1
    %sub3A_2376 = arith.constant 1 : i32
    %sub3A_2377 = arith.subi %div3A_2356, %sub3A_2376 : i32
    %select_n3A_2378 = arith.select %and3A_2375, %sub3A_2377, %div3A_2356 : i32
    %add3A_2379 = arith.addi %mul3A_2354, %select_n3A_2378 : i32
    %mul3A_2380 = vector.broadcast %div3A_2332 : vector<200x1xf32> to vector<200x64xf32>
    %mul3A_2381 = arith.mulf %mul3A_2380, %slice3A_2321 : vector<200x64xf32>
    %reduce_sum3A_2382 = arith.constant dense<0.000000e+00> : vector<64xf32>
    %reduce_sum3A_2383 = vector.multi_reduction <add>, %mul3A_2381, %reduce_sum3A_2382 [0] : vector<200x64xf32> to vector<64xf32>
    %broadcast_in_dim3A_2384 = vector.shape_cast %reduce_sum3A_2383 : vector<64xf32> to vector<1x64xf32>
    %swap3A_2385 = arith.index_cast %add3A_2379 : i32 to index
    %swap3A_2386 = arith.constant 0 : index
    %swap3A_2387 = vector.load %arg22[%swap3A_2385, %swap3A_2386] : memref<400x64xf32, #tpu.memory_space<vmem>>, vector<1x64xf32>
    tpu.vector_store %arg22[%swap3A_2385, %swap3A_2386], %broadcast_in_dim3A_2384 {strides = array<i32>} : memref<400x64xf32, #tpu.memory_space<vmem>>, vector<1x64xf32>,
    %slice3A_2388 = vector.extract_strided_slice %logistic3A_1309 {offsets = [3200, 0], sizes = [200, 1], strides = [1, 1]} : vector<5000x1xf32> to vector<200x1xf32>
    %slice3A_2389 = vector.extract_strided_slice %add3A_1290 {offsets = [3200, 0], sizes = [200, 64], strides = [1, 1]} : vector<5000x64xf32> to vector<200x64xf32>
    %reduce_max3A_2390 = arith.constant dense<0xFF800000> : vector<1xf32>
    %reduce_max3A_2391 = vector.multi_reduction <maximumf>, %slice3A_2388, %reduce_max3A_2390 [0] : vector<200x1xf32> to vector<1xf32>
    %broadcast_in_dim3A_2392 = vector.shape_cast %reduce_max3A_2391 : vector<1xf32> to vector<1x1xf32>
    %sub3A_2393 = vector.broadcast %broadcast_in_dim3A_2392 : vector<1x1xf32> to vector<200x1xf32>
    %sub3A_2394 = arith.subf %slice3A_2388, %sub3A_2393 : vector<200x1xf32>
    %exp3A_2395 = math.exp %sub3A_2394 : vector<200x1xf32>
    %reduce_sum3A_2396 = arith.constant dense<0.000000e+00> : vector<1xf32>
    %reduce_sum3A_2397 = vector.multi_reduction <add>, %exp3A_2395, %reduce_sum3A_2396 [0] : vector<200x1xf32> to vector<1xf32>
    %broadcast_in_dim3A_2398 = vector.shape_cast %reduce_sum3A_2397 : vector<1xf32> to vector<1x1xf32>
    %div3A_2399 = vector.broadcast %broadcast_in_dim3A_2398 : vector<1x1xf32> to vector<200x1xf32>
    %div3A_2400 = arith.divf %exp3A_2395, %div3A_2399 : vector<200x1xf32>
    %mul3A_2401 = arith.constant 25 : i32
    %mul3A_2402 = arith.muli %arg0, %mul3A_2401 : i32
    %add3A_2403 = arith.constant 16 : i32
    %add3A_2404 = arith.addi %mul3A_2402, %add3A_2403 : i32
    %jit3A_2405 = arith.constant 50 : i32
    %eq3A_2406 = arith.constant 0 : i32
    %eq3A_2407 = arith.cmpi eq, %jit3A_2405, %eq3A_2406 : i32
    %jit3A_2408 = arith.constant 1 : i32
    %select_n3A_2409 = arith.select %eq3A_2407, %jit3A_2408, %jit3A_2405 : i32
    %rem3A_2410 = arith.remsi %add3A_2404, %select_n3A_2409 : i32
    %ne3A_2411 = arith.constant 0 : i32
    %ne3A_2412 = arith.cmpi ne, %rem3A_2410, %ne3A_2411 : i32
    %lt3A_2413 = arith.constant 0 : i32
    %lt3A_2414 = arith.cmpi slt, %rem3A_2410, %lt3A_2413 : i32
    %lt3A_2415 = arith.constant 0 : i32
    %lt3A_2416 = arith.cmpi slt, %select_n3A_2409, %lt3A_2415 : i32
    %ne3A_2417 = arith.xori %lt3A_2414, %lt3A_2416 : i1
    %and3A_2418 = arith.andi %ne3A_2417, %ne3A_2412 : i1
    %add3A_2419 = arith.addi %rem3A_2410, %select_n3A_2409 : i32
    %select_n3A_2420 = arith.select %and3A_2418, %add3A_2419, %rem3A_2410 : i32
    %mul3A_2421 = arith.constant 8 : i32
    %mul3A_2422 = arith.muli %select_n3A_2420, %mul3A_2421 : i32
    %jit3A_2423 = arith.constant 50 : i32
    %div3A_2424 = arith.divsi %add3A_2404, %jit3A_2423 : i32
    %sign3A_2425 = arith.constant 0 : i32
    %sign3A_2426 = arith.cmpi sgt, %add3A_2404, %sign3A_2425 : i32
    %sign3A_2427 = arith.extui %sign3A_2426 : i1 to i32
    %sign3A_2428 = arith.constant 0 : i32
    %sign3A_2429 = arith.cmpi slt, %add3A_2404, %sign3A_2428 : i32
    %sign3A_2430 = arith.extui %sign3A_2429 : i1 to i32
    %sign3A_2431 = arith.subi %sign3A_2427, %sign3A_2430 : i32
    %sign3A_2432 = arith.constant 0 : i32
    %sign3A_2433 = arith.cmpi sgt, %jit3A_2423, %sign3A_2432 : i32
    %sign3A_2434 = arith.extui %sign3A_2433 : i1 to i32
    %sign3A_2435 = arith.constant 0 : i32
    %sign3A_2436 = arith.cmpi slt, %jit3A_2423, %sign3A_2435 : i32
    %sign3A_2437 = arith.extui %sign3A_2436 : i1 to i32
    %sign3A_2438 = arith.subi %sign3A_2434, %sign3A_2437 : i32
    %ne3A_2439 = arith.cmpi ne, %sign3A_2431, %sign3A_2438 : i32
    %rem3A_2440 = arith.remsi %add3A_2404, %jit3A_2423 : i32
    %ne3A_2441 = arith.constant 0 : i32
    %ne3A_2442 = arith.cmpi ne, %rem3A_2440, %ne3A_2441 : i32
    %and3A_2443 = arith.andi %ne3A_2439, %ne3A_2442 : i1
    %sub3A_2444 = arith.constant 1 : i32
    %sub3A_2445 = arith.subi %div3A_2424, %sub3A_2444 : i32
    %select_n3A_2446 = arith.select %and3A_2443, %sub3A_2445, %div3A_2424 : i32
    %add3A_2447 = arith.addi %mul3A_2422, %select_n3A_2446 : i32
    %mul3A_2448 = vector.broadcast %div3A_2400 : vector<200x1xf32> to vector<200x64xf32>
    %mul3A_2449 = arith.mulf %mul3A_2448, %slice3A_2389 : vector<200x64xf32>
    %reduce_sum3A_2450 = arith.constant dense<0.000000e+00> : vector<64xf32>
    %reduce_sum3A_2451 = vector.multi_reduction <add>, %mul3A_2449, %reduce_sum3A_2450 [0] : vector<200x64xf32> to vector<64xf32>
    %broadcast_in_dim3A_2452 = vector.shape_cast %reduce_sum3A_2451 : vector<64xf32> to vector<1x64xf32>
    %swap3A_2453 = arith.index_cast %add3A_2447 : i32 to index
    %swap3A_2454 = arith.constant 0 : index
    %swap3A_2455 = vector.load %arg22[%swap3A_2453, %swap3A_2454] : memref<400x64xf32, #tpu.memory_space<vmem>>, vector<1x64xf32>
    tpu.vector_store %arg22[%swap3A_2453, %swap3A_2454], %broadcast_in_dim3A_2452 {strides = array<i32>} : memref<400x64xf32, #tpu.memory_space<vmem>>, vector<1x64xf32>,
    %slice3A_2456 = vector.extract_strided_slice %logistic3A_1309 {offsets = [3400, 0], sizes = [200, 1], strides = [1, 1]} : vector<5000x1xf32> to vector<200x1xf32>
    %slice3A_2457 = vector.extract_strided_slice %add3A_1290 {offsets = [3400, 0], sizes = [200, 64], strides = [1, 1]} : vector<5000x64xf32> to vector<200x64xf32>
    %reduce_max3A_2458 = arith.constant dense<0xFF800000> : vector<1xf32>
    %reduce_max3A_2459 = vector.multi_reduction <maximumf>, %slice3A_2456, %reduce_max3A_2458 [0] : vector<200x1xf32> to vector<1xf32>
    %broadcast_in_dim3A_2460 = vector.shape_cast %reduce_max3A_2459 : vector<1xf32> to vector<1x1xf32>
    %sub3A_2461 = vector.broadcast %broadcast_in_dim3A_2460 : vector<1x1xf32> to vector<200x1xf32>
    %sub3A_2462 = arith.subf %slice3A_2456, %sub3A_2461 : vector<200x1xf32>
    %exp3A_2463 = math.exp %sub3A_2462 : vector<200x1xf32>
    %reduce_sum3A_2464 = arith.constant dense<0.000000e+00> : vector<1xf32>
    %reduce_sum3A_2465 = vector.multi_reduction <add>, %exp3A_2463, %reduce_sum3A_2464 [0] : vector<200x1xf32> to vector<1xf32>
    %broadcast_in_dim3A_2466 = vector.shape_cast %reduce_sum3A_2465 : vector<1xf32> to vector<1x1xf32>
    %div3A_2467 = vector.broadcast %broadcast_in_dim3A_2466 : vector<1x1xf32> to vector<200x1xf32>
    %div3A_2468 = arith.divf %exp3A_2463, %div3A_2467 : vector<200x1xf32>
    %mul3A_2469 = arith.constant 25 : i32
    %mul3A_2470 = arith.muli %arg0, %mul3A_2469 : i32
    %add3A_2471 = arith.constant 17 : i32
    %add3A_2472 = arith.addi %mul3A_2470, %add3A_2471 : i32
    %jit3A_2473 = arith.constant 50 : i32
    %eq3A_2474 = arith.constant 0 : i32
    %eq3A_2475 = arith.cmpi eq, %jit3A_2473, %eq3A_2474 : i32
    %jit3A_2476 = arith.constant 1 : i32
    %select_n3A_2477 = arith.select %eq3A_2475, %jit3A_2476, %jit3A_2473 : i32
    %rem3A_2478 = arith.remsi %add3A_2472, %select_n3A_2477 : i32
    %ne3A_2479 = arith.constant 0 : i32
    %ne3A_2480 = arith.cmpi ne, %rem3A_2478, %ne3A_2479 : i32
    %lt3A_2481 = arith.constant 0 : i32
    %lt3A_2482 = arith.cmpi slt, %rem3A_2478, %lt3A_2481 : i32
    %lt3A_2483 = arith.constant 0 : i32
    %lt3A_2484 = arith.cmpi slt, %select_n3A_2477, %lt3A_2483 : i32
    %ne3A_2485 = arith.xori %lt3A_2482, %lt3A_2484 : i1
    %and3A_2486 = arith.andi %ne3A_2485, %ne3A_2480 : i1
    %add3A_2487 = arith.addi %rem3A_2478, %select_n3A_2477 : i32
    %select_n3A_2488 = arith.select %and3A_2486, %add3A_2487, %rem3A_2478 : i32
    %mul3A_2489 = arith.constant 8 : i32
    %mul3A_2490 = arith.muli %select_n3A_2488, %mul3A_2489 : i32
    %jit3A_2491 = arith.constant 50 : i32
    %div3A_2492 = arith.divsi %add3A_2472, %jit3A_2491 : i32
    %sign3A_2493 = arith.constant 0 : i32
    %sign3A_2494 = arith.cmpi sgt, %add3A_2472, %sign3A_2493 : i32
    %sign3A_2495 = arith.extui %sign3A_2494 : i1 to i32
    %sign3A_2496 = arith.constant 0 : i32
    %sign3A_2497 = arith.cmpi slt, %add3A_2472, %sign3A_2496 : i32
    %sign3A_2498 = arith.extui %sign3A_2497 : i1 to i32
    %sign3A_2499 = arith.subi %sign3A_2495, %sign3A_2498 : i32
    %sign3A_2500 = arith.constant 0 : i32
    %sign3A_2501 = arith.cmpi sgt, %jit3A_2491, %sign3A_2500 : i32
    %sign3A_2502 = arith.extui %sign3A_2501 : i1 to i32
    %sign3A_2503 = arith.constant 0 : i32
    %sign3A_2504 = arith.cmpi slt, %jit3A_2491, %sign3A_2503 : i32
    %sign3A_2505 = arith.extui %sign3A_2504 : i1 to i32
    %sign3A_2506 = arith.subi %sign3A_2502, %sign3A_2505 : i32
    %ne3A_2507 = arith.cmpi ne, %sign3A_2499, %sign3A_2506 : i32
    %rem3A_2508 = arith.remsi %add3A_2472, %jit3A_2491 : i32
    %ne3A_2509 = arith.constant 0 : i32
    %ne3A_2510 = arith.cmpi ne, %rem3A_2508, %ne3A_2509 : i32
    %and3A_2511 = arith.andi %ne3A_2507, %ne3A_2510 : i1
    %sub3A_2512 = arith.constant 1 : i32
    %sub3A_2513 = arith.subi %div3A_2492, %sub3A_2512 : i32
    %select_n3A_2514 = arith.select %and3A_2511, %sub3A_2513, %div3A_2492 : i32
    %add3A_2515 = arith.addi %mul3A_2490, %select_n3A_2514 : i32
    %mul3A_2516 = vector.broadcast %div3A_2468 : vector<200x1xf32> to vector<200x64xf32>
    %mul3A_2517 = arith.mulf %mul3A_2516, %slice3A_2457 : vector<200x64xf32>
    %reduce_sum3A_2518 = arith.constant dense<0.000000e+00> : vector<64xf32>
    %reduce_sum3A_2519 = vector.multi_reduction <add>, %mul3A_2517, %reduce_sum3A_2518 [0] : vector<200x64xf32> to vector<64xf32>
    %broadcast_in_dim3A_2520 = vector.shape_cast %reduce_sum3A_2519 : vector<64xf32> to vector<1x64xf32>
    %swap3A_2521 = arith.index_cast %add3A_2515 : i32 to index
    %swap3A_2522 = arith.constant 0 : index
    %swap3A_2523 = vector.load %arg22[%swap3A_2521, %swap3A_2522] : memref<400x64xf32, #tpu.memory_space<vmem>>, vector<1x64xf32>
    tpu.vector_store %arg22[%swap3A_2521, %swap3A_2522], %broadcast_in_dim3A_2520 {strides = array<i32>} : memref<400x64xf32, #tpu.memory_space<vmem>>, vector<1x64xf32>,
    %slice3A_2524 = vector.extract_strided_slice %logistic3A_1309 {offsets = [3600, 0], sizes = [200, 1], strides = [1, 1]} : vector<5000x1xf32> to vector<200x1xf32>
    %slice3A_2525 = vector.extract_strided_slice %add3A_1290 {offsets = [3600, 0], sizes = [200, 64], strides = [1, 1]} : vector<5000x64xf32> to vector<200x64xf32>
    %reduce_max3A_2526 = arith.constant dense<0xFF800000> : vector<1xf32>
    %reduce_max3A_2527 = vector.multi_reduction <maximumf>, %slice3A_2524, %reduce_max3A_2526 [0] : vector<200x1xf32> to vector<1xf32>
    %broadcast_in_dim3A_2528 = vector.shape_cast %reduce_max3A_2527 : vector<1xf32> to vector<1x1xf32>
    %sub3A_2529 = vector.broadcast %broadcast_in_dim3A_2528 : vector<1x1xf32> to vector<200x1xf32>
    %sub3A_2530 = arith.subf %slice3A_2524, %sub3A_2529 : vector<200x1xf32>
    %exp3A_2531 = math.exp %sub3A_2530 : vector<200x1xf32>
    %reduce_sum3A_2532 = arith.constant dense<0.000000e+00> : vector<1xf32>
    %reduce_sum3A_2533 = vector.multi_reduction <add>, %exp3A_2531, %reduce_sum3A_2532 [0] : vector<200x1xf32> to vector<1xf32>
    %broadcast_in_dim3A_2534 = vector.shape_cast %reduce_sum3A_2533 : vector<1xf32> to vector<1x1xf32>
    %div3A_2535 = vector.broadcast %broadcast_in_dim3A_2534 : vector<1x1xf32> to vector<200x1xf32>
    %div3A_2536 = arith.divf %exp3A_2531, %div3A_2535 : vector<200x1xf32>
    %mul3A_2537 = arith.constant 25 : i32
    %mul3A_2538 = arith.muli %arg0, %mul3A_2537 : i32
    %add3A_2539 = arith.constant 18 : i32
    %add3A_2540 = arith.addi %mul3A_2538, %add3A_2539 : i32
    %jit3A_2541 = arith.constant 50 : i32
    %eq3A_2542 = arith.constant 0 : i32
    %eq3A_2543 = arith.cmpi eq, %jit3A_2541, %eq3A_2542 : i32
    %jit3A_2544 = arith.constant 1 : i32
    %select_n3A_2545 = arith.select %eq3A_2543, %jit3A_2544, %jit3A_2541 : i32
    %rem3A_2546 = arith.remsi %add3A_2540, %select_n3A_2545 : i32
    %ne3A_2547 = arith.constant 0 : i32
    %ne3A_2548 = arith.cmpi ne, %rem3A_2546, %ne3A_2547 : i32
    %lt3A_2549 = arith.constant 0 : i32
    %lt3A_2550 = arith.cmpi slt, %rem3A_2546, %lt3A_2549 : i32
    %lt3A_2551 = arith.constant 0 : i32
    %lt3A_2552 = arith.cmpi slt, %select_n3A_2545, %lt3A_2551 : i32
    %ne3A_2553 = arith.xori %lt3A_2550, %lt3A_2552 : i1
    %and3A_2554 = arith.andi %ne3A_2553, %ne3A_2548 : i1
    %add3A_2555 = arith.addi %rem3A_2546, %select_n3A_2545 : i32
    %select_n3A_2556 = arith.select %and3A_2554, %add3A_2555, %rem3A_2546 : i32
    %mul3A_2557 = arith.constant 8 : i32
    %mul3A_2558 = arith.muli %select_n3A_2556, %mul3A_2557 : i32
    %jit3A_2559 = arith.constant 50 : i32
    %div3A_2560 = arith.divsi %add3A_2540, %jit3A_2559 : i32
    %sign3A_2561 = arith.constant 0 : i32
    %sign3A_2562 = arith.cmpi sgt, %add3A_2540, %sign3A_2561 : i32
    %sign3A_2563 = arith.extui %sign3A_2562 : i1 to i32
    %sign3A_2564 = arith.constant 0 : i32
    %sign3A_2565 = arith.cmpi slt, %add3A_2540, %sign3A_2564 : i32
    %sign3A_2566 = arith.extui %sign3A_2565 : i1 to i32
    %sign3A_2567 = arith.subi %sign3A_2563, %sign3A_2566 : i32
    %sign3A_2568 = arith.constant 0 : i32
    %sign3A_2569 = arith.cmpi sgt, %jit3A_2559, %sign3A_2568 : i32
    %sign3A_2570 = arith.extui %sign3A_2569 : i1 to i32
    %sign3A_2571 = arith.constant 0 : i32
    %sign3A_2572 = arith.cmpi slt, %jit3A_2559, %sign3A_2571 : i32
    %sign3A_2573 = arith.extui %sign3A_2572 : i1 to i32
    %sign3A_2574 = arith.subi %sign3A_2570, %sign3A_2573 : i32
    %ne3A_2575 = arith.cmpi ne, %sign3A_2567, %sign3A_2574 : i32
    %rem3A_2576 = arith.remsi %add3A_2540, %jit3A_2559 : i32
    %ne3A_2577 = arith.constant 0 : i32
    %ne3A_2578 = arith.cmpi ne, %rem3A_2576, %ne3A_2577 : i32
    %and3A_2579 = arith.andi %ne3A_2575, %ne3A_2578 : i1
    %sub3A_2580 = arith.constant 1 : i32
    %sub3A_2581 = arith.subi %div3A_2560, %sub3A_2580 : i32
    %select_n3A_2582 = arith.select %and3A_2579, %sub3A_2581, %div3A_2560 : i32
    %add3A_2583 = arith.addi %mul3A_2558, %select_n3A_2582 : i32
    %mul3A_2584 = vector.broadcast %div3A_2536 : vector<200x1xf32> to vector<200x64xf32>
    %mul3A_2585 = arith.mulf %mul3A_2584, %slice3A_2525 : vector<200x64xf32>
    %reduce_sum3A_2586 = arith.constant dense<0.000000e+00> : vector<64xf32>
    %reduce_sum3A_2587 = vector.multi_reduction <add>, %mul3A_2585, %reduce_sum3A_2586 [0] : vector<200x64xf32> to vector<64xf32>
    %broadcast_in_dim3A_2588 = vector.shape_cast %reduce_sum3A_2587 : vector<64xf32> to vector<1x64xf32>
    %swap3A_2589 = arith.index_cast %add3A_2583 : i32 to index
    %swap3A_2590 = arith.constant 0 : index
    %swap3A_2591 = vector.load %arg22[%swap3A_2589, %swap3A_2590] : memref<400x64xf32, #tpu.memory_space<vmem>>, vector<1x64xf32>
    tpu.vector_store %arg22[%swap3A_2589, %swap3A_2590], %broadcast_in_dim3A_2588 {strides = array<i32>} : memref<400x64xf32, #tpu.memory_space<vmem>>, vector<1x64xf32>,
    %slice3A_2592 = vector.extract_strided_slice %logistic3A_1309 {offsets = [3800, 0], sizes = [200, 1], strides = [1, 1]} : vector<5000x1xf32> to vector<200x1xf32>
    %slice3A_2593 = vector.extract_strided_slice %add3A_1290 {offsets = [3800, 0], sizes = [200, 64], strides = [1, 1]} : vector<5000x64xf32> to vector<200x64xf32>
    %reduce_max3A_2594 = arith.constant dense<0xFF800000> : vector<1xf32>
    %reduce_max3A_2595 = vector.multi_reduction <maximumf>, %slice3A_2592, %reduce_max3A_2594 [0] : vector<200x1xf32> to vector<1xf32>
    %broadcast_in_dim3A_2596 = vector.shape_cast %reduce_max3A_2595 : vector<1xf32> to vector<1x1xf32>
    %sub3A_2597 = vector.broadcast %broadcast_in_dim3A_2596 : vector<1x1xf32> to vector<200x1xf32>
    %sub3A_2598 = arith.subf %slice3A_2592, %sub3A_2597 : vector<200x1xf32>
    %exp3A_2599 = math.exp %sub3A_2598 : vector<200x1xf32>
    %reduce_sum3A_2600 = arith.constant dense<0.000000e+00> : vector<1xf32>
    %reduce_sum3A_2601 = vector.multi_reduction <add>, %exp3A_2599, %reduce_sum3A_2600 [0] : vector<200x1xf32> to vector<1xf32>
    %broadcast_in_dim3A_2602 = vector.shape_cast %reduce_sum3A_2601 : vector<1xf32> to vector<1x1xf32>
    %div3A_2603 = vector.broadcast %broadcast_in_dim3A_2602 : vector<1x1xf32> to vector<200x1xf32>
    %div3A_2604 = arith.divf %exp3A_2599, %div3A_2603 : vector<200x1xf32>
    %mul3A_2605 = arith.constant 25 : i32
    %mul3A_2606 = arith.muli %arg0, %mul3A_2605 : i32
    %add3A_2607 = arith.constant 19 : i32
    %add3A_2608 = arith.addi %mul3A_2606, %add3A_2607 : i32
    %jit3A_2609 = arith.constant 50 : i32
    %eq3A_2610 = arith.constant 0 : i32
    %eq3A_2611 = arith.cmpi eq, %jit3A_2609, %eq3A_2610 : i32
    %jit3A_2612 = arith.constant 1 : i32
    %select_n3A_2613 = arith.select %eq3A_2611, %jit3A_2612, %jit3A_2609 : i32
    %rem3A_2614 = arith.remsi %add3A_2608, %select_n3A_2613 : i32
    %ne3A_2615 = arith.constant 0 : i32
    %ne3A_2616 = arith.cmpi ne, %rem3A_2614, %ne3A_2615 : i32
    %lt3A_2617 = arith.constant 0 : i32
    %lt3A_2618 = arith.cmpi slt, %rem3A_2614, %lt3A_2617 : i32
    %lt3A_2619 = arith.constant 0 : i32
    %lt3A_2620 = arith.cmpi slt, %select_n3A_2613, %lt3A_2619 : i32
    %ne3A_2621 = arith.xori %lt3A_2618, %lt3A_2620 : i1
    %and3A_2622 = arith.andi %ne3A_2621, %ne3A_2616 : i1
    %add3A_2623 = arith.addi %rem3A_2614, %select_n3A_2613 : i32
    %select_n3A_2624 = arith.select %and3A_2622, %add3A_2623, %rem3A_2614 : i32
    %mul3A_2625 = arith.constant 8 : i32
    %mul3A_2626 = arith.muli %select_n3A_2624, %mul3A_2625 : i32
    %jit3A_2627 = arith.constant 50 : i32
    %div3A_2628 = arith.divsi %add3A_2608, %jit3A_2627 : i32
    %sign3A_2629 = arith.constant 0 : i32
    %sign3A_2630 = arith.cmpi sgt, %add3A_2608, %sign3A_2629 : i32
    %sign3A_2631 = arith.extui %sign3A_2630 : i1 to i32
    %sign3A_2632 = arith.constant 0 : i32
    %sign3A_2633 = arith.cmpi slt, %add3A_2608, %sign3A_2632 : i32
    %sign3A_2634 = arith.extui %sign3A_2633 : i1 to i32
    %sign3A_2635 = arith.subi %sign3A_2631, %sign3A_2634 : i32
    %sign3A_2636 = arith.constant 0 : i32
    %sign3A_2637 = arith.cmpi sgt, %jit3A_2627, %sign3A_2636 : i32
    %sign3A_2638 = arith.extui %sign3A_2637 : i1 to i32
    %sign3A_2639 = arith.constant 0 : i32
    %sign3A_2640 = arith.cmpi slt, %jit3A_2627, %sign3A_2639 : i32
    %sign3A_2641 = arith.extui %sign3A_2640 : i1 to i32
    %sign3A_2642 = arith.subi %sign3A_2638, %sign3A_2641 : i32
    %ne3A_2643 = arith.cmpi ne, %sign3A_2635, %sign3A_2642 : i32
    %rem3A_2644 = arith.remsi %add3A_2608, %jit3A_2627 : i32
    %ne3A_2645 = arith.constant 0 : i32
    %ne3A_2646 = arith.cmpi ne, %rem3A_2644, %ne3A_2645 : i32
    %and3A_2647 = arith.andi %ne3A_2643, %ne3A_2646 : i1
    %sub3A_2648 = arith.constant 1 : i32
    %sub3A_2649 = arith.subi %div3A_2628, %sub3A_2648 : i32
    %select_n3A_2650 = arith.select %and3A_2647, %sub3A_2649, %div3A_2628 : i32
    %add3A_2651 = arith.addi %mul3A_2626, %select_n3A_2650 : i32
    %mul3A_2652 = vector.broadcast %div3A_2604 : vector<200x1xf32> to vector<200x64xf32>
    %mul3A_2653 = arith.mulf %mul3A_2652, %slice3A_2593 : vector<200x64xf32>
    %reduce_sum3A_2654 = arith.constant dense<0.000000e+00> : vector<64xf32>
    %reduce_sum3A_2655 = vector.multi_reduction <add>, %mul3A_2653, %reduce_sum3A_2654 [0] : vector<200x64xf32> to vector<64xf32>
    %broadcast_in_dim3A_2656 = vector.shape_cast %reduce_sum3A_2655 : vector<64xf32> to vector<1x64xf32>
    %swap3A_2657 = arith.index_cast %add3A_2651 : i32 to index
    %swap3A_2658 = arith.constant 0 : index
    %swap3A_2659 = vector.load %arg22[%swap3A_2657, %swap3A_2658] : memref<400x64xf32, #tpu.memory_space<vmem>>, vector<1x64xf32>
    tpu.vector_store %arg22[%swap3A_2657, %swap3A_2658], %broadcast_in_dim3A_2656 {strides = array<i32>} : memref<400x64xf32, #tpu.memory_space<vmem>>, vector<1x64xf32>,
    %slice3A_2660 = vector.extract_strided_slice %logistic3A_1309 {offsets = [4000, 0], sizes = [200, 1], strides = [1, 1]} : vector<5000x1xf32> to vector<200x1xf32>
    %slice3A_2661 = vector.extract_strided_slice %add3A_1290 {offsets = [4000, 0], sizes = [200, 64], strides = [1, 1]} : vector<5000x64xf32> to vector<200x64xf32>
    %reduce_max3A_2662 = arith.constant dense<0xFF800000> : vector<1xf32>
    %reduce_max3A_2663 = vector.multi_reduction <maximumf>, %slice3A_2660, %reduce_max3A_2662 [0] : vector<200x1xf32> to vector<1xf32>
    %broadcast_in_dim3A_2664 = vector.shape_cast %reduce_max3A_2663 : vector<1xf32> to vector<1x1xf32>
    %sub3A_2665 = vector.broadcast %broadcast_in_dim3A_2664 : vector<1x1xf32> to vector<200x1xf32>
    %sub3A_2666 = arith.subf %slice3A_2660, %sub3A_2665 : vector<200x1xf32>
    %exp3A_2667 = math.exp %sub3A_2666 : vector<200x1xf32>
    %reduce_sum3A_2668 = arith.constant dense<0.000000e+00> : vector<1xf32>
    %reduce_sum3A_2669 = vector.multi_reduction <add>, %exp3A_2667, %reduce_sum3A_2668 [0] : vector<200x1xf32> to vector<1xf32>
    %broadcast_in_dim3A_2670 = vector.shape_cast %reduce_sum3A_2669 : vector<1xf32> to vector<1x1xf32>
    %div3A_2671 = vector.broadcast %broadcast_in_dim3A_2670 : vector<1x1xf32> to vector<200x1xf32>
    %div3A_2672 = arith.divf %exp3A_2667, %div3A_2671 : vector<200x1xf32>
    %mul3A_2673 = arith.constant 25 : i32
    %mul3A_2674 = arith.muli %arg0, %mul3A_2673 : i32
    %add3A_2675 = arith.constant 20 : i32
    %add3A_2676 = arith.addi %mul3A_2674, %add3A_2675 : i32
    %jit3A_2677 = arith.constant 50 : i32
    %eq3A_2678 = arith.constant 0 : i32
    %eq3A_2679 = arith.cmpi eq, %jit3A_2677, %eq3A_2678 : i32
    %jit3A_2680 = arith.constant 1 : i32
    %select_n3A_2681 = arith.select %eq3A_2679, %jit3A_2680, %jit3A_2677 : i32
    %rem3A_2682 = arith.remsi %add3A_2676, %select_n3A_2681 : i32
    %ne3A_2683 = arith.constant 0 : i32
    %ne3A_2684 = arith.cmpi ne, %rem3A_2682, %ne3A_2683 : i32
    %lt3A_2685 = arith.constant 0 : i32
    %lt3A_2686 = arith.cmpi slt, %rem3A_2682, %lt3A_2685 : i32
    %lt3A_2687 = arith.constant 0 : i32
    %lt3A_2688 = arith.cmpi slt, %select_n3A_2681, %lt3A_2687 : i32
    %ne3A_2689 = arith.xori %lt3A_2686, %lt3A_2688 : i1
    %and3A_2690 = arith.andi %ne3A_2689, %ne3A_2684 : i1
    %add3A_2691 = arith.addi %rem3A_2682, %select_n3A_2681 : i32
    %select_n3A_2692 = arith.select %and3A_2690, %add3A_2691, %rem3A_2682 : i32
    %mul3A_2693 = arith.constant 8 : i32
    %mul3A_2694 = arith.muli %select_n3A_2692, %mul3A_2693 : i32
    %jit3A_2695 = arith.constant 50 : i32
    %div3A_2696 = arith.divsi %add3A_2676, %jit3A_2695 : i32
    %sign3A_2697 = arith.constant 0 : i32
    %sign3A_2698 = arith.cmpi sgt, %add3A_2676, %sign3A_2697 : i32
    %sign3A_2699 = arith.extui %sign3A_2698 : i1 to i32
    %sign3A_2700 = arith.constant 0 : i32
    %sign3A_2701 = arith.cmpi slt, %add3A_2676, %sign3A_2700 : i32
    %sign3A_2702 = arith.extui %sign3A_2701 : i1 to i32
    %sign3A_2703 = arith.subi %sign3A_2699, %sign3A_2702 : i32
    %sign3A_2704 = arith.constant 0 : i32
    %sign3A_2705 = arith.cmpi sgt, %jit3A_2695, %sign3A_2704 : i32
    %sign3A_2706 = arith.extui %sign3A_2705 : i1 to i32
    %sign3A_2707 = arith.constant 0 : i32
    %sign3A_2708 = arith.cmpi slt, %jit3A_2695, %sign3A_2707 : i32
    %sign3A_2709 = arith.extui %sign3A_2708 : i1 to i32
    %sign3A_2710 = arith.subi %sign3A_2706, %sign3A_2709 : i32
    %ne3A_2711 = arith.cmpi ne, %sign3A_2703, %sign3A_2710 : i32
    %rem3A_2712 = arith.remsi %add3A_2676, %jit3A_2695 : i32
    %ne3A_2713 = arith.constant 0 : i32
    %ne3A_2714 = arith.cmpi ne, %rem3A_2712, %ne3A_2713 : i32
    %and3A_2715 = arith.andi %ne3A_2711, %ne3A_2714 : i1
    %sub3A_2716 = arith.constant 1 : i32
    %sub3A_2717 = arith.subi %div3A_2696, %sub3A_2716 : i32
    %select_n3A_2718 = arith.select %and3A_2715, %sub3A_2717, %div3A_2696 : i32
    %add3A_2719 = arith.addi %mul3A_2694, %select_n3A_2718 : i32
    %mul3A_2720 = vector.broadcast %div3A_2672 : vector<200x1xf32> to vector<200x64xf32>
    %mul3A_2721 = arith.mulf %mul3A_2720, %slice3A_2661 : vector<200x64xf32>
    %reduce_sum3A_2722 = arith.constant dense<0.000000e+00> : vector<64xf32>
    %reduce_sum3A_2723 = vector.multi_reduction <add>, %mul3A_2721, %reduce_sum3A_2722 [0] : vector<200x64xf32> to vector<64xf32>
    %broadcast_in_dim3A_2724 = vector.shape_cast %reduce_sum3A_2723 : vector<64xf32> to vector<1x64xf32>
    %swap3A_2725 = arith.index_cast %add3A_2719 : i32 to index
    %swap3A_2726 = arith.constant 0 : index
    %swap3A_2727 = vector.load %arg22[%swap3A_2725, %swap3A_2726] : memref<400x64xf32, #tpu.memory_space<vmem>>, vector<1x64xf32>
    tpu.vector_store %arg22[%swap3A_2725, %swap3A_2726], %broadcast_in_dim3A_2724 {strides = array<i32>} : memref<400x64xf32, #tpu.memory_space<vmem>>, vector<1x64xf32>,
    %slice3A_2728 = vector.extract_strided_slice %logistic3A_1309 {offsets = [4200, 0], sizes = [200, 1], strides = [1, 1]} : vector<5000x1xf32> to vector<200x1xf32>
    %slice3A_2729 = vector.extract_strided_slice %add3A_1290 {offsets = [4200, 0], sizes = [200, 64], strides = [1, 1]} : vector<5000x64xf32> to vector<200x64xf32>
    %reduce_max3A_2730 = arith.constant dense<0xFF800000> : vector<1xf32>
    %reduce_max3A_2731 = vector.multi_reduction <maximumf>, %slice3A_2728, %reduce_max3A_2730 [0] : vector<200x1xf32> to vector<1xf32>
    %broadcast_in_dim3A_2732 = vector.shape_cast %reduce_max3A_2731 : vector<1xf32> to vector<1x1xf32>
    %sub3A_2733 = vector.broadcast %broadcast_in_dim3A_2732 : vector<1x1xf32> to vector<200x1xf32>
    %sub3A_2734 = arith.subf %slice3A_2728, %sub3A_2733 : vector<200x1xf32>
    %exp3A_2735 = math.exp %sub3A_2734 : vector<200x1xf32>
    %reduce_sum3A_2736 = arith.constant dense<0.000000e+00> : vector<1xf32>
    %reduce_sum3A_2737 = vector.multi_reduction <add>, %exp3A_2735, %reduce_sum3A_2736 [0] : vector<200x1xf32> to vector<1xf32>
    %broadcast_in_dim3A_2738 = vector.shape_cast %reduce_sum3A_2737 : vector<1xf32> to vector<1x1xf32>
    %div3A_2739 = vector.broadcast %broadcast_in_dim3A_2738 : vector<1x1xf32> to vector<200x1xf32>
    %div3A_2740 = arith.divf %exp3A_2735, %div3A_2739 : vector<200x1xf32>
    %mul3A_2741 = arith.constant 25 : i32
    %mul3A_2742 = arith.muli %arg0, %mul3A_2741 : i32
    %add3A_2743 = arith.constant 21 : i32
    %add3A_2744 = arith.addi %mul3A_2742, %add3A_2743 : i32
    %jit3A_2745 = arith.constant 50 : i32
    %eq3A_2746 = arith.constant 0 : i32
    %eq3A_2747 = arith.cmpi eq, %jit3A_2745, %eq3A_2746 : i32
    %jit3A_2748 = arith.constant 1 : i32
    %select_n3A_2749 = arith.select %eq3A_2747, %jit3A_2748, %jit3A_2745 : i32
    %rem3A_2750 = arith.remsi %add3A_2744, %select_n3A_2749 : i32
    %ne3A_2751 = arith.constant 0 : i32
    %ne3A_2752 = arith.cmpi ne, %rem3A_2750, %ne3A_2751 : i32
    %lt3A_2753 = arith.constant 0 : i32
    %lt3A_2754 = arith.cmpi slt, %rem3A_2750, %lt3A_2753 : i32
    %lt3A_2755 = arith.constant 0 : i32
    %lt3A_2756 = arith.cmpi slt, %select_n3A_2749, %lt3A_2755 : i32
    %ne3A_2757 = arith.xori %lt3A_2754, %lt3A_2756 : i1
    %and3A_2758 = arith.andi %ne3A_2757, %ne3A_2752 : i1
    %add3A_2759 = arith.addi %rem3A_2750, %select_n3A_2749 : i32
    %select_n3A_2760 = arith.select %and3A_2758, %add3A_2759, %rem3A_2750 : i32
    %mul3A_2761 = arith.constant 8 : i32
    %mul3A_2762 = arith.muli %select_n3A_2760, %mul3A_2761 : i32
    %jit3A_2763 = arith.constant 50 : i32
    %div3A_2764 = arith.divsi %add3A_2744, %jit3A_2763 : i32
    %sign3A_2765 = arith.constant 0 : i32
    %sign3A_2766 = arith.cmpi sgt, %add3A_2744, %sign3A_2765 : i32
    %sign3A_2767 = arith.extui %sign3A_2766 : i1 to i32
    %sign3A_2768 = arith.constant 0 : i32
    %sign3A_2769 = arith.cmpi slt, %add3A_2744, %sign3A_2768 : i32
    %sign3A_2770 = arith.extui %sign3A_2769 : i1 to i32
    %sign3A_2771 = arith.subi %sign3A_2767, %sign3A_2770 : i32
    %sign3A_2772 = arith.constant 0 : i32
    %sign3A_2773 = arith.cmpi sgt, %jit3A_2763, %sign3A_2772 : i32
    %sign3A_2774 = arith.extui %sign3A_2773 : i1 to i32
    %sign3A_2775 = arith.constant 0 : i32
    %sign3A_2776 = arith.cmpi slt, %jit3A_2763, %sign3A_2775 : i32
    %sign3A_2777 = arith.extui %sign3A_2776 : i1 to i32
    %sign3A_2778 = arith.subi %sign3A_2774, %sign3A_2777 : i32
    %ne3A_2779 = arith.cmpi ne, %sign3A_2771, %sign3A_2778 : i32
    %rem3A_2780 = arith.remsi %add3A_2744, %jit3A_2763 : i32
    %ne3A_2781 = arith.constant 0 : i32
    %ne3A_2782 = arith.cmpi ne, %rem3A_2780, %ne3A_2781 : i32
    %and3A_2783 = arith.andi %ne3A_2779, %ne3A_2782 : i1
    %sub3A_2784 = arith.constant 1 : i32
    %sub3A_2785 = arith.subi %div3A_2764, %sub3A_2784 : i32
    %select_n3A_2786 = arith.select %and3A_2783, %sub3A_2785, %div3A_2764 : i32
    %add3A_2787 = arith.addi %mul3A_2762, %select_n3A_2786 : i32
    %mul3A_2788 = vector.broadcast %div3A_2740 : vector<200x1xf32> to vector<200x64xf32>
    %mul3A_2789 = arith.mulf %mul3A_2788, %slice3A_2729 : vector<200x64xf32>
    %reduce_sum3A_2790 = arith.constant dense<0.000000e+00> : vector<64xf32>
    %reduce_sum3A_2791 = vector.multi_reduction <add>, %mul3A_2789, %reduce_sum3A_2790 [0] : vector<200x64xf32> to vector<64xf32>
    %broadcast_in_dim3A_2792 = vector.shape_cast %reduce_sum3A_2791 : vector<64xf32> to vector<1x64xf32>
    %swap3A_2793 = arith.index_cast %add3A_2787 : i32 to index
    %swap3A_2794 = arith.constant 0 : index
    %swap3A_2795 = vector.load %arg22[%swap3A_2793, %swap3A_2794] : memref<400x64xf32, #tpu.memory_space<vmem>>, vector<1x64xf32>
    tpu.vector_store %arg22[%swap3A_2793, %swap3A_2794], %broadcast_in_dim3A_2792 {strides = array<i32>} : memref<400x64xf32, #tpu.memory_space<vmem>>, vector<1x64xf32>,
    %slice3A_2796 = vector.extract_strided_slice %logistic3A_1309 {offsets = [4400, 0], sizes = [200, 1], strides = [1, 1]} : vector<5000x1xf32> to vector<200x1xf32>
    %slice3A_2797 = vector.extract_strided_slice %add3A_1290 {offsets = [4400, 0], sizes = [200, 64], strides = [1, 1]} : vector<5000x64xf32> to vector<200x64xf32>
    %reduce_max3A_2798 = arith.constant dense<0xFF800000> : vector<1xf32>
    %reduce_max3A_2799 = vector.multi_reduction <maximumf>, %slice3A_2796, %reduce_max3A_2798 [0] : vector<200x1xf32> to vector<1xf32>
    %broadcast_in_dim3A_2800 = vector.shape_cast %reduce_max3A_2799 : vector<1xf32> to vector<1x1xf32>
    %sub3A_2801 = vector.broadcast %broadcast_in_dim3A_2800 : vector<1x1xf32> to vector<200x1xf32>
    %sub3A_2802 = arith.subf %slice3A_2796, %sub3A_2801 : vector<200x1xf32>
    %exp3A_2803 = math.exp %sub3A_2802 : vector<200x1xf32>
    %reduce_sum3A_2804 = arith.constant dense<0.000000e+00> : vector<1xf32>
    %reduce_sum3A_2805 = vector.multi_reduction <add>, %exp3A_2803, %reduce_sum3A_2804 [0] : vector<200x1xf32> to vector<1xf32>
    %broadcast_in_dim3A_2806 = vector.shape_cast %reduce_sum3A_2805 : vector<1xf32> to vector<1x1xf32>
    %div3A_2807 = vector.broadcast %broadcast_in_dim3A_2806 : vector<1x1xf32> to vector<200x1xf32>
    %div3A_2808 = arith.divf %exp3A_2803, %div3A_2807 : vector<200x1xf32>
    %mul3A_2809 = arith.constant 25 : i32
    %mul3A_2810 = arith.muli %arg0, %mul3A_2809 : i32
    %add3A_2811 = arith.constant 22 : i32
    %add3A_2812 = arith.addi %mul3A_2810, %add3A_2811 : i32
    %jit3A_2813 = arith.constant 50 : i32
    %eq3A_2814 = arith.constant 0 : i32
    %eq3A_2815 = arith.cmpi eq, %jit3A_2813, %eq3A_2814 : i32
    %jit3A_2816 = arith.constant 1 : i32
    %select_n3A_2817 = arith.select %eq3A_2815, %jit3A_2816, %jit3A_2813 : i32
    %rem3A_2818 = arith.remsi %add3A_2812, %select_n3A_2817 : i32
    %ne3A_2819 = arith.constant 0 : i32
    %ne3A_2820 = arith.cmpi ne, %rem3A_2818, %ne3A_2819 : i32
    %lt3A_2821 = arith.constant 0 : i32
    %lt3A_2822 = arith.cmpi slt, %rem3A_2818, %lt3A_2821 : i32
    %lt3A_2823 = arith.constant 0 : i32
    %lt3A_2824 = arith.cmpi slt, %select_n3A_2817, %lt3A_2823 : i32
    %ne3A_2825 = arith.xori %lt3A_2822, %lt3A_2824 : i1
    %and3A_2826 = arith.andi %ne3A_2825, %ne3A_2820 : i1
    %add3A_2827 = arith.addi %rem3A_2818, %select_n3A_2817 : i32
    %select_n3A_2828 = arith.select %and3A_2826, %add3A_2827, %rem3A_2818 : i32
    %mul3A_2829 = arith.constant 8 : i32
    %mul3A_2830 = arith.muli %select_n3A_2828, %mul3A_2829 : i32
    %jit3A_2831 = arith.constant 50 : i32
    %div3A_2832 = arith.divsi %add3A_2812, %jit3A_2831 : i32
    %sign3A_2833 = arith.constant 0 : i32
    %sign3A_2834 = arith.cmpi sgt, %add3A_2812, %sign3A_2833 : i32
    %sign3A_2835 = arith.extui %sign3A_2834 : i1 to i32
    %sign3A_2836 = arith.constant 0 : i32
    %sign3A_2837 = arith.cmpi slt, %add3A_2812, %sign3A_2836 : i32
    %sign3A_2838 = arith.extui %sign3A_2837 : i1 to i32
    %sign3A_2839 = arith.subi %sign3A_2835, %sign3A_2838 : i32
    %sign3A_2840 = arith.constant 0 : i32
    %sign3A_2841 = arith.cmpi sgt, %jit3A_2831, %sign3A_2840 : i32
    %sign3A_2842 = arith.extui %sign3A_2841 : i1 to i32
    %sign3A_2843 = arith.constant 0 : i32
    %sign3A_2844 = arith.cmpi slt, %jit3A_2831, %sign3A_2843 : i32
    %sign3A_2845 = arith.extui %sign3A_2844 : i1 to i32
    %sign3A_2846 = arith.subi %sign3A_2842, %sign3A_2845 : i32
    %ne3A_2847 = arith.cmpi ne, %sign3A_2839, %sign3A_2846 : i32
    %rem3A_2848 = arith.remsi %add3A_2812, %jit3A_2831 : i32
    %ne3A_2849 = arith.constant 0 : i32
    %ne3A_2850 = arith.cmpi ne, %rem3A_2848, %ne3A_2849 : i32
    %and3A_2851 = arith.andi %ne3A_2847, %ne3A_2850 : i1
    %sub3A_2852 = arith.constant 1 : i32
    %sub3A_2853 = arith.subi %div3A_2832, %sub3A_2852 : i32
    %select_n3A_2854 = arith.select %and3A_2851, %sub3A_2853, %div3A_2832 : i32
    %add3A_2855 = arith.addi %mul3A_2830, %select_n3A_2854 : i32
    %mul3A_2856 = vector.broadcast %div3A_2808 : vector<200x1xf32> to vector<200x64xf32>
    %mul3A_2857 = arith.mulf %mul3A_2856, %slice3A_2797 : vector<200x64xf32>
    %reduce_sum3A_2858 = arith.constant dense<0.000000e+00> : vector<64xf32>
    %reduce_sum3A_2859 = vector.multi_reduction <add>, %mul3A_2857, %reduce_sum3A_2858 [0] : vector<200x64xf32> to vector<64xf32>
    %broadcast_in_dim3A_2860 = vector.shape_cast %reduce_sum3A_2859 : vector<64xf32> to vector<1x64xf32>
    %swap3A_2861 = arith.index_cast %add3A_2855 : i32 to index
    %swap3A_2862 = arith.constant 0 : index
    %swap3A_2863 = vector.load %arg22[%swap3A_2861, %swap3A_2862] : memref<400x64xf32, #tpu.memory_space<vmem>>, vector<1x64xf32>
    tpu.vector_store %arg22[%swap3A_2861, %swap3A_2862], %broadcast_in_dim3A_2860 {strides = array<i32>} : memref<400x64xf32, #tpu.memory_space<vmem>>, vector<1x64xf32>,
    %slice3A_2864 = vector.extract_strided_slice %logistic3A_1309 {offsets = [4600, 0], sizes = [200, 1], strides = [1, 1]} : vector<5000x1xf32> to vector<200x1xf32>
    %slice3A_2865 = vector.extract_strided_slice %add3A_1290 {offsets = [4600, 0], sizes = [200, 64], strides = [1, 1]} : vector<5000x64xf32> to vector<200x64xf32>
    %reduce_max3A_2866 = arith.constant dense<0xFF800000> : vector<1xf32>
    %reduce_max3A_2867 = vector.multi_reduction <maximumf>, %slice3A_2864, %reduce_max3A_2866 [0] : vector<200x1xf32> to vector<1xf32>
    %broadcast_in_dim3A_2868 = vector.shape_cast %reduce_max3A_2867 : vector<1xf32> to vector<1x1xf32>
    %sub3A_2869 = vector.broadcast %broadcast_in_dim3A_2868 : vector<1x1xf32> to vector<200x1xf32>
    %sub3A_2870 = arith.subf %slice3A_2864, %sub3A_2869 : vector<200x1xf32>
    %exp3A_2871 = math.exp %sub3A_2870 : vector<200x1xf32>
    %reduce_sum3A_2872 = arith.constant dense<0.000000e+00> : vector<1xf32>
    %reduce_sum3A_2873 = vector.multi_reduction <add>, %exp3A_2871, %reduce_sum3A_2872 [0] : vector<200x1xf32> to vector<1xf32>
    %broadcast_in_dim3A_2874 = vector.shape_cast %reduce_sum3A_2873 : vector<1xf32> to vector<1x1xf32>
    %div3A_2875 = vector.broadcast %broadcast_in_dim3A_2874 : vector<1x1xf32> to vector<200x1xf32>
    %div3A_2876 = arith.divf %exp3A_2871, %div3A_2875 : vector<200x1xf32>
    %mul3A_2877 = arith.constant 25 : i32
    %mul3A_2878 = arith.muli %arg0, %mul3A_2877 : i32
    %add3A_2879 = arith.constant 23 : i32
    %add3A_2880 = arith.addi %mul3A_2878, %add3A_2879 : i32
    %jit3A_2881 = arith.constant 50 : i32
    %eq3A_2882 = arith.constant 0 : i32
    %eq3A_2883 = arith.cmpi eq, %jit3A_2881, %eq3A_2882 : i32
    %jit3A_2884 = arith.constant 1 : i32
    %select_n3A_2885 = arith.select %eq3A_2883, %jit3A_2884, %jit3A_2881 : i32
    %rem3A_2886 = arith.remsi %add3A_2880, %select_n3A_2885 : i32
    %ne3A_2887 = arith.constant 0 : i32
    %ne3A_2888 = arith.cmpi ne, %rem3A_2886, %ne3A_2887 : i32
    %lt3A_2889 = arith.constant 0 : i32
    %lt3A_2890 = arith.cmpi slt, %rem3A_2886, %lt3A_2889 : i32
    %lt3A_2891 = arith.constant 0 : i32
    %lt3A_2892 = arith.cmpi slt, %select_n3A_2885, %lt3A_2891 : i32
    %ne3A_2893 = arith.xori %lt3A_2890, %lt3A_2892 : i1
    %and3A_2894 = arith.andi %ne3A_2893, %ne3A_2888 : i1
    %add3A_2895 = arith.addi %rem3A_2886, %select_n3A_2885 : i32
    %select_n3A_2896 = arith.select %and3A_2894, %add3A_2895, %rem3A_2886 : i32
    %mul3A_2897 = arith.constant 8 : i32
    %mul3A_2898 = arith.muli %select_n3A_2896, %mul3A_2897 : i32
    %jit3A_2899 = arith.constant 50 : i32
    %div3A_2900 = arith.divsi %add3A_2880, %jit3A_2899 : i32
    %sign3A_2901 = arith.constant 0 : i32
    %sign3A_2902 = arith.cmpi sgt, %add3A_2880, %sign3A_2901 : i32
    %sign3A_2903 = arith.extui %sign3A_2902 : i1 to i32
    %sign3A_2904 = arith.constant 0 : i32
    %sign3A_2905 = arith.cmpi slt, %add3A_2880, %sign3A_2904 : i32
    %sign3A_2906 = arith.extui %sign3A_2905 : i1 to i32
    %sign3A_2907 = arith.subi %sign3A_2903, %sign3A_2906 : i32
    %sign3A_2908 = arith.constant 0 : i32
    %sign3A_2909 = arith.cmpi sgt, %jit3A_2899, %sign3A_2908 : i32
    %sign3A_2910 = arith.extui %sign3A_2909 : i1 to i32
    %sign3A_2911 = arith.constant 0 : i32
    %sign3A_2912 = arith.cmpi slt, %jit3A_2899, %sign3A_2911 : i32
    %sign3A_2913 = arith.extui %sign3A_2912 : i1 to i32
    %sign3A_2914 = arith.subi %sign3A_2910, %sign3A_2913 : i32
    %ne3A_2915 = arith.cmpi ne, %sign3A_2907, %sign3A_2914 : i32
    %rem3A_2916 = arith.remsi %add3A_2880, %jit3A_2899 : i32
    %ne3A_2917 = arith.constant 0 : i32
    %ne3A_2918 = arith.cmpi ne, %rem3A_2916, %ne3A_2917 : i32
    %and3A_2919 = arith.andi %ne3A_2915, %ne3A_2918 : i1
    %sub3A_2920 = arith.constant 1 : i32
    %sub3A_2921 = arith.subi %div3A_2900, %sub3A_2920 : i32
    %select_n3A_2922 = arith.select %and3A_2919, %sub3A_2921, %div3A_2900 : i32
    %add3A_2923 = arith.addi %mul3A_2898, %select_n3A_2922 : i32
    %mul3A_2924 = vector.broadcast %div3A_2876 : vector<200x1xf32> to vector<200x64xf32>
    %mul3A_2925 = arith.mulf %mul3A_2924, %slice3A_2865 : vector<200x64xf32>
    %reduce_sum3A_2926 = arith.constant dense<0.000000e+00> : vector<64xf32>
    %reduce_sum3A_2927 = vector.multi_reduction <add>, %mul3A_2925, %reduce_sum3A_2926 [0] : vector<200x64xf32> to vector<64xf32>
    %broadcast_in_dim3A_2928 = vector.shape_cast %reduce_sum3A_2927 : vector<64xf32> to vector<1x64xf32>
    %swap3A_2929 = arith.index_cast %add3A_2923 : i32 to index
    %swap3A_2930 = arith.constant 0 : index
    %swap3A_2931 = vector.load %arg22[%swap3A_2929, %swap3A_2930] : memref<400x64xf32, #tpu.memory_space<vmem>>, vector<1x64xf32>
    tpu.vector_store %arg22[%swap3A_2929, %swap3A_2930], %broadcast_in_dim3A_2928 {strides = array<i32>} : memref<400x64xf32, #tpu.memory_space<vmem>>, vector<1x64xf32>,
    %slice3A_2932 = vector.extract_strided_slice %logistic3A_1309 {offsets = [4800, 0], sizes = [200, 1], strides = [1, 1]} : vector<5000x1xf32> to vector<200x1xf32>
    %slice3A_2933 = vector.extract_strided_slice %add3A_1290 {offsets = [4800, 0], sizes = [200, 64], strides = [1, 1]} : vector<5000x64xf32> to vector<200x64xf32>
    %reduce_max3A_2934 = arith.constant dense<0xFF800000> : vector<1xf32>
    %reduce_max3A_2935 = vector.multi_reduction <maximumf>, %slice3A_2932, %reduce_max3A_2934 [0] : vector<200x1xf32> to vector<1xf32>
    %broadcast_in_dim3A_2936 = vector.shape_cast %reduce_max3A_2935 : vector<1xf32> to vector<1x1xf32>
    %sub3A_2937 = vector.broadcast %broadcast_in_dim3A_2936 : vector<1x1xf32> to vector<200x1xf32>
    %sub3A_2938 = arith.subf %slice3A_2932, %sub3A_2937 : vector<200x1xf32>
    %exp3A_2939 = math.exp %sub3A_2938 : vector<200x1xf32>
    %reduce_sum3A_2940 = arith.constant dense<0.000000e+00> : vector<1xf32>
    %reduce_sum3A_2941 = vector.multi_reduction <add>, %exp3A_2939, %reduce_sum3A_2940 [0] : vector<200x1xf32> to vector<1xf32>
    %broadcast_in_dim3A_2942 = vector.shape_cast %reduce_sum3A_2941 : vector<1xf32> to vector<1x1xf32>
    %div3A_2943 = vector.broadcast %broadcast_in_dim3A_2942 : vector<1x1xf32> to vector<200x1xf32>
    %div3A_2944 = arith.divf %exp3A_2939, %div3A_2943 : vector<200x1xf32>
    %mul3A_2945 = arith.constant 25 : i32
    %mul3A_2946 = arith.muli %arg0, %mul3A_2945 : i32
    %add3A_2947 = arith.constant 24 : i32
    %add3A_2948 = arith.addi %mul3A_2946, %add3A_2947 : i32
    %jit3A_2949 = arith.constant 50 : i32
    %eq3A_2950 = arith.constant 0 : i32
    %eq3A_2951 = arith.cmpi eq, %jit3A_2949, %eq3A_2950 : i32
    %jit3A_2952 = arith.constant 1 : i32
    %select_n3A_2953 = arith.select %eq3A_2951, %jit3A_2952, %jit3A_2949 : i32
    %rem3A_2954 = arith.remsi %add3A_2948, %select_n3A_2953 : i32
    %ne3A_2955 = arith.constant 0 : i32
    %ne3A_2956 = arith.cmpi ne, %rem3A_2954, %ne3A_2955 : i32
    %lt3A_2957 = arith.constant 0 : i32
    %lt3A_2958 = arith.cmpi slt, %rem3A_2954, %lt3A_2957 : i32
    %lt3A_2959 = arith.constant 0 : i32
    %lt3A_2960 = arith.cmpi slt, %select_n3A_2953, %lt3A_2959 : i32
    %ne3A_2961 = arith.xori %lt3A_2958, %lt3A_2960 : i1
    %and3A_2962 = arith.andi %ne3A_2961, %ne3A_2956 : i1
    %add3A_2963 = arith.addi %rem3A_2954, %select_n3A_2953 : i32
    %select_n3A_2964 = arith.select %and3A_2962, %add3A_2963, %rem3A_2954 : i32
    %mul3A_2965 = arith.constant 8 : i32
    %mul3A_2966 = arith.muli %select_n3A_2964, %mul3A_2965 : i32
    %jit3A_2967 = arith.constant 50 : i32
    %div3A_2968 = arith.divsi %add3A_2948, %jit3A_2967 : i32
    %sign3A_2969 = arith.constant 0 : i32
    %sign3A_2970 = arith.cmpi sgt, %add3A_2948, %sign3A_2969 : i32
    %sign3A_2971 = arith.extui %sign3A_2970 : i1 to i32
    %sign3A_2972 = arith.constant 0 : i32
    %sign3A_2973 = arith.cmpi slt, %add3A_2948, %sign3A_2972 : i32
    %sign3A_2974 = arith.extui %sign3A_2973 : i1 to i32
    %sign3A_2975 = arith.subi %sign3A_2971, %sign3A_2974 : i32
    %sign3A_2976 = arith.constant 0 : i32
    %sign3A_2977 = arith.cmpi sgt, %jit3A_2967, %sign3A_2976 : i32
    %sign3A_2978 = arith.extui %sign3A_2977 : i1 to i32
    %sign3A_2979 = arith.constant 0 : i32
    %sign3A_2980 = arith.cmpi slt, %jit3A_2967, %sign3A_2979 : i32
    %sign3A_2981 = arith.extui %sign3A_2980 : i1 to i32
    %sign3A_2982 = arith.subi %sign3A_2978, %sign3A_2981 : i32
    %ne3A_2983 = arith.cmpi ne, %sign3A_2975, %sign3A_2982 : i32
    %rem3A_2984 = arith.remsi %add3A_2948, %jit3A_2967 : i32
    %ne3A_2985 = arith.constant 0 : i32
    %ne3A_2986 = arith.cmpi ne, %rem3A_2984, %ne3A_2985 : i32
    %and3A_2987 = arith.andi %ne3A_2983, %ne3A_2986 : i1
    %sub3A_2988 = arith.constant 1 : i32
    %sub3A_2989 = arith.subi %div3A_2968, %sub3A_2988 : i32
    %select_n3A_2990 = arith.select %and3A_2987, %sub3A_2989, %div3A_2968 : i32
    %add3A_2991 = arith.addi %mul3A_2966, %select_n3A_2990 : i32
    %mul3A_2992 = vector.broadcast %div3A_2944 : vector<200x1xf32> to vector<200x64xf32>
    %mul3A_2993 = arith.mulf %mul3A_2992, %slice3A_2933 : vector<200x64xf32>
    %reduce_sum3A_2994 = arith.constant dense<0.000000e+00> : vector<64xf32>
    %reduce_sum3A_2995 = vector.multi_reduction <add>, %mul3A_2993, %reduce_sum3A_2994 [0] : vector<200x64xf32> to vector<64xf32>
    %broadcast_in_dim3A_2996 = vector.shape_cast %reduce_sum3A_2995 : vector<64xf32> to vector<1x64xf32>
    %swap3A_2997 = arith.index_cast %add3A_2991 : i32 to index
    %swap3A_2998 = arith.constant 0 : index
    %swap3A_2999 = vector.load %arg22[%swap3A_2997, %swap3A_2998] : memref<400x64xf32, #tpu.memory_space<vmem>>, vector<1x64xf32>
    tpu.vector_store %arg22[%swap3A_2997, %swap3A_2998], %broadcast_in_dim3A_2996 {strides = array<i32>} : memref<400x64xf32, #tpu.memory_space<vmem>>, vector<1x64xf32>,
    %eq3A_3000 = arith.constant 15 : i32
    %eq3A_3001 = arith.cmpi eq, %arg0, %eq3A_3000 : i32
    %convert_element_type3A_3002 = arith.extui %eq3A_3001 : i1 to i32
    %cond3A = arith.constant 0 : i32
    %cond3A_3003 = arith.cmpi ne, %convert_element_type3A_3002, %cond3A : i32
    scf.if %cond3A_3003 {
      %get3A_3004 = arith.constant 0 : index
      %get3A_3005 = arith.constant 0 : index
      %get3A_3006 = vector.load %arg14[%get3A_3004, %get3A_3005] : memref<113x512xf32, #tpu.memory_space<vmem>>, vector<113x512xf32>
      %get3A_3007 = arith.constant 0 : index
      %get3A_3008 = arith.constant 0 : index
      %get3A_3009 = vector.load %arg15[%get3A_3007, %get3A_3008] : memref<64x512xf32, #tpu.memory_space<vmem>>, vector<64x512xf32>
      %get3A_3010 = arith.constant 0 : index
      %get3A_3011 = arith.constant 0 : index
      %get3A_3012 = vector.load %arg16[%get3A_3010, %get3A_3011] : memref<128x512xf32, #tpu.memory_space<vmem>>, vector<128x512xf32>
      %get3A_3013 = arith.constant 0 : index
      %get3A_3014 = arith.constant 0 : index
      %get3A_3015 = vector.load %arg17[%get3A_3013, %get3A_3014] : memref<1x512xf32, #tpu.memory_space<vmem>>, vector<1x512xf32>
      %get3A_3016 = arith.constant 0 : index
      %get3A_3017 = arith.constant 0 : index
      %get3A_3018 = vector.load %arg18[%get3A_3016, %get3A_3017] : memref<128x111xf32, #tpu.memory_space<vmem>>, vector<128x111xf32>
      %get3A_3019 = arith.constant 0 : index
      %get3A_3020 = arith.constant 0 : index
      %get3A_3021 = vector.load %arg19[%get3A_3019, %get3A_3020] : memref<1x111xf32, #tpu.memory_space<vmem>>, vector<1x111xf32>
      %broadcast_in_dim3A_3022 = arith.constant 0.000000e+00 : f32
      %broadcast_in_dim3A_3023 = vector.broadcast %broadcast_in_dim3A_3022 : f32 to vector<8x128xf32>
      %broadcast_in_dim3A_3024 = arith.constant 0.000000e+00 : f32
      %broadcast_in_dim3A_3025 = vector.broadcast %broadcast_in_dim3A_3024 : f32 to vector<8x128xf32>
      %broadcast_in_dim3A_3026 = arith.constant 0.000000e+00 : f32
      %broadcast_in_dim3A_3027 = vector.broadcast %broadcast_in_dim3A_3026 : f32 to vector<1x1xf32>
      %scan3A = arith.constant 0 : i32
      %scan3A_3028 = arith.constant 50 : i32
      %scan3A_3029 = arith.addi %scan3A, %scan3A_3028 : i32
      %scan3A_3030 = arith.constant 1 : i32
      %scan3A_3031:4 = scf.for %scan3A_3039 = %scan3A to %scan3A_3029 step %scan3A_3030 iter_args(%scan3A_3040 = %broadcast_in_dim3A_3023, %scan3A_3041 = %broadcast_in_dim3A_3025, %scan3A_3042 = %broadcast_in_dim3A_3027, %scan3A_3043 = %broadcast_in_dim3A_3027) -> (vector<8x128xf32>, vector<8x128xf32>, vector<1x1xf32>, vector<1x1xf32>)  : i32 {
        %get3A_3044 = arith.index_cast %scan3A_3039 : i32 to index
        %get3A_3045 = arith.constant 0 : index
        %get3A_3046 = arith.constant 0 : index
        %get3A_3047 = vector.load %arg11[%get3A_3044, %get3A_3045, %get3A_3046] : memref<50x8x113xf32, #tpu.memory_space<vmem>>, vector<1x8x113xf32>
        %get3A_3048 = vector.shape_cast %get3A_3047 : vector<1x8x113xf32> to vector<8x113xf32>
        %mul3A_3049 = arith.constant 8 : i32
        %mul3A_3050 = arith.muli %scan3A_3039, %mul3A_3049 : i32
        %get3A_3051 = arith.index_cast %mul3A_3050 : i32 to index
        %get3A_3052 = arith.constant 0 : index
        %get3A_3053 = vector.load %arg22[%get3A_3051, %get3A_3052] : memref<400x64xf32, #tpu.memory_space<vmem>>, vector<8x64xf32>
        %dot_general3A_3054 = arith.constant dense<0.000000e+00> : vector<8x512xf32>
        %dot_general3A_3055 = tpu.matmul %get3A_3048, %get3A_3006, %dot_general3A_3054 {dimension_numbers = #tpu.dot_dimension_numbers<[1], [0], [0], [1], [0, 0, 1, 1], [], []>, transpose_lhs_hint = false} : vector<8x113xf32>, vector<113x512xf32>, vector<8x512xf32> -> vector<8x512xf32>
        %dot_general3A_3056 = arith.constant dense<0.000000e+00> : vector<8x512xf32>
        %dot_general3A_3057 = tpu.matmul %get3A_3053, %get3A_3009, %dot_general3A_3056 {dimension_numbers = #tpu.dot_dimension_numbers<[1], [0], [0], [1], [0, 0, 1, 1], [], []>, transpose_lhs_hint = false} : vector<8x64xf32>, vector<64x512xf32>, vector<8x512xf32> -> vector<8x512xf32>
        %add3A_3058 = arith.addf %dot_general3A_3055, %dot_general3A_3057 : vector<8x512xf32>
        %dot_general3A_3059 = arith.constant dense<0.000000e+00> : vector<8x512xf32>
        %dot_general3A_3060 = tpu.matmul %scan3A_3040, %get3A_3012, %dot_general3A_3059 {dimension_numbers = #tpu.dot_dimension_numbers<[1], [0], [0], [1], [0, 0, 1, 1], [], []>, transpose_lhs_hint = false} : vector<8x128xf32>, vector<128x512xf32>, vector<8x512xf32> -> vector<8x512xf32>
        %add3A_3061 = arith.addf %add3A_3058, %dot_general3A_3060 : vector<8x512xf32>
        %add3A_3062 = vector.broadcast %get3A_3015 : vector<1x512xf32> to vector<8x512xf32>
        %add3A_3063 = arith.addf %add3A_3061, %add3A_3062 : vector<8x512xf32>
        %slice3A_3064 = vector.extract_strided_slice %add3A_3063 {offsets = [0, 0], sizes = [8, 128], strides = [1, 1]} : vector<8x512xf32> to vector<8x128xf32>
        %logistic3A_3065 = arith.negf %slice3A_3064 : vector<8x128xf32>
        %logistic3A_3066 = math.exp %logistic3A_3065 : vector<8x128xf32>
        %logistic3A_3067 = arith.constant 1.000000e+00 : f32
        %logistic3A_3068 = vector.broadcast %logistic3A_3067 : f32 to vector<8x128xf32>
        %logistic3A_3069 = arith.addf %logistic3A_3068, %logistic3A_3066 : vector<8x128xf32>
        %logistic3A_3070 = arith.divf %logistic3A_3068, %logistic3A_3069 : vector<8x128xf32>
        %slice3A_3071 = vector.extract_strided_slice %add3A_3063 {offsets = [0, 128], sizes = [8, 128], strides = [1, 1]} : vector<8x512xf32> to vector<8x128xf32>
        %logistic3A_3072 = arith.negf %slice3A_3071 : vector<8x128xf32>
        %logistic3A_3073 = math.exp %logistic3A_3072 : vector<8x128xf32>
        %logistic3A_3074 = arith.constant 1.000000e+00 : f32
        %logistic3A_3075 = vector.broadcast %logistic3A_3074 : f32 to vector<8x128xf32>
        %logistic3A_3076 = arith.addf %logistic3A_3075, %logistic3A_3073 : vector<8x128xf32>
        %logistic3A_3077 = arith.divf %logistic3A_3075, %logistic3A_3076 : vector<8x128xf32>
        %slice3A_3078 = vector.extract_strided_slice %add3A_3063 {offsets = [0, 256], sizes = [8, 128], strides = [1, 1]} : vector<8x512xf32> to vector<8x128xf32>
        %tanh3A_3079 = math.tanh %slice3A_3078 : vector<8x128xf32>
        %slice3A_3080 = vector.extract_strided_slice %add3A_3063 {offsets = [0, 384], sizes = [8, 128], strides = [1, 1]} : vector<8x512xf32> to vector<8x128xf32>
        %logistic3A_3081 = arith.negf %slice3A_3080 : vector<8x128xf32>
        %logistic3A_3082 = math.exp %logistic3A_3081 : vector<8x128xf32>
        %logistic3A_3083 = arith.constant 1.000000e+00 : f32
        %logistic3A_3084 = vector.broadcast %logistic3A_3083 : f32 to vector<8x128xf32>
        %logistic3A_3085 = arith.addf %logistic3A_3084, %logistic3A_3082 : vector<8x128xf32>
        %logistic3A_3086 = arith.divf %logistic3A_3084, %logistic3A_3085 : vector<8x128xf32>
        %mul3A_3087 = arith.mulf %logistic3A_3077, %scan3A_3041 : vector<8x128xf32>
        %mul3A_3088 = arith.mulf %logistic3A_3070, %tanh3A_3079 : vector<8x128xf32>
        %add3A_3089 = arith.addf %mul3A_3087, %mul3A_3088 : vector<8x128xf32>
        %tanh3A_3090 = math.tanh %add3A_3089 : vector<8x128xf32>
        %mul3A_3091 = arith.mulf %logistic3A_3086, %tanh3A_3090 : vector<8x128xf32>
        %dot_general3A_3092 = arith.constant dense<0.000000e+00> : vector<8x111xf32>
        %dot_general3A_3093 = tpu.matmul %mul3A_3091, %get3A_3018, %dot_general3A_3092 {dimension_numbers = #tpu.dot_dimension_numbers<[1], [0], [0], [1], [0, 0, 1, 1], [], []>, transpose_lhs_hint = false} : vector<8x128xf32>, vector<128x111xf32>, vector<8x111xf32> -> vector<8x111xf32>
        %add3A_3094 = vector.broadcast %get3A_3021 : vector<1x111xf32> to vector<8x111xf32>
        %add3A_3095 = arith.addf %dot_general3A_3093, %add3A_3094 : vector<8x111xf32>
        %get3A_3096 = arith.index_cast %scan3A_3039 : i32 to index
        %get3A_3097 = arith.constant 0 : index
        %get3A_3098 = arith.constant 0 : index
        %get3A_3099 = vector.load %arg12[%get3A_3096, %get3A_3097, %get3A_3098] : memref<50x8x111xf32, #tpu.memory_space<vmem>>, vector<1x8x111xf32>
        %get3A_3100 = vector.shape_cast %get3A_3099 : vector<1x8x111xf32> to vector<8x111xf32>
        %mul3A_3101 = arith.mulf %add3A_3095, %get3A_3100 : vector<8x111xf32>
        %reduce_sum3A_3102 = arith.constant dense<0.000000e+00> : vector<8xf32>
        %reduce_sum3A_3103 = vector.multi_reduction <add>, %mul3A_3101, %reduce_sum3A_3102 [1] : vector<8x111xf32> to vector<8xf32>
        %broadcast_in_dim3A_3104 = vector.shape_cast %reduce_sum3A_3103 : vector<8xf32> to vector<8x1xf32>
        %reduce_sum3A_3105 = arith.constant dense<0.000000e+00> : vector<8xf32>
        %reduce_sum3A_3106 = vector.multi_reduction <add>, %get3A_3100, %reduce_sum3A_3105 [1] : vector<8x111xf32> to vector<8xf32>
        %broadcast_in_dim3A_3107 = vector.shape_cast %reduce_sum3A_3106 : vector<8xf32> to vector<8x1xf32>
        %gt3A = arith.constant 0.000000e+00 : f32
        %gt3A_3108 = vector.broadcast %gt3A : f32 to vector<8x1xf32>
        %gt3A_3109 = arith.cmpf ogt, %broadcast_in_dim3A_3107, %gt3A_3108 : vector<8x1xf32>
        %jit3A_3110 = arith.constant 1.000000e+00 : f32
        %broadcast_in_dim3A_3111 = vector.broadcast %jit3A_3110 : f32 to vector<8x1xf32>
        %select_n3A_3112 = arith.select %gt3A_3109, %broadcast_in_dim3A_3107, %broadcast_in_dim3A_3111 : vector<8x1xi1>, vector<8x1xf32>
        %div3A_3113 = arith.divf %broadcast_in_dim3A_3104, %select_n3A_3112 : vector<8x1xf32>
        %get3A_3114 = arith.index_cast %scan3A_3039 : i32 to index
        %get3A_3115 = arith.constant 0 : index
        %get3A_3116 = arith.constant 0 : index
        %get3A_3117 = vector.load %arg13[%get3A_3114, %get3A_3115, %get3A_3116] : memref<50x8x1xf32, #tpu.memory_space<vmem>>, vector<1x8x1xf32>
        %get3A_3118 = vector.shape_cast %get3A_3117 : vector<1x8x1xf32> to vector<8x1xf32>
        %max3A_3119 = arith.constant 0.000000e+00 : f32
        %max3A_3120 = vector.broadcast %max3A_3119 : f32 to vector<8x1xf32>
        %max3A_3121 = arith.maximumf %div3A_3113, %max3A_3120 : vector<8x1xf32>
        %mul3A_3122 = arith.mulf %div3A_3113, %get3A_3118 : vector<8x1xf32>
        %sub3A_3123 = arith.subf %max3A_3121, %mul3A_3122 : vector<8x1xf32>
        %abs3A = math.absf %div3A_3113 : vector<8x1xf32>
        %neg3A = arith.constant 0.000000e+00 : f32
        %neg3A_3124 = vector.broadcast %neg3A : f32 to vector<8x1xf32>
        %neg3A_3125 = arith.subf %neg3A_3124, %abs3A : vector<8x1xf32>
        %exp3A_3126 = math.exp %neg3A_3125 : vector<8x1xf32>
        %log1p3A = math.log1p %exp3A_3126 : vector<8x1xf32>
        %add3A_3127 = arith.addf %sub3A_3123, %log1p3A : vector<8x1xf32>
        %jit3A_3128 = arith.constant 0.000000e+00 : f32
        %broadcast_in_dim3A_3129 = vector.broadcast %jit3A_3128 : f32 to vector<8x1xf32>
        %select_n3A_3130 = arith.select %gt3A_3109, %add3A_3127, %broadcast_in_dim3A_3129 : vector<8x1xi1>, vector<8x1xf32>
        %reduce_sum3A_3131 = vector.shape_cast %select_n3A_3130 : vector<8x1xf32> to vector<1x8x1xf32>
        %reduce_sum3A_3132 = arith.constant dense<0.000000e+00> : vector<1xf32>
        %reduce_sum3A_3133 = vector.multi_reduction <add>, %reduce_sum3A_3131, %reduce_sum3A_3132 [1, 2] : vector<1x8x1xf32> to vector<1xf32>
        %reduce_sum3A_3134 = vector.shape_cast %reduce_sum3A_3133 : vector<1xf32> to vector<1x1x1xf32>
        %reduce_sum3A_3135 = vector.extract %reduce_sum3A_3134[0, 0, 0] : f32 from vector<1x1x1xf32>
        %broadcast_in_dim3A_3136 = vector.broadcast %reduce_sum3A_3135 : f32 to vector<1x1xf32>
        %add3A_3137 = arith.addf %scan3A_3042, %broadcast_in_dim3A_3136 : vector<1x1xf32>
        %convert_element_type3A_3138 = arith.extui %gt3A_3109 : vector<8x1xi1> to vector<8x1xi32>
        %convert_element_type3A_3139 = arith.sitofp %convert_element_type3A_3138 : vector<8x1xi32> to vector<8x1xf32>
        %reduce_sum3A_3140 = vector.shape_cast %convert_element_type3A_3139 : vector<8x1xf32> to vector<1x8x1xf32>
        %reduce_sum3A_3141 = arith.constant dense<0.000000e+00> : vector<1xf32>
        %reduce_sum3A_3142 = vector.multi_reduction <add>, %reduce_sum3A_3140, %reduce_sum3A_3141 [1, 2] : vector<1x8x1xf32> to vector<1xf32>
        %reduce_sum3A_3143 = vector.shape_cast %reduce_sum3A_3142 : vector<1xf32> to vector<1x1x1xf32>
        %reduce_sum3A_3144 = vector.extract %reduce_sum3A_3143[0, 0, 0] : f32 from vector<1x1x1xf32>
        %broadcast_in_dim3A_3145 = vector.broadcast %reduce_sum3A_3144 : f32 to vector<1x1xf32>
        %add3A_3146 = arith.addf %scan3A_3043, %broadcast_in_dim3A_3145 : vector<1x1xf32>
        %logistic3A_3147 = arith.negf %div3A_3113 : vector<8x1xf32>
        %logistic3A_3148 = math.exp %logistic3A_3147 : vector<8x1xf32>
        %logistic3A_3149 = arith.constant 1.000000e+00 : f32
        %logistic3A_3150 = vector.broadcast %logistic3A_3149 : f32 to vector<8x1xf32>
        %logistic3A_3151 = arith.addf %logistic3A_3150, %logistic3A_3148 : vector<8x1xf32>
        %logistic3A_3152 = arith.divf %logistic3A_3150, %logistic3A_3151 : vector<8x1xf32>
        %swap3A_3153 = arith.index_cast %scan3A_3039 : i32 to index
        %swap3A_3154 = arith.constant 0 : index
        %swap3A_3155 = arith.constant 0 : index
        %swap3A_3156 = vector.load %arg21[%swap3A_3153, %swap3A_3154, %swap3A_3155] : memref<50x8x1xf32, #tpu.memory_space<vmem>>, vector<1x8x1xf32>
        %swap3A_3157 = vector.shape_cast %swap3A_3156 : vector<1x8x1xf32> to vector<8x1xf32>
        %swap3A_3158 = vector.shape_cast %logistic3A_3152 : vector<8x1xf32> to vector<1x8x1xf32>
        tpu.vector_store %arg21[%swap3A_3153, %swap3A_3154, %swap3A_3155], %swap3A_3158 {strides = array<i32>} : memref<50x8x1xf32, #tpu.memory_space<vmem>>, vector<1x8x1xf32>,
        scf.yield %mul3A_3091, %add3A_3089, %add3A_3137, %add3A_3146 : vector<8x128xf32>, vector<8x128xf32>, vector<1x1xf32>, vector<1x1xf32>
      }
      %scan3A_3032 = arith.constant 50 : i32
      %max3A = arith.constant 1.000000e+00 : f32
      %max3A_3033 = vector.broadcast %max3A : f32 to vector<1x1xf32>
      %max3A_3034 = arith.maximumf %scan3A_3031#3, %max3A_3033 : vector<1x1xf32>
      %div3A_3035 = arith.divf %scan3A_3031#2, %max3A_3034 : vector<1x1xf32>
      %swap3A_3036 = arith.constant 0 : index
      %swap3A_3037 = arith.constant 0 : index
      %swap3A_3038 = vector.load %arg20[%swap3A_3036, %swap3A_3037] : memref<1x1xf32, #tpu.memory_space<vmem>>, vector<1x1xf32>
      tpu.vector_store %arg20[%swap3A_3036, %swap3A_3037], %div3A_3035 {strides = array<i32>} : memref<1x1xf32, #tpu.memory_space<vmem>>, vector<1x1xf32>,
    } else {
    }
    return
  }
  func.func @transform_0(%arg0: i32) -> (i32, i32, i32) {
    %c0_i32 = arith.constant 0 : i32
    %c0_i32_0 = arith.constant 0 : i32
    %c0_i32_1 = arith.constant 0 : i32
    return %arg0, %c0_i32, %c0_i32_0 : i32, i32, i32
  }
  func.func @transform_1(%arg0: i32) -> (i32, i32, i32) {
    %c0_i32 = arith.constant 0 : i32
    %c0_i32_0 = arith.constant 0 : i32
    %c0_i32_1 = arith.constant 0 : i32
    return %arg0, %c0_i32, %c0_i32_0 : i32, i32, i32
  }
  func.func @transform_2(%arg0: i32) -> (i32, i32, i32) {
    %c0_i32 = arith.constant 0 : i32
    %c0_i32_0 = arith.constant 0 : i32
    %c0_i32_1 = arith.constant 0 : i32
    return %arg0, %c0_i32, %c0_i32_0 : i32, i32, i32
  }
  func.func @transform_3(%arg0: i32) -> (i32, i32) {
    %c0_i32 = arith.constant 0 : i32
    %c0_i32_0 = arith.constant 0 : i32
    %c0_i32_1 = arith.constant 0 : i32
    return %c0_i32, %c0_i32_0 : i32, i32
  }
  func.func @transform_4(%arg0: i32) -> (i32, i32, i32) {
    %c0_i32 = arith.constant 0 : i32
    %c0_i32_0 = arith.constant 0 : i32
    %c0_i32_1 = arith.constant 0 : i32
    %c0_i32_2 = arith.constant 0 : i32
    return %c0_i32, %c0_i32_0, %c0_i32_1 : i32, i32, i32
  }
  func.func @transform_5(%arg0: i32) -> (i32, i32) {
    %c0_i32 = arith.constant 0 : i32
    %c0_i32_0 = arith.constant 0 : i32
    %c0_i32_1 = arith.constant 0 : i32
    return %c0_i32, %c0_i32_0 : i32, i32
  }
  func.func @transform_6(%arg0: i32) -> (i32, i32) {
    %c0_i32 = arith.constant 0 : i32
    %c0_i32_0 = arith.constant 0 : i32
    %c0_i32_1 = arith.constant 0 : i32
    return %c0_i32, %c0_i32_0 : i32, i32
  }
  func.func @transform_7(%arg0: i32) -> (i32, i32) {
    %c0_i32 = arith.constant 0 : i32
    %c0_i32_0 = arith.constant 0 : i32
    %c0_i32_1 = arith.constant 0 : i32
    return %c0_i32, %c0_i32_0 : i32, i32
  }
  func.func @transform_8(%arg0: i32) -> (i32, i32) {
    %c0_i32 = arith.constant 0 : i32
    %c0_i32_0 = arith.constant 0 : i32
    %c0_i32_1 = arith.constant 0 : i32
    return %c0_i32, %c0_i32_0 : i32, i32
  }
  func.func @transform_9(%arg0: i32) -> (i32, i32) {
    %c0_i32 = arith.constant 0 : i32
    %c0_i32_0 = arith.constant 0 : i32
    %c0_i32_1 = arith.constant 0 : i32
    return %c0_i32, %c0_i32_0 : i32, i32
  }
  func.func @transform_10(%arg0: i32) -> (i32, i32, i32) {
    %c0_i32 = arith.constant 0 : i32
    %c0_i32_0 = arith.constant 0 : i32
    %c0_i32_1 = arith.constant 0 : i32
    %c0_i32_2 = arith.constant 0 : i32
    return %c0_i32, %c0_i32_0, %c0_i32_1 : i32, i32, i32
  }
  func.func @transform_11(%arg0: i32) -> (i32, i32, i32) {
    %c0_i32 = arith.constant 0 : i32
    %c0_i32_0 = arith.constant 0 : i32
    %c0_i32_1 = arith.constant 0 : i32
    %c0_i32_2 = arith.constant 0 : i32
    return %c0_i32, %c0_i32_0, %c0_i32_1 : i32, i32, i32
  }
  func.func @transform_12(%arg0: i32) -> (i32, i32, i32) {
    %c0_i32 = arith.constant 0 : i32
    %c0_i32_0 = arith.constant 0 : i32
    %c0_i32_1 = arith.constant 0 : i32
    %c0_i32_2 = arith.constant 0 : i32
    return %c0_i32, %c0_i32_0, %c0_i32_1 : i32, i32, i32
  }
  func.func @transform_13(%arg0: i32) -> (i32, i32) {
    %c0_i32 = arith.constant 0 : i32
    %c0_i32_0 = arith.constant 0 : i32
    %c0_i32_1 = arith.constant 0 : i32
    return %c0_i32, %c0_i32_0 : i32, i32
  }
  func.func @transform_14(%arg0: i32) -> (i32, i32) {
    %c0_i32 = arith.constant 0 : i32
    %c0_i32_0 = arith.constant 0 : i32
    %c0_i32_1 = arith.constant 0 : i32
    return %c0_i32, %c0_i32_0 : i32, i32
  }
  func.func @transform_15(%arg0: i32) -> (i32, i32) {
    %c0_i32 = arith.constant 0 : i32
    %c0_i32_0 = arith.constant 0 : i32
    %c0_i32_1 = arith.constant 0 : i32
    return %c0_i32, %c0_i32_0 : i32, i32
  }
  func.func @transform_16(%arg0: i32) -> (i32, i32) {
    %c0_i32 = arith.constant 0 : i32
    %c0_i32_0 = arith.constant 0 : i32
    %c0_i32_1 = arith.constant 0 : i32
    return %c0_i32, %c0_i32_0 : i32, i32
  }
  func.func @transform_17(%arg0: i32) -> (i32, i32) {
    %c0_i32 = arith.constant 0 : i32
    %c0_i32_0 = arith.constant 0 : i32
    %c0_i32_1 = arith.constant 0 : i32
    return %c0_i32, %c0_i32_0 : i32, i32
  }
  func.func @transform_18(%arg0: i32) -> (i32, i32) {
    %c0_i32 = arith.constant 0 : i32
    %c0_i32_0 = arith.constant 0 : i32
    %c0_i32_1 = arith.constant 0 : i32
    return %c0_i32, %c0_i32_0 : i32, i32
  }
  func.func @transform_19(%arg0: i32) -> (i32, i32) {
    %c0_i32 = arith.constant 0 : i32
    %c0_i32_0 = arith.constant 0 : i32
    %c0_i32_1 = arith.constant 0 : i32
    return %c0_i32, %c0_i32_0 : i32, i32
  }
  func.func @transform_20(%arg0: i32) -> (i32, i32, i32) {
    %c0_i32 = arith.constant 0 : i32
    %c0_i32_0 = arith.constant 0 : i32
    %c0_i32_1 = arith.constant 0 : i32
    %c0_i32_2 = arith.constant 0 : i32
    return %c0_i32, %c0_i32_0, %c0_i32_1 : i32, i32, i32
  }
}

</mosaic_0001>

<sc_bundles>
// kernel: kernel.4.cloned.1.call-start
scs
__scs_entry_jumppad:
0x0: {  	(pc) =	sbr.rel $0x88, $3  }
0x1: {  	(tag) =	ssettag $0x0;
	lr =	simm.s32 $0x1  }
0x2: {  	[smem:$0x3F8B] =	sst lr;
	_ =	strace $0xD0000000  }
0x3: {  	_ = 	snop  }
0x4: {  	_ = 	snop  }
0x5: {  	_ = 	snop  }
0x6: {  	_ = 	snop  }
0x7: {  	_ = 	snop  }
__scs_overlays_trampoline_lowered:
0x8: {  	[smem:$0x3F9A] =	sst s0  }
0x9: {  	[smem:$0x3F9B] =	sst s1  }
0xa: {  	[smem:$0x3F9C] =	sst s2  }
0xb: {  	[smem:$0x3F9D] =	sst s3  }
0xc: {  	[smem:$0x3F9E] =	sst s4  }
0xd: {  	[smem:$0x3F9F] =	sst s5  }
0xe: {  	[smem:$0x3FA0] =	sst s6  }
0xf: {  	[smem:$0x3FA1] =	sst s7  }
0x10: {  	[smem:$0x3FA2] =	sst s8  }
0x11: {  	[smem:$0x3FA3] =	sst s9;
	s0 =	simm.s32 @!p0 $0x0  }
0x12: {  	s1 =	sld [smem:$0x3F89];
	s0 =	simm.s32 @p0 $0x1  }
0x13: {  	[smem:$0x3FA4] =	sst s0;
	s0 =	simm.s32 @!p1 $0x0  }
0x14: {  	s2 =	sld [smem:$0x3F88];
	s0 =	simm.s32 @p1 $0x1  }
0x15: {  	[smem:$0x3FA5] =	sst s0;
	s0 =	simm.s32 @!p2 $0x0  }
0x16: {  	s3 =	sld [smem:$0x3FDB];
	s0 =	simm.s32 @p2 $0x1  }
0x17: {  	s4 =	simm.s32 $0x1BF5;
	[smem:$0x3FA7] =	sst s0  }
0x18: {  	s0 =	sld [smem:$0x3F8A];
	_ =	swait.ge [sflag:s4], $0x0  }
0x19: {  	s7 =	sld [smem:$0x3F8B]  }
0x1a: {  	s8 =	sadd.s32 $0xFFFFE003, lr  }
0x1b: {  	s9 =	sadd.s32 $0xFFFFFEF7, lr;
	s5 =	simm.s32 $0xFFFFFFFF;
	p2 =	slt.u32 s8, $0xFFFFF086  }
0x1c: {  	p1 =	slt.u32 s9, $0xF7A;
	s5 =	simm.s32 @!p2 $0x0  }
0x1d: {  	s5 =	simm.s32 @p1 $0x1;
	p0 =	seq.s32 s7, s2  }
0x1e: {  	s7 =	smul.u32 @!p0 $0xF7A, s2;
	p2 =	seq.s32 @!p0 s5, $0x0  }
0x1f: {  	s9 =	smul.u32 $0xF7A, s1;
	s8 =	simm.s32 @!p0 $0x1BF5;
	p2 =	por !p2, p0  }
0x20: {  	[sflag:s8] =	ssyncset.s32 @!p0 $0xFFFFF086;
	s6 =	sadd.s32 @!p0 s3, s7;
	s7 =	simm.s32 @!p0 $0x108  }
0x21: {  	s3 =	sadd.s32 s3, s9;
	s6 =	sadd.s32 @!p0 $0x88, s6;
	s7 =	simm.s32 @p2 $0x1082  }
0x22: {  	[simem:s7], [sflag:s8] =	dma.local @!p0 [hbm:s6], $0xF7A  }
0x23: {  	s9 =	sor.u32 $0xD0000000, s2;
	s6 =	simm.s32 $0x108;
	_ =	swait.ge @!p0 [sflag:s8], $0x0  }
0x24: {  	s3 =	sadd.s32 $0x88, s3;
	s6 =	simm.s32 @!p1 $0x1082;
	[sflag:s4] =	ssyncset.s32 $0xFFFFF086  }
0x25: {  	[simem:s6], [sflag:s4] =	dma.local [hbm:s3], $0xF7A  }
0x26: {  	[smem:$0x3F8B] =	sst s1;
	(tag) =	ssettag s2;
	_ =	strace s9  }
0x27: {  	s1 =	sld [smem:$0x3F9B]  }
0x28: {  	s2 =	sld [smem:$0x3F9C]  }
0x29: {  	s4 =	sld [smem:$0x3F9E]  }
0x2a: {  	p0 =	seq.s32 s5, $0x0;
	s5 =	sld [smem:$0x3F9F]  }
0x2b: {  	s6 =	sld [smem:$0x3FA0]  }
0x2c: {  	s7 =	sld [smem:$0x3FA1]  }
0x2d: {  	s3 =	simm.s32 $0x108;
	s8 =	sld [smem:$0x3FA2]  }
0x2e: {  	s3 =	simm.s32 @!p0 $0x1082;
	s9 =	sld [smem:$0x3FA3]  }
0x2f: {  	lr =	sadd.s32 s0, s3;
	s0 =	sld [smem:$0x3F9A]  }
0x30: {  	s3 =	sld [smem:$0x3F9D]  }
0x31: {  	[smem:$0x3FA6] =	sst s10  }
0x32: {  	s10 =	sld [smem:$0x3FA4];
	_ =	sdelay $0x3  }
0x33: {  	p0 =	seq.s32 s10, $0x1;
	s10 =	sld [smem:$0x3FA6];
	_ =	sdelay $0x3  }
0x34: {  	[smem:$0x3FA6] =	sst s10  }
0x35: {  	s10 =	sld [smem:$0x3FA5];
	_ =	sdelay $0x3  }
0x36: {  	p1 =	seq.s32 s10, $0x1;
	s10 =	sld [smem:$0x3FA6];
	_ =	sdelay $0x3  }
0x37: {  	[smem:$0x3FA6] =	sst s10  }
0x38: {  	s10 =	sld [smem:$0x3FA7]  }
0x39: {  	_ = 	snop;
	(pc) =	sbr.ind lr, $3  }
0x3a: {  	_ = 	snop  }
0x3b: {  	_ = 	snop  }
0x3c: {  	p2 =	seq.s32 s10, $0x1;
	s10 =	sld [smem:$0x3FA6]  }
0x3d: {  	_ =	shalt  }
0x3e: {  	_ =	shalt  }
0x3f: {  	_ =	shalt  }
0x40: {  	_ =	shalt  }
0x41: {  	_ =	shalt  }
0x42: {  	_ =	shalt  }
0x43: {  	_ =	shalt  }
0x44: {  	_ =	shalt  }
0x45: {  	_ =	shalt  }
0x46: {  	_ =	shalt  }
0x47: {  	_ =	shalt  }
0x48: {  	_ =	shalt  }
0x49: {  	_ =	shalt  }
0x4a: {  	_ =	shalt  }
0x4b: {  	_ =	shalt  }
0x4c: {  	_ =	shalt  }
0x4d: {  	_ =	shalt  }
0x4e: {  	_ =	shalt  }
0x4f: {  	_ =	shalt  }
0x50: {  	_ =	shalt  }
0x51: {  	_ =	shalt  }
0x52: {  	_ =	shalt  }
0x53: {  	_ =	shalt  }
0x54: {  	_ =	shalt  }
0x55: {  	_ =	shalt  }
0x56: {  	_ =	shalt  }
0x57: {  	_ =	shalt  }
0x58: {  	_ =	shalt  }
0x59: {  	_ =	shalt  }
0x5a: {  	_ =	shalt  }
0x5b: {  	_ =	shalt  }
0x5c: {  	_ =	shalt  }
0x5d: {  	_ =	shalt  }
0x5e: {  	_ =	shalt  }
0x5f: {  	_ =	shalt  }
0x60: {  	_ =	shalt  }
0x61: {  	_ =	shalt  }
0x62: {  	_ =	shalt  }
0x63: {  	_ =	shalt  }
0x64: {  	_ =	shalt  }
0x65: {  	_ =	shalt  }
0x66: {  	_ =	shalt  }
0x67: {  	_ =	shalt  }
0x68: {  	_ =	shalt  }
0x69: {  	_ =	shalt  }
0x6a: {  	_ =	shalt  }
0x6b: {  	_ =	shalt  }
0x6c: {  	_ =	shalt  }
0x6d: {  	_ =	shalt  }
0x6e: {  	_ =	shalt  }
0x6f: {  	_ =	shalt  }
0x70: {  	_ =	shalt  }
0x71: {  	_ =	shalt  }
0x72: {  	_ =	shalt  }
0x73: {  	_ =	shalt  }
0x74: {  	_ =	shalt  }
0x75: {  	_ =	shalt  }
0x76: {  	_ =	shalt  }
0x77: {  	_ =	shalt  }
0x78: {  	_ =	shalt  }
0x79: {  	_ =	shalt  }
0x7a: {  	_ =	shalt  }
0x7b: {  	_ =	shalt  }
0x7c: {  	_ =	shalt  }
0x7d: {  	_ =	shalt  }
0x7e: {  	_ =	shalt  }
0x7f: {  	_ =	shalt  }
0x80: {  	_ =	shalt  }
0x81: {  	_ =	shalt  }
0x82: {  	_ =	shalt  }
0x83: {  	_ =	shalt  }
0x84: {  	_ =	shalt  }
0x85: {  	_ =	shalt  }
0x86: {  	_ =	shalt  }
0x87: {  	_ =	shalt  }
.Lfunc_end0:
.L_simem_size_0:
called_computation_lowered:
.L_overlay_start_0:
0x88: {  	s2 =	sld [smem:$0x3FD9]  }
0x89: {  	s3 =	sld [smem:$0x3FFE];
	_ =	sdelay $0x1  }
0x8a: {  	s1 =	srdreg.scid  }
0x8b: {  	s0 =	sand.u32 $0x1, s1  }
0x8c: {  	s16 =	sshll.u32 s0, $0xA;
	s2 =	sadd.s32 s3, s2  }
0x8d: {  	s2 =	sadd.s32 s2, s16  }
0x8e: {  	[smem:$0x3FB2] =	sst s2  }
0x8f: {  	_ = 	snop  }
0x90: {  	(tm) =	ssettm $0x1  }
0x91: {  	s17 =	sld [smem:$0x3FFB];
	_ =	sdelay $0x3  }
0x92: {  	_ =	strace s17  }
0x93: {  	s2 =	sld [smem:$0x3FFC];
	_ =	sdelay $0x3  }
0x94: {  	_ =	strace s2  }
0x95: {  	s2 =	sld [smem:$0x3FFD];
	_ =	sdelay $0x3  }
0x96: {  	_ =	strace s2  }
0x97: {  	_ =	strace $0x8FFFFFFF  }
0x98: {  	s18 =	sld [smem:$0x3FDB];
	_ =	sdelay $0x1  }
0x99: {  	s19 =	simm.s32 $_scs_section_size  }
0x9a: {  	s4 =	simm.s32 $_size__tile_overlayer_lowered;
	s5 =	simm.s32 $_tile_overlayer_lowered  }
0x9b: {  	s22 =	simm.s32 $0x1BFF;
	s21 =	sshll.u32 s5, $0x1;
	s2 =	sadd.s32 s19, s18  }
0x9c: {  	s6 =	simm.s32 $0x0;
	s20 =	sshll.u32 s4, $0x1;
	s4 =	sadd.s32 s21, s2  }
0x9d: {  	[timem:s6], [sflag:s22] =	dma.local [hbm:s4], s20  }
0x9e: {  	_ =	swait.ge [sflag:s22], s20  }
0x9f: {  	s3 =	ssub.s32 $0x0, s20;
	[sflag:s22] =	ssyncset.done $0x0  }
0xa0: {  	[sflag:s22] =	ssyncadd.s32 s3;
	_ =	sdelay $0x1  }
0xa1: {  	s23 =	simm.s32 $0x1B8B  }
0xa2: {  	_ =	swait.ge [sflag:s23], $0x1  }
0xa3: {  	[sflag:s23] =	ssyncset.done $0x0  }
0xa4: {  	s25 =	simm.s32 $0x1B8E;
	s24 =	sld [smem:$0x3FFE];
	[sflag:s23] =	ssyncadd.s32 $0xFFFFFFFF  }
0xa5: {  	s26 =	simm.s32 $execute0_lowered;
	[smem:$0x3FD2] =	sst s25  }
0xa6: {  	s4 =	sshll.u32 s26, $0x1;
	_ =	strace $0x80000046;
	[dreg:$0x1] =	wrdreg $0xFFFFFFFF  }
0xa7: {  	s28 =	simm.s32 $_size_execute0_lowered;
	s2 =	sadd.s32 s2, s4;
	[dreg:$0x0] =	wrdreg $0x0  }
0xa8: {  	s4 =	sshll.u32 s28, $0x1;
	[dreg:$0x2] =	wrdreg s2  }
0xa9: {  	[dreg:$0x3] =	wrdreg s4  }
0xaa: {  	[dreg:$0x4] =	wrdreg $0xC0  }
0xab: {  	_ =	task [dreg:s6], $0x5FFFF  }
0xac: {  	[dreg:$0x1] =	wrdreg $0xFFFFFFFF  }
0xad: {  	[dreg:$0x0] =	wrdreg $0x60  }
0xae: {  	[dreg:$0x2] =	wrdreg s24  }
0xaf: {  	[dreg:$0x3] =	wrdreg $0x9  }
0xb0: {  	_ =	task.clear_ibuf [dreg:s6], $0x4FFFF;
	_ =	strace $0x90000046  }
0xb1: {  	s29 =	simm.s32 $0x9;
	_ =	strace $0x80000048  }
0xb2: {  	_ =	swait.ge [sflag:s29], $0x1  }
0xb3: {  	[sflag:s29] =	ssyncadd.s32 $0xFFFFFFFF  }
0xb4: {  	_ =	strace $0x90000048  }
0xb5: {  	_ =	sfence  }
0xb6: {  	s30 =	sld [smem:$0x0];
	_ =	sdelay $0x2  }
0xb7: {  	s31 =	sshll.u32 s1, $0xD;
	s1 =	sshrl.u32 s1, $0x2  }
0xb8: {  	s3 =	sand.u32 $0x4000, s31;
	s1 =	sadd.s32 s1, s30  }
0xb9: {  	s0 =	sor.u32 s3, s0;
	s1 =	sshll.u32 s1, $0x11  }
0xba: {  	s0 =	sor.u32 s1, s0  }
0xbb: {  	s0 =	sadd.s32 $0x8F2B, s0  }
0xbc: {  	[sflag:s0] =	ssyncadd.remote.s32 $0x1  }
0xbd: {  	_ =	sfence.sel $0xFFFF  }
0xbe: {  	[dreg:$0x0] =	wrdreg $0xFFFFFFFF;
	(pc) =	sbr.abs _section_cstart, $3  }
0xbf: {  	[dreg:$0x1] =	wrdreg $0xFFFFFFFF  }
0xc0: {  	_ =	task.clear_ibuf [dreg:s6], $0x2FFFF;
	_ =	strace $0x9FFFFFFF  }
0xc1: {  	(tm) =	ssettm $0x7FFFFFFF  }
tec
execute0_lowered:
.L_overlay_start_1:
0x0: {  	(tag) =	ssettag $0x1  }
0x1: {  	s0 =	rddreg [dreg:$0x0];
	s5 =	stileid.u32  }
0x2: {  	s1 =	srdreg.scid;
	s2 =	simm.s32 $0x0;
	s3 =	smul.u32 $0x280, s5  }
0x3: {  	s1 =	sand.u32 $0x1, s1;
	s5 =	smul.u32 $0x28, s5;
	[smem:$0x7FF] =	sst s2  }
0x4: {  	s4 =	ssub.s32 $0x0, s1;
	_ =	strace $0x80000047;
	s8 =	ssub.s32 $0x2, s1  }
0x5: {  	p0 =	seq.s32 s1, $0x0;
	s1 =	simm.s32 $0x271;
	s6 =	sand.u32 $0x14, s4  }
0x6: {  	s7 =	sadd.s32 s3, s0;
	s3 =	sadd.s32 $0x5200, s0;
	s4 =	sadd.s32 s5, s6  }
0x7: {  	s13 =	sadd.s32 $0x2A00, s7;
	s6 =	sshll.u32 s6, $0x7;
	s4 =	sshll.u32 s4, $0xB  }
0x8: {  	[dreg:$0x2] =	wrdreg s13;
	s13 =	sadd.s32 $0x380, s6;
	s0 =	sadd.s32 s4, s0  }
0x9: {  	s9 =	sshrl.u32 s8, $0x1;
	[dreg:$0x13] =	wrdreg s13;
	s14 =	sadd.s32 $0x2C400, s0  }
0xa: {  	s1 =	simm.s32 @!p0 $0x25D;
	s15 =	sadd.s32 $0x2EC00, s0;
	[dreg:$0x3] =	wrdreg s14  }
0xb: {  	s12 =	ssub.s32 s8, s9;
	s16 =	sadd.s32 $0x2F400, s0;
	[dreg:$0x4] =	wrdreg s15  }
0xc: {  	s28 =	smax.u32 s12, $0x1;
	s17 =	sadd.s32 $0x2FC00, s0;
	[dreg:$0x5] =	wrdreg s16  }
0xd: {  	s29 =	sor.u32 $0x80, s6;
	s18 =	sadd.s32 $0x30400, s0;
	[dreg:$0x6] =	wrdreg s17  }
0xe: {  	s30 =	sor.u32 $0x100, s6;
	s19 =	sadd.s32 $0x30C00, s0;
	[dreg:$0x7] =	wrdreg s18  }
0xf: {  	s31 =	sor.u32 $0x180, s6;
	s20 =	sadd.s32 $0x31400, s0;
	[dreg:$0x8] =	wrdreg s19  }
0x10: {  	s12 =	simm.s32 $0x8;
	s21 =	sadd.s32 $0x31C00, s0;
	[dreg:$0x9] =	wrdreg s20  }
0x11: {  	s4 =	ssub.s32 s1, s5;
	s22 =	sadd.s32 $0x32400, s0;
	[dreg:$0xa] =	wrdreg s21  }
0x12: {  	s13 =	simm.s32 $0x7;
	s23 =	sadd.s32 $0x32C00, s0;
	[dreg:$0xb] =	wrdreg s22  }
0x13: {  	s8 =	sadd.s32 $0x2CC00, s0;
	s24 =	sadd.s32 $0x33400, s0;
	[dreg:$0xc] =	wrdreg s23  }
0x14: {  	s9 =	sadd.s32 $0x2D400, s0;
	s25 =	sadd.s32 $0x33C00, s0;
	[dreg:$0xd] =	wrdreg s24  }
0x15: {  	s10 =	sadd.s32 $0x2DC00, s0;
	s26 =	sadd.s32 $0x34400, s0;
	[dreg:$0xe] =	wrdreg s25  }
0x16: {  	s11 =	sadd.s32 $0x2E400, s0;
	s5 =	sadd.s32 $0x34C00, s0;
	[dreg:$0xf] =	wrdreg s26  }
0x17: {  	p0 =	sgt.u32 s4, $0xA;
	s7 =	sadd.s32 $0x35400, s0;
	[dreg:$0x10] =	wrdreg s5  }
0x18: {  	s0 =	sadd.s32 $0x35C00, s0;
	p4 =	slt.u32 s4, $0x6;
	[dreg:$0x11] =	wrdreg s7  }
0x19: {  	p5 =	slt.u32 s4, $0x7;
	[dreg:$0x12] =	wrdreg s0;
	s14 =	sor.u32 $0x400, s6  }
0x1a: {  	s1 =	simm.s32 @!p0 $0x0;
	s15 =	sor.u32 $0x480, s6;
	[dreg:$0x14] =	wrdreg s14  }
0x1b: {  	s16 =	sor.u32 $0x500, s6;
	s17 =	sor.u32 $0x580, s6;
	[dreg:$0x15] =	wrdreg s15  }
0x1c: {  	s1 =	simm.s32 @p0 $0x1;
	p0 =	sgt.u32 s4, $0xF;
	[dreg:$0x16] =	wrdreg s16  }
0x1d: {  	s18 =	sadd.s32 $0x600, s6;
	[smem:$0x7EE] =	sst s1;
	s1 =	simm.s32 @!p0 $0x0  }
0x1e: {  	[dreg:$0x17] =	wrdreg s17;
	s1 =	simm.s32 @p0 $0x1;
	p0 =	sgt.u32 s4, $0x10  }
0x1f: {  	s19 =	sadd.s32 $0x680, s6;
	[smem:$0x7EF] =	sst s1;
	s1 =	simm.s32 @!p0 $0x0  }
0x20: {  	[dreg:$0x18] =	wrdreg s18;
	s1 =	simm.s32 @p0 $0x1;
	p0 =	sgt.u32 s4, $0x12  }
0x21: {  	s20 =	sadd.s32 $0x700, s6;
	[smem:$0x7F0] =	sst s1;
	s1 =	simm.s32 @!p0 $0x0  }
0x22: {  	[dreg:$0x19] =	wrdreg s19;
	s1 =	simm.s32 @p0 $0x1;
	p0 =	slt.u32 s4, $0x8  }
0x23: {  	s21 =	sadd.s32 $0x780, s6;
	[dreg:$0x1a] =	wrdreg s20;
	s0 =	simm.s32 @!p0 $0x0  }
0x24: {  	[dreg:$0x1b] =	wrdreg s21;
	s0 =	simm.s32 @p0 $0x1;
	p0 =	slt.u32 s4, $0x9  }
0x25: {  	s22 =	sadd.s32 $0x800, s6;
	[smem:$0x7F2] =	sst s0;
	s0 =	simm.s32 @!p0 $0x0  }
0x26: {  	[dreg:$0x1c] =	wrdreg s22;
	s0 =	simm.s32 @p0 $0x1;
	p0 =	slt.u32 s4, $0xA  }
0x27: {  	s23 =	sadd.s32 $0x880, s6;
	[smem:$0x7F3] =	sst s0;
	s0 =	simm.s32 @!p0 $0x0  }
0x28: {  	[dreg:$0x1d] =	wrdreg s23;
	s0 =	simm.s32 @p0 $0x1;
	p0 =	slt.u32 s4, $0xB  }
0x29: {  	s24 =	sadd.s32 $0x900, s6;
	[smem:$0x7F4] =	sst s0;
	s0 =	simm.s32 @!p0 $0x0  }
0x2a: {  	[dreg:$0x1e] =	wrdreg s24;
	s0 =	simm.s32 @p0 $0x1;
	p0 =	slt.u32 s4, $0xC  }
0x2b: {  	s26 =	sadd.s32 $0x980, s6;
	[smem:$0x7F5] =	sst s0;
	s0 =	simm.s32 @!p0 $0x0  }
0x2c: {  	[dreg:$0x1f] =	wrdreg s26;
	s0 =	simm.s32 @p0 $0x1;
	p0 =	sgt.u32 s4, $0x8  }
0x2d: {  	s25 =	sadd.s32 $0x300, s6;
	[smem:$0x7F6] =	sst s0;
	s0 =	simm.s32 @!p0 $0x0  }
0x2e: {  	s19 =	simm.s32 $0x9;
	s0 =	simm.s32 @p0 $0x1;
	p0 =	slt.u32 s4, $0xD  }
0x2f: {  	s18 =	simm.s32 $0x80;
	[smem:$0x7F7] =	sst s0;
	s0 =	simm.s32 @!p0 $0x0  }
0x30: {  	s22 =	simm.s32 $0x1400;
	s0 =	simm.s32 @p0 $0x1;
	p0 =	slt.u32 s4, $0xE  }
0x31: {  	s17 =	simm.s32 $0x5400;
	[smem:$0x7F8] =	sst s0;
	s0 =	simm.s32 @!p0 $0x0  }
0x32: {  	s21 =	simm.s32 $0x9400;
	s0 =	simm.s32 @p0 $0x1;
	p0 =	slt.u32 s4, $0xF  }
0x33: {  	s20 =	simm.s32 $0x1;
	[smem:$0x7F9] =	sst s0;
	s0 =	simm.s32 @!p0 $0x0  }
0x34: {  	s16 =	simm.s32 $0xD400;
	s0 =	simm.s32 @p0 $0x1;
	p0 =	slt.u32 s4, $0x10  }
0x35: {  	s23 =	simm.s32 $0x2;
	[smem:$0x7FA] =	sst s0;
	s0 =	simm.s32 @!p0 $0x0  }
0x36: {  	s15 =	simm.s32 $0x5;
	s0 =	simm.s32 @p0 $0x1;
	p0 =	slt.u32 s4, $0x11  }
.Ltmp0:
0x37: {  	[smem:$0x7FB] =	sst s0;
	s0 =	simm.s32 @!p0 $0x0;
	(pc) =	sbr.rel .LBB2_1-.Ltmp0, $4  }
0x38: {  	s24 =	simm.s32 $0x3;
	s0 =	simm.s32 @p0 $0x1;
	p0 =	slt.u32 s4, $0x12  }
0x39: {  	s14 =	simm.s32 $0x6;
	[smem:$0x7FC] =	sst s0;
	s0 =	simm.s32 @!p0 $0x0  }
0x3a: {  	s26 =	simm.s32 $0x4;
	[smem:$0x7F1] =	sst s1;
	s0 =	simm.s32 @p0 $0x1  }
0x3b: {  	s1 =	sadd.s32 $0x280, s6;
	[smem:$0x7FD] =	sst s0;
	s0 =	sadd.s32 $0x200, s6  }
.LBB2_72:
0x3c: {  	_ =	swait.ge [sflag:s5], $0x4000  }
0x3d: {  	[sflag:s5] =	ssyncset.done $0x0  }
0x3e: {  	[sflag:s5] =	ssyncadd.s32 $0xFFFFC000  }
.LBB2_73:
0x3f: {  	s28 =	sadd.s32 $0xFFFFFFFF, s28  }
0x40: {  	p0 =	sne.s32 s28, $0x0  }
.Ltmp1:
0x41: {  	_ = 	snop;
	(pc) =	sbr.rel @!p0 .LBB2_74-.Ltmp1, $1  }
0x42: {  	_ =	sdelay $0x3  }
.LBB2_1:
0x43: {  	s5 =	rddreg [dreg:$0x2]  }
0x44: {  	[tilespmem:s2], [sflag:$0x9] =	stream.linear.gather [hbm4b:s5+s2], $0x1400, $0x38;
	[tilespmem:$0x11400] =	vst v63  }
0x45: {  	_ =	swait.ge [sflag:s19], $0x1400  }
0x46: {  	[sflag:s19] =	ssyncset.done $0x0  }
0x47: {  	[sflag:s19] =	ssyncadd.s32 $0xFFFFEC00  }
0x48: {  	[tilespmem:s22], [sflag:$0x1] =	stream.indirect.gather [hbm4b:s3+s18], $0x80, s6, s18, $0xb8;
	[tilespmem:$0x11400] =	vst v63  }
0x49: {  	_ = 	snop  }
0x4a: {  	[tilespmem:s17], [sflag:$0x2] =	stream.indirect.gather [hbm4b:s3+s18], $0x80, s29, s18, $0xb8;
	[tilespmem:$0x11400] =	vst v63  }
0x4b: {  	_ = 	snop  }
0x4c: {  	[tilespmem:s21], [sflag:$0x3] =	stream.indirect.gather [hbm4b:s3+s18], $0x80, s30, s18, $0xb8;
	[tilespmem:$0x11400] =	vst v63  }
0x4d: {  	_ =	swait.ge [sflag:s20], $0x4000  }
0x4e: {  	[sflag:s20] =	ssyncset.done $0x0  }
0x4f: {  	s7 =	rddreg [dreg:$0x3];
	[sflag:s20] =	ssyncadd.s32 $0xFFFFC000  }
0x50: {  	[hbm4b:s7+s2] =	stream.linear.scatter [tilespmem:s22], [sflag:$0x5], $0x4000, $0x38;
	[tilespmem:$0x11400] =	vst v63  }
0x51: {  	_ = 	snop  }
0x52: {  	[tilespmem:s16], [sflag:$0x4] =	stream.indirect.gather [hbm4b:s3+s18], $0x80, s31, s18, $0xb8;
	[tilespmem:$0x11400] =	vst v63  }
0x53: {  	_ =	swait.ge [sflag:s23], $0x4000  }
0x54: {  	[sflag:s23] =	ssyncset.done $0x0  }
0x55: {  	[sflag:s23] =	ssyncadd.s32 $0xFFFFC000  }
0x56: {  	[hbm4b:s8+s2] =	stream.linear.scatter [tilespmem:s17], [sflag:$0x6], $0x4000, $0x38;
	[tilespmem:$0x11400] =	vst v63  }
0x57: {  	_ =	swait.ge [sflag:s15], $0x4000  }
0x58: {  	[sflag:s15] =	ssyncset.done $0x0  }
0x59: {  	[sflag:s15] =	ssyncadd.s32 $0xFFFFC000  }
0x5a: {  	[tilespmem:s22], [sflag:$0x1] =	stream.indirect.gather [hbm4b:s3+s18], $0x80, s0, s18, $0xb8;
	[tilespmem:$0x11400] =	vst v63  }
0x5b: {  	_ =	swait.ge [sflag:s24], $0x4000  }
0x5c: {  	[sflag:s24] =	ssyncset.done $0x0  }
0x5d: {  	[sflag:s24] =	ssyncadd.s32 $0xFFFFC000  }
0x5e: {  	[hbm4b:s9+s2] =	stream.linear.scatter [tilespmem:s21], [sflag:$0x7], $0x4000, $0x38;
	[tilespmem:$0x11400] =	vst v63  }
0x5f: {  	_ =	swait.ge [sflag:s14], $0x4000  }
0x60: {  	[sflag:s14] =	ssyncset.done $0x0  }
0x61: {  	s5 =	simm.s32 @!p4 $0x80;
	s7 =	simm.s32 @!p4 $0x5400;
	[sflag:s14] =	ssyncadd.s32 $0xFFFFC000  }
0x62: {  	[tilespmem:s7], [sflag:$0x2] =	stream.indirect.gather @!p4 [hbm4b:s3+s5], $0x80, s1, s5, $0xb8;
	[tilespmem:$0x11400] =	vst v63  }
0x63: {  	_ =	swait.ge [sflag:s26], $0x4000  }
0x64: {  	[sflag:s26] =	ssyncset.done $0x0  }
0x65: {  	[sflag:s26] =	ssyncadd.s32 $0xFFFFC000  }
0x66: {  	[hbm4b:s10+s2] =	stream.linear.scatter [tilespmem:s16], [sflag:$0x8], $0x4000, $0x38;
	[tilespmem:$0x11400] =	vst v63  }
0x67: {  	_ =	swait.ge [sflag:s13], $0x4000  }
0x68: {  	[sflag:s13] =	ssyncset.done $0x0  }
0x69: {  	s5 =	simm.s32 @!p5 $0x80;
	s7 =	simm.s32 @!p5 $0x9400;
	[sflag:s13] =	ssyncadd.s32 $0xFFFFC000  }
0x6a: {  	[tilespmem:s7], [sflag:$0x3] =	stream.indirect.gather @!p5 [hbm4b:s3+s5], $0x80, s25, s5, $0xb8;
	[tilespmem:$0x11400] =	vst v63  }
0x6b: {  	_ =	swait.ge [sflag:s20], $0x4000  }
0x6c: {  	[sflag:s20] =	ssyncset.done $0x0  }
0x6d: {  	[sflag:s20] =	ssyncadd.s32 $0xFFFFC000  }
0x6e: {  	[hbm4b:s11+s2] =	stream.linear.scatter [tilespmem:s22], [sflag:$0x5], $0x4000, $0x38;
	[tilespmem:$0x11400] =	vst v63  }
0x6f: {  	_ =	swait.ge [sflag:s12], $0x4000  }
0x70: {  	s7 =	sld [smem:$0x7F2];
	_ =	sdelay $0x2  }
0x71: {  	p0 =	seq.s32 s7, $0x1  }
.Ltmp2:
0x72: {  	_ = 	snop;
	(pc) =	sbr.rel @p0 .LBB2_3-.Ltmp2, $3  }
0x73: {  	_ =	sdelay $0x1  }
0x74: {  	[sflag:s12] =	ssyncset.done $0x0  }
0x75: {  	[sflag:s12] =	ssyncadd.s32 $0xFFFFC000  }
.Ltmp3:
0x76: {  	(pc) =	sbr.rel .LBB2_4-.Ltmp3, $3  }
0x77: {  	_ =	sdelay $0x1  }
0x78: {  	s5 =	rddreg [dreg:$0x13]  }
0x79: {  	[tilespmem:s16], [sflag:$0x4] =	stream.indirect.gather [hbm4b:s3+s18], $0x80, s5, s18, $0xb8;
	[tilespmem:$0x11400] =	vst v63  }
.LBB2_3:
.Ltmp4:
0x7a: {  	(pc) =	sbr.rel @p4 .LBB2_72-.Ltmp4, $2  }
0x7b: {  	_ =	sdelay $0x2  }
0x7c: {  	s5 =	simm.s32 $0x5  }
.LBB2_4:
0x7d: {  	_ =	swait.ge [sflag:s23], $0x4000  }
0x7e: {  	[sflag:s23] =	ssyncset.done $0x0  }
0x7f: {  	s5 =	rddreg [dreg:$0x4];
	[sflag:s23] =	ssyncadd.s32 $0xFFFFC000  }
0x80: {  	[hbm4b:s5+s2] =	stream.linear.scatter [tilespmem:s17], [sflag:$0x6], $0x4000, $0x38;
	[tilespmem:$0x11400] =	vst v63  }
0x81: {  	_ =	swait.ge [sflag:s15], $0x4000  }
0x82: {  	s7 =	sld [smem:$0x7F3];
	_ =	sdelay $0x2  }
0x83: {  	p0 =	seq.s32 s7, $0x1  }
.Ltmp5:
0x84: {  	_ = 	snop;
	(pc) =	sbr.rel @p0 .LBB2_12-.Ltmp5, $3  }
0x85: {  	_ =	sdelay $0x1  }
0x86: {  	[sflag:s15] =	ssyncset.done $0x0  }
0x87: {  	[sflag:s15] =	ssyncadd.s32 $0xFFFFC000  }
.Ltmp6:
0x88: {  	(pc) =	sbr.rel .LBB2_6-.Ltmp6, $3  }
0x89: {  	_ =	sdelay $0x1  }
0x8a: {  	s5 =	rddreg [dreg:$0x14]  }
0x8b: {  	[tilespmem:s22], [sflag:$0x1] =	stream.indirect.gather [hbm4b:s3+s18], $0x80, s5, s18, $0xb8;
	[tilespmem:$0x11400] =	vst v63  }
.LBB2_12:
0x8c: {  	p0 =	sgt.u32 s4, $0x6  }
.Ltmp7:
0x8d: {  	_ = 	snop;
	(pc) =	sbr.rel @!p0 .LBB2_13-.Ltmp7, $1  }
0x8e: {  	_ =	sdelay $0x3  }
.LBB2_6:
0x8f: {  	_ =	swait.ge [sflag:s24], $0x4000  }
0x90: {  	[sflag:s24] =	ssyncset.done $0x0  }
0x91: {  	s5 =	rddreg [dreg:$0x5];
	[sflag:s24] =	ssyncadd.s32 $0xFFFFC000  }
0x92: {  	[hbm4b:s5+s2] =	stream.linear.scatter [tilespmem:s21], [sflag:$0x7], $0x4000, $0x38;
	[tilespmem:$0x11400] =	vst v63  }
0x93: {  	_ =	swait.ge [sflag:s14], $0x4000  }
0x94: {  	s7 =	sld [smem:$0x7F4];
	_ =	sdelay $0x2  }
0x95: {  	p0 =	seq.s32 s7, $0x1  }
.Ltmp8:
0x96: {  	_ = 	snop;
	(pc) =	sbr.rel @p0 .LBB2_14-.Ltmp8, $3  }
0x97: {  	_ =	sdelay $0x1  }
0x98: {  	[sflag:s14] =	ssyncset.done $0x0  }
0x99: {  	[sflag:s14] =	ssyncadd.s32 $0xFFFFC000  }
.Ltmp9:
0x9a: {  	(pc) =	sbr.rel .LBB2_8-.Ltmp9, $3  }
0x9b: {  	_ =	sdelay $0x1  }
0x9c: {  	s5 =	rddreg [dreg:$0x15]  }
0x9d: {  	[tilespmem:s17], [sflag:$0x2] =	stream.indirect.gather [hbm4b:s3+s18], $0x80, s5, s18, $0xb8;
	[tilespmem:$0x11400] =	vst v63  }
.LBB2_14:
0x9e: {  	p0 =	sgt.u32 s4, $0x7  }
.Ltmp10:
0x9f: {  	_ = 	snop;
	(pc) =	sbr.rel @!p0 .LBB2_15-.Ltmp10, $1  }
0xa0: {  	_ =	sdelay $0x3  }
.LBB2_8:
0xa1: {  	_ =	swait.ge [sflag:s26], $0x4000  }
0xa2: {  	[sflag:s26] =	ssyncset.done $0x0  }
0xa3: {  	s5 =	rddreg [dreg:$0x6];
	[sflag:s26] =	ssyncadd.s32 $0xFFFFC000  }
0xa4: {  	[hbm4b:s5+s2] =	stream.linear.scatter [tilespmem:s16], [sflag:$0x8], $0x4000, $0x38;
	[tilespmem:$0x11400] =	vst v63  }
0xa5: {  	_ =	swait.ge [sflag:s13], $0x4000  }
0xa6: {  	s7 =	sld [smem:$0x7F5];
	_ =	sdelay $0x2  }
0xa7: {  	p0 =	seq.s32 s7, $0x1  }
.Ltmp11:
0xa8: {  	_ = 	snop;
	(pc) =	sbr.rel @p0 .LBB2_16-.Ltmp11, $3  }
0xa9: {  	_ =	sdelay $0x1  }
0xaa: {  	[sflag:s13] =	ssyncset.done $0x0  }
0xab: {  	[sflag:s13] =	ssyncadd.s32 $0xFFFFC000  }
.Ltmp12:
0xac: {  	(pc) =	sbr.rel .LBB2_10-.Ltmp12, $3  }
0xad: {  	_ =	sdelay $0x1  }
0xae: {  	s5 =	rddreg [dreg:$0x16]  }
0xaf: {  	[tilespmem:s21], [sflag:$0x3] =	stream.indirect.gather [hbm4b:s3+s18], $0x80, s5, s18, $0xb8;
	[tilespmem:$0x11400] =	vst v63  }
.LBB2_16:
0xb0: {  	s5 =	sld [smem:$0x7F7];
	_ =	sdelay $0x2  }
0xb1: {  	p0 =	seq.s32 s5, $0x1  }
.Ltmp13:
0xb2: {  	_ = 	snop;
	(pc) =	sbr.rel @!p0 .LBB2_17-.Ltmp13, $1  }
0xb3: {  	_ =	sdelay $0x3  }
.LBB2_10:
0xb4: {  	_ =	swait.ge [sflag:s20], $0x4000  }
0xb5: {  	[sflag:s20] =	ssyncset.done $0x0  }
0xb6: {  	s5 =	rddreg [dreg:$0x7];
	[sflag:s20] =	ssyncadd.s32 $0xFFFFC000  }
0xb7: {  	[hbm4b:s5+s2] =	stream.linear.scatter [tilespmem:s22], [sflag:$0x5], $0x4000, $0x38;
	[tilespmem:$0x11400] =	vst v63  }
0xb8: {  	_ =	swait.ge [sflag:s12], $0x4000  }
0xb9: {  	s7 =	sld [smem:$0x7F6];
	_ =	sdelay $0x2  }
0xba: {  	p0 =	seq.s32 s7, $0x1  }
.Ltmp14:
0xbb: {  	_ = 	snop;
	(pc) =	sbr.rel @p0 .LBB2_18-.Ltmp14, $3  }
0xbc: {  	_ =	sdelay $0x1  }
0xbd: {  	[sflag:s12] =	ssyncset.done $0x0  }
0xbe: {  	[sflag:s12] =	ssyncadd.s32 $0xFFFFC000  }
.Ltmp15:
0xbf: {  	(pc) =	sbr.rel .LBB2_19-.Ltmp15, $4  }
0xc0: {  	s7 =	sld [smem:$0x7EE]  }
0xc1: {  	s5 =	rddreg [dreg:$0x17]  }
0xc2: {  	[tilespmem:s16], [sflag:$0x4] =	stream.indirect.gather [hbm4b:s3+s18], $0x80, s5, s18, $0xb8;
	[tilespmem:$0x11400] =	vst v63  }
0xc3: {  	p2 =	por $0x1, $0x1;
	p1 =	seq.s32 s7, $0x1  }
.LBB2_13:
0xc4: {  	p0 =	sgt.u32 s4, $0x5  }
.Ltmp16:
0xc5: {  	_ = 	snop;
	(pc) =	sbr.rel @p0 .LBB2_72-.Ltmp16, $4  }
.Ltmp17:
0xc6: {  	_ = 	snop;
	(pc) =	sbr.rel @!p0 .LBB2_73-.Ltmp17, $4  }
0xc7: {  	_ = 	snop  }
0xc8: {  	_ = 	snop  }
0xc9: {  	s5 =	simm.s32 $0x6  }
0xca: {  	_ = 	snop  }
.LBB2_18:
0xcb: {  	s7 =	sld [smem:$0x7F4];
	_ =	sdelay $0x2  }
0xcc: {  	p0 =	seq.s32 s7, $0x1  }
.Ltmp18:
0xcd: {  	_ = 	snop;
	(pc) =	sbr.rel @p0 .LBB2_20-.Ltmp18, $4  }
.Ltmp19:
0xce: {  	s5 =	sld [smem:$0x7EE];
	(pc) =	sbr.rel @!p0 .LBB2_19-.Ltmp19, $4  }
0xcf: {  	_ = 	snop  }
0xd0: {  	_ = 	snop  }
0xd1: {  	p2 =	por $0x0, $0x0;
	p3 =	por $0x0, $0x0;
	p1 =	seq.s32 s5, $0x1  }
0xd2: {  	_ = 	snop  }
.LBB2_15:
0xd3: {  	p0 =	sgt.u32 s4, $0x6  }
.Ltmp20:
0xd4: {  	_ = 	snop;
	(pc) =	sbr.rel @p0 .LBB2_72-.Ltmp20, $4  }
.Ltmp21:
0xd5: {  	_ = 	snop;
	(pc) =	sbr.rel @!p0 .LBB2_73-.Ltmp21, $4  }
0xd6: {  	_ = 	snop  }
0xd7: {  	_ = 	snop  }
0xd8: {  	s5 =	simm.s32 $0x7  }
0xd9: {  	_ = 	snop  }
.LBB2_17:
0xda: {  	s5 =	sld [smem:$0x7F2];
	_ =	sdelay $0x2  }
0xdb: {  	p2 =	seq.s32 s5, $0x1  }
0xdc: {  	p0 =	sgt.u32 @!p2 s4, $0x9  }
0xdd: {  	p0 =	por p2, !p0  }
.Ltmp22:
0xde: {  	_ = 	snop;
	(pc) =	sbr.rel @p0 .LBB2_73-.Ltmp22, $4  }
0xdf: {  	s5 =	simm.s32 @!p2 $0x8  }
0xe0: {  	_ =	swait.ge @!p2 [sflag:s5], $0x4000  }
0xe1: {  	[sflag:s5] =	ssyncset.done @!p2 $0x0  }
0xe2: {  	p1 =	por @!p2 $0x0, $0x0;
	[sflag:s5] =	ssyncadd.s32 @!p2 $0xFFFFC000;
	p2 =	por @!p2 $0x0, $0x0  }
.LBB2_19:
0xe3: {  	_ =	swait.ge [sflag:s23], $0x4000  }
0xe4: {  	[sflag:s23] =	ssyncset.done $0x0  }
0xe5: {  	p3 =	por $0x1, $0x1;
	s5 =	rddreg [dreg:$0x8];
	[sflag:s23] =	ssyncadd.s32 $0xFFFFC000  }
0xe6: {  	[hbm4b:s5+s2] =	stream.linear.scatter [tilespmem:s17], [sflag:$0x6], $0x4000, $0x38;
	[tilespmem:$0x11400] =	vst v63  }
.LBB2_20:
0xe7: {  	s5 =	sld [smem:$0x7F7];
	_ =	sdelay $0x2  }
0xe8: {  	p0 =	seq.s32 s5, $0x1  }
.Ltmp23:
0xe9: {  	_ = 	snop;
	(pc) =	sbr.rel @!p0 .LBB2_21-.Ltmp23, $1  }
0xea: {  	_ =	sdelay $0x3  }
0xeb: {  	_ =	swait.ge [sflag:s15], $0x4000  }
0xec: {  	s5 =	sld [smem:$0x7F8];
	_ =	sdelay $0x2  }
0xed: {  	p0 =	seq.s32 s5, $0x1  }
.Ltmp24:
0xee: {  	_ = 	snop;
	(pc) =	sbr.rel @p0 .LBB2_25-.Ltmp24, $3  }
0xef: {  	_ =	sdelay $0x1  }
0xf0: {  	[sflag:s15] =	ssyncset.done $0x0  }
0xf1: {  	[sflag:s15] =	ssyncadd.s32 $0xFFFFC000  }
.Ltmp25:
0xf2: {  	(pc) =	sbr.rel @p1 .LBB2_26-.Ltmp25, $4  }
.Ltmp26:
0xf3: {  	(pc) =	sbr.rel @!p1 .LBB2_22-.Ltmp26, $4  }
0xf4: {  	_ = 	snop  }
0xf5: {  	s5 =	rddreg [dreg:$0x18];
	p0 =	por $0x1, $0x1  }
0xf6: {  	[tilespmem:s22], [sflag:$0x1] =	stream.indirect.gather [hbm4b:s3+s18], $0x80, s5, s18, $0xb8;
	[tilespmem:$0x11400] =	vst v63  }
0xf7: {  	_ = 	snop  }
.LBB2_21:
.Ltmp27:
0xf8: {  	(pc) =	sbr.rel @!p1 .LBB2_22-.Ltmp27, $2  }
0xf9: {  	_ =	sdelay $0x2  }
0xfa: {  	p0 =	por $0x0, $0x0  }
.LBB2_26:
.Ltmp28:
0xfb: {  	(pc) =	sbr.rel @!p3 .LBB2_28-.Ltmp28, $4  }
.Ltmp29:
0xfc: {  	_ =	swait.ge [sflag:s24], $0x4000;
	(pc) =	sbr.rel @p3 .LBB2_27-.Ltmp29, $4  }
0xfd: {  	[sflag:s24] =	ssyncset.done $0x0  }
0xfe: {  	p1 =	por $0x1, $0x1;
	s5 =	rddreg [dreg:$0x9];
	[sflag:s24] =	ssyncadd.s32 $0xFFFFC000  }
0xff: {  	[hbm4b:s5+s2] =	stream.linear.scatter [tilespmem:s21], [sflag:$0x7], $0x4000, $0x38;
	[tilespmem:$0x11400] =	vst v63  }
0x100: {  	_ = 	snop  }
.LBB2_25:
.Ltmp30:
0x101: {  	(pc) =	sbr.rel @p1 .LBB2_26-.Ltmp30, $2  }
0x102: {  	_ =	sdelay $0x2  }
0x103: {  	p0 =	por $0x0, $0x0  }
.LBB2_22:
.Ltmp31:
0x104: {  	(pc) =	sbr.rel @!p3 .LBB2_28-.Ltmp31, $2  }
0x105: {  	_ =	sdelay $0x2  }
0x106: {  	p1 =	por $0x0, $0x0  }
.LBB2_27:
0x107: {  	_ =	swait.ge [sflag:s14], $0x4000  }
0x108: {  	[sflag:s14] =	ssyncset.done $0x0  }
0x109: {  	[sflag:s14] =	ssyncadd.s32 $0xFFFFC000  }
.LBB2_28:
0x10a: {  	s5 =	sld [smem:$0x7F9];
	_ =	sdelay $0x2  }
0x10b: {  	p3 =	seq.s32 s5, $0x1  }
.Ltmp32:
0x10c: {  	_ = 	snop;
	(pc) =	sbr.rel @p3 .LBB2_31-.Ltmp32, $1  }
0x10d: {  	_ =	sdelay $0x3  }
.Ltmp33:
0x10e: {  	(pc) =	sbr.rel @p2 .LBB2_32-.Ltmp33, $3  }
0x10f: {  	_ =	sdelay $0x1  }
0x110: {  	s5 =	rddreg [dreg:$0x19]  }
0x111: {  	[tilespmem:s17], [sflag:$0x2] =	stream.indirect.gather [hbm4b:s3+s18], $0x80, s5, s18, $0xb8;
	[tilespmem:$0x11400] =	vst v63  }
.LBB2_30:
.Ltmp34:
0x112: {  	(pc) =	sbr.rel @!p1 .LBB2_34-.Ltmp34, $2  }
0x113: {  	_ =	sdelay $0x2  }
0x114: {  	p2 =	por $0x0, $0x0  }
.LBB2_33:
0x115: {  	_ =	swait.ge [sflag:s13], $0x4000  }
0x116: {  	[sflag:s13] =	ssyncset.done $0x0  }
0x117: {  	[sflag:s13] =	ssyncadd.s32 $0xFFFFC000  }
.LBB2_34:
0x118: {  	s5 =	sld [smem:$0x7FA];
	_ =	sdelay $0x2  }
0x119: {  	p1 =	seq.s32 s5, $0x1  }
.Ltmp35:
0x11a: {  	_ = 	snop;
	(pc) =	sbr.rel @p1 .LBB2_37-.Ltmp35, $1  }
0x11b: {  	_ =	sdelay $0x3  }
.Ltmp36:
0x11c: {  	(pc) =	sbr.rel @p0 .LBB2_38-.Ltmp36, $3  }
0x11d: {  	_ =	sdelay $0x1  }
0x11e: {  	s5 =	rddreg [dreg:$0x1a]  }
0x11f: {  	[tilespmem:s21], [sflag:$0x3] =	stream.indirect.gather [hbm4b:s3+s18], $0x80, s5, s18, $0xb8;
	[tilespmem:$0x11400] =	vst v63  }
.LBB2_36:
.Ltmp37:
0x120: {  	(pc) =	sbr.rel @!p2 .LBB2_40-.Ltmp37, $2  }
0x121: {  	_ =	sdelay $0x2  }
0x122: {  	p0 =	por $0x0, $0x0  }
.LBB2_39:
0x123: {  	_ =	swait.ge [sflag:s12], $0x4000  }
0x124: {  	[sflag:s12] =	ssyncset.done $0x0  }
0x125: {  	[sflag:s12] =	ssyncadd.s32 $0xFFFFC000  }
.LBB2_40:
0x126: {  	s5 =	sld [smem:$0x7FB];
	_ =	sdelay $0x2  }
0x127: {  	p1 =	seq.s32 s5, $0x1  }
.Ltmp38:
0x128: {  	_ = 	snop;
	(pc) =	sbr.rel @p1 .LBB2_42-.Ltmp38, $1  }
0x129: {  	_ =	sdelay $0x3  }
.Ltmp39:
0x12a: {  	(pc) =	sbr.rel .LBB2_43-.Ltmp39, $3  }
0x12b: {  	_ =	sdelay $0x1  }
0x12c: {  	s5 =	rddreg [dreg:$0x1b]  }
0x12d: {  	[tilespmem:s16], [sflag:$0x4] =	stream.indirect.gather [hbm4b:s3+s18], $0x80, s5, s18, $0xb8;
	[tilespmem:$0x11400] =	vst v63  }
.LBB2_31:
.Ltmp40:
0x12e: {  	(pc) =	sbr.rel @!p2 .LBB2_30-.Ltmp40, $1  }
0x12f: {  	_ =	sdelay $0x3  }
.LBB2_32:
.Ltmp41:
0x130: {  	(pc) =	sbr.rel @!p1 .LBB2_34-.Ltmp41, $4  }
.Ltmp42:
0x131: {  	_ =	swait.ge [sflag:s26], $0x4000;
	(pc) =	sbr.rel @p1 .LBB2_33-.Ltmp42, $4  }
0x132: {  	[sflag:s26] =	ssyncset.done $0x0  }
0x133: {  	p2 =	por $0x1, $0x1;
	s5 =	rddreg [dreg:$0xa];
	[sflag:s26] =	ssyncadd.s32 $0xFFFFC000  }
0x134: {  	[hbm4b:s5+s2] =	stream.linear.scatter [tilespmem:s16], [sflag:$0x8], $0x4000, $0x38;
	[tilespmem:$0x11400] =	vst v63  }
0x135: {  	_ = 	snop  }
.LBB2_37:
.Ltmp43:
0x136: {  	(pc) =	sbr.rel @!p0 .LBB2_36-.Ltmp43, $1  }
0x137: {  	_ =	sdelay $0x3  }
.LBB2_38:
.Ltmp44:
0x138: {  	(pc) =	sbr.rel @!p2 .LBB2_40-.Ltmp44, $4  }
.Ltmp45:
0x139: {  	_ =	swait.ge [sflag:s20], $0x4000;
	(pc) =	sbr.rel @p2 .LBB2_39-.Ltmp45, $4  }
0x13a: {  	[sflag:s20] =	ssyncset.done $0x0  }
0x13b: {  	p0 =	por $0x1, $0x1;
	s5 =	rddreg [dreg:$0xb];
	[sflag:s20] =	ssyncadd.s32 $0xFFFFC000  }
0x13c: {  	[hbm4b:s5+s2] =	stream.linear.scatter [tilespmem:s22], [sflag:$0x5], $0x4000, $0x38;
	[tilespmem:$0x11400] =	vst v63  }
0x13d: {  	_ = 	snop  }
.LBB2_42:
0x13e: {  	s5 =	sld [smem:$0x7F9];
	_ =	sdelay $0x2  }
0x13f: {  	p1 =	seq.s32 s5, $0x1  }
.Ltmp46:
0x140: {  	_ = 	snop;
	(pc) =	sbr.rel @p1 .LBB2_44-.Ltmp46, $1  }
0x141: {  	_ =	sdelay $0x3  }
.LBB2_43:
.Ltmp47:
0x142: {  	(pc) =	sbr.rel @p0 .LBB2_45-.Ltmp47, $4  }
.Ltmp48:
0x143: {  	_ =	swait.ge [sflag:s23], $0x4000;
	(pc) =	sbr.rel @!p0 .LBB2_46-.Ltmp48, $4  }
0x144: {  	[sflag:s23] =	ssyncset.done $0x0  }
0x145: {  	p1 =	por $0x1, $0x1;
	s5 =	rddreg [dreg:$0xc];
	[sflag:s23] =	ssyncadd.s32 $0xFFFFC000  }
0x146: {  	[hbm4b:s5+s2] =	stream.linear.scatter [tilespmem:s17], [sflag:$0x6], $0x4000, $0x38;
	[tilespmem:$0x11400] =	vst v63  }
0x147: {  	_ = 	snop  }
.LBB2_44:
.Ltmp49:
0x148: {  	(pc) =	sbr.rel @!p0 .LBB2_73-.Ltmp49, $2  }
0x149: {  	_ =	sdelay $0x2  }
0x14a: {  	p1 =	por $0x0, $0x0  }
.LBB2_45:
0x14b: {  	_ =	swait.ge [sflag:s15], $0x4000  }
0x14c: {  	[sflag:s15] =	ssyncset.done $0x0  }
0x14d: {  	[sflag:s15] =	ssyncadd.s32 $0xFFFFC000  }
.LBB2_46:
0x14e: {  	s5 =	sld [smem:$0x7FC];
	_ =	sdelay $0x2  }
0x14f: {  	p0 =	seq.s32 s5, $0x1  }
.Ltmp50:
0x150: {  	_ = 	snop;
	(pc) =	sbr.rel @p0 .LBB2_50-.Ltmp50, $1  }
0x151: {  	_ =	sdelay $0x3  }
.Ltmp51:
0x152: {  	(pc) =	sbr.rel .LBB2_48-.Ltmp51, $3  }
0x153: {  	_ =	sdelay $0x1  }
0x154: {  	s5 =	rddreg [dreg:$0x1c]  }
0x155: {  	[tilespmem:s22], [sflag:$0x1] =	stream.indirect.gather [hbm4b:s3+s18], $0x80, s5, s18, $0xb8;
	[tilespmem:$0x11400] =	vst v63  }
.LBB2_50:
0x156: {  	p0 =	sgt.u32 s4, $0xE  }
.Ltmp52:
0x157: {  	_ = 	snop;
	(pc) =	sbr.rel @!p0 .LBB2_51-.Ltmp52, $1  }
0x158: {  	_ =	sdelay $0x3  }
.LBB2_48:
0x159: {  	_ =	swait.ge [sflag:s24], $0x4000  }
0x15a: {  	[sflag:s24] =	ssyncset.done $0x0  }
0x15b: {  	s5 =	rddreg [dreg:$0xd];
	[sflag:s24] =	ssyncadd.s32 $0xFFFFC000  }
0x15c: {  	[hbm4b:s5+s2] =	stream.linear.scatter [tilespmem:s21], [sflag:$0x7], $0x4000, $0x38;
	[tilespmem:$0x11400] =	vst v63  }
0x15d: {  	_ =	swait.ge [sflag:s14], $0x4000  }
0x15e: {  	s7 =	sld [smem:$0x7FD];
	_ =	sdelay $0x2  }
0x15f: {  	p0 =	seq.s32 s7, $0x1  }
.Ltmp53:
0x160: {  	_ = 	snop;
	(pc) =	sbr.rel @p0 .LBB2_53-.Ltmp53, $3  }
0x161: {  	_ =	sdelay $0x1  }
0x162: {  	[sflag:s14] =	ssyncset.done $0x0  }
0x163: {  	[sflag:s14] =	ssyncadd.s32 $0xFFFFC000  }
0x164: {  	s7 =	sld [smem:$0x7F0];
	_ =	sdelay $0x1  }
.Ltmp54:
0x165: {  	_ = 	snop;
	(pc) =	sbr.rel .LBB2_54-.Ltmp54, $4  }
0x166: {  	p1 =	seq.s32 s7, $0x1;
	s7 =	sld [smem:$0x7EF]  }
0x167: {  	s5 =	rddreg [dreg:$0x1d]  }
0x168: {  	[tilespmem:s17], [sflag:$0x2] =	stream.indirect.gather [hbm4b:s3+s18], $0x80, s5, s18, $0xb8;
	[tilespmem:$0x11400] =	vst v63  }
0x169: {  	p0 =	seq.s32 s7, $0x1  }
.LBB2_53:
0x16a: {  	s7 =	sld [smem:$0x7F0];
	_ =	sdelay $0x2  }
0x16b: {  	p1 =	seq.s32 s7, $0x1;
	s7 =	sld [smem:$0x7FB];
	_ =	sdelay $0x2  }
0x16c: {  	p2 =	seq.s32 s7, $0x1  }
.Ltmp55:
0x16d: {  	_ = 	snop;
	(pc) =	sbr.rel @p2 .LBB2_72-.Ltmp55, $4  }
.Ltmp56:
0x16e: {  	_ = 	snop;
	(pc) =	sbr.rel @!p2 .LBB2_54-.Ltmp56, $4  }
0x16f: {  	_ = 	snop  }
0x170: {  	_ = 	snop  }
0x171: {  	s5 =	simm.s32 $0x7;
	p0 =	por $0x1, $0x1  }
0x172: {  	_ = 	snop  }
.LBB2_51:
0x173: {  	p0 =	sgt.u32 @p1 s4, $0xF  }
0x174: {  	p0 =	por !p1, !p0  }
.Ltmp57:
0x175: {  	_ = 	snop;
	(pc) =	sbr.rel @p0 .LBB2_73-.Ltmp57, $4  }
0x176: {  	s5 =	simm.s32 @p1 $0x6  }
0x177: {  	_ =	swait.ge @p1 [sflag:s5], $0x4000  }
0x178: {  	[sflag:s5] =	ssyncset.done @p1 $0x0  }
0x179: {  	[sflag:s5] =	ssyncadd.s32 @p1 $0xFFFFC000  }
0x17a: {  	p0 =	por @p1 $0x1, $0x1;
	p1 =	por @p1 $0x0, $0x0  }
.LBB2_54:
0x17b: {  	_ =	swait.ge [sflag:s26], $0x4000  }
0x17c: {  	p2 =	slt.u32 s4, $0x13;
	[sflag:s26] =	ssyncset.done $0x0  }
.Ltmp58:
0x17d: {  	s5 =	rddreg [dreg:$0xe];
	[sflag:s26] =	ssyncadd.s32 $0xFFFFC000;
	(pc) =	sbr.rel @p2 .LBB2_58-.Ltmp58, $4  }
0x17e: {  	[hbm4b:s5+s2] =	stream.linear.scatter [tilespmem:s16], [sflag:$0x8], $0x4000, $0x38;
	[tilespmem:$0x11400] =	vst v63  }
0x17f: {  	_ =	swait.ge [sflag:s13], $0x4000  }
0x180: {  	[sflag:s13] =	ssyncset.done $0x0  }
0x181: {  	[sflag:s13] =	ssyncadd.s32 $0xFFFFC000  }
.Ltmp59:
0x182: {  	(pc) =	sbr.rel .LBB2_56-.Ltmp59, $3  }
0x183: {  	_ =	sdelay $0x1  }
0x184: {  	s5 =	rddreg [dreg:$0x1e];
	p2 =	por p1, p1  }
0x185: {  	[tilespmem:s21], [sflag:$0x3] =	stream.indirect.gather [hbm4b:s3+s18], $0x80, s5, s18, $0xb8;
	[tilespmem:$0x11400] =	vst v63  }
.LBB2_58:
.Ltmp60:
0x186: {  	(pc) =	sbr.rel @!p1 .LBB2_59-.Ltmp60, $2  }
0x187: {  	_ =	sdelay $0x2  }
0x188: {  	p2 =	por $0x1, $0x1  }
.LBB2_56:
0x189: {  	_ =	swait.ge [sflag:s20], $0x4000  }
0x18a: {  	p0 =	slt.u32 s4, $0x14;
	[sflag:s20] =	ssyncset.done $0x0  }
.Ltmp61:
0x18b: {  	s5 =	rddreg [dreg:$0xf];
	[sflag:s20] =	ssyncadd.s32 $0xFFFFC000;
	(pc) =	sbr.rel @p0 .LBB2_60-.Ltmp61, $4  }
0x18c: {  	[hbm4b:s5+s2] =	stream.linear.scatter [tilespmem:s22], [sflag:$0x5], $0x4000, $0x38;
	[tilespmem:$0x11400] =	vst v63  }
0x18d: {  	_ =	swait.ge [sflag:s12], $0x4000  }
0x18e: {  	[sflag:s12] =	ssyncset.done $0x0  }
0x18f: {  	[sflag:s12] =	ssyncadd.s32 $0xFFFFC000  }
.Ltmp62:
0x190: {  	(pc) =	sbr.rel .LBB2_61-.Ltmp62, $4  }
0x191: {  	s7 =	sld [smem:$0x7F1]  }
0x192: {  	s5 =	rddreg [dreg:$0x1f]  }
0x193: {  	[tilespmem:s16], [sflag:$0x4] =	stream.indirect.gather [hbm4b:s3+s18], $0x80, s5, s18, $0xb8;
	[tilespmem:$0x11400] =	vst v63  }
0x194: {  	p1 =	por $0x1, $0x1;
	p0 =	seq.s32 s7, $0x1  }
.LBB2_60:
0x195: {  	s7 =	sld [smem:$0x7FD];
	_ =	sdelay $0x2  }
0x196: {  	p6 =	seq.s32 s7, $0x1  }
.Ltmp63:
0x197: {  	_ = 	snop;
	(pc) =	sbr.rel @p6 .LBB2_67-.Ltmp63, $4  }
.Ltmp64:
0x198: {  	s5 =	sld [smem:$0x7F1];
	(pc) =	sbr.rel @!p6 .LBB2_61-.Ltmp64, $4  }
0x199: {  	_ = 	snop  }
0x19a: {  	_ = 	snop  }
0x19b: {  	p1 =	por $0x0, $0x0;
	p3 =	por $0x0, $0x0;
	p0 =	seq.s32 s5, $0x1  }
0x19c: {  	_ = 	snop  }
.LBB2_59:
0x19d: {  	p3 =	sgt.u32 s4, $0x11  }
.Ltmp65:
0x19e: {  	_ = 	snop;
	(pc) =	sbr.rel @!p3 .LBB2_73-.Ltmp65, $4  }
0x19f: {  	_ = 	snop  }
0x1a0: {  	_ =	swait.ge @p0 [sflag:s12], $0x4000  }
0x1a1: {  	p2 =	por $0x0, $0x0;
	[sflag:s12] =	ssyncset.done @p0 $0x0  }
0x1a2: {  	p1 =	por $0x0, $0x0;
	[sflag:s12] =	ssyncadd.s32 @p0 $0xFFFFC000;
	p0 =	por $0x0, $0x0  }
.LBB2_61:
.Ltmp66:
0x1a3: {  	(pc) =	sbr.rel @!p0 .LBB2_67-.Ltmp66, $4  }
0x1a4: {  	_ =	swait.ge [sflag:s23], $0x4000  }
0x1a5: {  	[sflag:s23] =	ssyncset.done $0x0  }
0x1a6: {  	p3 =	por $0x1, $0x1;
	s5 =	rddreg [dreg:$0x10];
	[sflag:s23] =	ssyncadd.s32 $0xFFFFC000  }
0x1a7: {  	[hbm4b:s5+s2] =	stream.linear.scatter [tilespmem:s17], [sflag:$0x6], $0x4000, $0x38;
	[tilespmem:$0x11400] =	vst v63  }
.Ltmp67:
0x1a8: {  	(pc) =	sbr.rel @p1 .LBB2_68-.Ltmp67, $4  }
0x1a9: {  	_ =	swait.ge [sflag:s24], $0x4000  }
0x1aa: {  	p0 =	por $0x1, $0x1;
	[sflag:s24] =	ssyncset.done $0x0  }
0x1ab: {  	p3 =	por $0x1, $0x1;
	s5 =	rddreg [dreg:$0x11];
	[sflag:s24] =	ssyncadd.s32 $0xFFFFC000  }
0x1ac: {  	[hbm4b:s5+s2] =	stream.linear.scatter [tilespmem:s21], [sflag:$0x7], $0x4000, $0x38;
	[tilespmem:$0x11400] =	vst v63  }
.LBB2_63:
.Ltmp68:
0x1ad: {  	(pc) =	sbr.rel @!p2 .LBB2_64-.Ltmp68, $2  }
0x1ae: {  	_ =	sdelay $0x2  }
0x1af: {  	p1 =	por $0x0, $0x0  }
.LBB2_69:
.Ltmp69:
0x1b0: {  	(pc) =	sbr.rel @p3 .LBB2_70-.Ltmp69, $4  }
0x1b1: {  	_ = 	snop  }
0x1b2: {  	_ =	swait.ge [sflag:s15], $0x4000  }
0x1b3: {  	[sflag:s15] =	ssyncset.done $0x0  }
0x1b4: {  	[sflag:s15] =	ssyncadd.s32 $0xFFFFC000  }
.LBB2_65:
.Ltmp70:
0x1b5: {  	(pc) =	sbr.rel @!p0 .LBB2_66-.Ltmp70, $1  }
0x1b6: {  	_ =	sdelay $0x3  }
.LBB2_71:
.Ltmp71:
0x1b7: {  	(pc) =	sbr.rel @!p1 .LBB2_73-.Ltmp71, $4  }
.Ltmp72:
0x1b8: {  	(pc) =	sbr.rel @p1 .LBB2_72-.Ltmp72, $4  }
0x1b9: {  	_ =	swait.ge [sflag:s13], $0x4000  }
0x1ba: {  	[sflag:s13] =	ssyncset.done $0x0  }
0x1bb: {  	s5 =	simm.s32 $0x8;
	[sflag:s13] =	ssyncadd.s32 $0xFFFFC000  }
0x1bc: {  	_ = 	snop  }
.LBB2_67:
.Ltmp73:
0x1bd: {  	(pc) =	sbr.rel @!p1 .LBB2_63-.Ltmp73, $2  }
0x1be: {  	_ =	sdelay $0x2  }
0x1bf: {  	p0 =	por $0x0, $0x0  }
.LBB2_68:
.Ltmp74:
0x1c0: {  	(pc) =	sbr.rel @p2 .LBB2_69-.Ltmp74, $4  }
0x1c1: {  	_ =	swait.ge [sflag:s26], $0x4000  }
0x1c2: {  	[sflag:s26] =	ssyncset.done $0x0  }
0x1c3: {  	p1 =	por $0x1, $0x1;
	s5 =	rddreg [dreg:$0x12];
	[sflag:s26] =	ssyncadd.s32 $0xFFFFC000  }
0x1c4: {  	[hbm4b:s5+s2] =	stream.linear.scatter [tilespmem:s16], [sflag:$0x8], $0x4000, $0x38;
	[tilespmem:$0x11400] =	vst v63  }
.LBB2_64:
.Ltmp75:
0x1c5: {  	(pc) =	sbr.rel @!p3 .LBB2_65-.Ltmp75, $1  }
0x1c6: {  	_ =	sdelay $0x3  }
.LBB2_70:
.Ltmp76:
0x1c7: {  	(pc) =	sbr.rel @p0 .LBB2_71-.Ltmp76, $4  }
0x1c8: {  	_ = 	snop  }
0x1c9: {  	_ =	swait.ge [sflag:s14], $0x4000  }
0x1ca: {  	[sflag:s14] =	ssyncset.done $0x0  }
0x1cb: {  	[sflag:s14] =	ssyncadd.s32 $0xFFFFC000  }
.LBB2_66:
.Ltmp77:
0x1cc: {  	(pc) =	sbr.rel @!p1 .LBB2_73-.Ltmp77, $4  }
.Ltmp78:
0x1cd: {  	(pc) =	sbr.rel @p1 .LBB2_72-.Ltmp78, $4  }
0x1ce: {  	_ = 	snop  }
0x1cf: {  	_ = 	snop  }
0x1d0: {  	s5 =	simm.s32 $0x8  }
0x1d1: {  	_ = 	snop  }
.LBB2_74:
0x1d2: {  	_ =	sfence.sel $0x180000  }
0x1d3: {  	[bflag:$0x0] =	sbarrier.arrive $0xFFFF  }
0x1d4: {  	_ =	strace $0x90000047  }
0x1d5: {  	s0 =	stileid.u32;
	[bflag:$0x2] =	sbarrier.arrive $0xFFFF  }
0x1d6: {  	p0 =	sne.s32 s0, $0x0;
	s0 =	rddreg [dreg:$0x1]  }
0x1d7: {  	s0 =	sadd.s32 @!p0 $0x100000, s0  }
0x1d8: {  	[sflag:s0] =	ssyncadd.tile.s32 @!p0 $0x1;
	_ =	shalt  }
.Lfunc_end2:
_tile_overlayer_lowered:
.L_overlay_start_2:
0x1d9: {  	(tag) =	ssettag $0x2  }
0x1da: {  	s0 =	rddreg [dreg:$0x0];
	s2 =	stileid.u32  }
0x1db: {  	s1 =	rddreg [dreg:$0x1];
	p0 =	sne.s32 s2, $0x0  }
0x1dc: {  	s3 =	rddreg [dreg:$0x2];
	[bflag:$0x3] =	sbarrier.arrive $0xFFFF;
	s2 =	simm.s32 @!p0 $0x1C09  }
0x1dd: {  	[timem:s3], [sflag:s2] =	dma.local @!p0 [hbm:s0], s1  }
0x1de: {  	s0 =	simm.s32 @!p0 $0x9  }
0x1df: {  	_ =	swait.ge @!p0 [sflag:s0], s1  }
0x1e0: {  	s1 =	ssub.s32 @!p0 $0x0, s1;
	[sflag:s0] =	ssyncset.done @!p0 $0x0  }
0x1e1: {  	[sflag:s0] =	ssyncadd.s32 @!p0 s1  }
0x1e2: {  	[bflag:$0x3] =	sbarrier.arrive $0xFFFF  }
0x1e3: {  	_ =	shalt  }

</sc_bundles>
